<compile_context>
chip_gen: v7x
topology: tpu7x:2x2x1
jax: 0.10.2.dev20260603
libtpu: 0.0.44.dev20260713+nightly
codegen_flags: <defaults>
</compile_context>

<pallas_src>
import functools

import jax
import jax.numpy as jnp
from jax import lax
from jax.experimental import pallas as pl
from jax.experimental.pallas import tpu as pltpu
from jax.experimental.pallas import tpu_sc as plsc

_B, _S, _D = 4, 4096, 1024
_N = _B * _S
_NW = 32
_SPW = _S // _NW
_C = 8
_NSC = _SPW // _C
_NGRP = 3
_LANES = 16
_SL = _D // _LANES


def _embed_body(ids_hbm, tok_hbm, pos_hbm, out_hbm,
                idx_v, tg0, tg1, tg2, pbufs, gsems, psems, ssems):
    cid = lax.axis_index("c")
    sid = lax.axis_index("s")
    wid = sid * 2 + cid
    s_base = wid * _SPW

    tgrp = (tg0, tg1, tg2)

    i_descs = [pltpu.async_copy(ids_hbm.at[pl.ds(b * _S + s_base, _SPW)],
                                idx_v.at[pl.ds(b * _SPW, _SPW)], psems[0])
               for b in range(_B)]
    for d in i_descs:
        d.wait()

    def start_gathers(sc):
        g = sc % _NGRP
        descs = []
        for b in range(_B):
            idx = idx_v.at[pl.ds(b * _SPW + sc * _C, _C)]
            descs.append(pltpu.async_copy(
                tok_hbm.at[idx], tgrp[g][b], gsems[g]))
        return descs

    def start_pos(sc):
        return pltpu.async_copy(pos_hbm.at[pl.ds(s_base + sc * _C, _C)],
                                pbufs[sc % _NGRP], psems[sc % _NGRP])

    g_desc = [None] * _NSC
    s_desc = [None] * _NSC
    p_desc = [None] * _NSC
    for sc in (0, 1):
        p_desc[sc] = start_pos(sc)
        g_desc[sc] = start_gathers(sc)

    for sc in range(_NSC):
        g = sc % _NGRP
        if sc + 2 < _NSC:
            if sc >= 1:
                for d in s_desc[sc - 1]:
                    d.wait()
            p_desc[sc + 2] = start_pos(sc + 2)
            g_desc[sc + 2] = start_gathers(sc + 2)
        p_desc[sc].wait()
        for d in g_desc[sc]:
            d.wait()

        t0, t1, t2, t3 = tgrp[g]
        pbuf = pbufs[sc % _NGRP]

        @plsc.parallel_loop(0, _C * _SL, unroll=2)
        def _add(i, t0=t0, t1=t1, t2=t2, t3=t3, pbuf=pbuf):
            r = i // _SL
            sl = pl.ds((i % _SL) * _LANES, _LANES)
            p = pbuf[r, sl]
            plsc.addupdate(t0.at[r, sl], p)
            plsc.addupdate(t1.at[r, sl], p)
            plsc.addupdate(t2.at[r, sl], p)
            plsc.addupdate(t3.at[r, sl], p)

        s_desc[sc] = [
            pltpu.async_copy(
                tgrp[g][b],
                out_hbm.at[pl.ds(b * _S + s_base + sc * _C, _C)],
                ssems[g])
            for b in range(_B)
        ]

    for sc in (_NSC - 3, _NSC - 2, _NSC - 1):
        for d in s_desc[sc]:
            d.wait()


_embed_kernel = functools.partial(
    pl.kernel,
    out_type=jax.ShapeDtypeStruct((_N, _D), jnp.float32),
    mesh=plsc.VectorSubcoreMesh(core_axis_name="c", subcore_axis_name="s"),
    scratch_types=[
        pltpu.VMEM((_B * _SPW,), jnp.int32),
        tuple(pltpu.VMEM((_C, _D), jnp.float32) for _ in range(_B)),
        tuple(pltpu.VMEM((_C, _D), jnp.float32) for _ in range(_B)),
        tuple(pltpu.VMEM((_C, _D), jnp.float32) for _ in range(_B)),
        tuple(pltpu.VMEM((_C, _D), jnp.float32) for _ in range(_NGRP)),
        tuple(pltpu.SemaphoreType.DMA for _ in range(_NGRP)),
        tuple(pltpu.SemaphoreType.DMA for _ in range(_NGRP)),
        tuple(pltpu.SemaphoreType.DMA for _ in range(_NGRP)),
    ],
)(_embed_body)


def kernel(input_ids, tok_table, pos_table):
    ids = input_ids.reshape(-1).astype(jnp.int32)
    out = _embed_kernel(ids, tok_table, pos_table)
    return out.reshape(_B, _S, _D)

# --- scband reference (transcript-rebuilt; emitter-appended) ---
"""Pipeline reference for scband-embedding-layer-44598940401793 (READ-ONLY COPY).

The authoritative reference and input builder live on the scoring server;
editing this copy changes nothing except your own understanding.
"""

import jax, jax.numpy as jnp
import numpy as np

VOCAB = 100000
D_MODEL = 1024
MAX_SEQ = 8192
PAD_IDX = 0
B, S = 4, 4096


def setup_inputs(seed: int = 0) -> dict:
    key = jax.random.key(seed)
    k1, k2, k3 = jax.random.split(key, 3)
    input_ids = jax.random.randint(k1, (B, S), 0, VOCAB, dtype=jnp.int64 if jax.config.jax_enable_x64 else jnp.int32)
    tok_table = jax.random.normal(k2, (VOCAB, D_MODEL), dtype=jnp.float32) * 0.02
    # padding_idx row initialized to zero (torch nn.Embedding semantics)
    tok_table = tok_table.at[PAD_IDX].set(0.0)
    pos_table = jax.random.normal(k3, (MAX_SEQ, D_MODEL), dtype=jnp.float32) * 0.02
    return {"input_ids": input_ids, "tok_table": tok_table, "pos_table": pos_table}


def reference(input_ids, tok_table, pos_table):
    seq_len = input_ids.shape[1]
    position_ids = jnp.arange(seq_len)
    position_ids = jnp.broadcast_to(position_ids[None, :], input_ids.shape)
    tok_emb = jnp.take(tok_table, input_ids, axis=0)
    pos_emb = jnp.take(pos_table, position_ids, axis=0)
    x = tok_emb + pos_emb
    # dropout(p=0.0) / eval mode -> identity
    return x

if __name__ == "__main__":
    import jax
    _d = setup_inputs()
    print(jax.jit(kernel)(*tuple(_d.values())))

</pallas_src>

<mosaic_0001>
#map = affine_map<(d0, d1) -> (0)>
#map1 = affine_map<(d0, d1) -> (0, 0)>
module attributes {stable_mosaic.version = 14 : i64} {
  func.func @_embed_body(%arg0: i32, %arg1: i32, %arg2: memref<16384xi32, #tpu.memory_space<hbm>>, %arg3: memref<100000x1024xf32, #tpu.memory_space<hbm>>, %arg4: memref<8192x1024xf32, #tpu.memory_space<hbm>>, %arg5: memref<16384x1024xf32, #tpu.memory_space<hbm>>, %arg6: memref<512xi32, #tpu.memory_space<vmem>>, %arg7: memref<8x1024xf32, #tpu.memory_space<vmem>>, %arg8: memref<8x1024xf32, #tpu.memory_space<vmem>>, %arg9: memref<8x1024xf32, #tpu.memory_space<vmem>>, %arg10: memref<8x1024xf32, #tpu.memory_space<vmem>>, %arg11: memref<8x1024xf32, #tpu.memory_space<vmem>>, %arg12: memref<8x1024xf32, #tpu.memory_space<vmem>>, %arg13: memref<8x1024xf32, #tpu.memory_space<vmem>>, %arg14: memref<8x1024xf32, #tpu.memory_space<vmem>>, %arg15: memref<8x1024xf32, #tpu.memory_space<vmem>>, %arg16: memref<8x1024xf32, #tpu.memory_space<vmem>>, %arg17: memref<8x1024xf32, #tpu.memory_space<vmem>>, %arg18: memref<8x1024xf32, #tpu.memory_space<vmem>>, %arg19: memref<8x1024xf32, #tpu.memory_space<vmem>>, %arg20: memref<8x1024xf32, #tpu.memory_space<vmem>>, %arg21: memref<8x1024xf32, #tpu.memory_space<vmem>>, %arg22: memref<!tpu.dma_semaphore, #tpu.memory_space<semaphore_mem>>, %arg23: memref<!tpu.dma_semaphore, #tpu.memory_space<semaphore_mem>>, %arg24: memref<!tpu.dma_semaphore, #tpu.memory_space<semaphore_mem>>, %arg25: memref<!tpu.dma_semaphore, #tpu.memory_space<semaphore_mem>>, %arg26: memref<!tpu.dma_semaphore, #tpu.memory_space<semaphore_mem>>, %arg27: memref<!tpu.dma_semaphore, #tpu.memory_space<semaphore_mem>>, %arg28: memref<!tpu.dma_semaphore, #tpu.memory_space<semaphore_mem>>, %arg29: memref<!tpu.dma_semaphore, #tpu.memory_space<semaphore_mem>>, %arg30: memref<!tpu.dma_semaphore, #tpu.memory_space<semaphore_mem>>) attributes {dimension_semantics = [#tpu.dimension_semantics<core_parallel>, #tpu.dimension_semantics<subcore_parallel>], iteration_bounds = array<i64: 2, 16>, scalar_prefetch = 0 : i64, scratch_operands = 25 : i64, tpu.core_type = #tpu.core_type<sc_vector_subcore>, window_params = [{transform_indices = #map}, {transform_indices = #map1}, {transform_indices = #map1}, {transform_indices = #map1}]} {
    %mul3A = arith.constant 2 : i32
    %mul3A_0 = arith.muli %arg1, %mul3A : i32
    %add3A = arith.addi %mul3A_0, %arg0 : i32
    %mul3A_1 = arith.constant 128 : i32
    %mul3A_2 = arith.muli %add3A, %mul3A_1 : i32
    %add3A_3 = arith.constant 0 : i32
    %add3A_4 = arith.addi %add3A_3, %mul3A_2 : i32
    %dma_start3A = arith.constant 0 : i32
    %dma_start3A_5 = tpu.memref_slice %arg6[%dma_start3A] : memref<512xi32, #tpu.memory_space<vmem>> -> memref<128xi32, #tpu.memory_space<vmem>>
    %dma_start3A_6 = tpu.memref_slice %arg2[%add3A_4] : memref<16384xi32, #tpu.memory_space<hbm>> -> memref<128xi32, #tpu.memory_space<hbm>>
    %dma_start3A_7 = arith.constant 0 : i32
    %dma_start3A_8 = tpu.memref_slice %arg6[%dma_start3A_7] : memref<512xi32, #tpu.memory_space<vmem>> -> memref<128xi32, #tpu.memory_space<vmem>>
    %dma_start3A_9 = tpu.memref_slice %arg2[%add3A_4] : memref<16384xi32, #tpu.memory_space<hbm>> -> memref<128xi32, #tpu.memory_space<hbm>>
    tpu.enqueue_dma source(%dma_start3A_9 : memref<128xi32, #tpu.memory_space<hbm>>) target(%dma_start3A_8 : memref<128xi32, #tpu.memory_space<vmem>>) target_semaphore(%arg25 : memref<!tpu.dma_semaphore, #tpu.memory_space<semaphore_mem>>)
    %add3A_10 = arith.constant 4096 : i32
    %add3A_11 = arith.addi %add3A_10, %mul3A_2 : i32
    %dma_start3A_12 = arith.constant 128 : i32
    %dma_start3A_13 = tpu.memref_slice %arg6[%dma_start3A_12] : memref<512xi32, #tpu.memory_space<vmem>> -> memref<128xi32, #tpu.memory_space<vmem>>
    %dma_start3A_14 = tpu.memref_slice %arg2[%add3A_11] : memref<16384xi32, #tpu.memory_space<hbm>> -> memref<128xi32, #tpu.memory_space<hbm>>
    %dma_start3A_15 = arith.constant 128 : i32
    %dma_start3A_16 = tpu.memref_slice %arg6[%dma_start3A_15] : memref<512xi32, #tpu.memory_space<vmem>> -> memref<128xi32, #tpu.memory_space<vmem>>
    %dma_start3A_17 = tpu.memref_slice %arg2[%add3A_11] : memref<16384xi32, #tpu.memory_space<hbm>> -> memref<128xi32, #tpu.memory_space<hbm>>
    tpu.enqueue_dma source(%dma_start3A_17 : memref<128xi32, #tpu.memory_space<hbm>>) target(%dma_start3A_16 : memref<128xi32, #tpu.memory_space<vmem>>) target_semaphore(%arg25 : memref<!tpu.dma_semaphore, #tpu.memory_space<semaphore_mem>>)
    %add3A_18 = arith.constant 8192 : i32
    %add3A_19 = arith.addi %add3A_18, %mul3A_2 : i32
    %dma_start3A_20 = arith.constant 256 : i32
    %dma_start3A_21 = tpu.memref_slice %arg6[%dma_start3A_20] : memref<512xi32, #tpu.memory_space<vmem>> -> memref<128xi32, #tpu.memory_space<vmem>>
    %dma_start3A_22 = tpu.memref_slice %arg2[%add3A_19] : memref<16384xi32, #tpu.memory_space<hbm>> -> memref<128xi32, #tpu.memory_space<hbm>>
    %dma_start3A_23 = arith.constant 256 : i32
    %dma_start3A_24 = tpu.memref_slice %arg6[%dma_start3A_23] : memref<512xi32, #tpu.memory_space<vmem>> -> memref<128xi32, #tpu.memory_space<vmem>>
    %dma_start3A_25 = tpu.memref_slice %arg2[%add3A_19] : memref<16384xi32, #tpu.memory_space<hbm>> -> memref<128xi32, #tpu.memory_space<hbm>>
    tpu.enqueue_dma source(%dma_start3A_25 : memref<128xi32, #tpu.memory_space<hbm>>) target(%dma_start3A_24 : memref<128xi32, #tpu.memory_space<vmem>>) target_semaphore(%arg25 : memref<!tpu.dma_semaphore, #tpu.memory_space<semaphore_mem>>)
    %add3A_26 = arith.constant 12288 : i32
    %add3A_27 = arith.addi %add3A_26, %mul3A_2 : i32
    %dma_start3A_28 = arith.constant 384 : i32
    %dma_start3A_29 = tpu.memref_slice %arg6[%dma_start3A_28] : memref<512xi32, #tpu.memory_space<vmem>> -> memref<128xi32, #tpu.memory_space<vmem>>
    %dma_start3A_30 = tpu.memref_slice %arg2[%add3A_27] : memref<16384xi32, #tpu.memory_space<hbm>> -> memref<128xi32, #tpu.memory_space<hbm>>
    %dma_start3A_31 = arith.constant 384 : i32
    %dma_start3A_32 = tpu.memref_slice %arg6[%dma_start3A_31] : memref<512xi32, #tpu.memory_space<vmem>> -> memref<128xi32, #tpu.memory_space<vmem>>
    %dma_start3A_33 = tpu.memref_slice %arg2[%add3A_27] : memref<16384xi32, #tpu.memory_space<hbm>> -> memref<128xi32, #tpu.memory_space<hbm>>
    tpu.enqueue_dma source(%dma_start3A_33 : memref<128xi32, #tpu.memory_space<hbm>>) target(%dma_start3A_32 : memref<128xi32, #tpu.memory_space<vmem>>) target_semaphore(%arg25 : memref<!tpu.dma_semaphore, #tpu.memory_space<semaphore_mem>>)
    %dma_wait3A = arith.constant 0 : i32
    %dma_wait3A_34 = tpu.memref_slice %arg6[%dma_wait3A] : memref<512xi32, #tpu.memory_space<vmem>> -> memref<128xi32, #tpu.memory_space<vmem>>
    %dma_wait3A_35 = tpu.memref_slice %arg2[%add3A_4] : memref<16384xi32, #tpu.memory_space<hbm>> -> memref<128xi32, #tpu.memory_space<hbm>>
    %dma_wait3A_36 = arith.constant 0 : i32
    %dma_wait3A_37 = tpu.memref_slice %arg6[%dma_wait3A_36] : memref<512xi32, #tpu.memory_space<vmem>> -> memref<128xi32, #tpu.memory_space<vmem>>
    %dma_wait3A_38 = tpu.memref_slice %arg2[%add3A_4] : memref<16384xi32, #tpu.memory_space<hbm>> -> memref<128xi32, #tpu.memory_space<hbm>>
    tpu.wait_dma2 semaphore(%arg25 : memref<!tpu.dma_semaphore, #tpu.memory_space<semaphore_mem>>) src(%dma_wait3A_38 : memref<128xi32, #tpu.memory_space<hbm>>) dst(%dma_wait3A_37 : memref<128xi32, #tpu.memory_space<vmem>>)
    %dma_wait3A_39 = arith.constant 128 : i32
    %dma_wait3A_40 = tpu.memref_slice %arg6[%dma_wait3A_39] : memref<512xi32, #tpu.memory_space<vmem>> -> memref<128xi32, #tpu.memory_space<vmem>>
    %dma_wait3A_41 = tpu.memref_slice %arg2[%add3A_11] : memref<16384xi32, #tpu.memory_space<hbm>> -> memref<128xi32, #tpu.memory_space<hbm>>
    %dma_wait3A_42 = arith.constant 128 : i32
    %dma_wait3A_43 = tpu.memref_slice %arg6[%dma_wait3A_42] : memref<512xi32, #tpu.memory_space<vmem>> -> memref<128xi32, #tpu.memory_space<vmem>>
    %dma_wait3A_44 = tpu.memref_slice %arg2[%add3A_11] : memref<16384xi32, #tpu.memory_space<hbm>> -> memref<128xi32, #tpu.memory_space<hbm>>
    tpu.wait_dma2 semaphore(%arg25 : memref<!tpu.dma_semaphore, #tpu.memory_space<semaphore_mem>>) src(%dma_wait3A_44 : memref<128xi32, #tpu.memory_space<hbm>>) dst(%dma_wait3A_43 : memref<128xi32, #tpu.memory_space<vmem>>)
    %dma_wait3A_45 = arith.constant 256 : i32
    %dma_wait3A_46 = tpu.memref_slice %arg6[%dma_wait3A_45] : memref<512xi32, #tpu.memory_space<vmem>> -> memref<128xi32, #tpu.memory_space<vmem>>
    %dma_wait3A_47 = tpu.memref_slice %arg2[%add3A_19] : memref<16384xi32, #tpu.memory_space<hbm>> -> memref<128xi32, #tpu.memory_space<hbm>>
    %dma_wait3A_48 = arith.constant 256 : i32
    %dma_wait3A_49 = tpu.memref_slice %arg6[%dma_wait3A_48] : memref<512xi32, #tpu.memory_space<vmem>> -> memref<128xi32, #tpu.memory_space<vmem>>
    %dma_wait3A_50 = tpu.memref_slice %arg2[%add3A_19] : memref<16384xi32, #tpu.memory_space<hbm>> -> memref<128xi32, #tpu.memory_space<hbm>>
    tpu.wait_dma2 semaphore(%arg25 : memref<!tpu.dma_semaphore, #tpu.memory_space<semaphore_mem>>) src(%dma_wait3A_50 : memref<128xi32, #tpu.memory_space<hbm>>) dst(%dma_wait3A_49 : memref<128xi32, #tpu.memory_space<vmem>>)
    %dma_wait3A_51 = arith.constant 384 : i32
    %dma_wait3A_52 = tpu.memref_slice %arg6[%dma_wait3A_51] : memref<512xi32, #tpu.memory_space<vmem>> -> memref<128xi32, #tpu.memory_space<vmem>>
    %dma_wait3A_53 = tpu.memref_slice %arg2[%add3A_27] : memref<16384xi32, #tpu.memory_space<hbm>> -> memref<128xi32, #tpu.memory_space<hbm>>
    %dma_wait3A_54 = arith.constant 384 : i32
    %dma_wait3A_55 = tpu.memref_slice %arg6[%dma_wait3A_54] : memref<512xi32, #tpu.memory_space<vmem>> -> memref<128xi32, #tpu.memory_space<vmem>>
    %dma_wait3A_56 = tpu.memref_slice %arg2[%add3A_27] : memref<16384xi32, #tpu.memory_space<hbm>> -> memref<128xi32, #tpu.memory_space<hbm>>
    tpu.wait_dma2 semaphore(%arg25 : memref<!tpu.dma_semaphore, #tpu.memory_space<semaphore_mem>>) src(%dma_wait3A_56 : memref<128xi32, #tpu.memory_space<hbm>>) dst(%dma_wait3A_55 : memref<128xi32, #tpu.memory_space<vmem>>)
    %add3A_57 = arith.constant 0 : i32
    %add3A_58 = arith.addi %mul3A_2, %add3A_57 : i32
    %dma_start3A_59 = arith.constant 0 : i32
    %dma_start3A_60 = tpu.memref_slice %arg4[%add3A_58, %dma_start3A_59] : memref<8192x1024xf32, #tpu.memory_space<hbm>> -> memref<8x1024xf32, #tpu.memory_space<hbm>>
    %dma_start3A_61 = arith.constant 0 : i32
    %dma_start3A_62 = tpu.memref_slice %arg4[%add3A_58, %dma_start3A_61] : memref<8192x1024xf32, #tpu.memory_space<hbm>> -> memref<8x1024xf32, #tpu.memory_space<hbm>>
    tpu.enqueue_dma source(%dma_start3A_62 : memref<8x1024xf32, #tpu.memory_space<hbm>>) target(%arg19 : memref<8x1024xf32, #tpu.memory_space<vmem>>) target_semaphore(%arg25 : memref<!tpu.dma_semaphore, #tpu.memory_space<semaphore_mem>>)
    %dma_start3A_63 = arith.constant 0 : i32
    %dma_start3A_64 = tpu.memref_slice %arg6[%dma_start3A_63] : memref<512xi32, #tpu.memory_space<vmem>> -> memref<8xi32, #tpu.memory_space<vmem>>
    %dma_start3A_65 = arith.constant 0 : i32
    %dma_start3A_66 = arith.constant 0 : i32
    %dma_start3A_67 = tpu.memref_slice %arg3[%dma_start3A_65, %dma_start3A_66] : memref<100000x1024xf32, #tpu.memory_space<hbm>> -> memref<100000x1024xf32, #tpu.memory_space<hbm>>
    tpu.enqueue_indirect_dma source(%dma_start3A_67 : memref<100000x1024xf32, #tpu.memory_space<hbm>>) target(%arg7 : memref<8x1024xf32, #tpu.memory_space<vmem>>) offsets(%dma_start3A_64 : memref<8xi32, #tpu.memory_space<vmem>>) semaphore(%arg22 : memref<!tpu.dma_semaphore, #tpu.memory_space<semaphore_mem>>)
    %dma_start3A_68 = arith.constant 128 : i32
    %dma_start3A_69 = tpu.memref_slice %arg6[%dma_start3A_68] : memref<512xi32, #tpu.memory_space<vmem>> -> memref<8xi32, #tpu.memory_space<vmem>>
    %dma_start3A_70 = arith.constant 0 : i32
    %dma_start3A_71 = arith.constant 0 : i32
    %dma_start3A_72 = tpu.memref_slice %arg3[%dma_start3A_70, %dma_start3A_71] : memref<100000x1024xf32, #tpu.memory_space<hbm>> -> memref<100000x1024xf32, #tpu.memory_space<hbm>>
    tpu.enqueue_indirect_dma source(%dma_start3A_72 : memref<100000x1024xf32, #tpu.memory_space<hbm>>) target(%arg8 : memref<8x1024xf32, #tpu.memory_space<vmem>>) offsets(%dma_start3A_69 : memref<8xi32, #tpu.memory_space<vmem>>) semaphore(%arg22 : memref<!tpu.dma_semaphore, #tpu.memory_space<semaphore_mem>>)
    %dma_start3A_73 = arith.constant 256 : i32
    %dma_start3A_74 = tpu.memref_slice %arg6[%dma_start3A_73] : memref<512xi32, #tpu.memory_space<vmem>> -> memref<8xi32, #tpu.memory_space<vmem>>
    %dma_start3A_75 = arith.constant 0 : i32
    %dma_start3A_76 = arith.constant 0 : i32
    %dma_start3A_77 = tpu.memref_slice %arg3[%dma_start3A_75, %dma_start3A_76] : memref<100000x1024xf32, #tpu.memory_space<hbm>> -> memref<100000x1024xf32, #tpu.memory_space<hbm>>
    tpu.enqueue_indirect_dma source(%dma_start3A_77 : memref<100000x1024xf32, #tpu.memory_space<hbm>>) target(%arg9 : memref<8x1024xf32, #tpu.memory_space<vmem>>) offsets(%dma_start3A_74 : memref<8xi32, #tpu.memory_space<vmem>>) semaphore(%arg22 : memref<!tpu.dma_semaphore, #tpu.memory_space<semaphore_mem>>)
    %dma_start3A_78 = arith.constant 384 : i32
    %dma_start3A_79 = tpu.memref_slice %arg6[%dma_start3A_78] : memref<512xi32, #tpu.memory_space<vmem>> -> memref<8xi32, #tpu.memory_space<vmem>>
    %dma_start3A_80 = arith.constant 0 : i32
    %dma_start3A_81 = arith.constant 0 : i32
    %dma_start3A_82 = tpu.memref_slice %arg3[%dma_start3A_80, %dma_start3A_81] : memref<100000x1024xf32, #tpu.memory_space<hbm>> -> memref<100000x1024xf32, #tpu.memory_space<hbm>>
    tpu.enqueue_indirect_dma source(%dma_start3A_82 : memref<100000x1024xf32, #tpu.memory_space<hbm>>) target(%arg10 : memref<8x1024xf32, #tpu.memory_space<vmem>>) offsets(%dma_start3A_79 : memref<8xi32, #tpu.memory_space<vmem>>) semaphore(%arg22 : memref<!tpu.dma_semaphore, #tpu.memory_space<semaphore_mem>>)
    %add3A_83 = arith.constant 8 : i32
    %add3A_84 = arith.addi %mul3A_2, %add3A_83 : i32
    %dma_start3A_85 = arith.constant 0 : i32
    %dma_start3A_86 = tpu.memref_slice %arg4[%add3A_84, %dma_start3A_85] : memref<8192x1024xf32, #tpu.memory_space<hbm>> -> memref<8x1024xf32, #tpu.memory_space<hbm>>
    %dma_start3A_87 = arith.constant 0 : i32
    %dma_start3A_88 = tpu.memref_slice %arg4[%add3A_84, %dma_start3A_87] : memref<8192x1024xf32, #tpu.memory_space<hbm>> -> memref<8x1024xf32, #tpu.memory_space<hbm>>
    tpu.enqueue_dma source(%dma_start3A_88 : memref<8x1024xf32, #tpu.memory_space<hbm>>) target(%arg20 : memref<8x1024xf32, #tpu.memory_space<vmem>>) target_semaphore(%arg26 : memref<!tpu.dma_semaphore, #tpu.memory_space<semaphore_mem>>)
    %dma_start3A_89 = arith.constant 8 : i32
    %dma_start3A_90 = tpu.memref_slice %arg6[%dma_start3A_89] : memref<512xi32, #tpu.memory_space<vmem>> -> memref<8xi32, #tpu.memory_space<vmem>>
    %dma_start3A_91 = arith.constant 0 : i32
    %dma_start3A_92 = arith.constant 0 : i32
    %dma_start3A_93 = tpu.memref_slice %arg3[%dma_start3A_91, %dma_start3A_92] : memref<100000x1024xf32, #tpu.memory_space<hbm>> -> memref<100000x1024xf32, #tpu.memory_space<hbm>>
    tpu.enqueue_indirect_dma source(%dma_start3A_93 : memref<100000x1024xf32, #tpu.memory_space<hbm>>) target(%arg11 : memref<8x1024xf32, #tpu.memory_space<vmem>>) offsets(%dma_start3A_90 : memref<8xi32, #tpu.memory_space<vmem>>) semaphore(%arg23 : memref<!tpu.dma_semaphore, #tpu.memory_space<semaphore_mem>>)
    %dma_start3A_94 = arith.constant 136 : i32
    %dma_start3A_95 = tpu.memref_slice %arg6[%dma_start3A_94] : memref<512xi32, #tpu.memory_space<vmem>> -> memref<8xi32, #tpu.memory_space<vmem>>
    %dma_start3A_96 = arith.constant 0 : i32
    %dma_start3A_97 = arith.constant 0 : i32
    %dma_start3A_98 = tpu.memref_slice %arg3[%dma_start3A_96, %dma_start3A_97] : memref<100000x1024xf32, #tpu.memory_space<hbm>> -> memref<100000x1024xf32, #tpu.memory_space<hbm>>
    tpu.enqueue_indirect_dma source(%dma_start3A_98 : memref<100000x1024xf32, #tpu.memory_space<hbm>>) target(%arg12 : memref<8x1024xf32, #tpu.memory_space<vmem>>) offsets(%dma_start3A_95 : memref<8xi32, #tpu.memory_space<vmem>>) semaphore(%arg23 : memref<!tpu.dma_semaphore, #tpu.memory_space<semaphore_mem>>)
    %dma_start3A_99 = arith.constant 264 : i32
    %dma_start3A_100 = tpu.memref_slice %arg6[%dma_start3A_99] : memref<512xi32, #tpu.memory_space<vmem>> -> memref<8xi32, #tpu.memory_space<vmem>>
    %dma_start3A_101 = arith.constant 0 : i32
    %dma_start3A_102 = arith.constant 0 : i32
    %dma_start3A_103 = tpu.memref_slice %arg3[%dma_start3A_101, %dma_start3A_102] : memref<100000x1024xf32, #tpu.memory_space<hbm>> -> memref<100000x1024xf32, #tpu.memory_space<hbm>>
    tpu.enqueue_indirect_dma source(%dma_start3A_103 : memref<100000x1024xf32, #tpu.memory_space<hbm>>) target(%arg13 : memref<8x1024xf32, #tpu.memory_space<vmem>>) offsets(%dma_start3A_100 : memref<8xi32, #tpu.memory_space<vmem>>) semaphore(%arg23 : memref<!tpu.dma_semaphore, #tpu.memory_space<semaphore_mem>>)
    %dma_start3A_104 = arith.constant 392 : i32
    %dma_start3A_105 = tpu.memref_slice %arg6[%dma_start3A_104] : memref<512xi32, #tpu.memory_space<vmem>> -> memref<8xi32, #tpu.memory_space<vmem>>
    %dma_start3A_106 = arith.constant 0 : i32
    %dma_start3A_107 = arith.constant 0 : i32
    %dma_start3A_108 = tpu.memref_slice %arg3[%dma_start3A_106, %dma_start3A_107] : memref<100000x1024xf32, #tpu.memory_space<hbm>> -> memref<100000x1024xf32, #tpu.memory_space<hbm>>
    tpu.enqueue_indirect_dma source(%dma_start3A_108 : memref<100000x1024xf32, #tpu.memory_space<hbm>>) target(%arg14 : memref<8x1024xf32, #tpu.memory_space<vmem>>) offsets(%dma_start3A_105 : memref<8xi32, #tpu.memory_space<vmem>>) semaphore(%arg23 : memref<!tpu.dma_semaphore, #tpu.memory_space<semaphore_mem>>)
    %add3A_109 = arith.constant 16 : i32
    %add3A_110 = arith.addi %mul3A_2, %add3A_109 : i32
    %dma_start3A_111 = arith.constant 0 : i32
    %dma_start3A_112 = tpu.memref_slice %arg4[%add3A_110, %dma_start3A_111] : memref<8192x1024xf32, #tpu.memory_space<hbm>> -> memref<8x1024xf32, #tpu.memory_space<hbm>>
    %dma_start3A_113 = arith.constant 0 : i32
    %dma_start3A_114 = tpu.memref_slice %arg4[%add3A_110, %dma_start3A_113] : memref<8192x1024xf32, #tpu.memory_space<hbm>> -> memref<8x1024xf32, #tpu.memory_space<hbm>>
    tpu.enqueue_dma source(%dma_start3A_114 : memref<8x1024xf32, #tpu.memory_space<hbm>>) target(%arg21 : memref<8x1024xf32, #tpu.memory_space<vmem>>) target_semaphore(%arg27 : memref<!tpu.dma_semaphore, #tpu.memory_space<semaphore_mem>>)
    %dma_start3A_115 = arith.constant 16 : i32
    %dma_start3A_116 = tpu.memref_slice %arg6[%dma_start3A_115] : memref<512xi32, #tpu.memory_space<vmem>> -> memref<8xi32, #tpu.memory_space<vmem>>
    %dma_start3A_117 = arith.constant 0 : i32
    %dma_start3A_118 = arith.constant 0 : i32
    %dma_start3A_119 = tpu.memref_slice %arg3[%dma_start3A_117, %dma_start3A_118] : memref<100000x1024xf32, #tpu.memory_space<hbm>> -> memref<100000x1024xf32, #tpu.memory_space<hbm>>
    tpu.enqueue_indirect_dma source(%dma_start3A_119 : memref<100000x1024xf32, #tpu.memory_space<hbm>>) target(%arg15 : memref<8x1024xf32, #tpu.memory_space<vmem>>) offsets(%dma_start3A_116 : memref<8xi32, #tpu.memory_space<vmem>>) semaphore(%arg24 : memref<!tpu.dma_semaphore, #tpu.memory_space<semaphore_mem>>)
    %dma_start3A_120 = arith.constant 144 : i32
    %dma_start3A_121 = tpu.memref_slice %arg6[%dma_start3A_120] : memref<512xi32, #tpu.memory_space<vmem>> -> memref<8xi32, #tpu.memory_space<vmem>>
    %dma_start3A_122 = arith.constant 0 : i32
    %dma_start3A_123 = arith.constant 0 : i32
    %dma_start3A_124 = tpu.memref_slice %arg3[%dma_start3A_122, %dma_start3A_123] : memref<100000x1024xf32, #tpu.memory_space<hbm>> -> memref<100000x1024xf32, #tpu.memory_space<hbm>>
    tpu.enqueue_indirect_dma source(%dma_start3A_124 : memref<100000x1024xf32, #tpu.memory_space<hbm>>) target(%arg16 : memref<8x1024xf32, #tpu.memory_space<vmem>>) offsets(%dma_start3A_121 : memref<8xi32, #tpu.memory_space<vmem>>) semaphore(%arg24 : memref<!tpu.dma_semaphore, #tpu.memory_space<semaphore_mem>>)
    %dma_start3A_125 = arith.constant 272 : i32
    %dma_start3A_126 = tpu.memref_slice %arg6[%dma_start3A_125] : memref<512xi32, #tpu.memory_space<vmem>> -> memref<8xi32, #tpu.memory_space<vmem>>
    %dma_start3A_127 = arith.constant 0 : i32
    %dma_start3A_128 = arith.constant 0 : i32
    %dma_start3A_129 = tpu.memref_slice %arg3[%dma_start3A_127, %dma_start3A_128] : memref<100000x1024xf32, #tpu.memory_space<hbm>> -> memref<100000x1024xf32, #tpu.memory_space<hbm>>
    tpu.enqueue_indirect_dma source(%dma_start3A_129 : memref<100000x1024xf32, #tpu.memory_space<hbm>>) target(%arg17 : memref<8x1024xf32, #tpu.memory_space<vmem>>) offsets(%dma_start3A_126 : memref<8xi32, #tpu.memory_space<vmem>>) semaphore(%arg24 : memref<!tpu.dma_semaphore, #tpu.memory_space<semaphore_mem>>)
    %dma_start3A_130 = arith.constant 400 : i32
    %dma_start3A_131 = tpu.memref_slice %arg6[%dma_start3A_130] : memref<512xi32, #tpu.memory_space<vmem>> -> memref<8xi32, #tpu.memory_space<vmem>>
    %dma_start3A_132 = arith.constant 0 : i32
    %dma_start3A_133 = arith.constant 0 : i32
    %dma_start3A_134 = tpu.memref_slice %arg3[%dma_start3A_132, %dma_start3A_133] : memref<100000x1024xf32, #tpu.memory_space<hbm>> -> memref<100000x1024xf32, #tpu.memory_space<hbm>>
    tpu.enqueue_indirect_dma source(%dma_start3A_134 : memref<100000x1024xf32, #tpu.memory_space<hbm>>) target(%arg18 : memref<8x1024xf32, #tpu.memory_space<vmem>>) offsets(%dma_start3A_131 : memref<8xi32, #tpu.memory_space<vmem>>) semaphore(%arg24 : memref<!tpu.dma_semaphore, #tpu.memory_space<semaphore_mem>>)
    %dma_wait3A_135 = arith.constant 0 : i32
    %dma_wait3A_136 = tpu.memref_slice %arg4[%add3A_58, %dma_wait3A_135] : memref<8192x1024xf32, #tpu.memory_space<hbm>> -> memref<8x1024xf32, #tpu.memory_space<hbm>>
    %dma_wait3A_137 = arith.constant 0 : i32
    %dma_wait3A_138 = tpu.memref_slice %arg4[%add3A_58, %dma_wait3A_137] : memref<8192x1024xf32, #tpu.memory_space<hbm>> -> memref<8x1024xf32, #tpu.memory_space<hbm>>
    tpu.wait_dma2 semaphore(%arg25 : memref<!tpu.dma_semaphore, #tpu.memory_space<semaphore_mem>>) src(%dma_wait3A_138 : memref<8x1024xf32, #tpu.memory_space<hbm>>) dst(%arg19 : memref<8x1024xf32, #tpu.memory_space<vmem>>)
    %dma_wait3A_139 = arith.constant 0 : i32
    %dma_wait3A_140 = tpu.memref_slice %arg6[%dma_wait3A_139] : memref<512xi32, #tpu.memory_space<vmem>> -> memref<8xi32, #tpu.memory_space<vmem>>
    %dma_wait3A_141 = arith.constant 0 : i32
    %dma_wait3A_142 = arith.constant 0 : i32
    %dma_wait3A_143 = tpu.memref_slice %arg3[%dma_wait3A_141, %dma_wait3A_142] : memref<100000x1024xf32, #tpu.memory_space<hbm>> -> memref<100000x1024xf32, #tpu.memory_space<hbm>>
    tpu.wait_indirect_dma semaphore(%arg22 : memref<!tpu.dma_semaphore, #tpu.memory_space<semaphore_mem>>) src(%dma_wait3A_143 : memref<100000x1024xf32, #tpu.memory_space<hbm>>) dst(%arg7 : memref<8x1024xf32, #tpu.memory_space<vmem>>)
    %dma_wait3A_144 = arith.constant 128 : i32
    %dma_wait3A_145 = tpu.memref_slice %arg6[%dma_wait3A_144] : memref<512xi32, #tpu.memory_space<vmem>> -> memref<8xi32, #tpu.memory_space<vmem>>
    %dma_wait3A_146 = arith.constant 0 : i32
    %dma_wait3A_147 = arith.constant 0 : i32
    %dma_wait3A_148 = tpu.memref_slice %arg3[%dma_wait3A_146, %dma_wait3A_147] : memref<100000x1024xf32, #tpu.memory_space<hbm>> -> memref<100000x1024xf32, #tpu.memory_space<hbm>>
    tpu.wait_indirect_dma semaphore(%arg22 : memref<!tpu.dma_semaphore, #tpu.memory_space<semaphore_mem>>) src(%dma_wait3A_148 : memref<100000x1024xf32, #tpu.memory_space<hbm>>) dst(%arg8 : memref<8x1024xf32, #tpu.memory_space<vmem>>)
    %dma_wait3A_149 = arith.constant 256 : i32
    %dma_wait3A_150 = tpu.memref_slice %arg6[%dma_wait3A_149] : memref<512xi32, #tpu.memory_space<vmem>> -> memref<8xi32, #tpu.memory_space<vmem>>
    %dma_wait3A_151 = arith.constant 0 : i32
    %dma_wait3A_152 = arith.constant 0 : i32
    %dma_wait3A_153 = tpu.memref_slice %arg3[%dma_wait3A_151, %dma_wait3A_152] : memref<100000x1024xf32, #tpu.memory_space<hbm>> -> memref<100000x1024xf32, #tpu.memory_space<hbm>>
    tpu.wait_indirect_dma semaphore(%arg22 : memref<!tpu.dma_semaphore, #tpu.memory_space<semaphore_mem>>) src(%dma_wait3A_153 : memref<100000x1024xf32, #tpu.memory_space<hbm>>) dst(%arg9 : memref<8x1024xf32, #tpu.memory_space<vmem>>)
    %dma_wait3A_154 = arith.constant 384 : i32
    %dma_wait3A_155 = tpu.memref_slice %arg6[%dma_wait3A_154] : memref<512xi32, #tpu.memory_space<vmem>> -> memref<8xi32, #tpu.memory_space<vmem>>
    %dma_wait3A_156 = arith.constant 0 : i32
    %dma_wait3A_157 = arith.constant 0 : i32
    %dma_wait3A_158 = tpu.memref_slice %arg3[%dma_wait3A_156, %dma_wait3A_157] : memref<100000x1024xf32, #tpu.memory_space<hbm>> -> memref<100000x1024xf32, #tpu.memory_space<hbm>>
    tpu.wait_indirect_dma semaphore(%arg22 : memref<!tpu.dma_semaphore, #tpu.memory_space<semaphore_mem>>) src(%dma_wait3A_158 : memref<100000x1024xf32, #tpu.memory_space<hbm>>) dst(%arg10 : memref<8x1024xf32, #tpu.memory_space<vmem>>)
    %parallel_loop3A = arith.constant 0 : i32
    %parallel_loop3A_159 = arith.constant 512 : i32
    %parallel_loop3A_160 = arith.constant 1 : i32
    scf.for %parallel_loop3A_1672 = %parallel_loop3A to %parallel_loop3A_159 step %parallel_loop3A_160  : i32 {
      %parallel_loop3A_1673 = arith.constant 64 : i32
      %parallel_loop3A_1674 = arith.divsi %parallel_loop3A_1672, %parallel_loop3A_1673 : i32
      %parallel_loop3A_1675 = arith.constant 0 : i32
      %parallel_loop3A_1676 = arith.cmpi sgt, %parallel_loop3A_1672, %parallel_loop3A_1675 : i32
      %parallel_loop3A_1677 = arith.extui %parallel_loop3A_1676 : i1 to i32
      %parallel_loop3A_1678 = arith.constant 0 : i32
      %parallel_loop3A_1679 = arith.cmpi slt, %parallel_loop3A_1672, %parallel_loop3A_1678 : i32
      %parallel_loop3A_1680 = arith.extui %parallel_loop3A_1679 : i1 to i32
      %parallel_loop3A_1681 = arith.subi %parallel_loop3A_1677, %parallel_loop3A_1680 : i32
      %parallel_loop3A_1682 = arith.constant 0 : i32
      %parallel_loop3A_1683 = arith.cmpi sgt, %parallel_loop3A_1673, %parallel_loop3A_1682 : i32
      %parallel_loop3A_1684 = arith.extui %parallel_loop3A_1683 : i1 to i32
      %parallel_loop3A_1685 = arith.constant 0 : i32
      %parallel_loop3A_1686 = arith.cmpi slt, %parallel_loop3A_1673, %parallel_loop3A_1685 : i32
      %parallel_loop3A_1687 = arith.extui %parallel_loop3A_1686 : i1 to i32
      %parallel_loop3A_1688 = arith.subi %parallel_loop3A_1684, %parallel_loop3A_1687 : i32
      %parallel_loop3A_1689 = arith.cmpi ne, %parallel_loop3A_1681, %parallel_loop3A_1688 : i32
      %parallel_loop3A_1690 = arith.remsi %parallel_loop3A_1672, %parallel_loop3A_1673 : i32
      %parallel_loop3A_1691 = arith.constant 0 : i32
      %parallel_loop3A_1692 = arith.cmpi ne, %parallel_loop3A_1690, %parallel_loop3A_1691 : i32
      %parallel_loop3A_1693 = arith.andi %parallel_loop3A_1689, %parallel_loop3A_1692 : i1
      %parallel_loop3A_1694 = arith.constant 1 : i32
      %parallel_loop3A_1695 = arith.subi %parallel_loop3A_1674, %parallel_loop3A_1694 : i32
      %parallel_loop3A_1696 = arith.select %parallel_loop3A_1693, %parallel_loop3A_1695, %parallel_loop3A_1674 : i32
      %parallel_loop3A_1697 = arith.constant 64 : i32
      %parallel_loop3A_1698 = arith.constant 0 : i32
      %parallel_loop3A_1699 = arith.cmpi eq, %parallel_loop3A_1697, %parallel_loop3A_1698 : i32
      %parallel_loop3A_1700 = arith.constant 1 : i32
      %parallel_loop3A_1701 = arith.select %parallel_loop3A_1699, %parallel_loop3A_1700, %parallel_loop3A_1697 : i32
      %parallel_loop3A_1702 = arith.remsi %parallel_loop3A_1672, %parallel_loop3A_1701 : i32
      %parallel_loop3A_1703 = arith.constant 0 : i32
      %parallel_loop3A_1704 = arith.cmpi ne, %parallel_loop3A_1702, %parallel_loop3A_1703 : i32
      %parallel_loop3A_1705 = arith.constant 0 : i32
      %parallel_loop3A_1706 = arith.cmpi slt, %parallel_loop3A_1702, %parallel_loop3A_1705 : i32
      %parallel_loop3A_1707 = arith.constant 0 : i32
      %parallel_loop3A_1708 = arith.cmpi slt, %parallel_loop3A_1701, %parallel_loop3A_1707 : i32
      %parallel_loop3A_1709 = arith.xori %parallel_loop3A_1706, %parallel_loop3A_1708 : i1
      %parallel_loop3A_1710 = arith.andi %parallel_loop3A_1709, %parallel_loop3A_1704 : i1
      %parallel_loop3A_1711 = arith.addi %parallel_loop3A_1702, %parallel_loop3A_1701 : i32
      %parallel_loop3A_1712 = arith.select %parallel_loop3A_1710, %parallel_loop3A_1711, %parallel_loop3A_1702 : i32
      %parallel_loop3A_1713 = arith.constant 16 : i32
      %parallel_loop3A_1714 = arith.muli %parallel_loop3A_1712, %parallel_loop3A_1713 : i32
      %parallel_loop3A_1715 = arith.index_cast %parallel_loop3A_1696 : i32 to index
      %parallel_loop3A_1716 = arith.index_cast %parallel_loop3A_1714 : i32 to index
      %parallel_loop3A_1717 = tpu.vector_load %arg19[%parallel_loop3A_1715, %parallel_loop3A_1716] {strides = array<i32>} : memref<8x1024xf32, #tpu.memory_space<vmem>>, vector<1x16xf32>,
      %parallel_loop3A_1718 = vector.shape_cast %parallel_loop3A_1717 : vector<1x16xf32> to vector<16xf32>
      %parallel_loop3A_1719 = arith.index_cast %parallel_loop3A_1696 : i32 to index
      %parallel_loop3A_1720 = arith.index_cast %parallel_loop3A_1714 : i32 to index
      %parallel_loop3A_1721 = tpu.vector_load %arg7[%parallel_loop3A_1719, %parallel_loop3A_1720] {strides = array<i32>} : memref<8x1024xf32, #tpu.memory_space<vmem>>, vector<1x16xf32>,
      %parallel_loop3A_1722 = vector.shape_cast %parallel_loop3A_1721 : vector<1x16xf32> to vector<16xf32>
      %parallel_loop3A_1723 = vector.shape_cast %parallel_loop3A_1718 : vector<16xf32> to vector<1x16xf32>
      tpu.vector_store %arg7[%parallel_loop3A_1719, %parallel_loop3A_1720], %parallel_loop3A_1723 {add = true, strides = array<i32>} : memref<8x1024xf32, #tpu.memory_space<vmem>>, vector<1x16xf32>,
      %parallel_loop3A_1724 = arith.index_cast %parallel_loop3A_1696 : i32 to index
      %parallel_loop3A_1725 = arith.index_cast %parallel_loop3A_1714 : i32 to index
      %parallel_loop3A_1726 = tpu.vector_load %arg8[%parallel_loop3A_1724, %parallel_loop3A_1725] {strides = array<i32>} : memref<8x1024xf32, #tpu.memory_space<vmem>>, vector<1x16xf32>,
      %parallel_loop3A_1727 = vector.shape_cast %parallel_loop3A_1726 : vector<1x16xf32> to vector<16xf32>
      %parallel_loop3A_1728 = vector.shape_cast %parallel_loop3A_1718 : vector<16xf32> to vector<1x16xf32>
      tpu.vector_store %arg8[%parallel_loop3A_1724, %parallel_loop3A_1725], %parallel_loop3A_1728 {add = true, strides = array<i32>} : memref<8x1024xf32, #tpu.memory_space<vmem>>, vector<1x16xf32>,
      %parallel_loop3A_1729 = arith.index_cast %parallel_loop3A_1696 : i32 to index
      %parallel_loop3A_1730 = arith.index_cast %parallel_loop3A_1714 : i32 to index
      %parallel_loop3A_1731 = tpu.vector_load %arg9[%parallel_loop3A_1729, %parallel_loop3A_1730] {strides = array<i32>} : memref<8x1024xf32, #tpu.memory_space<vmem>>, vector<1x16xf32>,
      %parallel_loop3A_1732 = vector.shape_cast %parallel_loop3A_1731 : vector<1x16xf32> to vector<16xf32>
      %parallel_loop3A_1733 = vector.shape_cast %parallel_loop3A_1718 : vector<16xf32> to vector<1x16xf32>
      tpu.vector_store %arg9[%parallel_loop3A_1729, %parallel_loop3A_1730], %parallel_loop3A_1733 {add = true, strides = array<i32>} : memref<8x1024xf32, #tpu.memory_space<vmem>>, vector<1x16xf32>,
      %parallel_loop3A_1734 = arith.index_cast %parallel_loop3A_1696 : i32 to index
      %parallel_loop3A_1735 = arith.index_cast %parallel_loop3A_1714 : i32 to index
      %parallel_loop3A_1736 = tpu.vector_load %arg10[%parallel_loop3A_1734, %parallel_loop3A_1735] {strides = array<i32>} : memref<8x1024xf32, #tpu.memory_space<vmem>>, vector<1x16xf32>,
      %parallel_loop3A_1737 = vector.shape_cast %parallel_loop3A_1736 : vector<1x16xf32> to vector<16xf32>
      %parallel_loop3A_1738 = vector.shape_cast %parallel_loop3A_1718 : vector<16xf32> to vector<1x16xf32>
      tpu.vector_store %arg10[%parallel_loop3A_1734, %parallel_loop3A_1735], %parallel_loop3A_1738 {add = true, strides = array<i32>} : memref<8x1024xf32, #tpu.memory_space<vmem>>, vector<1x16xf32>,
    } {sc.loop_unroll_factor = 2 : i64, sc.parallel_access}
    %add3A_161 = arith.constant 0 : i32
    %add3A_162 = arith.addi %add3A_161, %mul3A_2 : i32
    %add3A_163 = arith.constant 0 : i32
    %add3A_164 = arith.addi %add3A_162, %add3A_163 : i32
    %dma_start3A_165 = arith.constant 0 : i32
    %dma_start3A_166 = tpu.memref_slice %arg5[%add3A_164, %dma_start3A_165] : memref<16384x1024xf32, #tpu.memory_space<hbm>> -> memref<8x1024xf32, #tpu.memory_space<hbm>>
    %dma_start3A_167 = arith.constant 0 : i32
    %dma_start3A_168 = tpu.memref_slice %arg5[%add3A_164, %dma_start3A_167] : memref<16384x1024xf32, #tpu.memory_space<hbm>> -> memref<8x1024xf32, #tpu.memory_space<hbm>>
    tpu.enqueue_dma source(%arg7 : memref<8x1024xf32, #tpu.memory_space<vmem>>) target(%dma_start3A_168 : memref<8x1024xf32, #tpu.memory_space<hbm>>) target_semaphore(%arg28 : memref<!tpu.dma_semaphore, #tpu.memory_space<semaphore_mem>>)
    %add3A_169 = arith.constant 4096 : i32
    %add3A_170 = arith.addi %add3A_169, %mul3A_2 : i32
    %add3A_171 = arith.constant 0 : i32
    %add3A_172 = arith.addi %add3A_170, %add3A_171 : i32
    %dma_start3A_173 = arith.constant 0 : i32
    %dma_start3A_174 = tpu.memref_slice %arg5[%add3A_172, %dma_start3A_173] : memref<16384x1024xf32, #tpu.memory_space<hbm>> -> memref<8x1024xf32, #tpu.memory_space<hbm>>
    %dma_start3A_175 = arith.constant 0 : i32
    %dma_start3A_176 = tpu.memref_slice %arg5[%add3A_172, %dma_start3A_175] : memref<16384x1024xf32, #tpu.memory_space<hbm>> -> memref<8x1024xf32, #tpu.memory_space<hbm>>
    tpu.enqueue_dma source(%arg8 : memref<8x1024xf32, #tpu.memory_space<vmem>>) target(%dma_start3A_176 : memref<8x1024xf32, #tpu.memory_space<hbm>>) target_semaphore(%arg28 : memref<!tpu.dma_semaphore, #tpu.memory_space<semaphore_mem>>)
    %add3A_177 = arith.constant 8192 : i32
    %add3A_178 = arith.addi %add3A_177, %mul3A_2 : i32
    %add3A_179 = arith.constant 0 : i32
    %add3A_180 = arith.addi %add3A_178, %add3A_179 : i32
    %dma_start3A_181 = arith.constant 0 : i32
    %dma_start3A_182 = tpu.memref_slice %arg5[%add3A_180, %dma_start3A_181] : memref<16384x1024xf32, #tpu.memory_space<hbm>> -> memref<8x1024xf32, #tpu.memory_space<hbm>>
    %dma_start3A_183 = arith.constant 0 : i32
    %dma_start3A_184 = tpu.memref_slice %arg5[%add3A_180, %dma_start3A_183] : memref<16384x1024xf32, #tpu.memory_space<hbm>> -> memref<8x1024xf32, #tpu.memory_space<hbm>>
    tpu.enqueue_dma source(%arg9 : memref<8x1024xf32, #tpu.memory_space<vmem>>) target(%dma_start3A_184 : memref<8x1024xf32, #tpu.memory_space<hbm>>) target_semaphore(%arg28 : memref<!tpu.dma_semaphore, #tpu.memory_space<semaphore_mem>>)
    %add3A_185 = arith.constant 12288 : i32
    %add3A_186 = arith.addi %add3A_185, %mul3A_2 : i32
    %add3A_187 = arith.constant 0 : i32
    %add3A_188 = arith.addi %add3A_186, %add3A_187 : i32
    %dma_start3A_189 = arith.constant 0 : i32
    %dma_start3A_190 = tpu.memref_slice %arg5[%add3A_188, %dma_start3A_189] : memref<16384x1024xf32, #tpu.memory_space<hbm>> -> memref<8x1024xf32, #tpu.memory_space<hbm>>
    %dma_start3A_191 = arith.constant 0 : i32
    %dma_start3A_192 = tpu.memref_slice %arg5[%add3A_188, %dma_start3A_191] : memref<16384x1024xf32, #tpu.memory_space<hbm>> -> memref<8x1024xf32, #tpu.memory_space<hbm>>
    tpu.enqueue_dma source(%arg10 : memref<8x1024xf32, #tpu.memory_space<vmem>>) target(%dma_start3A_192 : memref<8x1024xf32, #tpu.memory_space<hbm>>) target_semaphore(%arg28 : memref<!tpu.dma_semaphore, #tpu.memory_space<semaphore_mem>>)
    %dma_wait3A_193 = arith.constant 0 : i32
    %dma_wait3A_194 = tpu.memref_slice %arg5[%add3A_164, %dma_wait3A_193] : memref<16384x1024xf32, #tpu.memory_space<hbm>> -> memref<8x1024xf32, #tpu.memory_space<hbm>>
    %dma_wait3A_195 = arith.constant 0 : i32
    %dma_wait3A_196 = tpu.memref_slice %arg5[%add3A_164, %dma_wait3A_195] : memref<16384x1024xf32, #tpu.memory_space<hbm>> -> memref<8x1024xf32, #tpu.memory_space<hbm>>
    tpu.wait_dma2 semaphore(%arg28 : memref<!tpu.dma_semaphore, #tpu.memory_space<semaphore_mem>>) src(%arg7 : memref<8x1024xf32, #tpu.memory_space<vmem>>) dst(%dma_wait3A_196 : memref<8x1024xf32, #tpu.memory_space<hbm>>)
    %dma_wait3A_197 = arith.constant 0 : i32
    %dma_wait3A_198 = tpu.memref_slice %arg5[%add3A_172, %dma_wait3A_197] : memref<16384x1024xf32, #tpu.memory_space<hbm>> -> memref<8x1024xf32, #tpu.memory_space<hbm>>
    %dma_wait3A_199 = arith.constant 0 : i32
    %dma_wait3A_200 = tpu.memref_slice %arg5[%add3A_172, %dma_wait3A_199] : memref<16384x1024xf32, #tpu.memory_space<hbm>> -> memref<8x1024xf32, #tpu.memory_space<hbm>>
    tpu.wait_dma2 semaphore(%arg28 : memref<!tpu.dma_semaphore, #tpu.memory_space<semaphore_mem>>) src(%arg8 : memref<8x1024xf32, #tpu.memory_space<vmem>>) dst(%dma_wait3A_200 : memref<8x1024xf32, #tpu.memory_space<hbm>>)
    %dma_wait3A_201 = arith.constant 0 : i32
    %dma_wait3A_202 = tpu.memref_slice %arg5[%add3A_180, %dma_wait3A_201] : memref<16384x1024xf32, #tpu.memory_space<hbm>> -> memref<8x1024xf32, #tpu.memory_space<hbm>>
    %dma_wait3A_203 = arith.constant 0 : i32
    %dma_wait3A_204 = tpu.memref_slice %arg5[%add3A_180, %dma_wait3A_203] : memref<16384x1024xf32, #tpu.memory_space<hbm>> -> memref<8x1024xf32, #tpu.memory_space<hbm>>
    tpu.wait_dma2 semaphore(%arg28 : memref<!tpu.dma_semaphore, #tpu.memory_space<semaphore_mem>>) src(%arg9 : memref<8x1024xf32, #tpu.memory_space<vmem>>) dst(%dma_wait3A_204 : memref<8x1024xf32, #tpu.memory_space<hbm>>)
    %dma_wait3A_205 = arith.constant 0 : i32
    %dma_wait3A_206 = tpu.memref_slice %arg5[%add3A_188, %dma_wait3A_205] : memref<16384x1024xf32, #tpu.memory_space<hbm>> -> memref<8x1024xf32, #tpu.memory_space<hbm>>
    %dma_wait3A_207 = arith.constant 0 : i32
    %dma_wait3A_208 = tpu.memref_slice %arg5[%add3A_188, %dma_wait3A_207] : memref<16384x1024xf32, #tpu.memory_space<hbm>> -> memref<8x1024xf32, #tpu.memory_space<hbm>>
    tpu.wait_dma2 semaphore(%arg28 : memref<!tpu.dma_semaphore, #tpu.memory_space<semaphore_mem>>) src(%arg10 : memref<8x1024xf32, #tpu.memory_space<vmem>>) dst(%dma_wait3A_208 : memref<8x1024xf32, #tpu.memory_space<hbm>>)
    %add3A_209 = arith.constant 24 : i32
    %add3A_210 = arith.addi %mul3A_2, %add3A_209 : i32
    %dma_start3A_211 = arith.constant 0 : i32
    %dma_start3A_212 = tpu.memref_slice %arg4[%add3A_210, %dma_start3A_211] : memref<8192x1024xf32, #tpu.memory_space<hbm>> -> memref<8x1024xf32, #tpu.memory_space<hbm>>
    %dma_start3A_213 = arith.constant 0 : i32
    %dma_start3A_214 = tpu.memref_slice %arg4[%add3A_210, %dma_start3A_213] : memref<8192x1024xf32, #tpu.memory_space<hbm>> -> memref<8x1024xf32, #tpu.memory_space<hbm>>
    tpu.enqueue_dma source(%dma_start3A_214 : memref<8x1024xf32, #tpu.memory_space<hbm>>) target(%arg19 : memref<8x1024xf32, #tpu.memory_space<vmem>>) target_semaphore(%arg25 : memref<!tpu.dma_semaphore, #tpu.memory_space<semaphore_mem>>)
    %dma_start3A_215 = arith.constant 24 : i32
    %dma_start3A_216 = tpu.memref_slice %arg6[%dma_start3A_215] : memref<512xi32, #tpu.memory_space<vmem>> -> memref<8xi32, #tpu.memory_space<vmem>>
    %dma_start3A_217 = arith.constant 0 : i32
    %dma_start3A_218 = arith.constant 0 : i32
    %dma_start3A_219 = tpu.memref_slice %arg3[%dma_start3A_217, %dma_start3A_218] : memref<100000x1024xf32, #tpu.memory_space<hbm>> -> memref<100000x1024xf32, #tpu.memory_space<hbm>>
    tpu.enqueue_indirect_dma source(%dma_start3A_219 : memref<100000x1024xf32, #tpu.memory_space<hbm>>) target(%arg7 : memref<8x1024xf32, #tpu.memory_space<vmem>>) offsets(%dma_start3A_216 : memref<8xi32, #tpu.memory_space<vmem>>) semaphore(%arg22 : memref<!tpu.dma_semaphore, #tpu.memory_space<semaphore_mem>>)
    %dma_start3A_220 = arith.constant 152 : i32
    %dma_start3A_221 = tpu.memref_slice %arg6[%dma_start3A_220] : memref<512xi32, #tpu.memory_space<vmem>> -> memref<8xi32, #tpu.memory_space<vmem>>
    %dma_start3A_222 = arith.constant 0 : i32
    %dma_start3A_223 = arith.constant 0 : i32
    %dma_start3A_224 = tpu.memref_slice %arg3[%dma_start3A_222, %dma_start3A_223] : memref<100000x1024xf32, #tpu.memory_space<hbm>> -> memref<100000x1024xf32, #tpu.memory_space<hbm>>
    tpu.enqueue_indirect_dma source(%dma_start3A_224 : memref<100000x1024xf32, #tpu.memory_space<hbm>>) target(%arg8 : memref<8x1024xf32, #tpu.memory_space<vmem>>) offsets(%dma_start3A_221 : memref<8xi32, #tpu.memory_space<vmem>>) semaphore(%arg22 : memref<!tpu.dma_semaphore, #tpu.memory_space<semaphore_mem>>)
    %dma_start3A_225 = arith.constant 280 : i32
    %dma_start3A_226 = tpu.memref_slice %arg6[%dma_start3A_225] : memref<512xi32, #tpu.memory_space<vmem>> -> memref<8xi32, #tpu.memory_space<vmem>>
    %dma_start3A_227 = arith.constant 0 : i32
    %dma_start3A_228 = arith.constant 0 : i32
    %dma_start3A_229 = tpu.memref_slice %arg3[%dma_start3A_227, %dma_start3A_228] : memref<100000x1024xf32, #tpu.memory_space<hbm>> -> memref<100000x1024xf32, #tpu.memory_space<hbm>>
    tpu.enqueue_indirect_dma source(%dma_start3A_229 : memref<100000x1024xf32, #tpu.memory_space<hbm>>) target(%arg9 : memref<8x1024xf32, #tpu.memory_space<vmem>>) offsets(%dma_start3A_226 : memref<8xi32, #tpu.memory_space<vmem>>) semaphore(%arg22 : memref<!tpu.dma_semaphore, #tpu.memory_space<semaphore_mem>>)
    %dma_start3A_230 = arith.constant 408 : i32
    %dma_start3A_231 = tpu.memref_slice %arg6[%dma_start3A_230] : memref<512xi32, #tpu.memory_space<vmem>> -> memref<8xi32, #tpu.memory_space<vmem>>
    %dma_start3A_232 = arith.constant 0 : i32
    %dma_start3A_233 = arith.constant 0 : i32
    %dma_start3A_234 = tpu.memref_slice %arg3[%dma_start3A_232, %dma_start3A_233] : memref<100000x1024xf32, #tpu.memory_space<hbm>> -> memref<100000x1024xf32, #tpu.memory_space<hbm>>
    tpu.enqueue_indirect_dma source(%dma_start3A_234 : memref<100000x1024xf32, #tpu.memory_space<hbm>>) target(%arg10 : memref<8x1024xf32, #tpu.memory_space<vmem>>) offsets(%dma_start3A_231 : memref<8xi32, #tpu.memory_space<vmem>>) semaphore(%arg22 : memref<!tpu.dma_semaphore, #tpu.memory_space<semaphore_mem>>)
    %dma_wait3A_235 = arith.constant 0 : i32
    %dma_wait3A_236 = tpu.memref_slice %arg4[%add3A_84, %dma_wait3A_235] : memref<8192x1024xf32, #tpu.memory_space<hbm>> -> memref<8x1024xf32, #tpu.memory_space<hbm>>
    %dma_wait3A_237 = arith.constant 0 : i32
    %dma_wait3A_238 = tpu.memref_slice %arg4[%add3A_84, %dma_wait3A_237] : memref<8192x1024xf32, #tpu.memory_space<hbm>> -> memref<8x1024xf32, #tpu.memory_space<hbm>>
    tpu.wait_dma2 semaphore(%arg26 : memref<!tpu.dma_semaphore, #tpu.memory_space<semaphore_mem>>) src(%dma_wait3A_238 : memref<8x1024xf32, #tpu.memory_space<hbm>>) dst(%arg20 : memref<8x1024xf32, #tpu.memory_space<vmem>>)
    %dma_wait3A_239 = arith.constant 8 : i32
    %dma_wait3A_240 = tpu.memref_slice %arg6[%dma_wait3A_239] : memref<512xi32, #tpu.memory_space<vmem>> -> memref<8xi32, #tpu.memory_space<vmem>>
    %dma_wait3A_241 = arith.constant 0 : i32
    %dma_wait3A_242 = arith.constant 0 : i32
    %dma_wait3A_243 = tpu.memref_slice %arg3[%dma_wait3A_241, %dma_wait3A_242] : memref<100000x1024xf32, #tpu.memory_space<hbm>> -> memref<100000x1024xf32, #tpu.memory_space<hbm>>
    tpu.wait_indirect_dma semaphore(%arg23 : memref<!tpu.dma_semaphore, #tpu.memory_space<semaphore_mem>>) src(%dma_wait3A_243 : memref<100000x1024xf32, #tpu.memory_space<hbm>>) dst(%arg11 : memref<8x1024xf32, #tpu.memory_space<vmem>>)
    %dma_wait3A_244 = arith.constant 136 : i32
    %dma_wait3A_245 = tpu.memref_slice %arg6[%dma_wait3A_244] : memref<512xi32, #tpu.memory_space<vmem>> -> memref<8xi32, #tpu.memory_space<vmem>>
    %dma_wait3A_246 = arith.constant 0 : i32
    %dma_wait3A_247 = arith.constant 0 : i32
    %dma_wait3A_248 = tpu.memref_slice %arg3[%dma_wait3A_246, %dma_wait3A_247] : memref<100000x1024xf32, #tpu.memory_space<hbm>> -> memref<100000x1024xf32, #tpu.memory_space<hbm>>
    tpu.wait_indirect_dma semaphore(%arg23 : memref<!tpu.dma_semaphore, #tpu.memory_space<semaphore_mem>>) src(%dma_wait3A_248 : memref<100000x1024xf32, #tpu.memory_space<hbm>>) dst(%arg12 : memref<8x1024xf32, #tpu.memory_space<vmem>>)
    %dma_wait3A_249 = arith.constant 264 : i32
    %dma_wait3A_250 = tpu.memref_slice %arg6[%dma_wait3A_249] : memref<512xi32, #tpu.memory_space<vmem>> -> memref<8xi32, #tpu.memory_space<vmem>>
    %dma_wait3A_251 = arith.constant 0 : i32
    %dma_wait3A_252 = arith.constant 0 : i32
    %dma_wait3A_253 = tpu.memref_slice %arg3[%dma_wait3A_251, %dma_wait3A_252] : memref<100000x1024xf32, #tpu.memory_space<hbm>> -> memref<100000x1024xf32, #tpu.memory_space<hbm>>
    tpu.wait_indirect_dma semaphore(%arg23 : memref<!tpu.dma_semaphore, #tpu.memory_space<semaphore_mem>>) src(%dma_wait3A_253 : memref<100000x1024xf32, #tpu.memory_space<hbm>>) dst(%arg13 : memref<8x1024xf32, #tpu.memory_space<vmem>>)
    %dma_wait3A_254 = arith.constant 392 : i32
    %dma_wait3A_255 = tpu.memref_slice %arg6[%dma_wait3A_254] : memref<512xi32, #tpu.memory_space<vmem>> -> memref<8xi32, #tpu.memory_space<vmem>>
    %dma_wait3A_256 = arith.constant 0 : i32
    %dma_wait3A_257 = arith.constant 0 : i32
    %dma_wait3A_258 = tpu.memref_slice %arg3[%dma_wait3A_256, %dma_wait3A_257] : memref<100000x1024xf32, #tpu.memory_space<hbm>> -> memref<100000x1024xf32, #tpu.memory_space<hbm>>
    tpu.wait_indirect_dma semaphore(%arg23 : memref<!tpu.dma_semaphore, #tpu.memory_space<semaphore_mem>>) src(%dma_wait3A_258 : memref<100000x1024xf32, #tpu.memory_space<hbm>>) dst(%arg14 : memref<8x1024xf32, #tpu.memory_space<vmem>>)
    %parallel_loop3A_259 = arith.constant 0 : i32
    %parallel_loop3A_260 = arith.constant 512 : i32
    %parallel_loop3A_261 = arith.constant 1 : i32
    scf.for %parallel_loop3A_1672 = %parallel_loop3A_259 to %parallel_loop3A_260 step %parallel_loop3A_261  : i32 {
      %parallel_loop3A_1673 = arith.constant 64 : i32
      %parallel_loop3A_1674 = arith.divsi %parallel_loop3A_1672, %parallel_loop3A_1673 : i32
      %parallel_loop3A_1675 = arith.constant 0 : i32
      %parallel_loop3A_1676 = arith.cmpi sgt, %parallel_loop3A_1672, %parallel_loop3A_1675 : i32
      %parallel_loop3A_1677 = arith.extui %parallel_loop3A_1676 : i1 to i32
      %parallel_loop3A_1678 = arith.constant 0 : i32
      %parallel_loop3A_1679 = arith.cmpi slt, %parallel_loop3A_1672, %parallel_loop3A_1678 : i32
      %parallel_loop3A_1680 = arith.extui %parallel_loop3A_1679 : i1 to i32
      %parallel_loop3A_1681 = arith.subi %parallel_loop3A_1677, %parallel_loop3A_1680 : i32
      %parallel_loop3A_1682 = arith.constant 0 : i32
      %parallel_loop3A_1683 = arith.cmpi sgt, %parallel_loop3A_1673, %parallel_loop3A_1682 : i32
      %parallel_loop3A_1684 = arith.extui %parallel_loop3A_1683 : i1 to i32
      %parallel_loop3A_1685 = arith.constant 0 : i32
      %parallel_loop3A_1686 = arith.cmpi slt, %parallel_loop3A_1673, %parallel_loop3A_1685 : i32
      %parallel_loop3A_1687 = arith.extui %parallel_loop3A_1686 : i1 to i32
      %parallel_loop3A_1688 = arith.subi %parallel_loop3A_1684, %parallel_loop3A_1687 : i32
      %parallel_loop3A_1689 = arith.cmpi ne, %parallel_loop3A_1681, %parallel_loop3A_1688 : i32
      %parallel_loop3A_1690 = arith.remsi %parallel_loop3A_1672, %parallel_loop3A_1673 : i32
      %parallel_loop3A_1691 = arith.constant 0 : i32
      %parallel_loop3A_1692 = arith.cmpi ne, %parallel_loop3A_1690, %parallel_loop3A_1691 : i32
      %parallel_loop3A_1693 = arith.andi %parallel_loop3A_1689, %parallel_loop3A_1692 : i1
      %parallel_loop3A_1694 = arith.constant 1 : i32
      %parallel_loop3A_1695 = arith.subi %parallel_loop3A_1674, %parallel_loop3A_1694 : i32
      %parallel_loop3A_1696 = arith.select %parallel_loop3A_1693, %parallel_loop3A_1695, %parallel_loop3A_1674 : i32
      %parallel_loop3A_1697 = arith.constant 64 : i32
      %parallel_loop3A_1698 = arith.constant 0 : i32
      %parallel_loop3A_1699 = arith.cmpi eq, %parallel_loop3A_1697, %parallel_loop3A_1698 : i32
      %parallel_loop3A_1700 = arith.constant 1 : i32
      %parallel_loop3A_1701 = arith.select %parallel_loop3A_1699, %parallel_loop3A_1700, %parallel_loop3A_1697 : i32
      %parallel_loop3A_1702 = arith.remsi %parallel_loop3A_1672, %parallel_loop3A_1701 : i32
      %parallel_loop3A_1703 = arith.constant 0 : i32
      %parallel_loop3A_1704 = arith.cmpi ne, %parallel_loop3A_1702, %parallel_loop3A_1703 : i32
      %parallel_loop3A_1705 = arith.constant 0 : i32
      %parallel_loop3A_1706 = arith.cmpi slt, %parallel_loop3A_1702, %parallel_loop3A_1705 : i32
      %parallel_loop3A_1707 = arith.constant 0 : i32
      %parallel_loop3A_1708 = arith.cmpi slt, %parallel_loop3A_1701, %parallel_loop3A_1707 : i32
      %parallel_loop3A_1709 = arith.xori %parallel_loop3A_1706, %parallel_loop3A_1708 : i1
      %parallel_loop3A_1710 = arith.andi %parallel_loop3A_1709, %parallel_loop3A_1704 : i1
      %parallel_loop3A_1711 = arith.addi %parallel_loop3A_1702, %parallel_loop3A_1701 : i32
      %parallel_loop3A_1712 = arith.select %parallel_loop3A_1710, %parallel_loop3A_1711, %parallel_loop3A_1702 : i32
      %parallel_loop3A_1713 = arith.constant 16 : i32
      %parallel_loop3A_1714 = arith.muli %parallel_loop3A_1712, %parallel_loop3A_1713 : i32
      %parallel_loop3A_1715 = arith.index_cast %parallel_loop3A_1696 : i32 to index
      %parallel_loop3A_1716 = arith.index_cast %parallel_loop3A_1714 : i32 to index
      %parallel_loop3A_1717 = tpu.vector_load %arg20[%parallel_loop3A_1715, %parallel_loop3A_1716] {strides = array<i32>} : memref<8x1024xf32, #tpu.memory_space<vmem>>, vector<1x16xf32>,
      %parallel_loop3A_1718 = vector.shape_cast %parallel_loop3A_1717 : vector<1x16xf32> to vector<16xf32>
      %parallel_loop3A_1719 = arith.index_cast %parallel_loop3A_1696 : i32 to index
      %parallel_loop3A_1720 = arith.index_cast %parallel_loop3A_1714 : i32 to index
      %parallel_loop3A_1721 = tpu.vector_load %arg11[%parallel_loop3A_1719, %parallel_loop3A_1720] {strides = array<i32>} : memref<8x1024xf32, #tpu.memory_space<vmem>>, vector<1x16xf32>,
      %parallel_loop3A_1722 = vector.shape_cast %parallel_loop3A_1721 : vector<1x16xf32> to vector<16xf32>
      %parallel_loop3A_1723 = vector.shape_cast %parallel_loop3A_1718 : vector<16xf32> to vector<1x16xf32>
      tpu.vector_store %arg11[%parallel_loop3A_1719, %parallel_loop3A_1720], %parallel_loop3A_1723 {add = true, strides = array<i32>} : memref<8x1024xf32, #tpu.memory_space<vmem>>, vector<1x16xf32>,
      %parallel_loop3A_1724 = arith.index_cast %parallel_loop3A_1696 : i32 to index
      %parallel_loop3A_1725 = arith.index_cast %parallel_loop3A_1714 : i32 to index
      %parallel_loop3A_1726 = tpu.vector_load %arg12[%parallel_loop3A_1724, %parallel_loop3A_1725] {strides = array<i32>} : memref<8x1024xf32, #tpu.memory_space<vmem>>, vector<1x16xf32>,
      %parallel_loop3A_1727 = vector.shape_cast %parallel_loop3A_1726 : vector<1x16xf32> to vector<16xf32>
      %parallel_loop3A_1728 = vector.shape_cast %parallel_loop3A_1718 : vector<16xf32> to vector<1x16xf32>
      tpu.vector_store %arg12[%parallel_loop3A_1724, %parallel_loop3A_1725], %parallel_loop3A_1728 {add = true, strides = array<i32>} : memref<8x1024xf32, #tpu.memory_space<vmem>>, vector<1x16xf32>,
      %parallel_loop3A_1729 = arith.index_cast %parallel_loop3A_1696 : i32 to index
      %parallel_loop3A_1730 = arith.index_cast %parallel_loop3A_1714 : i32 to index
      %parallel_loop3A_1731 = tpu.vector_load %arg13[%parallel_loop3A_1729, %parallel_loop3A_1730] {strides = array<i32>} : memref<8x1024xf32, #tpu.memory_space<vmem>>, vector<1x16xf32>,
      %parallel_loop3A_1732 = vector.shape_cast %parallel_loop3A_1731 : vector<1x16xf32> to vector<16xf32>
      %parallel_loop3A_1733 = vector.shape_cast %parallel_loop3A_1718 : vector<16xf32> to vector<1x16xf32>
      tpu.vector_store %arg13[%parallel_loop3A_1729, %parallel_loop3A_1730], %parallel_loop3A_1733 {add = true, strides = array<i32>} : memref<8x1024xf32, #tpu.memory_space<vmem>>, vector<1x16xf32>,
      %parallel_loop3A_1734 = arith.index_cast %parallel_loop3A_1696 : i32 to index
      %parallel_loop3A_1735 = arith.index_cast %parallel_loop3A_1714 : i32 to index
      %parallel_loop3A_1736 = tpu.vector_load %arg14[%parallel_loop3A_1734, %parallel_loop3A_1735] {strides = array<i32>} : memref<8x1024xf32, #tpu.memory_space<vmem>>, vector<1x16xf32>,
      %parallel_loop3A_1737 = vector.shape_cast %parallel_loop3A_1736 : vector<1x16xf32> to vector<16xf32>
      %parallel_loop3A_1738 = vector.shape_cast %parallel_loop3A_1718 : vector<16xf32> to vector<1x16xf32>
      tpu.vector_store %arg14[%parallel_loop3A_1734, %parallel_loop3A_1735], %parallel_loop3A_1738 {add = true, strides = array<i32>} : memref<8x1024xf32, #tpu.memory_space<vmem>>, vector<1x16xf32>,
    } {sc.loop_unroll_factor = 2 : i64, sc.parallel_access}
    %add3A_262 = arith.constant 0 : i32
    %add3A_263 = arith.addi %add3A_262, %mul3A_2 : i32
    %add3A_264 = arith.constant 8 : i32
    %add3A_265 = arith.addi %add3A_263, %add3A_264 : i32
    %dma_start3A_266 = arith.constant 0 : i32
    %dma_start3A_267 = tpu.memref_slice %arg5[%add3A_265, %dma_start3A_266] : memref<16384x1024xf32, #tpu.memory_space<hbm>> -> memref<8x1024xf32, #tpu.memory_space<hbm>>
    %dma_start3A_268 = arith.constant 0 : i32
    %dma_start3A_269 = tpu.memref_slice %arg5[%add3A_265, %dma_start3A_268] : memref<16384x1024xf32, #tpu.memory_space<hbm>> -> memref<8x1024xf32, #tpu.memory_space<hbm>>
    tpu.enqueue_dma source(%arg11 : memref<8x1024xf32, #tpu.memory_space<vmem>>) target(%dma_start3A_269 : memref<8x1024xf32, #tpu.memory_space<hbm>>) target_semaphore(%arg29 : memref<!tpu.dma_semaphore, #tpu.memory_space<semaphore_mem>>)
    %add3A_270 = arith.constant 4096 : i32
    %add3A_271 = arith.addi %add3A_270, %mul3A_2 : i32
    %add3A_272 = arith.constant 8 : i32
    %add3A_273 = arith.addi %add3A_271, %add3A_272 : i32
    %dma_start3A_274 = arith.constant 0 : i32
    %dma_start3A_275 = tpu.memref_slice %arg5[%add3A_273, %dma_start3A_274] : memref<16384x1024xf32, #tpu.memory_space<hbm>> -> memref<8x1024xf32, #tpu.memory_space<hbm>>
    %dma_start3A_276 = arith.constant 0 : i32
    %dma_start3A_277 = tpu.memref_slice %arg5[%add3A_273, %dma_start3A_276] : memref<16384x1024xf32, #tpu.memory_space<hbm>> -> memref<8x1024xf32, #tpu.memory_space<hbm>>
    tpu.enqueue_dma source(%arg12 : memref<8x1024xf32, #tpu.memory_space<vmem>>) target(%dma_start3A_277 : memref<8x1024xf32, #tpu.memory_space<hbm>>) target_semaphore(%arg29 : memref<!tpu.dma_semaphore, #tpu.memory_space<semaphore_mem>>)
    %add3A_278 = arith.constant 8192 : i32
    %add3A_279 = arith.addi %add3A_278, %mul3A_2 : i32
    %add3A_280 = arith.constant 8 : i32
    %add3A_281 = arith.addi %add3A_279, %add3A_280 : i32
    %dma_start3A_282 = arith.constant 0 : i32
    %dma_start3A_283 = tpu.memref_slice %arg5[%add3A_281, %dma_start3A_282] : memref<16384x1024xf32, #tpu.memory_space<hbm>> -> memref<8x1024xf32, #tpu.memory_space<hbm>>
    %dma_start3A_284 = arith.constant 0 : i32
    %dma_start3A_285 = tpu.memref_slice %arg5[%add3A_281, %dma_start3A_284] : memref<16384x1024xf32, #tpu.memory_space<hbm>> -> memref<8x1024xf32, #tpu.memory_space<hbm>>
    tpu.enqueue_dma source(%arg13 : memref<8x1024xf32, #tpu.memory_space<vmem>>) target(%dma_start3A_285 : memref<8x1024xf32, #tpu.memory_space<hbm>>) target_semaphore(%arg29 : memref<!tpu.dma_semaphore, #tpu.memory_space<semaphore_mem>>)
    %add3A_286 = arith.constant 12288 : i32
    %add3A_287 = arith.addi %add3A_286, %mul3A_2 : i32
    %add3A_288 = arith.constant 8 : i32
    %add3A_289 = arith.addi %add3A_287, %add3A_288 : i32
    %dma_start3A_290 = arith.constant 0 : i32
    %dma_start3A_291 = tpu.memref_slice %arg5[%add3A_289, %dma_start3A_290] : memref<16384x1024xf32, #tpu.memory_space<hbm>> -> memref<8x1024xf32, #tpu.memory_space<hbm>>
    %dma_start3A_292 = arith.constant 0 : i32
    %dma_start3A_293 = tpu.memref_slice %arg5[%add3A_289, %dma_start3A_292] : memref<16384x1024xf32, #tpu.memory_space<hbm>> -> memref<8x1024xf32, #tpu.memory_space<hbm>>
    tpu.enqueue_dma source(%arg14 : memref<8x1024xf32, #tpu.memory_space<vmem>>) target(%dma_start3A_293 : memref<8x1024xf32, #tpu.memory_space<hbm>>) target_semaphore(%arg29 : memref<!tpu.dma_semaphore, #tpu.memory_space<semaphore_mem>>)
    %dma_wait3A_294 = arith.constant 0 : i32
    %dma_wait3A_295 = tpu.memref_slice %arg5[%add3A_265, %dma_wait3A_294] : memref<16384x1024xf32, #tpu.memory_space<hbm>> -> memref<8x1024xf32, #tpu.memory_space<hbm>>
    %dma_wait3A_296 = arith.constant 0 : i32
    %dma_wait3A_297 = tpu.memref_slice %arg5[%add3A_265, %dma_wait3A_296] : memref<16384x1024xf32, #tpu.memory_space<hbm>> -> memref<8x1024xf32, #tpu.memory_space<hbm>>
    tpu.wait_dma2 semaphore(%arg29 : memref<!tpu.dma_semaphore, #tpu.memory_space<semaphore_mem>>) src(%arg11 : memref<8x1024xf32, #tpu.memory_space<vmem>>) dst(%dma_wait3A_297 : memref<8x1024xf32, #tpu.memory_space<hbm>>)
    %dma_wait3A_298 = arith.constant 0 : i32
    %dma_wait3A_299 = tpu.memref_slice %arg5[%add3A_273, %dma_wait3A_298] : memref<16384x1024xf32, #tpu.memory_space<hbm>> -> memref<8x1024xf32, #tpu.memory_space<hbm>>
    %dma_wait3A_300 = arith.constant 0 : i32
    %dma_wait3A_301 = tpu.memref_slice %arg5[%add3A_273, %dma_wait3A_300] : memref<16384x1024xf32, #tpu.memory_space<hbm>> -> memref<8x1024xf32, #tpu.memory_space<hbm>>
    tpu.wait_dma2 semaphore(%arg29 : memref<!tpu.dma_semaphore, #tpu.memory_space<semaphore_mem>>) src(%arg12 : memref<8x1024xf32, #tpu.memory_space<vmem>>) dst(%dma_wait3A_301 : memref<8x1024xf32, #tpu.memory_space<hbm>>)
    %dma_wait3A_302 = arith.constant 0 : i32
    %dma_wait3A_303 = tpu.memref_slice %arg5[%add3A_281, %dma_wait3A_302] : memref<16384x1024xf32, #tpu.memory_space<hbm>> -> memref<8x1024xf32, #tpu.memory_space<hbm>>
    %dma_wait3A_304 = arith.constant 0 : i32
    %dma_wait3A_305 = tpu.memref_slice %arg5[%add3A_281, %dma_wait3A_304] : memref<16384x1024xf32, #tpu.memory_space<hbm>> -> memref<8x1024xf32, #tpu.memory_space<hbm>>
    tpu.wait_dma2 semaphore(%arg29 : memref<!tpu.dma_semaphore, #tpu.memory_space<semaphore_mem>>) src(%arg13 : memref<8x1024xf32, #tpu.memory_space<vmem>>) dst(%dma_wait3A_305 : memref<8x1024xf32, #tpu.memory_space<hbm>>)
    %dma_wait3A_306 = arith.constant 0 : i32
    %dma_wait3A_307 = tpu.memref_slice %arg5[%add3A_289, %dma_wait3A_306] : memref<16384x1024xf32, #tpu.memory_space<hbm>> -> memref<8x1024xf32, #tpu.memory_space<hbm>>
    %dma_wait3A_308 = arith.constant 0 : i32
    %dma_wait3A_309 = tpu.memref_slice %arg5[%add3A_289, %dma_wait3A_308] : memref<16384x1024xf32, #tpu.memory_space<hbm>> -> memref<8x1024xf32, #tpu.memory_space<hbm>>
    tpu.wait_dma2 semaphore(%arg29 : memref<!tpu.dma_semaphore, #tpu.memory_space<semaphore_mem>>) src(%arg14 : memref<8x1024xf32, #tpu.memory_space<vmem>>) dst(%dma_wait3A_309 : memref<8x1024xf32, #tpu.memory_space<hbm>>)
    %add3A_310 = arith.constant 32 : i32
    %add3A_311 = arith.addi %mul3A_2, %add3A_310 : i32
    %dma_start3A_312 = arith.constant 0 : i32
    %dma_start3A_313 = tpu.memref_slice %arg4[%add3A_311, %dma_start3A_312] : memref<8192x1024xf32, #tpu.memory_space<hbm>> -> memref<8x1024xf32, #tpu.memory_space<hbm>>
    %dma_start3A_314 = arith.constant 0 : i32
    %dma_start3A_315 = tpu.memref_slice %arg4[%add3A_311, %dma_start3A_314] : memref<8192x1024xf32, #tpu.memory_space<hbm>> -> memref<8x1024xf32, #tpu.memory_space<hbm>>
    tpu.enqueue_dma source(%dma_start3A_315 : memref<8x1024xf32, #tpu.memory_space<hbm>>) target(%arg20 : memref<8x1024xf32, #tpu.memory_space<vmem>>) target_semaphore(%arg26 : memref<!tpu.dma_semaphore, #tpu.memory_space<semaphore_mem>>)
    %dma_start3A_316 = arith.constant 32 : i32
    %dma_start3A_317 = tpu.memref_slice %arg6[%dma_start3A_316] : memref<512xi32, #tpu.memory_space<vmem>> -> memref<8xi32, #tpu.memory_space<vmem>>
    %dma_start3A_318 = arith.constant 0 : i32
    %dma_start3A_319 = arith.constant 0 : i32
    %dma_start3A_320 = tpu.memref_slice %arg3[%dma_start3A_318, %dma_start3A_319] : memref<100000x1024xf32, #tpu.memory_space<hbm>> -> memref<100000x1024xf32, #tpu.memory_space<hbm>>
    tpu.enqueue_indirect_dma source(%dma_start3A_320 : memref<100000x1024xf32, #tpu.memory_space<hbm>>) target(%arg11 : memref<8x1024xf32, #tpu.memory_space<vmem>>) offsets(%dma_start3A_317 : memref<8xi32, #tpu.memory_space<vmem>>) semaphore(%arg23 : memref<!tpu.dma_semaphore, #tpu.memory_space<semaphore_mem>>)
    %dma_start3A_321 = arith.constant 160 : i32
    %dma_start3A_322 = tpu.memref_slice %arg6[%dma_start3A_321] : memref<512xi32, #tpu.memory_space<vmem>> -> memref<8xi32, #tpu.memory_space<vmem>>
    %dma_start3A_323 = arith.constant 0 : i32
    %dma_start3A_324 = arith.constant 0 : i32
    %dma_start3A_325 = tpu.memref_slice %arg3[%dma_start3A_323, %dma_start3A_324] : memref<100000x1024xf32, #tpu.memory_space<hbm>> -> memref<100000x1024xf32, #tpu.memory_space<hbm>>
    tpu.enqueue_indirect_dma source(%dma_start3A_325 : memref<100000x1024xf32, #tpu.memory_space<hbm>>) target(%arg12 : memref<8x1024xf32, #tpu.memory_space<vmem>>) offsets(%dma_start3A_322 : memref<8xi32, #tpu.memory_space<vmem>>) semaphore(%arg23 : memref<!tpu.dma_semaphore, #tpu.memory_space<semaphore_mem>>)
    %dma_start3A_326 = arith.constant 288 : i32
    %dma_start3A_327 = tpu.memref_slice %arg6[%dma_start3A_326] : memref<512xi32, #tpu.memory_space<vmem>> -> memref<8xi32, #tpu.memory_space<vmem>>
    %dma_start3A_328 = arith.constant 0 : i32
    %dma_start3A_329 = arith.constant 0 : i32
    %dma_start3A_330 = tpu.memref_slice %arg3[%dma_start3A_328, %dma_start3A_329] : memref<100000x1024xf32, #tpu.memory_space<hbm>> -> memref<100000x1024xf32, #tpu.memory_space<hbm>>
    tpu.enqueue_indirect_dma source(%dma_start3A_330 : memref<100000x1024xf32, #tpu.memory_space<hbm>>) target(%arg13 : memref<8x1024xf32, #tpu.memory_space<vmem>>) offsets(%dma_start3A_327 : memref<8xi32, #tpu.memory_space<vmem>>) semaphore(%arg23 : memref<!tpu.dma_semaphore, #tpu.memory_space<semaphore_mem>>)
    %dma_start3A_331 = arith.constant 416 : i32
    %dma_start3A_332 = tpu.memref_slice %arg6[%dma_start3A_331] : memref<512xi32, #tpu.memory_space<vmem>> -> memref<8xi32, #tpu.memory_space<vmem>>
    %dma_start3A_333 = arith.constant 0 : i32
    %dma_start3A_334 = arith.constant 0 : i32
    %dma_start3A_335 = tpu.memref_slice %arg3[%dma_start3A_333, %dma_start3A_334] : memref<100000x1024xf32, #tpu.memory_space<hbm>> -> memref<100000x1024xf32, #tpu.memory_space<hbm>>
    tpu.enqueue_indirect_dma source(%dma_start3A_335 : memref<100000x1024xf32, #tpu.memory_space<hbm>>) target(%arg14 : memref<8x1024xf32, #tpu.memory_space<vmem>>) offsets(%dma_start3A_332 : memref<8xi32, #tpu.memory_space<vmem>>) semaphore(%arg23 : memref<!tpu.dma_semaphore, #tpu.memory_space<semaphore_mem>>)
    %dma_wait3A_336 = arith.constant 0 : i32
    %dma_wait3A_337 = tpu.memref_slice %arg4[%add3A_110, %dma_wait3A_336] : memref<8192x1024xf32, #tpu.memory_space<hbm>> -> memref<8x1024xf32, #tpu.memory_space<hbm>>
    %dma_wait3A_338 = arith.constant 0 : i32
    %dma_wait3A_339 = tpu.memref_slice %arg4[%add3A_110, %dma_wait3A_338] : memref<8192x1024xf32, #tpu.memory_space<hbm>> -> memref<8x1024xf32, #tpu.memory_space<hbm>>
    tpu.wait_dma2 semaphore(%arg27 : memref<!tpu.dma_semaphore, #tpu.memory_space<semaphore_mem>>) src(%dma_wait3A_339 : memref<8x1024xf32, #tpu.memory_space<hbm>>) dst(%arg21 : memref<8x1024xf32, #tpu.memory_space<vmem>>)
    %dma_wait3A_340 = arith.constant 16 : i32
    %dma_wait3A_341 = tpu.memref_slice %arg6[%dma_wait3A_340] : memref<512xi32, #tpu.memory_space<vmem>> -> memref<8xi32, #tpu.memory_space<vmem>>
    %dma_wait3A_342 = arith.constant 0 : i32
    %dma_wait3A_343 = arith.constant 0 : i32
    %dma_wait3A_344 = tpu.memref_slice %arg3[%dma_wait3A_342, %dma_wait3A_343] : memref<100000x1024xf32, #tpu.memory_space<hbm>> -> memref<100000x1024xf32, #tpu.memory_space<hbm>>
    tpu.wait_indirect_dma semaphore(%arg24 : memref<!tpu.dma_semaphore, #tpu.memory_space<semaphore_mem>>) src(%dma_wait3A_344 : memref<100000x1024xf32, #tpu.memory_space<hbm>>) dst(%arg15 : memref<8x1024xf32, #tpu.memory_space<vmem>>)
    %dma_wait3A_345 = arith.constant 144 : i32
    %dma_wait3A_346 = tpu.memref_slice %arg6[%dma_wait3A_345] : memref<512xi32, #tpu.memory_space<vmem>> -> memref<8xi32, #tpu.memory_space<vmem>>
    %dma_wait3A_347 = arith.constant 0 : i32
    %dma_wait3A_348 = arith.constant 0 : i32
    %dma_wait3A_349 = tpu.memref_slice %arg3[%dma_wait3A_347, %dma_wait3A_348] : memref<100000x1024xf32, #tpu.memory_space<hbm>> -> memref<100000x1024xf32, #tpu.memory_space<hbm>>
    tpu.wait_indirect_dma semaphore(%arg24 : memref<!tpu.dma_semaphore, #tpu.memory_space<semaphore_mem>>) src(%dma_wait3A_349 : memref<100000x1024xf32, #tpu.memory_space<hbm>>) dst(%arg16 : memref<8x1024xf32, #tpu.memory_space<vmem>>)
    %dma_wait3A_350 = arith.constant 272 : i32
    %dma_wait3A_351 = tpu.memref_slice %arg6[%dma_wait3A_350] : memref<512xi32, #tpu.memory_space<vmem>> -> memref<8xi32, #tpu.memory_space<vmem>>
    %dma_wait3A_352 = arith.constant 0 : i32
    %dma_wait3A_353 = arith.constant 0 : i32
    %dma_wait3A_354 = tpu.memref_slice %arg3[%dma_wait3A_352, %dma_wait3A_353] : memref<100000x1024xf32, #tpu.memory_space<hbm>> -> memref<100000x1024xf32, #tpu.memory_space<hbm>>
    tpu.wait_indirect_dma semaphore(%arg24 : memref<!tpu.dma_semaphore, #tpu.memory_space<semaphore_mem>>) src(%dma_wait3A_354 : memref<100000x1024xf32, #tpu.memory_space<hbm>>) dst(%arg17 : memref<8x1024xf32, #tpu.memory_space<vmem>>)
    %dma_wait3A_355 = arith.constant 400 : i32
    %dma_wait3A_356 = tpu.memref_slice %arg6[%dma_wait3A_355] : memref<512xi32, #tpu.memory_space<vmem>> -> memref<8xi32, #tpu.memory_space<vmem>>
    %dma_wait3A_357 = arith.constant 0 : i32
    %dma_wait3A_358 = arith.constant 0 : i32
    %dma_wait3A_359 = tpu.memref_slice %arg3[%dma_wait3A_357, %dma_wait3A_358] : memref<100000x1024xf32, #tpu.memory_space<hbm>> -> memref<100000x1024xf32, #tpu.memory_space<hbm>>
    tpu.wait_indirect_dma semaphore(%arg24 : memref<!tpu.dma_semaphore, #tpu.memory_space<semaphore_mem>>) src(%dma_wait3A_359 : memref<100000x1024xf32, #tpu.memory_space<hbm>>) dst(%arg18 : memref<8x1024xf32, #tpu.memory_space<vmem>>)
    %parallel_loop3A_360 = arith.constant 0 : i32
    %parallel_loop3A_361 = arith.constant 512 : i32
    %parallel_loop3A_362 = arith.constant 1 : i32
    scf.for %parallel_loop3A_1672 = %parallel_loop3A_360 to %parallel_loop3A_361 step %parallel_loop3A_362  : i32 {
      %parallel_loop3A_1673 = arith.constant 64 : i32
      %parallel_loop3A_1674 = arith.divsi %parallel_loop3A_1672, %parallel_loop3A_1673 : i32
      %parallel_loop3A_1675 = arith.constant 0 : i32
      %parallel_loop3A_1676 = arith.cmpi sgt, %parallel_loop3A_1672, %parallel_loop3A_1675 : i32
      %parallel_loop3A_1677 = arith.extui %parallel_loop3A_1676 : i1 to i32
      %parallel_loop3A_1678 = arith.constant 0 : i32
      %parallel_loop3A_1679 = arith.cmpi slt, %parallel_loop3A_1672, %parallel_loop3A_1678 : i32
      %parallel_loop3A_1680 = arith.extui %parallel_loop3A_1679 : i1 to i32
      %parallel_loop3A_1681 = arith.subi %parallel_loop3A_1677, %parallel_loop3A_1680 : i32
      %parallel_loop3A_1682 = arith.constant 0 : i32
      %parallel_loop3A_1683 = arith.cmpi sgt, %parallel_loop3A_1673, %parallel_loop3A_1682 : i32
      %parallel_loop3A_1684 = arith.extui %parallel_loop3A_1683 : i1 to i32
      %parallel_loop3A_1685 = arith.constant 0 : i32
      %parallel_loop3A_1686 = arith.cmpi slt, %parallel_loop3A_1673, %parallel_loop3A_1685 : i32
      %parallel_loop3A_1687 = arith.extui %parallel_loop3A_1686 : i1 to i32
      %parallel_loop3A_1688 = arith.subi %parallel_loop3A_1684, %parallel_loop3A_1687 : i32
      %parallel_loop3A_1689 = arith.cmpi ne, %parallel_loop3A_1681, %parallel_loop3A_1688 : i32
      %parallel_loop3A_1690 = arith.remsi %parallel_loop3A_1672, %parallel_loop3A_1673 : i32
      %parallel_loop3A_1691 = arith.constant 0 : i32
      %parallel_loop3A_1692 = arith.cmpi ne, %parallel_loop3A_1690, %parallel_loop3A_1691 : i32
      %parallel_loop3A_1693 = arith.andi %parallel_loop3A_1689, %parallel_loop3A_1692 : i1
      %parallel_loop3A_1694 = arith.constant 1 : i32
      %parallel_loop3A_1695 = arith.subi %parallel_loop3A_1674, %parallel_loop3A_1694 : i32
      %parallel_loop3A_1696 = arith.select %parallel_loop3A_1693, %parallel_loop3A_1695, %parallel_loop3A_1674 : i32
      %parallel_loop3A_1697 = arith.constant 64 : i32
      %parallel_loop3A_1698 = arith.constant 0 : i32
      %parallel_loop3A_1699 = arith.cmpi eq, %parallel_loop3A_1697, %parallel_loop3A_1698 : i32
      %parallel_loop3A_1700 = arith.constant 1 : i32
      %parallel_loop3A_1701 = arith.select %parallel_loop3A_1699, %parallel_loop3A_1700, %parallel_loop3A_1697 : i32
      %parallel_loop3A_1702 = arith.remsi %parallel_loop3A_1672, %parallel_loop3A_1701 : i32
      %parallel_loop3A_1703 = arith.constant 0 : i32
      %parallel_loop3A_1704 = arith.cmpi ne, %parallel_loop3A_1702, %parallel_loop3A_1703 : i32
      %parallel_loop3A_1705 = arith.constant 0 : i32
      %parallel_loop3A_1706 = arith.cmpi slt, %parallel_loop3A_1702, %parallel_loop3A_1705 : i32
      %parallel_loop3A_1707 = arith.constant 0 : i32
      %parallel_loop3A_1708 = arith.cmpi slt, %parallel_loop3A_1701, %parallel_loop3A_1707 : i32
      %parallel_loop3A_1709 = arith.xori %parallel_loop3A_1706, %parallel_loop3A_1708 : i1
      %parallel_loop3A_1710 = arith.andi %parallel_loop3A_1709, %parallel_loop3A_1704 : i1
      %parallel_loop3A_1711 = arith.addi %parallel_loop3A_1702, %parallel_loop3A_1701 : i32
      %parallel_loop3A_1712 = arith.select %parallel_loop3A_1710, %parallel_loop3A_1711, %parallel_loop3A_1702 : i32
      %parallel_loop3A_1713 = arith.constant 16 : i32
      %parallel_loop3A_1714 = arith.muli %parallel_loop3A_1712, %parallel_loop3A_1713 : i32
      %parallel_loop3A_1715 = arith.index_cast %parallel_loop3A_1696 : i32 to index
      %parallel_loop3A_1716 = arith.index_cast %parallel_loop3A_1714 : i32 to index
      %parallel_loop3A_1717 = tpu.vector_load %arg21[%parallel_loop3A_1715, %parallel_loop3A_1716] {strides = array<i32>} : memref<8x1024xf32, #tpu.memory_space<vmem>>, vector<1x16xf32>,
      %parallel_loop3A_1718 = vector.shape_cast %parallel_loop3A_1717 : vector<1x16xf32> to vector<16xf32>
      %parallel_loop3A_1719 = arith.index_cast %parallel_loop3A_1696 : i32 to index
      %parallel_loop3A_1720 = arith.index_cast %parallel_loop3A_1714 : i32 to index
      %parallel_loop3A_1721 = tpu.vector_load %arg15[%parallel_loop3A_1719, %parallel_loop3A_1720] {strides = array<i32>} : memref<8x1024xf32, #tpu.memory_space<vmem>>, vector<1x16xf32>,
      %parallel_loop3A_1722 = vector.shape_cast %parallel_loop3A_1721 : vector<1x16xf32> to vector<16xf32>
      %parallel_loop3A_1723 = vector.shape_cast %parallel_loop3A_1718 : vector<16xf32> to vector<1x16xf32>
      tpu.vector_store %arg15[%parallel_loop3A_1719, %parallel_loop3A_1720], %parallel_loop3A_1723 {add = true, strides = array<i32>} : memref<8x1024xf32, #tpu.memory_space<vmem>>, vector<1x16xf32>,
      %parallel_loop3A_1724 = arith.index_cast %parallel_loop3A_1696 : i32 to index
      %parallel_loop3A_1725 = arith.index_cast %parallel_loop3A_1714 : i32 to index
      %parallel_loop3A_1726 = tpu.vector_load %arg16[%parallel_loop3A_1724, %parallel_loop3A_1725] {strides = array<i32>} : memref<8x1024xf32, #tpu.memory_space<vmem>>, vector<1x16xf32>,
      %parallel_loop3A_1727 = vector.shape_cast %parallel_loop3A_1726 : vector<1x16xf32> to vector<16xf32>
      %parallel_loop3A_1728 = vector.shape_cast %parallel_loop3A_1718 : vector<16xf32> to vector<1x16xf32>
      tpu.vector_store %arg16[%parallel_loop3A_1724, %parallel_loop3A_1725], %parallel_loop3A_1728 {add = true, strides = array<i32>} : memref<8x1024xf32, #tpu.memory_space<vmem>>, vector<1x16xf32>,
      %parallel_loop3A_1729 = arith.index_cast %parallel_loop3A_1696 : i32 to index
      %parallel_loop3A_1730 = arith.index_cast %parallel_loop3A_1714 : i32 to index
      %parallel_loop3A_1731 = tpu.vector_load %arg17[%parallel_loop3A_1729, %parallel_loop3A_1730] {strides = array<i32>} : memref<8x1024xf32, #tpu.memory_space<vmem>>, vector<1x16xf32>,
      %parallel_loop3A_1732 = vector.shape_cast %parallel_loop3A_1731 : vector<1x16xf32> to vector<16xf32>
      %parallel_loop3A_1733 = vector.shape_cast %parallel_loop3A_1718 : vector<16xf32> to vector<1x16xf32>
      tpu.vector_store %arg17[%parallel_loop3A_1729, %parallel_loop3A_1730], %parallel_loop3A_1733 {add = true, strides = array<i32>} : memref<8x1024xf32, #tpu.memory_space<vmem>>, vector<1x16xf32>,
      %parallel_loop3A_1734 = arith.index_cast %parallel_loop3A_1696 : i32 to index
      %parallel_loop3A_1735 = arith.index_cast %parallel_loop3A_1714 : i32 to index
      %parallel_loop3A_1736 = tpu.vector_load %arg18[%parallel_loop3A_1734, %parallel_loop3A_1735] {strides = array<i32>} : memref<8x1024xf32, #tpu.memory_space<vmem>>, vector<1x16xf32>,
      %parallel_loop3A_1737 = vector.shape_cast %parallel_loop3A_1736 : vector<1x16xf32> to vector<16xf32>
      %parallel_loop3A_1738 = vector.shape_cast %parallel_loop3A_1718 : vector<16xf32> to vector<1x16xf32>
      tpu.vector_store %arg18[%parallel_loop3A_1734, %parallel_loop3A_1735], %parallel_loop3A_1738 {add = true, strides = array<i32>} : memref<8x1024xf32, #tpu.memory_space<vmem>>, vector<1x16xf32>,
    } {sc.loop_unroll_factor = 2 : i64, sc.parallel_access}
    %add3A_363 = arith.constant 0 : i32
    %add3A_364 = arith.addi %add3A_363, %mul3A_2 : i32
    %add3A_365 = arith.constant 16 : i32
    %add3A_366 = arith.addi %add3A_364, %add3A_365 : i32
    %dma_start3A_367 = arith.constant 0 : i32
    %dma_start3A_368 = tpu.memref_slice %arg5[%add3A_366, %dma_start3A_367] : memref<16384x1024xf32, #tpu.memory_space<hbm>> -> memref<8x1024xf32, #tpu.memory_space<hbm>>
    %dma_start3A_369 = arith.constant 0 : i32
    %dma_start3A_370 = tpu.memref_slice %arg5[%add3A_366, %dma_start3A_369] : memref<16384x1024xf32, #tpu.memory_space<hbm>> -> memref<8x1024xf32, #tpu.memory_space<hbm>>
    tpu.enqueue_dma source(%arg15 : memref<8x1024xf32, #tpu.memory_space<vmem>>) target(%dma_start3A_370 : memref<8x1024xf32, #tpu.memory_space<hbm>>) target_semaphore(%arg30 : memref<!tpu.dma_semaphore, #tpu.memory_space<semaphore_mem>>)
    %add3A_371 = arith.constant 4096 : i32
    %add3A_372 = arith.addi %add3A_371, %mul3A_2 : i32
    %add3A_373 = arith.constant 16 : i32
    %add3A_374 = arith.addi %add3A_372, %add3A_373 : i32
    %dma_start3A_375 = arith.constant 0 : i32
    %dma_start3A_376 = tpu.memref_slice %arg5[%add3A_374, %dma_start3A_375] : memref<16384x1024xf32, #tpu.memory_space<hbm>> -> memref<8x1024xf32, #tpu.memory_space<hbm>>
    %dma_start3A_377 = arith.constant 0 : i32
    %dma_start3A_378 = tpu.memref_slice %arg5[%add3A_374, %dma_start3A_377] : memref<16384x1024xf32, #tpu.memory_space<hbm>> -> memref<8x1024xf32, #tpu.memory_space<hbm>>
    tpu.enqueue_dma source(%arg16 : memref<8x1024xf32, #tpu.memory_space<vmem>>) target(%dma_start3A_378 : memref<8x1024xf32, #tpu.memory_space<hbm>>) target_semaphore(%arg30 : memref<!tpu.dma_semaphore, #tpu.memory_space<semaphore_mem>>)
    %add3A_379 = arith.constant 8192 : i32
    %add3A_380 = arith.addi %add3A_379, %mul3A_2 : i32
    %add3A_381 = arith.constant 16 : i32
    %add3A_382 = arith.addi %add3A_380, %add3A_381 : i32
    %dma_start3A_383 = arith.constant 0 : i32
    %dma_start3A_384 = tpu.memref_slice %arg5[%add3A_382, %dma_start3A_383] : memref<16384x1024xf32, #tpu.memory_space<hbm>> -> memref<8x1024xf32, #tpu.memory_space<hbm>>
    %dma_start3A_385 = arith.constant 0 : i32
    %dma_start3A_386 = tpu.memref_slice %arg5[%add3A_382, %dma_start3A_385] : memref<16384x1024xf32, #tpu.memory_space<hbm>> -> memref<8x1024xf32, #tpu.memory_space<hbm>>
    tpu.enqueue_dma source(%arg17 : memref<8x1024xf32, #tpu.memory_space<vmem>>) target(%dma_start3A_386 : memref<8x1024xf32, #tpu.memory_space<hbm>>) target_semaphore(%arg30 : memref<!tpu.dma_semaphore, #tpu.memory_space<semaphore_mem>>)
    %add3A_387 = arith.constant 12288 : i32
    %add3A_388 = arith.addi %add3A_387, %mul3A_2 : i32
    %add3A_389 = arith.constant 16 : i32
    %add3A_390 = arith.addi %add3A_388, %add3A_389 : i32
    %dma_start3A_391 = arith.constant 0 : i32
    %dma_start3A_392 = tpu.memref_slice %arg5[%add3A_390, %dma_start3A_391] : memref<16384x1024xf32, #tpu.memory_space<hbm>> -> memref<8x1024xf32, #tpu.memory_space<hbm>>
    %dma_start3A_393 = arith.constant 0 : i32
    %dma_start3A_394 = tpu.memref_slice %arg5[%add3A_390, %dma_start3A_393] : memref<16384x1024xf32, #tpu.memory_space<hbm>> -> memref<8x1024xf32, #tpu.memory_space<hbm>>
    tpu.enqueue_dma source(%arg18 : memref<8x1024xf32, #tpu.memory_space<vmem>>) target(%dma_start3A_394 : memref<8x1024xf32, #tpu.memory_space<hbm>>) target_semaphore(%arg30 : memref<!tpu.dma_semaphore, #tpu.memory_space<semaphore_mem>>)
    %dma_wait3A_395 = arith.constant 0 : i32
    %dma_wait3A_396 = tpu.memref_slice %arg5[%add3A_366, %dma_wait3A_395] : memref<16384x1024xf32, #tpu.memory_space<hbm>> -> memref<8x1024xf32, #tpu.memory_space<hbm>>
    %dma_wait3A_397 = arith.constant 0 : i32
    %dma_wait3A_398 = tpu.memref_slice %arg5[%add3A_366, %dma_wait3A_397] : memref<16384x1024xf32, #tpu.memory_space<hbm>> -> memref<8x1024xf32, #tpu.memory_space<hbm>>
    tpu.wait_dma2 semaphore(%arg30 : memref<!tpu.dma_semaphore, #tpu.memory_space<semaphore_mem>>) src(%arg15 : memref<8x1024xf32, #tpu.memory_space<vmem>>) dst(%dma_wait3A_398 : memref<8x1024xf32, #tpu.memory_space<hbm>>)
    %dma_wait3A_399 = arith.constant 0 : i32
    %dma_wait3A_400 = tpu.memref_slice %arg5[%add3A_374, %dma_wait3A_399] : memref<16384x1024xf32, #tpu.memory_space<hbm>> -> memref<8x1024xf32, #tpu.memory_space<hbm>>
    %dma_wait3A_401 = arith.constant 0 : i32
    %dma_wait3A_402 = tpu.memref_slice %arg5[%add3A_374, %dma_wait3A_401] : memref<16384x1024xf32, #tpu.memory_space<hbm>> -> memref<8x1024xf32, #tpu.memory_space<hbm>>
    tpu.wait_dma2 semaphore(%arg30 : memref<!tpu.dma_semaphore, #tpu.memory_space<semaphore_mem>>) src(%arg16 : memref<8x1024xf32, #tpu.memory_space<vmem>>) dst(%dma_wait3A_402 : memref<8x1024xf32, #tpu.memory_space<hbm>>)
    %dma_wait3A_403 = arith.constant 0 : i32
    %dma_wait3A_404 = tpu.memref_slice %arg5[%add3A_382, %dma_wait3A_403] : memref<16384x1024xf32, #tpu.memory_space<hbm>> -> memref<8x1024xf32, #tpu.memory_space<hbm>>
    %dma_wait3A_405 = arith.constant 0 : i32
    %dma_wait3A_406 = tpu.memref_slice %arg5[%add3A_382, %dma_wait3A_405] : memref<16384x1024xf32, #tpu.memory_space<hbm>> -> memref<8x1024xf32, #tpu.memory_space<hbm>>
    tpu.wait_dma2 semaphore(%arg30 : memref<!tpu.dma_semaphore, #tpu.memory_space<semaphore_mem>>) src(%arg17 : memref<8x1024xf32, #tpu.memory_space<vmem>>) dst(%dma_wait3A_406 : memref<8x1024xf32, #tpu.memory_space<hbm>>)
    %dma_wait3A_407 = arith.constant 0 : i32
    %dma_wait3A_408 = tpu.memref_slice %arg5[%add3A_390, %dma_wait3A_407] : memref<16384x1024xf32, #tpu.memory_space<hbm>> -> memref<8x1024xf32, #tpu.memory_space<hbm>>
    %dma_wait3A_409 = arith.constant 0 : i32
    %dma_wait3A_410 = tpu.memref_slice %arg5[%add3A_390, %dma_wait3A_409] : memref<16384x1024xf32, #tpu.memory_space<hbm>> -> memref<8x1024xf32, #tpu.memory_space<hbm>>
    tpu.wait_dma2 semaphore(%arg30 : memref<!tpu.dma_semaphore, #tpu.memory_space<semaphore_mem>>) src(%arg18 : memref<8x1024xf32, #tpu.memory_space<vmem>>) dst(%dma_wait3A_410 : memref<8x1024xf32, #tpu.memory_space<hbm>>)
    %add3A_411 = arith.constant 40 : i32
    %add3A_412 = arith.addi %mul3A_2, %add3A_411 : i32
    %dma_start3A_413 = arith.constant 0 : i32
    %dma_start3A_414 = tpu.memref_slice %arg4[%add3A_412, %dma_start3A_413] : memref<8192x1024xf32, #tpu.memory_space<hbm>> -> memref<8x1024xf32, #tpu.memory_space<hbm>>
    %dma_start3A_415 = arith.constant 0 : i32
    %dma_start3A_416 = tpu.memref_slice %arg4[%add3A_412, %dma_start3A_415] : memref<8192x1024xf32, #tpu.memory_space<hbm>> -> memref<8x1024xf32, #tpu.memory_space<hbm>>
    tpu.enqueue_dma source(%dma_start3A_416 : memref<8x1024xf32, #tpu.memory_space<hbm>>) target(%arg21 : memref<8x1024xf32, #tpu.memory_space<vmem>>) target_semaphore(%arg27 : memref<!tpu.dma_semaphore, #tpu.memory_space<semaphore_mem>>)
    %dma_start3A_417 = arith.constant 40 : i32
    %dma_start3A_418 = tpu.memref_slice %arg6[%dma_start3A_417] : memref<512xi32, #tpu.memory_space<vmem>> -> memref<8xi32, #tpu.memory_space<vmem>>
    %dma_start3A_419 = arith.constant 0 : i32
    %dma_start3A_420 = arith.constant 0 : i32
    %dma_start3A_421 = tpu.memref_slice %arg3[%dma_start3A_419, %dma_start3A_420] : memref<100000x1024xf32, #tpu.memory_space<hbm>> -> memref<100000x1024xf32, #tpu.memory_space<hbm>>
    tpu.enqueue_indirect_dma source(%dma_start3A_421 : memref<100000x1024xf32, #tpu.memory_space<hbm>>) target(%arg15 : memref<8x1024xf32, #tpu.memory_space<vmem>>) offsets(%dma_start3A_418 : memref<8xi32, #tpu.memory_space<vmem>>) semaphore(%arg24 : memref<!tpu.dma_semaphore, #tpu.memory_space<semaphore_mem>>)
    %dma_start3A_422 = arith.constant 168 : i32
    %dma_start3A_423 = tpu.memref_slice %arg6[%dma_start3A_422] : memref<512xi32, #tpu.memory_space<vmem>> -> memref<8xi32, #tpu.memory_space<vmem>>
    %dma_start3A_424 = arith.constant 0 : i32
    %dma_start3A_425 = arith.constant 0 : i32
    %dma_start3A_426 = tpu.memref_slice %arg3[%dma_start3A_424, %dma_start3A_425] : memref<100000x1024xf32, #tpu.memory_space<hbm>> -> memref<100000x1024xf32, #tpu.memory_space<hbm>>
    tpu.enqueue_indirect_dma source(%dma_start3A_426 : memref<100000x1024xf32, #tpu.memory_space<hbm>>) target(%arg16 : memref<8x1024xf32, #tpu.memory_space<vmem>>) offsets(%dma_start3A_423 : memref<8xi32, #tpu.memory_space<vmem>>) semaphore(%arg24 : memref<!tpu.dma_semaphore, #tpu.memory_space<semaphore_mem>>)
    %dma_start3A_427 = arith.constant 296 : i32
    %dma_start3A_428 = tpu.memref_slice %arg6[%dma_start3A_427] : memref<512xi32, #tpu.memory_space<vmem>> -> memref<8xi32, #tpu.memory_space<vmem>>
    %dma_start3A_429 = arith.constant 0 : i32
    %dma_start3A_430 = arith.constant 0 : i32
    %dma_start3A_431 = tpu.memref_slice %arg3[%dma_start3A_429, %dma_start3A_430] : memref<100000x1024xf32, #tpu.memory_space<hbm>> -> memref<100000x1024xf32, #tpu.memory_space<hbm>>
    tpu.enqueue_indirect_dma source(%dma_start3A_431 : memref<100000x1024xf32, #tpu.memory_space<hbm>>) target(%arg17 : memref<8x1024xf32, #tpu.memory_space<vmem>>) offsets(%dma_start3A_428 : memref<8xi32, #tpu.memory_space<vmem>>) semaphore(%arg24 : memref<!tpu.dma_semaphore, #tpu.memory_space<semaphore_mem>>)
    %dma_start3A_432 = arith.constant 424 : i32
    %dma_start3A_433 = tpu.memref_slice %arg6[%dma_start3A_432] : memref<512xi32, #tpu.memory_space<vmem>> -> memref<8xi32, #tpu.memory_space<vmem>>
    %dma_start3A_434 = arith.constant 0 : i32
    %dma_start3A_435 = arith.constant 0 : i32
    %dma_start3A_436 = tpu.memref_slice %arg3[%dma_start3A_434, %dma_start3A_435] : memref<100000x1024xf32, #tpu.memory_space<hbm>> -> memref<100000x1024xf32, #tpu.memory_space<hbm>>
    tpu.enqueue_indirect_dma source(%dma_start3A_436 : memref<100000x1024xf32, #tpu.memory_space<hbm>>) target(%arg18 : memref<8x1024xf32, #tpu.memory_space<vmem>>) offsets(%dma_start3A_433 : memref<8xi32, #tpu.memory_space<vmem>>) semaphore(%arg24 : memref<!tpu.dma_semaphore, #tpu.memory_space<semaphore_mem>>)
    %dma_wait3A_437 = arith.constant 0 : i32
    %dma_wait3A_438 = tpu.memref_slice %arg4[%add3A_210, %dma_wait3A_437] : memref<8192x1024xf32, #tpu.memory_space<hbm>> -> memref<8x1024xf32, #tpu.memory_space<hbm>>
    %dma_wait3A_439 = arith.constant 0 : i32
    %dma_wait3A_440 = tpu.memref_slice %arg4[%add3A_210, %dma_wait3A_439] : memref<8192x1024xf32, #tpu.memory_space<hbm>> -> memref<8x1024xf32, #tpu.memory_space<hbm>>
    tpu.wait_dma2 semaphore(%arg25 : memref<!tpu.dma_semaphore, #tpu.memory_space<semaphore_mem>>) src(%dma_wait3A_440 : memref<8x1024xf32, #tpu.memory_space<hbm>>) dst(%arg19 : memref<8x1024xf32, #tpu.memory_space<vmem>>)
    %dma_wait3A_441 = arith.constant 24 : i32
    %dma_wait3A_442 = tpu.memref_slice %arg6[%dma_wait3A_441] : memref<512xi32, #tpu.memory_space<vmem>> -> memref<8xi32, #tpu.memory_space<vmem>>
    %dma_wait3A_443 = arith.constant 0 : i32
    %dma_wait3A_444 = arith.constant 0 : i32
    %dma_wait3A_445 = tpu.memref_slice %arg3[%dma_wait3A_443, %dma_wait3A_444] : memref<100000x1024xf32, #tpu.memory_space<hbm>> -> memref<100000x1024xf32, #tpu.memory_space<hbm>>
    tpu.wait_indirect_dma semaphore(%arg22 : memref<!tpu.dma_semaphore, #tpu.memory_space<semaphore_mem>>) src(%dma_wait3A_445 : memref<100000x1024xf32, #tpu.memory_space<hbm>>) dst(%arg7 : memref<8x1024xf32, #tpu.memory_space<vmem>>)
    %dma_wait3A_446 = arith.constant 152 : i32
    %dma_wait3A_447 = tpu.memref_slice %arg6[%dma_wait3A_446] : memref<512xi32, #tpu.memory_space<vmem>> -> memref<8xi32, #tpu.memory_space<vmem>>
    %dma_wait3A_448 = arith.constant 0 : i32
    %dma_wait3A_449 = arith.constant 0 : i32
    %dma_wait3A_450 = tpu.memref_slice %arg3[%dma_wait3A_448, %dma_wait3A_449] : memref<100000x1024xf32, #tpu.memory_space<hbm>> -> memref<100000x1024xf32, #tpu.memory_space<hbm>>
    tpu.wait_indirect_dma semaphore(%arg22 : memref<!tpu.dma_semaphore, #tpu.memory_space<semaphore_mem>>) src(%dma_wait3A_450 : memref<100000x1024xf32, #tpu.memory_space<hbm>>) dst(%arg8 : memref<8x1024xf32, #tpu.memory_space<vmem>>)
    %dma_wait3A_451 = arith.constant 280 : i32
    %dma_wait3A_452 = tpu.memref_slice %arg6[%dma_wait3A_451] : memref<512xi32, #tpu.memory_space<vmem>> -> memref<8xi32, #tpu.memory_space<vmem>>
    %dma_wait3A_453 = arith.constant 0 : i32
    %dma_wait3A_454 = arith.constant 0 : i32
    %dma_wait3A_455 = tpu.memref_slice %arg3[%dma_wait3A_453, %dma_wait3A_454] : memref<100000x1024xf32, #tpu.memory_space<hbm>> -> memref<100000x1024xf32, #tpu.memory_space<hbm>>
    tpu.wait_indirect_dma semaphore(%arg22 : memref<!tpu.dma_semaphore, #tpu.memory_space<semaphore_mem>>) src(%dma_wait3A_455 : memref<100000x1024xf32, #tpu.memory_space<hbm>>) dst(%arg9 : memref<8x1024xf32, #tpu.memory_space<vmem>>)
    %dma_wait3A_456 = arith.constant 408 : i32
    %dma_wait3A_457 = tpu.memref_slice %arg6[%dma_wait3A_456] : memref<512xi32, #tpu.memory_space<vmem>> -> memref<8xi32, #tpu.memory_space<vmem>>
    %dma_wait3A_458 = arith.constant 0 : i32
    %dma_wait3A_459 = arith.constant 0 : i32
    %dma_wait3A_460 = tpu.memref_slice %arg3[%dma_wait3A_458, %dma_wait3A_459] : memref<100000x1024xf32, #tpu.memory_space<hbm>> -> memref<100000x1024xf32, #tpu.memory_space<hbm>>
    tpu.wait_indirect_dma semaphore(%arg22 : memref<!tpu.dma_semaphore, #tpu.memory_space<semaphore_mem>>) src(%dma_wait3A_460 : memref<100000x1024xf32, #tpu.memory_space<hbm>>) dst(%arg10 : memref<8x1024xf32, #tpu.memory_space<vmem>>)
    %parallel_loop3A_461 = arith.constant 0 : i32
    %parallel_loop3A_462 = arith.constant 512 : i32
    %parallel_loop3A_463 = arith.constant 1 : i32
    scf.for %parallel_loop3A_1672 = %parallel_loop3A_461 to %parallel_loop3A_462 step %parallel_loop3A_463  : i32 {
      %parallel_loop3A_1673 = arith.constant 64 : i32
      %parallel_loop3A_1674 = arith.divsi %parallel_loop3A_1672, %parallel_loop3A_1673 : i32
      %parallel_loop3A_1675 = arith.constant 0 : i32
      %parallel_loop3A_1676 = arith.cmpi sgt, %parallel_loop3A_1672, %parallel_loop3A_1675 : i32
      %parallel_loop3A_1677 = arith.extui %parallel_loop3A_1676 : i1 to i32
      %parallel_loop3A_1678 = arith.constant 0 : i32
      %parallel_loop3A_1679 = arith.cmpi slt, %parallel_loop3A_1672, %parallel_loop3A_1678 : i32
      %parallel_loop3A_1680 = arith.extui %parallel_loop3A_1679 : i1 to i32
      %parallel_loop3A_1681 = arith.subi %parallel_loop3A_1677, %parallel_loop3A_1680 : i32
      %parallel_loop3A_1682 = arith.constant 0 : i32
      %parallel_loop3A_1683 = arith.cmpi sgt, %parallel_loop3A_1673, %parallel_loop3A_1682 : i32
      %parallel_loop3A_1684 = arith.extui %parallel_loop3A_1683 : i1 to i32
      %parallel_loop3A_1685 = arith.constant 0 : i32
      %parallel_loop3A_1686 = arith.cmpi slt, %parallel_loop3A_1673, %parallel_loop3A_1685 : i32
      %parallel_loop3A_1687 = arith.extui %parallel_loop3A_1686 : i1 to i32
      %parallel_loop3A_1688 = arith.subi %parallel_loop3A_1684, %parallel_loop3A_1687 : i32
      %parallel_loop3A_1689 = arith.cmpi ne, %parallel_loop3A_1681, %parallel_loop3A_1688 : i32
      %parallel_loop3A_1690 = arith.remsi %parallel_loop3A_1672, %parallel_loop3A_1673 : i32
      %parallel_loop3A_1691 = arith.constant 0 : i32
      %parallel_loop3A_1692 = arith.cmpi ne, %parallel_loop3A_1690, %parallel_loop3A_1691 : i32
      %parallel_loop3A_1693 = arith.andi %parallel_loop3A_1689, %parallel_loop3A_1692 : i1
      %parallel_loop3A_1694 = arith.constant 1 : i32
      %parallel_loop3A_1695 = arith.subi %parallel_loop3A_1674, %parallel_loop3A_1694 : i32
      %parallel_loop3A_1696 = arith.select %parallel_loop3A_1693, %parallel_loop3A_1695, %parallel_loop3A_1674 : i32
      %parallel_loop3A_1697 = arith.constant 64 : i32
      %parallel_loop3A_1698 = arith.constant 0 : i32
      %parallel_loop3A_1699 = arith.cmpi eq, %parallel_loop3A_1697, %parallel_loop3A_1698 : i32
      %parallel_loop3A_1700 = arith.constant 1 : i32
      %parallel_loop3A_1701 = arith.select %parallel_loop3A_1699, %parallel_loop3A_1700, %parallel_loop3A_1697 : i32
      %parallel_loop3A_1702 = arith.remsi %parallel_loop3A_1672, %parallel_loop3A_1701 : i32
      %parallel_loop3A_1703 = arith.constant 0 : i32
      %parallel_loop3A_1704 = arith.cmpi ne, %parallel_loop3A_1702, %parallel_loop3A_1703 : i32
      %parallel_loop3A_1705 = arith.constant 0 : i32
      %parallel_loop3A_1706 = arith.cmpi slt, %parallel_loop3A_1702, %parallel_loop3A_1705 : i32
      %parallel_loop3A_1707 = arith.constant 0 : i32
      %parallel_loop3A_1708 = arith.cmpi slt, %parallel_loop3A_1701, %parallel_loop3A_1707 : i32
      %parallel_loop3A_1709 = arith.xori %parallel_loop3A_1706, %parallel_loop3A_1708 : i1
      %parallel_loop3A_1710 = arith.andi %parallel_loop3A_1709, %parallel_loop3A_1704 : i1
      %parallel_loop3A_1711 = arith.addi %parallel_loop3A_1702, %parallel_loop3A_1701 : i32
      %parallel_loop3A_1712 = arith.select %parallel_loop3A_1710, %parallel_loop3A_1711, %parallel_loop3A_1702 : i32
      %parallel_loop3A_1713 = arith.constant 16 : i32
      %parallel_loop3A_1714 = arith.muli %parallel_loop3A_1712, %parallel_loop3A_1713 : i32
      %parallel_loop3A_1715 = arith.index_cast %parallel_loop3A_1696 : i32 to index
      %parallel_loop3A_1716 = arith.index_cast %parallel_loop3A_1714 : i32 to index
      %parallel_loop3A_1717 = tpu.vector_load %arg19[%parallel_loop3A_1715, %parallel_loop3A_1716] {strides = array<i32>} : memref<8x1024xf32, #tpu.memory_space<vmem>>, vector<1x16xf32>,
      %parallel_loop3A_1718 = vector.shape_cast %parallel_loop3A_1717 : vector<1x16xf32> to vector<16xf32>
      %parallel_loop3A_1719 = arith.index_cast %parallel_loop3A_1696 : i32 to index
      %parallel_loop3A_1720 = arith.index_cast %parallel_loop3A_1714 : i32 to index
      %parallel_loop3A_1721 = tpu.vector_load %arg7[%parallel_loop3A_1719, %parallel_loop3A_1720] {strides = array<i32>} : memref<8x1024xf32, #tpu.memory_space<vmem>>, vector<1x16xf32>,
      %parallel_loop3A_1722 = vector.shape_cast %parallel_loop3A_1721 : vector<1x16xf32> to vector<16xf32>
      %parallel_loop3A_1723 = vector.shape_cast %parallel_loop3A_1718 : vector<16xf32> to vector<1x16xf32>
      tpu.vector_store %arg7[%parallel_loop3A_1719, %parallel_loop3A_1720], %parallel_loop3A_1723 {add = true, strides = array<i32>} : memref<8x1024xf32, #tpu.memory_space<vmem>>, vector<1x16xf32>,
      %parallel_loop3A_1724 = arith.index_cast %parallel_loop3A_1696 : i32 to index
      %parallel_loop3A_1725 = arith.index_cast %parallel_loop3A_1714 : i32 to index
      %parallel_loop3A_1726 = tpu.vector_load %arg8[%parallel_loop3A_1724, %parallel_loop3A_1725] {strides = array<i32>} : memref<8x1024xf32, #tpu.memory_space<vmem>>, vector<1x16xf32>,
      %parallel_loop3A_1727 = vector.shape_cast %parallel_loop3A_1726 : vector<1x16xf32> to vector<16xf32>
      %parallel_loop3A_1728 = vector.shape_cast %parallel_loop3A_1718 : vector<16xf32> to vector<1x16xf32>
      tpu.vector_store %arg8[%parallel_loop3A_1724, %parallel_loop3A_1725], %parallel_loop3A_1728 {add = true, strides = array<i32>} : memref<8x1024xf32, #tpu.memory_space<vmem>>, vector<1x16xf32>,
      %parallel_loop3A_1729 = arith.index_cast %parallel_loop3A_1696 : i32 to index
      %parallel_loop3A_1730 = arith.index_cast %parallel_loop3A_1714 : i32 to index
      %parallel_loop3A_1731 = tpu.vector_load %arg9[%parallel_loop3A_1729, %parallel_loop3A_1730] {strides = array<i32>} : memref<8x1024xf32, #tpu.memory_space<vmem>>, vector<1x16xf32>,
      %parallel_loop3A_1732 = vector.shape_cast %parallel_loop3A_1731 : vector<1x16xf32> to vector<16xf32>
      %parallel_loop3A_1733 = vector.shape_cast %parallel_loop3A_1718 : vector<16xf32> to vector<1x16xf32>
      tpu.vector_store %arg9[%parallel_loop3A_1729, %parallel_loop3A_1730], %parallel_loop3A_1733 {add = true, strides = array<i32>} : memref<8x1024xf32, #tpu.memory_space<vmem>>, vector<1x16xf32>,
      %parallel_loop3A_1734 = arith.index_cast %parallel_loop3A_1696 : i32 to index
      %parallel_loop3A_1735 = arith.index_cast %parallel_loop3A_1714 : i32 to index
      %parallel_loop3A_1736 = tpu.vector_load %arg10[%parallel_loop3A_1734, %parallel_loop3A_1735] {strides = array<i32>} : memref<8x1024xf32, #tpu.memory_space<vmem>>, vector<1x16xf32>,
      %parallel_loop3A_1737 = vector.shape_cast %parallel_loop3A_1736 : vector<1x16xf32> to vector<16xf32>
      %parallel_loop3A_1738 = vector.shape_cast %parallel_loop3A_1718 : vector<16xf32> to vector<1x16xf32>
      tpu.vector_store %arg10[%parallel_loop3A_1734, %parallel_loop3A_1735], %parallel_loop3A_1738 {add = true, strides = array<i32>} : memref<8x1024xf32, #tpu.memory_space<vmem>>, vector<1x16xf32>,
    } {sc.loop_unroll_factor = 2 : i64, sc.parallel_access}
    %add3A_464 = arith.constant 0 : i32
    %add3A_465 = arith.addi %add3A_464, %mul3A_2 : i32
    %add3A_466 = arith.constant 24 : i32
    %add3A_467 = arith.addi %add3A_465, %add3A_466 : i32
    %dma_start3A_468 = arith.constant 0 : i32
    %dma_start3A_469 = tpu.memref_slice %arg5[%add3A_467, %dma_start3A_468] : memref<16384x1024xf32, #tpu.memory_space<hbm>> -> memref<8x1024xf32, #tpu.memory_space<hbm>>
    %dma_start3A_470 = arith.constant 0 : i32
    %dma_start3A_471 = tpu.memref_slice %arg5[%add3A_467, %dma_start3A_470] : memref<16384x1024xf32, #tpu.memory_space<hbm>> -> memref<8x1024xf32, #tpu.memory_space<hbm>>
    tpu.enqueue_dma source(%arg7 : memref<8x1024xf32, #tpu.memory_space<vmem>>) target(%dma_start3A_471 : memref<8x1024xf32, #tpu.memory_space<hbm>>) target_semaphore(%arg28 : memref<!tpu.dma_semaphore, #tpu.memory_space<semaphore_mem>>)
    %add3A_472 = arith.constant 4096 : i32
    %add3A_473 = arith.addi %add3A_472, %mul3A_2 : i32
    %add3A_474 = arith.constant 24 : i32
    %add3A_475 = arith.addi %add3A_473, %add3A_474 : i32
    %dma_start3A_476 = arith.constant 0 : i32
    %dma_start3A_477 = tpu.memref_slice %arg5[%add3A_475, %dma_start3A_476] : memref<16384x1024xf32, #tpu.memory_space<hbm>> -> memref<8x1024xf32, #tpu.memory_space<hbm>>
    %dma_start3A_478 = arith.constant 0 : i32
    %dma_start3A_479 = tpu.memref_slice %arg5[%add3A_475, %dma_start3A_478] : memref<16384x1024xf32, #tpu.memory_space<hbm>> -> memref<8x1024xf32, #tpu.memory_space<hbm>>
    tpu.enqueue_dma source(%arg8 : memref<8x1024xf32, #tpu.memory_space<vmem>>) target(%dma_start3A_479 : memref<8x1024xf32, #tpu.memory_space<hbm>>) target_semaphore(%arg28 : memref<!tpu.dma_semaphore, #tpu.memory_space<semaphore_mem>>)
    %add3A_480 = arith.constant 8192 : i32
    %add3A_481 = arith.addi %add3A_480, %mul3A_2 : i32
    %add3A_482 = arith.constant 24 : i32
    %add3A_483 = arith.addi %add3A_481, %add3A_482 : i32
    %dma_start3A_484 = arith.constant 0 : i32
    %dma_start3A_485 = tpu.memref_slice %arg5[%add3A_483, %dma_start3A_484] : memref<16384x1024xf32, #tpu.memory_space<hbm>> -> memref<8x1024xf32, #tpu.memory_space<hbm>>
    %dma_start3A_486 = arith.constant 0 : i32
    %dma_start3A_487 = tpu.memref_slice %arg5[%add3A_483, %dma_start3A_486] : memref<16384x1024xf32, #tpu.memory_space<hbm>> -> memref<8x1024xf32, #tpu.memory_space<hbm>>
    tpu.enqueue_dma source(%arg9 : memref<8x1024xf32, #tpu.memory_space<vmem>>) target(%dma_start3A_487 : memref<8x1024xf32, #tpu.memory_space<hbm>>) target_semaphore(%arg28 : memref<!tpu.dma_semaphore, #tpu.memory_space<semaphore_mem>>)
    %add3A_488 = arith.constant 12288 : i32
    %add3A_489 = arith.addi %add3A_488, %mul3A_2 : i32
    %add3A_490 = arith.constant 24 : i32
    %add3A_491 = arith.addi %add3A_489, %add3A_490 : i32
    %dma_start3A_492 = arith.constant 0 : i32
    %dma_start3A_493 = tpu.memref_slice %arg5[%add3A_491, %dma_start3A_492] : memref<16384x1024xf32, #tpu.memory_space<hbm>> -> memref<8x1024xf32, #tpu.memory_space<hbm>>
    %dma_start3A_494 = arith.constant 0 : i32
    %dma_start3A_495 = tpu.memref_slice %arg5[%add3A_491, %dma_start3A_494] : memref<16384x1024xf32, #tpu.memory_space<hbm>> -> memref<8x1024xf32, #tpu.memory_space<hbm>>
    tpu.enqueue_dma source(%arg10 : memref<8x1024xf32, #tpu.memory_space<vmem>>) target(%dma_start3A_495 : memref<8x1024xf32, #tpu.memory_space<hbm>>) target_semaphore(%arg28 : memref<!tpu.dma_semaphore, #tpu.memory_space<semaphore_mem>>)
    %dma_wait3A_496 = arith.constant 0 : i32
    %dma_wait3A_497 = tpu.memref_slice %arg5[%add3A_467, %dma_wait3A_496] : memref<16384x1024xf32, #tpu.memory_space<hbm>> -> memref<8x1024xf32, #tpu.memory_space<hbm>>
    %dma_wait3A_498 = arith.constant 0 : i32
    %dma_wait3A_499 = tpu.memref_slice %arg5[%add3A_467, %dma_wait3A_498] : memref<16384x1024xf32, #tpu.memory_space<hbm>> -> memref<8x1024xf32, #tpu.memory_space<hbm>>
    tpu.wait_dma2 semaphore(%arg28 : memref<!tpu.dma_semaphore, #tpu.memory_space<semaphore_mem>>) src(%arg7 : memref<8x1024xf32, #tpu.memory_space<vmem>>) dst(%dma_wait3A_499 : memref<8x1024xf32, #tpu.memory_space<hbm>>)
    %dma_wait3A_500 = arith.constant 0 : i32
    %dma_wait3A_501 = tpu.memref_slice %arg5[%add3A_475, %dma_wait3A_500] : memref<16384x1024xf32, #tpu.memory_space<hbm>> -> memref<8x1024xf32, #tpu.memory_space<hbm>>
    %dma_wait3A_502 = arith.constant 0 : i32
    %dma_wait3A_503 = tpu.memref_slice %arg5[%add3A_475, %dma_wait3A_502] : memref<16384x1024xf32, #tpu.memory_space<hbm>> -> memref<8x1024xf32, #tpu.memory_space<hbm>>
    tpu.wait_dma2 semaphore(%arg28 : memref<!tpu.dma_semaphore, #tpu.memory_space<semaphore_mem>>) src(%arg8 : memref<8x1024xf32, #tpu.memory_space<vmem>>) dst(%dma_wait3A_503 : memref<8x1024xf32, #tpu.memory_space<hbm>>)
    %dma_wait3A_504 = arith.constant 0 : i32
    %dma_wait3A_505 = tpu.memref_slice %arg5[%add3A_483, %dma_wait3A_504] : memref<16384x1024xf32, #tpu.memory_space<hbm>> -> memref<8x1024xf32, #tpu.memory_space<hbm>>
    %dma_wait3A_506 = arith.constant 0 : i32
    %dma_wait3A_507 = tpu.memref_slice %arg5[%add3A_483, %dma_wait3A_506] : memref<16384x1024xf32, #tpu.memory_space<hbm>> -> memref<8x1024xf32, #tpu.memory_space<hbm>>
    tpu.wait_dma2 semaphore(%arg28 : memref<!tpu.dma_semaphore, #tpu.memory_space<semaphore_mem>>) src(%arg9 : memref<8x1024xf32, #tpu.memory_space<vmem>>) dst(%dma_wait3A_507 : memref<8x1024xf32, #tpu.memory_space<hbm>>)
    %dma_wait3A_508 = arith.constant 0 : i32
    %dma_wait3A_509 = tpu.memref_slice %arg5[%add3A_491, %dma_wait3A_508] : memref<16384x1024xf32, #tpu.memory_space<hbm>> -> memref<8x1024xf32, #tpu.memory_space<hbm>>
    %dma_wait3A_510 = arith.constant 0 : i32
    %dma_wait3A_511 = tpu.memref_slice %arg5[%add3A_491, %dma_wait3A_510] : memref<16384x1024xf32, #tpu.memory_space<hbm>> -> memref<8x1024xf32, #tpu.memory_space<hbm>>
    tpu.wait_dma2 semaphore(%arg28 : memref<!tpu.dma_semaphore, #tpu.memory_space<semaphore_mem>>) src(%arg10 : memref<8x1024xf32, #tpu.memory_space<vmem>>) dst(%dma_wait3A_511 : memref<8x1024xf32, #tpu.memory_space<hbm>>)
    %add3A_512 = arith.constant 48 : i32
    %add3A_513 = arith.addi %mul3A_2, %add3A_512 : i32
    %dma_start3A_514 = arith.constant 0 : i32
    %dma_start3A_515 = tpu.memref_slice %arg4[%add3A_513, %dma_start3A_514] : memref<8192x1024xf32, #tpu.memory_space<hbm>> -> memref<8x1024xf32, #tpu.memory_space<hbm>>
    %dma_start3A_516 = arith.constant 0 : i32
    %dma_start3A_517 = tpu.memref_slice %arg4[%add3A_513, %dma_start3A_516] : memref<8192x1024xf32, #tpu.memory_space<hbm>> -> memref<8x1024xf32, #tpu.memory_space<hbm>>
    tpu.enqueue_dma source(%dma_start3A_517 : memref<8x1024xf32, #tpu.memory_space<hbm>>) target(%arg19 : memref<8x1024xf32, #tpu.memory_space<vmem>>) target_semaphore(%arg25 : memref<!tpu.dma_semaphore, #tpu.memory_space<semaphore_mem>>)
    %dma_start3A_518 = arith.constant 48 : i32
    %dma_start3A_519 = tpu.memref_slice %arg6[%dma_start3A_518] : memref<512xi32, #tpu.memory_space<vmem>> -> memref<8xi32, #tpu.memory_space<vmem>>
    %dma_start3A_520 = arith.constant 0 : i32
    %dma_start3A_521 = arith.constant 0 : i32
    %dma_start3A_522 = tpu.memref_slice %arg3[%dma_start3A_520, %dma_start3A_521] : memref<100000x1024xf32, #tpu.memory_space<hbm>> -> memref<100000x1024xf32, #tpu.memory_space<hbm>>
    tpu.enqueue_indirect_dma source(%dma_start3A_522 : memref<100000x1024xf32, #tpu.memory_space<hbm>>) target(%arg7 : memref<8x1024xf32, #tpu.memory_space<vmem>>) offsets(%dma_start3A_519 : memref<8xi32, #tpu.memory_space<vmem>>) semaphore(%arg22 : memref<!tpu.dma_semaphore, #tpu.memory_space<semaphore_mem>>)
    %dma_start3A_523 = arith.constant 176 : i32
    %dma_start3A_524 = tpu.memref_slice %arg6[%dma_start3A_523] : memref<512xi32, #tpu.memory_space<vmem>> -> memref<8xi32, #tpu.memory_space<vmem>>
    %dma_start3A_525 = arith.constant 0 : i32
    %dma_start3A_526 = arith.constant 0 : i32
    %dma_start3A_527 = tpu.memref_slice %arg3[%dma_start3A_525, %dma_start3A_526] : memref<100000x1024xf32, #tpu.memory_space<hbm>> -> memref<100000x1024xf32, #tpu.memory_space<hbm>>
    tpu.enqueue_indirect_dma source(%dma_start3A_527 : memref<100000x1024xf32, #tpu.memory_space<hbm>>) target(%arg8 : memref<8x1024xf32, #tpu.memory_space<vmem>>) offsets(%dma_start3A_524 : memref<8xi32, #tpu.memory_space<vmem>>) semaphore(%arg22 : memref<!tpu.dma_semaphore, #tpu.memory_space<semaphore_mem>>)
    %dma_start3A_528 = arith.constant 304 : i32
    %dma_start3A_529 = tpu.memref_slice %arg6[%dma_start3A_528] : memref<512xi32, #tpu.memory_space<vmem>> -> memref<8xi32, #tpu.memory_space<vmem>>
    %dma_start3A_530 = arith.constant 0 : i32
    %dma_start3A_531 = arith.constant 0 : i32
    %dma_start3A_532 = tpu.memref_slice %arg3[%dma_start3A_530, %dma_start3A_531] : memref<100000x1024xf32, #tpu.memory_space<hbm>> -> memref<100000x1024xf32, #tpu.memory_space<hbm>>
    tpu.enqueue_indirect_dma source(%dma_start3A_532 : memref<100000x1024xf32, #tpu.memory_space<hbm>>) target(%arg9 : memref<8x1024xf32, #tpu.memory_space<vmem>>) offsets(%dma_start3A_529 : memref<8xi32, #tpu.memory_space<vmem>>) semaphore(%arg22 : memref<!tpu.dma_semaphore, #tpu.memory_space<semaphore_mem>>)
    %dma_start3A_533 = arith.constant 432 : i32
    %dma_start3A_534 = tpu.memref_slice %arg6[%dma_start3A_533] : memref<512xi32, #tpu.memory_space<vmem>> -> memref<8xi32, #tpu.memory_space<vmem>>
    %dma_start3A_535 = arith.constant 0 : i32
    %dma_start3A_536 = arith.constant 0 : i32
    %dma_start3A_537 = tpu.memref_slice %arg3[%dma_start3A_535, %dma_start3A_536] : memref<100000x1024xf32, #tpu.memory_space<hbm>> -> memref<100000x1024xf32, #tpu.memory_space<hbm>>
    tpu.enqueue_indirect_dma source(%dma_start3A_537 : memref<100000x1024xf32, #tpu.memory_space<hbm>>) target(%arg10 : memref<8x1024xf32, #tpu.memory_space<vmem>>) offsets(%dma_start3A_534 : memref<8xi32, #tpu.memory_space<vmem>>) semaphore(%arg22 : memref<!tpu.dma_semaphore, #tpu.memory_space<semaphore_mem>>)
    %dma_wait3A_538 = arith.constant 0 : i32
    %dma_wait3A_539 = tpu.memref_slice %arg4[%add3A_311, %dma_wait3A_538] : memref<8192x1024xf32, #tpu.memory_space<hbm>> -> memref<8x1024xf32, #tpu.memory_space<hbm>>
    %dma_wait3A_540 = arith.constant 0 : i32
    %dma_wait3A_541 = tpu.memref_slice %arg4[%add3A_311, %dma_wait3A_540] : memref<8192x1024xf32, #tpu.memory_space<hbm>> -> memref<8x1024xf32, #tpu.memory_space<hbm>>
    tpu.wait_dma2 semaphore(%arg26 : memref<!tpu.dma_semaphore, #tpu.memory_space<semaphore_mem>>) src(%dma_wait3A_541 : memref<8x1024xf32, #tpu.memory_space<hbm>>) dst(%arg20 : memref<8x1024xf32, #tpu.memory_space<vmem>>)
    %dma_wait3A_542 = arith.constant 32 : i32
    %dma_wait3A_543 = tpu.memref_slice %arg6[%dma_wait3A_542] : memref<512xi32, #tpu.memory_space<vmem>> -> memref<8xi32, #tpu.memory_space<vmem>>
    %dma_wait3A_544 = arith.constant 0 : i32
    %dma_wait3A_545 = arith.constant 0 : i32
    %dma_wait3A_546 = tpu.memref_slice %arg3[%dma_wait3A_544, %dma_wait3A_545] : memref<100000x1024xf32, #tpu.memory_space<hbm>> -> memref<100000x1024xf32, #tpu.memory_space<hbm>>
    tpu.wait_indirect_dma semaphore(%arg23 : memref<!tpu.dma_semaphore, #tpu.memory_space<semaphore_mem>>) src(%dma_wait3A_546 : memref<100000x1024xf32, #tpu.memory_space<hbm>>) dst(%arg11 : memref<8x1024xf32, #tpu.memory_space<vmem>>)
    %dma_wait3A_547 = arith.constant 160 : i32
    %dma_wait3A_548 = tpu.memref_slice %arg6[%dma_wait3A_547] : memref<512xi32, #tpu.memory_space<vmem>> -> memref<8xi32, #tpu.memory_space<vmem>>
    %dma_wait3A_549 = arith.constant 0 : i32
    %dma_wait3A_550 = arith.constant 0 : i32
    %dma_wait3A_551 = tpu.memref_slice %arg3[%dma_wait3A_549, %dma_wait3A_550] : memref<100000x1024xf32, #tpu.memory_space<hbm>> -> memref<100000x1024xf32, #tpu.memory_space<hbm>>
    tpu.wait_indirect_dma semaphore(%arg23 : memref<!tpu.dma_semaphore, #tpu.memory_space<semaphore_mem>>) src(%dma_wait3A_551 : memref<100000x1024xf32, #tpu.memory_space<hbm>>) dst(%arg12 : memref<8x1024xf32, #tpu.memory_space<vmem>>)
    %dma_wait3A_552 = arith.constant 288 : i32
    %dma_wait3A_553 = tpu.memref_slice %arg6[%dma_wait3A_552] : memref<512xi32, #tpu.memory_space<vmem>> -> memref<8xi32, #tpu.memory_space<vmem>>
    %dma_wait3A_554 = arith.constant 0 : i32
    %dma_wait3A_555 = arith.constant 0 : i32
    %dma_wait3A_556 = tpu.memref_slice %arg3[%dma_wait3A_554, %dma_wait3A_555] : memref<100000x1024xf32, #tpu.memory_space<hbm>> -> memref<100000x1024xf32, #tpu.memory_space<hbm>>
    tpu.wait_indirect_dma semaphore(%arg23 : memref<!tpu.dma_semaphore, #tpu.memory_space<semaphore_mem>>) src(%dma_wait3A_556 : memref<100000x1024xf32, #tpu.memory_space<hbm>>) dst(%arg13 : memref<8x1024xf32, #tpu.memory_space<vmem>>)
    %dma_wait3A_557 = arith.constant 416 : i32
    %dma_wait3A_558 = tpu.memref_slice %arg6[%dma_wait3A_557] : memref<512xi32, #tpu.memory_space<vmem>> -> memref<8xi32, #tpu.memory_space<vmem>>
    %dma_wait3A_559 = arith.constant 0 : i32
    %dma_wait3A_560 = arith.constant 0 : i32
    %dma_wait3A_561 = tpu.memref_slice %arg3[%dma_wait3A_559, %dma_wait3A_560] : memref<100000x1024xf32, #tpu.memory_space<hbm>> -> memref<100000x1024xf32, #tpu.memory_space<hbm>>
    tpu.wait_indirect_dma semaphore(%arg23 : memref<!tpu.dma_semaphore, #tpu.memory_space<semaphore_mem>>) src(%dma_wait3A_561 : memref<100000x1024xf32, #tpu.memory_space<hbm>>) dst(%arg14 : memref<8x1024xf32, #tpu.memory_space<vmem>>)
    %parallel_loop3A_562 = arith.constant 0 : i32
    %parallel_loop3A_563 = arith.constant 512 : i32
    %parallel_loop3A_564 = arith.constant 1 : i32
    scf.for %parallel_loop3A_1672 = %parallel_loop3A_562 to %parallel_loop3A_563 step %parallel_loop3A_564  : i32 {
      %parallel_loop3A_1673 = arith.constant 64 : i32
      %parallel_loop3A_1674 = arith.divsi %parallel_loop3A_1672, %parallel_loop3A_1673 : i32
      %parallel_loop3A_1675 = arith.constant 0 : i32
      %parallel_loop3A_1676 = arith.cmpi sgt, %parallel_loop3A_1672, %parallel_loop3A_1675 : i32
      %parallel_loop3A_1677 = arith.extui %parallel_loop3A_1676 : i1 to i32
      %parallel_loop3A_1678 = arith.constant 0 : i32
      %parallel_loop3A_1679 = arith.cmpi slt, %parallel_loop3A_1672, %parallel_loop3A_1678 : i32
      %parallel_loop3A_1680 = arith.extui %parallel_loop3A_1679 : i1 to i32
      %parallel_loop3A_1681 = arith.subi %parallel_loop3A_1677, %parallel_loop3A_1680 : i32
      %parallel_loop3A_1682 = arith.constant 0 : i32
      %parallel_loop3A_1683 = arith.cmpi sgt, %parallel_loop3A_1673, %parallel_loop3A_1682 : i32
      %parallel_loop3A_1684 = arith.extui %parallel_loop3A_1683 : i1 to i32
      %parallel_loop3A_1685 = arith.constant 0 : i32
      %parallel_loop3A_1686 = arith.cmpi slt, %parallel_loop3A_1673, %parallel_loop3A_1685 : i32
      %parallel_loop3A_1687 = arith.extui %parallel_loop3A_1686 : i1 to i32
      %parallel_loop3A_1688 = arith.subi %parallel_loop3A_1684, %parallel_loop3A_1687 : i32
      %parallel_loop3A_1689 = arith.cmpi ne, %parallel_loop3A_1681, %parallel_loop3A_1688 : i32
      %parallel_loop3A_1690 = arith.remsi %parallel_loop3A_1672, %parallel_loop3A_1673 : i32
      %parallel_loop3A_1691 = arith.constant 0 : i32
      %parallel_loop3A_1692 = arith.cmpi ne, %parallel_loop3A_1690, %parallel_loop3A_1691 : i32
      %parallel_loop3A_1693 = arith.andi %parallel_loop3A_1689, %parallel_loop3A_1692 : i1
      %parallel_loop3A_1694 = arith.constant 1 : i32
      %parallel_loop3A_1695 = arith.subi %parallel_loop3A_1674, %parallel_loop3A_1694 : i32
      %parallel_loop3A_1696 = arith.select %parallel_loop3A_1693, %parallel_loop3A_1695, %parallel_loop3A_1674 : i32
      %parallel_loop3A_1697 = arith.constant 64 : i32
      %parallel_loop3A_1698 = arith.constant 0 : i32
      %parallel_loop3A_1699 = arith.cmpi eq, %parallel_loop3A_1697, %parallel_loop3A_1698 : i32
      %parallel_loop3A_1700 = arith.constant 1 : i32
      %parallel_loop3A_1701 = arith.select %parallel_loop3A_1699, %parallel_loop3A_1700, %parallel_loop3A_1697 : i32
      %parallel_loop3A_1702 = arith.remsi %parallel_loop3A_1672, %parallel_loop3A_1701 : i32
      %parallel_loop3A_1703 = arith.constant 0 : i32
      %parallel_loop3A_1704 = arith.cmpi ne, %parallel_loop3A_1702, %parallel_loop3A_1703 : i32
      %parallel_loop3A_1705 = arith.constant 0 : i32
      %parallel_loop3A_1706 = arith.cmpi slt, %parallel_loop3A_1702, %parallel_loop3A_1705 : i32
      %parallel_loop3A_1707 = arith.constant 0 : i32
      %parallel_loop3A_1708 = arith.cmpi slt, %parallel_loop3A_1701, %parallel_loop3A_1707 : i32
      %parallel_loop3A_1709 = arith.xori %parallel_loop3A_1706, %parallel_loop3A_1708 : i1
      %parallel_loop3A_1710 = arith.andi %parallel_loop3A_1709, %parallel_loop3A_1704 : i1
      %parallel_loop3A_1711 = arith.addi %parallel_loop3A_1702, %parallel_loop3A_1701 : i32
      %parallel_loop3A_1712 = arith.select %parallel_loop3A_1710, %parallel_loop3A_1711, %parallel_loop3A_1702 : i32
      %parallel_loop3A_1713 = arith.constant 16 : i32
      %parallel_loop3A_1714 = arith.muli %parallel_loop3A_1712, %parallel_loop3A_1713 : i32
      %parallel_loop3A_1715 = arith.index_cast %parallel_loop3A_1696 : i32 to index
      %parallel_loop3A_1716 = arith.index_cast %parallel_loop3A_1714 : i32 to index
      %parallel_loop3A_1717 = tpu.vector_load %arg20[%parallel_loop3A_1715, %parallel_loop3A_1716] {strides = array<i32>} : memref<8x1024xf32, #tpu.memory_space<vmem>>, vector<1x16xf32>,
      %parallel_loop3A_1718 = vector.shape_cast %parallel_loop3A_1717 : vector<1x16xf32> to vector<16xf32>
      %parallel_loop3A_1719 = arith.index_cast %parallel_loop3A_1696 : i32 to index
      %parallel_loop3A_1720 = arith.index_cast %parallel_loop3A_1714 : i32 to index
      %parallel_loop3A_1721 = tpu.vector_load %arg11[%parallel_loop3A_1719, %parallel_loop3A_1720] {strides = array<i32>} : memref<8x1024xf32, #tpu.memory_space<vmem>>, vector<1x16xf32>,
      %parallel_loop3A_1722 = vector.shape_cast %parallel_loop3A_1721 : vector<1x16xf32> to vector<16xf32>
      %parallel_loop3A_1723 = vector.shape_cast %parallel_loop3A_1718 : vector<16xf32> to vector<1x16xf32>
      tpu.vector_store %arg11[%parallel_loop3A_1719, %parallel_loop3A_1720], %parallel_loop3A_1723 {add = true, strides = array<i32>} : memref<8x1024xf32, #tpu.memory_space<vmem>>, vector<1x16xf32>,
      %parallel_loop3A_1724 = arith.index_cast %parallel_loop3A_1696 : i32 to index
      %parallel_loop3A_1725 = arith.index_cast %parallel_loop3A_1714 : i32 to index
      %parallel_loop3A_1726 = tpu.vector_load %arg12[%parallel_loop3A_1724, %parallel_loop3A_1725] {strides = array<i32>} : memref<8x1024xf32, #tpu.memory_space<vmem>>, vector<1x16xf32>,
      %parallel_loop3A_1727 = vector.shape_cast %parallel_loop3A_1726 : vector<1x16xf32> to vector<16xf32>
      %parallel_loop3A_1728 = vector.shape_cast %parallel_loop3A_1718 : vector<16xf32> to vector<1x16xf32>
      tpu.vector_store %arg12[%parallel_loop3A_1724, %parallel_loop3A_1725], %parallel_loop3A_1728 {add = true, strides = array<i32>} : memref<8x1024xf32, #tpu.memory_space<vmem>>, vector<1x16xf32>,
      %parallel_loop3A_1729 = arith.index_cast %parallel_loop3A_1696 : i32 to index
      %parallel_loop3A_1730 = arith.index_cast %parallel_loop3A_1714 : i32 to index
      %parallel_loop3A_1731 = tpu.vector_load %arg13[%parallel_loop3A_1729, %parallel_loop3A_1730] {strides = array<i32>} : memref<8x1024xf32, #tpu.memory_space<vmem>>, vector<1x16xf32>,
      %parallel_loop3A_1732 = vector.shape_cast %parallel_loop3A_1731 : vector<1x16xf32> to vector<16xf32>
      %parallel_loop3A_1733 = vector.shape_cast %parallel_loop3A_1718 : vector<16xf32> to vector<1x16xf32>
      tpu.vector_store %arg13[%parallel_loop3A_1729, %parallel_loop3A_1730], %parallel_loop3A_1733 {add = true, strides = array<i32>} : memref<8x1024xf32, #tpu.memory_space<vmem>>, vector<1x16xf32>,
      %parallel_loop3A_1734 = arith.index_cast %parallel_loop3A_1696 : i32 to index
      %parallel_loop3A_1735 = arith.index_cast %parallel_loop3A_1714 : i32 to index
      %parallel_loop3A_1736 = tpu.vector_load %arg14[%parallel_loop3A_1734, %parallel_loop3A_1735] {strides = array<i32>} : memref<8x1024xf32, #tpu.memory_space<vmem>>, vector<1x16xf32>,
      %parallel_loop3A_1737 = vector.shape_cast %parallel_loop3A_1736 : vector<1x16xf32> to vector<16xf32>
      %parallel_loop3A_1738 = vector.shape_cast %parallel_loop3A_1718 : vector<16xf32> to vector<1x16xf32>
      tpu.vector_store %arg14[%parallel_loop3A_1734, %parallel_loop3A_1735], %parallel_loop3A_1738 {add = true, strides = array<i32>} : memref<8x1024xf32, #tpu.memory_space<vmem>>, vector<1x16xf32>,
    } {sc.loop_unroll_factor = 2 : i64, sc.parallel_access}
    %add3A_565 = arith.constant 0 : i32
    %add3A_566 = arith.addi %add3A_565, %mul3A_2 : i32
    %add3A_567 = arith.constant 32 : i32
    %add3A_568 = arith.addi %add3A_566, %add3A_567 : i32
    %dma_start3A_569 = arith.constant 0 : i32
    %dma_start3A_570 = tpu.memref_slice %arg5[%add3A_568, %dma_start3A_569] : memref<16384x1024xf32, #tpu.memory_space<hbm>> -> memref<8x1024xf32, #tpu.memory_space<hbm>>
    %dma_start3A_571 = arith.constant 0 : i32
    %dma_start3A_572 = tpu.memref_slice %arg5[%add3A_568, %dma_start3A_571] : memref<16384x1024xf32, #tpu.memory_space<hbm>> -> memref<8x1024xf32, #tpu.memory_space<hbm>>
    tpu.enqueue_dma source(%arg11 : memref<8x1024xf32, #tpu.memory_space<vmem>>) target(%dma_start3A_572 : memref<8x1024xf32, #tpu.memory_space<hbm>>) target_semaphore(%arg29 : memref<!tpu.dma_semaphore, #tpu.memory_space<semaphore_mem>>)
    %add3A_573 = arith.constant 4096 : i32
    %add3A_574 = arith.addi %add3A_573, %mul3A_2 : i32
    %add3A_575 = arith.constant 32 : i32
    %add3A_576 = arith.addi %add3A_574, %add3A_575 : i32
    %dma_start3A_577 = arith.constant 0 : i32
    %dma_start3A_578 = tpu.memref_slice %arg5[%add3A_576, %dma_start3A_577] : memref<16384x1024xf32, #tpu.memory_space<hbm>> -> memref<8x1024xf32, #tpu.memory_space<hbm>>
    %dma_start3A_579 = arith.constant 0 : i32
    %dma_start3A_580 = tpu.memref_slice %arg5[%add3A_576, %dma_start3A_579] : memref<16384x1024xf32, #tpu.memory_space<hbm>> -> memref<8x1024xf32, #tpu.memory_space<hbm>>
    tpu.enqueue_dma source(%arg12 : memref<8x1024xf32, #tpu.memory_space<vmem>>) target(%dma_start3A_580 : memref<8x1024xf32, #tpu.memory_space<hbm>>) target_semaphore(%arg29 : memref<!tpu.dma_semaphore, #tpu.memory_space<semaphore_mem>>)
    %add3A_581 = arith.constant 8192 : i32
    %add3A_582 = arith.addi %add3A_581, %mul3A_2 : i32
    %add3A_583 = arith.constant 32 : i32
    %add3A_584 = arith.addi %add3A_582, %add3A_583 : i32
    %dma_start3A_585 = arith.constant 0 : i32
    %dma_start3A_586 = tpu.memref_slice %arg5[%add3A_584, %dma_start3A_585] : memref<16384x1024xf32, #tpu.memory_space<hbm>> -> memref<8x1024xf32, #tpu.memory_space<hbm>>
    %dma_start3A_587 = arith.constant 0 : i32
    %dma_start3A_588 = tpu.memref_slice %arg5[%add3A_584, %dma_start3A_587] : memref<16384x1024xf32, #tpu.memory_space<hbm>> -> memref<8x1024xf32, #tpu.memory_space<hbm>>
    tpu.enqueue_dma source(%arg13 : memref<8x1024xf32, #tpu.memory_space<vmem>>) target(%dma_start3A_588 : memref<8x1024xf32, #tpu.memory_space<hbm>>) target_semaphore(%arg29 : memref<!tpu.dma_semaphore, #tpu.memory_space<semaphore_mem>>)
    %add3A_589 = arith.constant 12288 : i32
    %add3A_590 = arith.addi %add3A_589, %mul3A_2 : i32
    %add3A_591 = arith.constant 32 : i32
    %add3A_592 = arith.addi %add3A_590, %add3A_591 : i32
    %dma_start3A_593 = arith.constant 0 : i32
    %dma_start3A_594 = tpu.memref_slice %arg5[%add3A_592, %dma_start3A_593] : memref<16384x1024xf32, #tpu.memory_space<hbm>> -> memref<8x1024xf32, #tpu.memory_space<hbm>>
    %dma_start3A_595 = arith.constant 0 : i32
    %dma_start3A_596 = tpu.memref_slice %arg5[%add3A_592, %dma_start3A_595] : memref<16384x1024xf32, #tpu.memory_space<hbm>> -> memref<8x1024xf32, #tpu.memory_space<hbm>>
    tpu.enqueue_dma source(%arg14 : memref<8x1024xf32, #tpu.memory_space<vmem>>) target(%dma_start3A_596 : memref<8x1024xf32, #tpu.memory_space<hbm>>) target_semaphore(%arg29 : memref<!tpu.dma_semaphore, #tpu.memory_space<semaphore_mem>>)
    %dma_wait3A_597 = arith.constant 0 : i32
    %dma_wait3A_598 = tpu.memref_slice %arg5[%add3A_568, %dma_wait3A_597] : memref<16384x1024xf32, #tpu.memory_space<hbm>> -> memref<8x1024xf32, #tpu.memory_space<hbm>>
    %dma_wait3A_599 = arith.constant 0 : i32
    %dma_wait3A_600 = tpu.memref_slice %arg5[%add3A_568, %dma_wait3A_599] : memref<16384x1024xf32, #tpu.memory_space<hbm>> -> memref<8x1024xf32, #tpu.memory_space<hbm>>
    tpu.wait_dma2 semaphore(%arg29 : memref<!tpu.dma_semaphore, #tpu.memory_space<semaphore_mem>>) src(%arg11 : memref<8x1024xf32, #tpu.memory_space<vmem>>) dst(%dma_wait3A_600 : memref<8x1024xf32, #tpu.memory_space<hbm>>)
    %dma_wait3A_601 = arith.constant 0 : i32
    %dma_wait3A_602 = tpu.memref_slice %arg5[%add3A_576, %dma_wait3A_601] : memref<16384x1024xf32, #tpu.memory_space<hbm>> -> memref<8x1024xf32, #tpu.memory_space<hbm>>
    %dma_wait3A_603 = arith.constant 0 : i32
    %dma_wait3A_604 = tpu.memref_slice %arg5[%add3A_576, %dma_wait3A_603] : memref<16384x1024xf32, #tpu.memory_space<hbm>> -> memref<8x1024xf32, #tpu.memory_space<hbm>>
    tpu.wait_dma2 semaphore(%arg29 : memref<!tpu.dma_semaphore, #tpu.memory_space<semaphore_mem>>) src(%arg12 : memref<8x1024xf32, #tpu.memory_space<vmem>>) dst(%dma_wait3A_604 : memref<8x1024xf32, #tpu.memory_space<hbm>>)
    %dma_wait3A_605 = arith.constant 0 : i32
    %dma_wait3A_606 = tpu.memref_slice %arg5[%add3A_584, %dma_wait3A_605] : memref<16384x1024xf32, #tpu.memory_space<hbm>> -> memref<8x1024xf32, #tpu.memory_space<hbm>>
    %dma_wait3A_607 = arith.constant 0 : i32
    %dma_wait3A_608 = tpu.memref_slice %arg5[%add3A_584, %dma_wait3A_607] : memref<16384x1024xf32, #tpu.memory_space<hbm>> -> memref<8x1024xf32, #tpu.memory_space<hbm>>
    tpu.wait_dma2 semaphore(%arg29 : memref<!tpu.dma_semaphore, #tpu.memory_space<semaphore_mem>>) src(%arg13 : memref<8x1024xf32, #tpu.memory_space<vmem>>) dst(%dma_wait3A_608 : memref<8x1024xf32, #tpu.memory_space<hbm>>)
    %dma_wait3A_609 = arith.constant 0 : i32
    %dma_wait3A_610 = tpu.memref_slice %arg5[%add3A_592, %dma_wait3A_609] : memref<16384x1024xf32, #tpu.memory_space<hbm>> -> memref<8x1024xf32, #tpu.memory_space<hbm>>
    %dma_wait3A_611 = arith.constant 0 : i32
    %dma_wait3A_612 = tpu.memref_slice %arg5[%add3A_592, %dma_wait3A_611] : memref<16384x1024xf32, #tpu.memory_space<hbm>> -> memref<8x1024xf32, #tpu.memory_space<hbm>>
    tpu.wait_dma2 semaphore(%arg29 : memref<!tpu.dma_semaphore, #tpu.memory_space<semaphore_mem>>) src(%arg14 : memref<8x1024xf32, #tpu.memory_space<vmem>>) dst(%dma_wait3A_612 : memref<8x1024xf32, #tpu.memory_space<hbm>>)
    %add3A_613 = arith.constant 56 : i32
    %add3A_614 = arith.addi %mul3A_2, %add3A_613 : i32
    %dma_start3A_615 = arith.constant 0 : i32
    %dma_start3A_616 = tpu.memref_slice %arg4[%add3A_614, %dma_start3A_615] : memref<8192x1024xf32, #tpu.memory_space<hbm>> -> memref<8x1024xf32, #tpu.memory_space<hbm>>
    %dma_start3A_617 = arith.constant 0 : i32
    %dma_start3A_618 = tpu.memref_slice %arg4[%add3A_614, %dma_start3A_617] : memref<8192x1024xf32, #tpu.memory_space<hbm>> -> memref<8x1024xf32, #tpu.memory_space<hbm>>
    tpu.enqueue_dma source(%dma_start3A_618 : memref<8x1024xf32, #tpu.memory_space<hbm>>) target(%arg20 : memref<8x1024xf32, #tpu.memory_space<vmem>>) target_semaphore(%arg26 : memref<!tpu.dma_semaphore, #tpu.memory_space<semaphore_mem>>)
    %dma_start3A_619 = arith.constant 56 : i32
    %dma_start3A_620 = tpu.memref_slice %arg6[%dma_start3A_619] : memref<512xi32, #tpu.memory_space<vmem>> -> memref<8xi32, #tpu.memory_space<vmem>>
    %dma_start3A_621 = arith.constant 0 : i32
    %dma_start3A_622 = arith.constant 0 : i32
    %dma_start3A_623 = tpu.memref_slice %arg3[%dma_start3A_621, %dma_start3A_622] : memref<100000x1024xf32, #tpu.memory_space<hbm>> -> memref<100000x1024xf32, #tpu.memory_space<hbm>>
    tpu.enqueue_indirect_dma source(%dma_start3A_623 : memref<100000x1024xf32, #tpu.memory_space<hbm>>) target(%arg11 : memref<8x1024xf32, #tpu.memory_space<vmem>>) offsets(%dma_start3A_620 : memref<8xi32, #tpu.memory_space<vmem>>) semaphore(%arg23 : memref<!tpu.dma_semaphore, #tpu.memory_space<semaphore_mem>>)
    %dma_start3A_624 = arith.constant 184 : i32
    %dma_start3A_625 = tpu.memref_slice %arg6[%dma_start3A_624] : memref<512xi32, #tpu.memory_space<vmem>> -> memref<8xi32, #tpu.memory_space<vmem>>
    %dma_start3A_626 = arith.constant 0 : i32
    %dma_start3A_627 = arith.constant 0 : i32
    %dma_start3A_628 = tpu.memref_slice %arg3[%dma_start3A_626, %dma_start3A_627] : memref<100000x1024xf32, #tpu.memory_space<hbm>> -> memref<100000x1024xf32, #tpu.memory_space<hbm>>
    tpu.enqueue_indirect_dma source(%dma_start3A_628 : memref<100000x1024xf32, #tpu.memory_space<hbm>>) target(%arg12 : memref<8x1024xf32, #tpu.memory_space<vmem>>) offsets(%dma_start3A_625 : memref<8xi32, #tpu.memory_space<vmem>>) semaphore(%arg23 : memref<!tpu.dma_semaphore, #tpu.memory_space<semaphore_mem>>)
    %dma_start3A_629 = arith.constant 312 : i32
    %dma_start3A_630 = tpu.memref_slice %arg6[%dma_start3A_629] : memref<512xi32, #tpu.memory_space<vmem>> -> memref<8xi32, #tpu.memory_space<vmem>>
    %dma_start3A_631 = arith.constant 0 : i32
    %dma_start3A_632 = arith.constant 0 : i32
    %dma_start3A_633 = tpu.memref_slice %arg3[%dma_start3A_631, %dma_start3A_632] : memref<100000x1024xf32, #tpu.memory_space<hbm>> -> memref<100000x1024xf32, #tpu.memory_space<hbm>>
    tpu.enqueue_indirect_dma source(%dma_start3A_633 : memref<100000x1024xf32, #tpu.memory_space<hbm>>) target(%arg13 : memref<8x1024xf32, #tpu.memory_space<vmem>>) offsets(%dma_start3A_630 : memref<8xi32, #tpu.memory_space<vmem>>) semaphore(%arg23 : memref<!tpu.dma_semaphore, #tpu.memory_space<semaphore_mem>>)
    %dma_start3A_634 = arith.constant 440 : i32
    %dma_start3A_635 = tpu.memref_slice %arg6[%dma_start3A_634] : memref<512xi32, #tpu.memory_space<vmem>> -> memref<8xi32, #tpu.memory_space<vmem>>
    %dma_start3A_636 = arith.constant 0 : i32
    %dma_start3A_637 = arith.constant 0 : i32
    %dma_start3A_638 = tpu.memref_slice %arg3[%dma_start3A_636, %dma_start3A_637] : memref<100000x1024xf32, #tpu.memory_space<hbm>> -> memref<100000x1024xf32, #tpu.memory_space<hbm>>
    tpu.enqueue_indirect_dma source(%dma_start3A_638 : memref<100000x1024xf32, #tpu.memory_space<hbm>>) target(%arg14 : memref<8x1024xf32, #tpu.memory_space<vmem>>) offsets(%dma_start3A_635 : memref<8xi32, #tpu.memory_space<vmem>>) semaphore(%arg23 : memref<!tpu.dma_semaphore, #tpu.memory_space<semaphore_mem>>)
    %dma_wait3A_639 = arith.constant 0 : i32
    %dma_wait3A_640 = tpu.memref_slice %arg4[%add3A_412, %dma_wait3A_639] : memref<8192x1024xf32, #tpu.memory_space<hbm>> -> memref<8x1024xf32, #tpu.memory_space<hbm>>
    %dma_wait3A_641 = arith.constant 0 : i32
    %dma_wait3A_642 = tpu.memref_slice %arg4[%add3A_412, %dma_wait3A_641] : memref<8192x1024xf32, #tpu.memory_space<hbm>> -> memref<8x1024xf32, #tpu.memory_space<hbm>>
    tpu.wait_dma2 semaphore(%arg27 : memref<!tpu.dma_semaphore, #tpu.memory_space<semaphore_mem>>) src(%dma_wait3A_642 : memref<8x1024xf32, #tpu.memory_space<hbm>>) dst(%arg21 : memref<8x1024xf32, #tpu.memory_space<vmem>>)
    %dma_wait3A_643 = arith.constant 40 : i32
    %dma_wait3A_644 = tpu.memref_slice %arg6[%dma_wait3A_643] : memref<512xi32, #tpu.memory_space<vmem>> -> memref<8xi32, #tpu.memory_space<vmem>>
    %dma_wait3A_645 = arith.constant 0 : i32
    %dma_wait3A_646 = arith.constant 0 : i32
    %dma_wait3A_647 = tpu.memref_slice %arg3[%dma_wait3A_645, %dma_wait3A_646] : memref<100000x1024xf32, #tpu.memory_space<hbm>> -> memref<100000x1024xf32, #tpu.memory_space<hbm>>
    tpu.wait_indirect_dma semaphore(%arg24 : memref<!tpu.dma_semaphore, #tpu.memory_space<semaphore_mem>>) src(%dma_wait3A_647 : memref<100000x1024xf32, #tpu.memory_space<hbm>>) dst(%arg15 : memref<8x1024xf32, #tpu.memory_space<vmem>>)
    %dma_wait3A_648 = arith.constant 168 : i32
    %dma_wait3A_649 = tpu.memref_slice %arg6[%dma_wait3A_648] : memref<512xi32, #tpu.memory_space<vmem>> -> memref<8xi32, #tpu.memory_space<vmem>>
    %dma_wait3A_650 = arith.constant 0 : i32
    %dma_wait3A_651 = arith.constant 0 : i32
    %dma_wait3A_652 = tpu.memref_slice %arg3[%dma_wait3A_650, %dma_wait3A_651] : memref<100000x1024xf32, #tpu.memory_space<hbm>> -> memref<100000x1024xf32, #tpu.memory_space<hbm>>
    tpu.wait_indirect_dma semaphore(%arg24 : memref<!tpu.dma_semaphore, #tpu.memory_space<semaphore_mem>>) src(%dma_wait3A_652 : memref<100000x1024xf32, #tpu.memory_space<hbm>>) dst(%arg16 : memref<8x1024xf32, #tpu.memory_space<vmem>>)
    %dma_wait3A_653 = arith.constant 296 : i32
    %dma_wait3A_654 = tpu.memref_slice %arg6[%dma_wait3A_653] : memref<512xi32, #tpu.memory_space<vmem>> -> memref<8xi32, #tpu.memory_space<vmem>>
    %dma_wait3A_655 = arith.constant 0 : i32
    %dma_wait3A_656 = arith.constant 0 : i32
    %dma_wait3A_657 = tpu.memref_slice %arg3[%dma_wait3A_655, %dma_wait3A_656] : memref<100000x1024xf32, #tpu.memory_space<hbm>> -> memref<100000x1024xf32, #tpu.memory_space<hbm>>
    tpu.wait_indirect_dma semaphore(%arg24 : memref<!tpu.dma_semaphore, #tpu.memory_space<semaphore_mem>>) src(%dma_wait3A_657 : memref<100000x1024xf32, #tpu.memory_space<hbm>>) dst(%arg17 : memref<8x1024xf32, #tpu.memory_space<vmem>>)
    %dma_wait3A_658 = arith.constant 424 : i32
    %dma_wait3A_659 = tpu.memref_slice %arg6[%dma_wait3A_658] : memref<512xi32, #tpu.memory_space<vmem>> -> memref<8xi32, #tpu.memory_space<vmem>>
    %dma_wait3A_660 = arith.constant 0 : i32
    %dma_wait3A_661 = arith.constant 0 : i32
    %dma_wait3A_662 = tpu.memref_slice %arg3[%dma_wait3A_660, %dma_wait3A_661] : memref<100000x1024xf32, #tpu.memory_space<hbm>> -> memref<100000x1024xf32, #tpu.memory_space<hbm>>
    tpu.wait_indirect_dma semaphore(%arg24 : memref<!tpu.dma_semaphore, #tpu.memory_space<semaphore_mem>>) src(%dma_wait3A_662 : memref<100000x1024xf32, #tpu.memory_space<hbm>>) dst(%arg18 : memref<8x1024xf32, #tpu.memory_space<vmem>>)
    %parallel_loop3A_663 = arith.constant 0 : i32
    %parallel_loop3A_664 = arith.constant 512 : i32
    %parallel_loop3A_665 = arith.constant 1 : i32
    scf.for %parallel_loop3A_1672 = %parallel_loop3A_663 to %parallel_loop3A_664 step %parallel_loop3A_665  : i32 {
      %parallel_loop3A_1673 = arith.constant 64 : i32
      %parallel_loop3A_1674 = arith.divsi %parallel_loop3A_1672, %parallel_loop3A_1673 : i32
      %parallel_loop3A_1675 = arith.constant 0 : i32
      %parallel_loop3A_1676 = arith.cmpi sgt, %parallel_loop3A_1672, %parallel_loop3A_1675 : i32
      %parallel_loop3A_1677 = arith.extui %parallel_loop3A_1676 : i1 to i32
      %parallel_loop3A_1678 = arith.constant 0 : i32
      %parallel_loop3A_1679 = arith.cmpi slt, %parallel_loop3A_1672, %parallel_loop3A_1678 : i32
      %parallel_loop3A_1680 = arith.extui %parallel_loop3A_1679 : i1 to i32
      %parallel_loop3A_1681 = arith.subi %parallel_loop3A_1677, %parallel_loop3A_1680 : i32
      %parallel_loop3A_1682 = arith.constant 0 : i32
      %parallel_loop3A_1683 = arith.cmpi sgt, %parallel_loop3A_1673, %parallel_loop3A_1682 : i32
      %parallel_loop3A_1684 = arith.extui %parallel_loop3A_1683 : i1 to i32
      %parallel_loop3A_1685 = arith.constant 0 : i32
      %parallel_loop3A_1686 = arith.cmpi slt, %parallel_loop3A_1673, %parallel_loop3A_1685 : i32
      %parallel_loop3A_1687 = arith.extui %parallel_loop3A_1686 : i1 to i32
      %parallel_loop3A_1688 = arith.subi %parallel_loop3A_1684, %parallel_loop3A_1687 : i32
      %parallel_loop3A_1689 = arith.cmpi ne, %parallel_loop3A_1681, %parallel_loop3A_1688 : i32
      %parallel_loop3A_1690 = arith.remsi %parallel_loop3A_1672, %parallel_loop3A_1673 : i32
      %parallel_loop3A_1691 = arith.constant 0 : i32
      %parallel_loop3A_1692 = arith.cmpi ne, %parallel_loop3A_1690, %parallel_loop3A_1691 : i32
      %parallel_loop3A_1693 = arith.andi %parallel_loop3A_1689, %parallel_loop3A_1692 : i1
      %parallel_loop3A_1694 = arith.constant 1 : i32
      %parallel_loop3A_1695 = arith.subi %parallel_loop3A_1674, %parallel_loop3A_1694 : i32
      %parallel_loop3A_1696 = arith.select %parallel_loop3A_1693, %parallel_loop3A_1695, %parallel_loop3A_1674 : i32
      %parallel_loop3A_1697 = arith.constant 64 : i32
      %parallel_loop3A_1698 = arith.constant 0 : i32
      %parallel_loop3A_1699 = arith.cmpi eq, %parallel_loop3A_1697, %parallel_loop3A_1698 : i32
      %parallel_loop3A_1700 = arith.constant 1 : i32
      %parallel_loop3A_1701 = arith.select %parallel_loop3A_1699, %parallel_loop3A_1700, %parallel_loop3A_1697 : i32
      %parallel_loop3A_1702 = arith.remsi %parallel_loop3A_1672, %parallel_loop3A_1701 : i32
      %parallel_loop3A_1703 = arith.constant 0 : i32
      %parallel_loop3A_1704 = arith.cmpi ne, %parallel_loop3A_1702, %parallel_loop3A_1703 : i32
      %parallel_loop3A_1705 = arith.constant 0 : i32
      %parallel_loop3A_1706 = arith.cmpi slt, %parallel_loop3A_1702, %parallel_loop3A_1705 : i32
      %parallel_loop3A_1707 = arith.constant 0 : i32
      %parallel_loop3A_1708 = arith.cmpi slt, %parallel_loop3A_1701, %parallel_loop3A_1707 : i32
      %parallel_loop3A_1709 = arith.xori %parallel_loop3A_1706, %parallel_loop3A_1708 : i1
      %parallel_loop3A_1710 = arith.andi %parallel_loop3A_1709, %parallel_loop3A_1704 : i1
      %parallel_loop3A_1711 = arith.addi %parallel_loop3A_1702, %parallel_loop3A_1701 : i32
      %parallel_loop3A_1712 = arith.select %parallel_loop3A_1710, %parallel_loop3A_1711, %parallel_loop3A_1702 : i32
      %parallel_loop3A_1713 = arith.constant 16 : i32
      %parallel_loop3A_1714 = arith.muli %parallel_loop3A_1712, %parallel_loop3A_1713 : i32
      %parallel_loop3A_1715 = arith.index_cast %parallel_loop3A_1696 : i32 to index
      %parallel_loop3A_1716 = arith.index_cast %parallel_loop3A_1714 : i32 to index
      %parallel_loop3A_1717 = tpu.vector_load %arg21[%parallel_loop3A_1715, %parallel_loop3A_1716] {strides = array<i32>} : memref<8x1024xf32, #tpu.memory_space<vmem>>, vector<1x16xf32>,
      %parallel_loop3A_1718 = vector.shape_cast %parallel_loop3A_1717 : vector<1x16xf32> to vector<16xf32>
      %parallel_loop3A_1719 = arith.index_cast %parallel_loop3A_1696 : i32 to index
      %parallel_loop3A_1720 = arith.index_cast %parallel_loop3A_1714 : i32 to index
      %parallel_loop3A_1721 = tpu.vector_load %arg15[%parallel_loop3A_1719, %parallel_loop3A_1720] {strides = array<i32>} : memref<8x1024xf32, #tpu.memory_space<vmem>>, vector<1x16xf32>,
      %parallel_loop3A_1722 = vector.shape_cast %parallel_loop3A_1721 : vector<1x16xf32> to vector<16xf32>
      %parallel_loop3A_1723 = vector.shape_cast %parallel_loop3A_1718 : vector<16xf32> to vector<1x16xf32>
      tpu.vector_store %arg15[%parallel_loop3A_1719, %parallel_loop3A_1720], %parallel_loop3A_1723 {add = true, strides = array<i32>} : memref<8x1024xf32, #tpu.memory_space<vmem>>, vector<1x16xf32>,
      %parallel_loop3A_1724 = arith.index_cast %parallel_loop3A_1696 : i32 to index
      %parallel_loop3A_1725 = arith.index_cast %parallel_loop3A_1714 : i32 to index
      %parallel_loop3A_1726 = tpu.vector_load %arg16[%parallel_loop3A_1724, %parallel_loop3A_1725] {strides = array<i32>} : memref<8x1024xf32, #tpu.memory_space<vmem>>, vector<1x16xf32>,
      %parallel_loop3A_1727 = vector.shape_cast %parallel_loop3A_1726 : vector<1x16xf32> to vector<16xf32>
      %parallel_loop3A_1728 = vector.shape_cast %parallel_loop3A_1718 : vector<16xf32> to vector<1x16xf32>
      tpu.vector_store %arg16[%parallel_loop3A_1724, %parallel_loop3A_1725], %parallel_loop3A_1728 {add = true, strides = array<i32>} : memref<8x1024xf32, #tpu.memory_space<vmem>>, vector<1x16xf32>,
      %parallel_loop3A_1729 = arith.index_cast %parallel_loop3A_1696 : i32 to index
      %parallel_loop3A_1730 = arith.index_cast %parallel_loop3A_1714 : i32 to index
      %parallel_loop3A_1731 = tpu.vector_load %arg17[%parallel_loop3A_1729, %parallel_loop3A_1730] {strides = array<i32>} : memref<8x1024xf32, #tpu.memory_space<vmem>>, vector<1x16xf32>,
      %parallel_loop3A_1732 = vector.shape_cast %parallel_loop3A_1731 : vector<1x16xf32> to vector<16xf32>
      %parallel_loop3A_1733 = vector.shape_cast %parallel_loop3A_1718 : vector<16xf32> to vector<1x16xf32>
      tpu.vector_store %arg17[%parallel_loop3A_1729, %parallel_loop3A_1730], %parallel_loop3A_1733 {add = true, strides = array<i32>} : memref<8x1024xf32, #tpu.memory_space<vmem>>, vector<1x16xf32>,
      %parallel_loop3A_1734 = arith.index_cast %parallel_loop3A_1696 : i32 to index
      %parallel_loop3A_1735 = arith.index_cast %parallel_loop3A_1714 : i32 to index
      %parallel_loop3A_1736 = tpu.vector_load %arg18[%parallel_loop3A_1734, %parallel_loop3A_1735] {strides = array<i32>} : memref<8x1024xf32, #tpu.memory_space<vmem>>, vector<1x16xf32>,
      %parallel_loop3A_1737 = vector.shape_cast %parallel_loop3A_1736 : vector<1x16xf32> to vector<16xf32>
      %parallel_loop3A_1738 = vector.shape_cast %parallel_loop3A_1718 : vector<16xf32> to vector<1x16xf32>
      tpu.vector_store %arg18[%parallel_loop3A_1734, %parallel_loop3A_1735], %parallel_loop3A_1738 {add = true, strides = array<i32>} : memref<8x1024xf32, #tpu.memory_space<vmem>>, vector<1x16xf32>,
    } {sc.loop_unroll_factor = 2 : i64, sc.parallel_access}
    %add3A_666 = arith.constant 0 : i32
    %add3A_667 = arith.addi %add3A_666, %mul3A_2 : i32
    %add3A_668 = arith.constant 40 : i32
    %add3A_669 = arith.addi %add3A_667, %add3A_668 : i32
    %dma_start3A_670 = arith.constant 0 : i32
    %dma_start3A_671 = tpu.memref_slice %arg5[%add3A_669, %dma_start3A_670] : memref<16384x1024xf32, #tpu.memory_space<hbm>> -> memref<8x1024xf32, #tpu.memory_space<hbm>>
    %dma_start3A_672 = arith.constant 0 : i32
    %dma_start3A_673 = tpu.memref_slice %arg5[%add3A_669, %dma_start3A_672] : memref<16384x1024xf32, #tpu.memory_space<hbm>> -> memref<8x1024xf32, #tpu.memory_space<hbm>>
    tpu.enqueue_dma source(%arg15 : memref<8x1024xf32, #tpu.memory_space<vmem>>) target(%dma_start3A_673 : memref<8x1024xf32, #tpu.memory_space<hbm>>) target_semaphore(%arg30 : memref<!tpu.dma_semaphore, #tpu.memory_space<semaphore_mem>>)
    %add3A_674 = arith.constant 4096 : i32
    %add3A_675 = arith.addi %add3A_674, %mul3A_2 : i32
    %add3A_676 = arith.constant 40 : i32
    %add3A_677 = arith.addi %add3A_675, %add3A_676 : i32
    %dma_start3A_678 = arith.constant 0 : i32
    %dma_start3A_679 = tpu.memref_slice %arg5[%add3A_677, %dma_start3A_678] : memref<16384x1024xf32, #tpu.memory_space<hbm>> -> memref<8x1024xf32, #tpu.memory_space<hbm>>
    %dma_start3A_680 = arith.constant 0 : i32
    %dma_start3A_681 = tpu.memref_slice %arg5[%add3A_677, %dma_start3A_680] : memref<16384x1024xf32, #tpu.memory_space<hbm>> -> memref<8x1024xf32, #tpu.memory_space<hbm>>
    tpu.enqueue_dma source(%arg16 : memref<8x1024xf32, #tpu.memory_space<vmem>>) target(%dma_start3A_681 : memref<8x1024xf32, #tpu.memory_space<hbm>>) target_semaphore(%arg30 : memref<!tpu.dma_semaphore, #tpu.memory_space<semaphore_mem>>)
    %add3A_682 = arith.constant 8192 : i32
    %add3A_683 = arith.addi %add3A_682, %mul3A_2 : i32
    %add3A_684 = arith.constant 40 : i32
    %add3A_685 = arith.addi %add3A_683, %add3A_684 : i32
    %dma_start3A_686 = arith.constant 0 : i32
    %dma_start3A_687 = tpu.memref_slice %arg5[%add3A_685, %dma_start3A_686] : memref<16384x1024xf32, #tpu.memory_space<hbm>> -> memref<8x1024xf32, #tpu.memory_space<hbm>>
    %dma_start3A_688 = arith.constant 0 : i32
    %dma_start3A_689 = tpu.memref_slice %arg5[%add3A_685, %dma_start3A_688] : memref<16384x1024xf32, #tpu.memory_space<hbm>> -> memref<8x1024xf32, #tpu.memory_space<hbm>>
    tpu.enqueue_dma source(%arg17 : memref<8x1024xf32, #tpu.memory_space<vmem>>) target(%dma_start3A_689 : memref<8x1024xf32, #tpu.memory_space<hbm>>) target_semaphore(%arg30 : memref<!tpu.dma_semaphore, #tpu.memory_space<semaphore_mem>>)
    %add3A_690 = arith.constant 12288 : i32
    %add3A_691 = arith.addi %add3A_690, %mul3A_2 : i32
    %add3A_692 = arith.constant 40 : i32
    %add3A_693 = arith.addi %add3A_691, %add3A_692 : i32
    %dma_start3A_694 = arith.constant 0 : i32
    %dma_start3A_695 = tpu.memref_slice %arg5[%add3A_693, %dma_start3A_694] : memref<16384x1024xf32, #tpu.memory_space<hbm>> -> memref<8x1024xf32, #tpu.memory_space<hbm>>
    %dma_start3A_696 = arith.constant 0 : i32
    %dma_start3A_697 = tpu.memref_slice %arg5[%add3A_693, %dma_start3A_696] : memref<16384x1024xf32, #tpu.memory_space<hbm>> -> memref<8x1024xf32, #tpu.memory_space<hbm>>
    tpu.enqueue_dma source(%arg18 : memref<8x1024xf32, #tpu.memory_space<vmem>>) target(%dma_start3A_697 : memref<8x1024xf32, #tpu.memory_space<hbm>>) target_semaphore(%arg30 : memref<!tpu.dma_semaphore, #tpu.memory_space<semaphore_mem>>)
    %dma_wait3A_698 = arith.constant 0 : i32
    %dma_wait3A_699 = tpu.memref_slice %arg5[%add3A_669, %dma_wait3A_698] : memref<16384x1024xf32, #tpu.memory_space<hbm>> -> memref<8x1024xf32, #tpu.memory_space<hbm>>
    %dma_wait3A_700 = arith.constant 0 : i32
    %dma_wait3A_701 = tpu.memref_slice %arg5[%add3A_669, %dma_wait3A_700] : memref<16384x1024xf32, #tpu.memory_space<hbm>> -> memref<8x1024xf32, #tpu.memory_space<hbm>>
    tpu.wait_dma2 semaphore(%arg30 : memref<!tpu.dma_semaphore, #tpu.memory_space<semaphore_mem>>) src(%arg15 : memref<8x1024xf32, #tpu.memory_space<vmem>>) dst(%dma_wait3A_701 : memref<8x1024xf32, #tpu.memory_space<hbm>>)
    %dma_wait3A_702 = arith.constant 0 : i32
    %dma_wait3A_703 = tpu.memref_slice %arg5[%add3A_677, %dma_wait3A_702] : memref<16384x1024xf32, #tpu.memory_space<hbm>> -> memref<8x1024xf32, #tpu.memory_space<hbm>>
    %dma_wait3A_704 = arith.constant 0 : i32
    %dma_wait3A_705 = tpu.memref_slice %arg5[%add3A_677, %dma_wait3A_704] : memref<16384x1024xf32, #tpu.memory_space<hbm>> -> memref<8x1024xf32, #tpu.memory_space<hbm>>
    tpu.wait_dma2 semaphore(%arg30 : memref<!tpu.dma_semaphore, #tpu.memory_space<semaphore_mem>>) src(%arg16 : memref<8x1024xf32, #tpu.memory_space<vmem>>) dst(%dma_wait3A_705 : memref<8x1024xf32, #tpu.memory_space<hbm>>)
    %dma_wait3A_706 = arith.constant 0 : i32
    %dma_wait3A_707 = tpu.memref_slice %arg5[%add3A_685, %dma_wait3A_706] : memref<16384x1024xf32, #tpu.memory_space<hbm>> -> memref<8x1024xf32, #tpu.memory_space<hbm>>
    %dma_wait3A_708 = arith.constant 0 : i32
    %dma_wait3A_709 = tpu.memref_slice %arg5[%add3A_685, %dma_wait3A_708] : memref<16384x1024xf32, #tpu.memory_space<hbm>> -> memref<8x1024xf32, #tpu.memory_space<hbm>>
    tpu.wait_dma2 semaphore(%arg30 : memref<!tpu.dma_semaphore, #tpu.memory_space<semaphore_mem>>) src(%arg17 : memref<8x1024xf32, #tpu.memory_space<vmem>>) dst(%dma_wait3A_709 : memref<8x1024xf32, #tpu.memory_space<hbm>>)
    %dma_wait3A_710 = arith.constant 0 : i32
    %dma_wait3A_711 = tpu.memref_slice %arg5[%add3A_693, %dma_wait3A_710] : memref<16384x1024xf32, #tpu.memory_space<hbm>> -> memref<8x1024xf32, #tpu.memory_space<hbm>>
    %dma_wait3A_712 = arith.constant 0 : i32
    %dma_wait3A_713 = tpu.memref_slice %arg5[%add3A_693, %dma_wait3A_712] : memref<16384x1024xf32, #tpu.memory_space<hbm>> -> memref<8x1024xf32, #tpu.memory_space<hbm>>
    tpu.wait_dma2 semaphore(%arg30 : memref<!tpu.dma_semaphore, #tpu.memory_space<semaphore_mem>>) src(%arg18 : memref<8x1024xf32, #tpu.memory_space<vmem>>) dst(%dma_wait3A_713 : memref<8x1024xf32, #tpu.memory_space<hbm>>)
    %add3A_714 = arith.constant 64 : i32
    %add3A_715 = arith.addi %mul3A_2, %add3A_714 : i32
    %dma_start3A_716 = arith.constant 0 : i32
    %dma_start3A_717 = tpu.memref_slice %arg4[%add3A_715, %dma_start3A_716] : memref<8192x1024xf32, #tpu.memory_space<hbm>> -> memref<8x1024xf32, #tpu.memory_space<hbm>>
    %dma_start3A_718 = arith.constant 0 : i32
    %dma_start3A_719 = tpu.memref_slice %arg4[%add3A_715, %dma_start3A_718] : memref<8192x1024xf32, #tpu.memory_space<hbm>> -> memref<8x1024xf32, #tpu.memory_space<hbm>>
    tpu.enqueue_dma source(%dma_start3A_719 : memref<8x1024xf32, #tpu.memory_space<hbm>>) target(%arg21 : memref<8x1024xf32, #tpu.memory_space<vmem>>) target_semaphore(%arg27 : memref<!tpu.dma_semaphore, #tpu.memory_space<semaphore_mem>>)
    %dma_start3A_720 = arith.constant 64 : i32
    %dma_start3A_721 = tpu.memref_slice %arg6[%dma_start3A_720] : memref<512xi32, #tpu.memory_space<vmem>> -> memref<8xi32, #tpu.memory_space<vmem>>
    %dma_start3A_722 = arith.constant 0 : i32
    %dma_start3A_723 = arith.constant 0 : i32
    %dma_start3A_724 = tpu.memref_slice %arg3[%dma_start3A_722, %dma_start3A_723] : memref<100000x1024xf32, #tpu.memory_space<hbm>> -> memref<100000x1024xf32, #tpu.memory_space<hbm>>
    tpu.enqueue_indirect_dma source(%dma_start3A_724 : memref<100000x1024xf32, #tpu.memory_space<hbm>>) target(%arg15 : memref<8x1024xf32, #tpu.memory_space<vmem>>) offsets(%dma_start3A_721 : memref<8xi32, #tpu.memory_space<vmem>>) semaphore(%arg24 : memref<!tpu.dma_semaphore, #tpu.memory_space<semaphore_mem>>)
    %dma_start3A_725 = arith.constant 192 : i32
    %dma_start3A_726 = tpu.memref_slice %arg6[%dma_start3A_725] : memref<512xi32, #tpu.memory_space<vmem>> -> memref<8xi32, #tpu.memory_space<vmem>>
    %dma_start3A_727 = arith.constant 0 : i32
    %dma_start3A_728 = arith.constant 0 : i32
    %dma_start3A_729 = tpu.memref_slice %arg3[%dma_start3A_727, %dma_start3A_728] : memref<100000x1024xf32, #tpu.memory_space<hbm>> -> memref<100000x1024xf32, #tpu.memory_space<hbm>>
    tpu.enqueue_indirect_dma source(%dma_start3A_729 : memref<100000x1024xf32, #tpu.memory_space<hbm>>) target(%arg16 : memref<8x1024xf32, #tpu.memory_space<vmem>>) offsets(%dma_start3A_726 : memref<8xi32, #tpu.memory_space<vmem>>) semaphore(%arg24 : memref<!tpu.dma_semaphore, #tpu.memory_space<semaphore_mem>>)
    %dma_start3A_730 = arith.constant 320 : i32
    %dma_start3A_731 = tpu.memref_slice %arg6[%dma_start3A_730] : memref<512xi32, #tpu.memory_space<vmem>> -> memref<8xi32, #tpu.memory_space<vmem>>
    %dma_start3A_732 = arith.constant 0 : i32
    %dma_start3A_733 = arith.constant 0 : i32
    %dma_start3A_734 = tpu.memref_slice %arg3[%dma_start3A_732, %dma_start3A_733] : memref<100000x1024xf32, #tpu.memory_space<hbm>> -> memref<100000x1024xf32, #tpu.memory_space<hbm>>
    tpu.enqueue_indirect_dma source(%dma_start3A_734 : memref<100000x1024xf32, #tpu.memory_space<hbm>>) target(%arg17 : memref<8x1024xf32, #tpu.memory_space<vmem>>) offsets(%dma_start3A_731 : memref<8xi32, #tpu.memory_space<vmem>>) semaphore(%arg24 : memref<!tpu.dma_semaphore, #tpu.memory_space<semaphore_mem>>)
    %dma_start3A_735 = arith.constant 448 : i32
    %dma_start3A_736 = tpu.memref_slice %arg6[%dma_start3A_735] : memref<512xi32, #tpu.memory_space<vmem>> -> memref<8xi32, #tpu.memory_space<vmem>>
    %dma_start3A_737 = arith.constant 0 : i32
    %dma_start3A_738 = arith.constant 0 : i32
    %dma_start3A_739 = tpu.memref_slice %arg3[%dma_start3A_737, %dma_start3A_738] : memref<100000x1024xf32, #tpu.memory_space<hbm>> -> memref<100000x1024xf32, #tpu.memory_space<hbm>>
    tpu.enqueue_indirect_dma source(%dma_start3A_739 : memref<100000x1024xf32, #tpu.memory_space<hbm>>) target(%arg18 : memref<8x1024xf32, #tpu.memory_space<vmem>>) offsets(%dma_start3A_736 : memref<8xi32, #tpu.memory_space<vmem>>) semaphore(%arg24 : memref<!tpu.dma_semaphore, #tpu.memory_space<semaphore_mem>>)
    %dma_wait3A_740 = arith.constant 0 : i32
    %dma_wait3A_741 = tpu.memref_slice %arg4[%add3A_513, %dma_wait3A_740] : memref<8192x1024xf32, #tpu.memory_space<hbm>> -> memref<8x1024xf32, #tpu.memory_space<hbm>>
    %dma_wait3A_742 = arith.constant 0 : i32
    %dma_wait3A_743 = tpu.memref_slice %arg4[%add3A_513, %dma_wait3A_742] : memref<8192x1024xf32, #tpu.memory_space<hbm>> -> memref<8x1024xf32, #tpu.memory_space<hbm>>
    tpu.wait_dma2 semaphore(%arg25 : memref<!tpu.dma_semaphore, #tpu.memory_space<semaphore_mem>>) src(%dma_wait3A_743 : memref<8x1024xf32, #tpu.memory_space<hbm>>) dst(%arg19 : memref<8x1024xf32, #tpu.memory_space<vmem>>)
    %dma_wait3A_744 = arith.constant 48 : i32
    %dma_wait3A_745 = tpu.memref_slice %arg6[%dma_wait3A_744] : memref<512xi32, #tpu.memory_space<vmem>> -> memref<8xi32, #tpu.memory_space<vmem>>
    %dma_wait3A_746 = arith.constant 0 : i32
    %dma_wait3A_747 = arith.constant 0 : i32
    %dma_wait3A_748 = tpu.memref_slice %arg3[%dma_wait3A_746, %dma_wait3A_747] : memref<100000x1024xf32, #tpu.memory_space<hbm>> -> memref<100000x1024xf32, #tpu.memory_space<hbm>>
    tpu.wait_indirect_dma semaphore(%arg22 : memref<!tpu.dma_semaphore, #tpu.memory_space<semaphore_mem>>) src(%dma_wait3A_748 : memref<100000x1024xf32, #tpu.memory_space<hbm>>) dst(%arg7 : memref<8x1024xf32, #tpu.memory_space<vmem>>)
    %dma_wait3A_749 = arith.constant 176 : i32
    %dma_wait3A_750 = tpu.memref_slice %arg6[%dma_wait3A_749] : memref<512xi32, #tpu.memory_space<vmem>> -> memref<8xi32, #tpu.memory_space<vmem>>
    %dma_wait3A_751 = arith.constant 0 : i32
    %dma_wait3A_752 = arith.constant 0 : i32
    %dma_wait3A_753 = tpu.memref_slice %arg3[%dma_wait3A_751, %dma_wait3A_752] : memref<100000x1024xf32, #tpu.memory_space<hbm>> -> memref<100000x1024xf32, #tpu.memory_space<hbm>>
    tpu.wait_indirect_dma semaphore(%arg22 : memref<!tpu.dma_semaphore, #tpu.memory_space<semaphore_mem>>) src(%dma_wait3A_753 : memref<100000x1024xf32, #tpu.memory_space<hbm>>) dst(%arg8 : memref<8x1024xf32, #tpu.memory_space<vmem>>)
    %dma_wait3A_754 = arith.constant 304 : i32
    %dma_wait3A_755 = tpu.memref_slice %arg6[%dma_wait3A_754] : memref<512xi32, #tpu.memory_space<vmem>> -> memref<8xi32, #tpu.memory_space<vmem>>
    %dma_wait3A_756 = arith.constant 0 : i32
    %dma_wait3A_757 = arith.constant 0 : i32
    %dma_wait3A_758 = tpu.memref_slice %arg3[%dma_wait3A_756, %dma_wait3A_757] : memref<100000x1024xf32, #tpu.memory_space<hbm>> -> memref<100000x1024xf32, #tpu.memory_space<hbm>>
    tpu.wait_indirect_dma semaphore(%arg22 : memref<!tpu.dma_semaphore, #tpu.memory_space<semaphore_mem>>) src(%dma_wait3A_758 : memref<100000x1024xf32, #tpu.memory_space<hbm>>) dst(%arg9 : memref<8x1024xf32, #tpu.memory_space<vmem>>)
    %dma_wait3A_759 = arith.constant 432 : i32
    %dma_wait3A_760 = tpu.memref_slice %arg6[%dma_wait3A_759] : memref<512xi32, #tpu.memory_space<vmem>> -> memref<8xi32, #tpu.memory_space<vmem>>
    %dma_wait3A_761 = arith.constant 0 : i32
    %dma_wait3A_762 = arith.constant 0 : i32
    %dma_wait3A_763 = tpu.memref_slice %arg3[%dma_wait3A_761, %dma_wait3A_762] : memref<100000x1024xf32, #tpu.memory_space<hbm>> -> memref<100000x1024xf32, #tpu.memory_space<hbm>>
    tpu.wait_indirect_dma semaphore(%arg22 : memref<!tpu.dma_semaphore, #tpu.memory_space<semaphore_mem>>) src(%dma_wait3A_763 : memref<100000x1024xf32, #tpu.memory_space<hbm>>) dst(%arg10 : memref<8x1024xf32, #tpu.memory_space<vmem>>)
    %parallel_loop3A_764 = arith.constant 0 : i32
    %parallel_loop3A_765 = arith.constant 512 : i32
    %parallel_loop3A_766 = arith.constant 1 : i32
    scf.for %parallel_loop3A_1672 = %parallel_loop3A_764 to %parallel_loop3A_765 step %parallel_loop3A_766  : i32 {
      %parallel_loop3A_1673 = arith.constant 64 : i32
      %parallel_loop3A_1674 = arith.divsi %parallel_loop3A_1672, %parallel_loop3A_1673 : i32
      %parallel_loop3A_1675 = arith.constant 0 : i32
      %parallel_loop3A_1676 = arith.cmpi sgt, %parallel_loop3A_1672, %parallel_loop3A_1675 : i32
      %parallel_loop3A_1677 = arith.extui %parallel_loop3A_1676 : i1 to i32
      %parallel_loop3A_1678 = arith.constant 0 : i32
      %parallel_loop3A_1679 = arith.cmpi slt, %parallel_loop3A_1672, %parallel_loop3A_1678 : i32
      %parallel_loop3A_1680 = arith.extui %parallel_loop3A_1679 : i1 to i32
      %parallel_loop3A_1681 = arith.subi %parallel_loop3A_1677, %parallel_loop3A_1680 : i32
      %parallel_loop3A_1682 = arith.constant 0 : i32
      %parallel_loop3A_1683 = arith.cmpi sgt, %parallel_loop3A_1673, %parallel_loop3A_1682 : i32
      %parallel_loop3A_1684 = arith.extui %parallel_loop3A_1683 : i1 to i32
      %parallel_loop3A_1685 = arith.constant 0 : i32
      %parallel_loop3A_1686 = arith.cmpi slt, %parallel_loop3A_1673, %parallel_loop3A_1685 : i32
      %parallel_loop3A_1687 = arith.extui %parallel_loop3A_1686 : i1 to i32
      %parallel_loop3A_1688 = arith.subi %parallel_loop3A_1684, %parallel_loop3A_1687 : i32
      %parallel_loop3A_1689 = arith.cmpi ne, %parallel_loop3A_1681, %parallel_loop3A_1688 : i32
      %parallel_loop3A_1690 = arith.remsi %parallel_loop3A_1672, %parallel_loop3A_1673 : i32
      %parallel_loop3A_1691 = arith.constant 0 : i32
      %parallel_loop3A_1692 = arith.cmpi ne, %parallel_loop3A_1690, %parallel_loop3A_1691 : i32
      %parallel_loop3A_1693 = arith.andi %parallel_loop3A_1689, %parallel_loop3A_1692 : i1
      %parallel_loop3A_1694 = arith.constant 1 : i32
      %parallel_loop3A_1695 = arith.subi %parallel_loop3A_1674, %parallel_loop3A_1694 : i32
      %parallel_loop3A_1696 = arith.select %parallel_loop3A_1693, %parallel_loop3A_1695, %parallel_loop3A_1674 : i32
      %parallel_loop3A_1697 = arith.constant 64 : i32
      %parallel_loop3A_1698 = arith.constant 0 : i32
      %parallel_loop3A_1699 = arith.cmpi eq, %parallel_loop3A_1697, %parallel_loop3A_1698 : i32
      %parallel_loop3A_1700 = arith.constant 1 : i32
      %parallel_loop3A_1701 = arith.select %parallel_loop3A_1699, %parallel_loop3A_1700, %parallel_loop3A_1697 : i32
      %parallel_loop3A_1702 = arith.remsi %parallel_loop3A_1672, %parallel_loop3A_1701 : i32
      %parallel_loop3A_1703 = arith.constant 0 : i32
      %parallel_loop3A_1704 = arith.cmpi ne, %parallel_loop3A_1702, %parallel_loop3A_1703 : i32
      %parallel_loop3A_1705 = arith.constant 0 : i32
      %parallel_loop3A_1706 = arith.cmpi slt, %parallel_loop3A_1702, %parallel_loop3A_1705 : i32
      %parallel_loop3A_1707 = arith.constant 0 : i32
      %parallel_loop3A_1708 = arith.cmpi slt, %parallel_loop3A_1701, %parallel_loop3A_1707 : i32
      %parallel_loop3A_1709 = arith.xori %parallel_loop3A_1706, %parallel_loop3A_1708 : i1
      %parallel_loop3A_1710 = arith.andi %parallel_loop3A_1709, %parallel_loop3A_1704 : i1
      %parallel_loop3A_1711 = arith.addi %parallel_loop3A_1702, %parallel_loop3A_1701 : i32
      %parallel_loop3A_1712 = arith.select %parallel_loop3A_1710, %parallel_loop3A_1711, %parallel_loop3A_1702 : i32
      %parallel_loop3A_1713 = arith.constant 16 : i32
      %parallel_loop3A_1714 = arith.muli %parallel_loop3A_1712, %parallel_loop3A_1713 : i32
      %parallel_loop3A_1715 = arith.index_cast %parallel_loop3A_1696 : i32 to index
      %parallel_loop3A_1716 = arith.index_cast %parallel_loop3A_1714 : i32 to index
      %parallel_loop3A_1717 = tpu.vector_load %arg19[%parallel_loop3A_1715, %parallel_loop3A_1716] {strides = array<i32>} : memref<8x1024xf32, #tpu.memory_space<vmem>>, vector<1x16xf32>,
      %parallel_loop3A_1718 = vector.shape_cast %parallel_loop3A_1717 : vector<1x16xf32> to vector<16xf32>
      %parallel_loop3A_1719 = arith.index_cast %parallel_loop3A_1696 : i32 to index
      %parallel_loop3A_1720 = arith.index_cast %parallel_loop3A_1714 : i32 to index
      %parallel_loop3A_1721 = tpu.vector_load %arg7[%parallel_loop3A_1719, %parallel_loop3A_1720] {strides = array<i32>} : memref<8x1024xf32, #tpu.memory_space<vmem>>, vector<1x16xf32>,
      %parallel_loop3A_1722 = vector.shape_cast %parallel_loop3A_1721 : vector<1x16xf32> to vector<16xf32>
      %parallel_loop3A_1723 = vector.shape_cast %parallel_loop3A_1718 : vector<16xf32> to vector<1x16xf32>
      tpu.vector_store %arg7[%parallel_loop3A_1719, %parallel_loop3A_1720], %parallel_loop3A_1723 {add = true, strides = array<i32>} : memref<8x1024xf32, #tpu.memory_space<vmem>>, vector<1x16xf32>,
      %parallel_loop3A_1724 = arith.index_cast %parallel_loop3A_1696 : i32 to index
      %parallel_loop3A_1725 = arith.index_cast %parallel_loop3A_1714 : i32 to index
      %parallel_loop3A_1726 = tpu.vector_load %arg8[%parallel_loop3A_1724, %parallel_loop3A_1725] {strides = array<i32>} : memref<8x1024xf32, #tpu.memory_space<vmem>>, vector<1x16xf32>,
      %parallel_loop3A_1727 = vector.shape_cast %parallel_loop3A_1726 : vector<1x16xf32> to vector<16xf32>
      %parallel_loop3A_1728 = vector.shape_cast %parallel_loop3A_1718 : vector<16xf32> to vector<1x16xf32>
      tpu.vector_store %arg8[%parallel_loop3A_1724, %parallel_loop3A_1725], %parallel_loop3A_1728 {add = true, strides = array<i32>} : memref<8x1024xf32, #tpu.memory_space<vmem>>, vector<1x16xf32>,
      %parallel_loop3A_1729 = arith.index_cast %parallel_loop3A_1696 : i32 to index
      %parallel_loop3A_1730 = arith.index_cast %parallel_loop3A_1714 : i32 to index
      %parallel_loop3A_1731 = tpu.vector_load %arg9[%parallel_loop3A_1729, %parallel_loop3A_1730] {strides = array<i32>} : memref<8x1024xf32, #tpu.memory_space<vmem>>, vector<1x16xf32>,
      %parallel_loop3A_1732 = vector.shape_cast %parallel_loop3A_1731 : vector<1x16xf32> to vector<16xf32>
      %parallel_loop3A_1733 = vector.shape_cast %parallel_loop3A_1718 : vector<16xf32> to vector<1x16xf32>
      tpu.vector_store %arg9[%parallel_loop3A_1729, %parallel_loop3A_1730], %parallel_loop3A_1733 {add = true, strides = array<i32>} : memref<8x1024xf32, #tpu.memory_space<vmem>>, vector<1x16xf32>,
      %parallel_loop3A_1734 = arith.index_cast %parallel_loop3A_1696 : i32 to index
      %parallel_loop3A_1735 = arith.index_cast %parallel_loop3A_1714 : i32 to index
      %parallel_loop3A_1736 = tpu.vector_load %arg10[%parallel_loop3A_1734, %parallel_loop3A_1735] {strides = array<i32>} : memref<8x1024xf32, #tpu.memory_space<vmem>>, vector<1x16xf32>,
      %parallel_loop3A_1737 = vector.shape_cast %parallel_loop3A_1736 : vector<1x16xf32> to vector<16xf32>
      %parallel_loop3A_1738 = vector.shape_cast %parallel_loop3A_1718 : vector<16xf32> to vector<1x16xf32>
      tpu.vector_store %arg10[%parallel_loop3A_1734, %parallel_loop3A_1735], %parallel_loop3A_1738 {add = true, strides = array<i32>} : memref<8x1024xf32, #tpu.memory_space<vmem>>, vector<1x16xf32>,
    } {sc.loop_unroll_factor = 2 : i64, sc.parallel_access}
    %add3A_767 = arith.constant 0 : i32
    %add3A_768 = arith.addi %add3A_767, %mul3A_2 : i32
    %add3A_769 = arith.constant 48 : i32
    %add3A_770 = arith.addi %add3A_768, %add3A_769 : i32
    %dma_start3A_771 = arith.constant 0 : i32
    %dma_start3A_772 = tpu.memref_slice %arg5[%add3A_770, %dma_start3A_771] : memref<16384x1024xf32, #tpu.memory_space<hbm>> -> memref<8x1024xf32, #tpu.memory_space<hbm>>
    %dma_start3A_773 = arith.constant 0 : i32
    %dma_start3A_774 = tpu.memref_slice %arg5[%add3A_770, %dma_start3A_773] : memref<16384x1024xf32, #tpu.memory_space<hbm>> -> memref<8x1024xf32, #tpu.memory_space<hbm>>
    tpu.enqueue_dma source(%arg7 : memref<8x1024xf32, #tpu.memory_space<vmem>>) target(%dma_start3A_774 : memref<8x1024xf32, #tpu.memory_space<hbm>>) target_semaphore(%arg28 : memref<!tpu.dma_semaphore, #tpu.memory_space<semaphore_mem>>)
    %add3A_775 = arith.constant 4096 : i32
    %add3A_776 = arith.addi %add3A_775, %mul3A_2 : i32
    %add3A_777 = arith.constant 48 : i32
    %add3A_778 = arith.addi %add3A_776, %add3A_777 : i32
    %dma_start3A_779 = arith.constant 0 : i32
    %dma_start3A_780 = tpu.memref_slice %arg5[%add3A_778, %dma_start3A_779] : memref<16384x1024xf32, #tpu.memory_space<hbm>> -> memref<8x1024xf32, #tpu.memory_space<hbm>>
    %dma_start3A_781 = arith.constant 0 : i32
    %dma_start3A_782 = tpu.memref_slice %arg5[%add3A_778, %dma_start3A_781] : memref<16384x1024xf32, #tpu.memory_space<hbm>> -> memref<8x1024xf32, #tpu.memory_space<hbm>>
    tpu.enqueue_dma source(%arg8 : memref<8x1024xf32, #tpu.memory_space<vmem>>) target(%dma_start3A_782 : memref<8x1024xf32, #tpu.memory_space<hbm>>) target_semaphore(%arg28 : memref<!tpu.dma_semaphore, #tpu.memory_space<semaphore_mem>>)
    %add3A_783 = arith.constant 8192 : i32
    %add3A_784 = arith.addi %add3A_783, %mul3A_2 : i32
    %add3A_785 = arith.constant 48 : i32
    %add3A_786 = arith.addi %add3A_784, %add3A_785 : i32
    %dma_start3A_787 = arith.constant 0 : i32
    %dma_start3A_788 = tpu.memref_slice %arg5[%add3A_786, %dma_start3A_787] : memref<16384x1024xf32, #tpu.memory_space<hbm>> -> memref<8x1024xf32, #tpu.memory_space<hbm>>
    %dma_start3A_789 = arith.constant 0 : i32
    %dma_start3A_790 = tpu.memref_slice %arg5[%add3A_786, %dma_start3A_789] : memref<16384x1024xf32, #tpu.memory_space<hbm>> -> memref<8x1024xf32, #tpu.memory_space<hbm>>
    tpu.enqueue_dma source(%arg9 : memref<8x1024xf32, #tpu.memory_space<vmem>>) target(%dma_start3A_790 : memref<8x1024xf32, #tpu.memory_space<hbm>>) target_semaphore(%arg28 : memref<!tpu.dma_semaphore, #tpu.memory_space<semaphore_mem>>)
    %add3A_791 = arith.constant 12288 : i32
    %add3A_792 = arith.addi %add3A_791, %mul3A_2 : i32
    %add3A_793 = arith.constant 48 : i32
    %add3A_794 = arith.addi %add3A_792, %add3A_793 : i32
    %dma_start3A_795 = arith.constant 0 : i32
    %dma_start3A_796 = tpu.memref_slice %arg5[%add3A_794, %dma_start3A_795] : memref<16384x1024xf32, #tpu.memory_space<hbm>> -> memref<8x1024xf32, #tpu.memory_space<hbm>>
    %dma_start3A_797 = arith.constant 0 : i32
    %dma_start3A_798 = tpu.memref_slice %arg5[%add3A_794, %dma_start3A_797] : memref<16384x1024xf32, #tpu.memory_space<hbm>> -> memref<8x1024xf32, #tpu.memory_space<hbm>>
    tpu.enqueue_dma source(%arg10 : memref<8x1024xf32, #tpu.memory_space<vmem>>) target(%dma_start3A_798 : memref<8x1024xf32, #tpu.memory_space<hbm>>) target_semaphore(%arg28 : memref<!tpu.dma_semaphore, #tpu.memory_space<semaphore_mem>>)
    %dma_wait3A_799 = arith.constant 0 : i32
    %dma_wait3A_800 = tpu.memref_slice %arg5[%add3A_770, %dma_wait3A_799] : memref<16384x1024xf32, #tpu.memory_space<hbm>> -> memref<8x1024xf32, #tpu.memory_space<hbm>>
    %dma_wait3A_801 = arith.constant 0 : i32
    %dma_wait3A_802 = tpu.memref_slice %arg5[%add3A_770, %dma_wait3A_801] : memref<16384x1024xf32, #tpu.memory_space<hbm>> -> memref<8x1024xf32, #tpu.memory_space<hbm>>
    tpu.wait_dma2 semaphore(%arg28 : memref<!tpu.dma_semaphore, #tpu.memory_space<semaphore_mem>>) src(%arg7 : memref<8x1024xf32, #tpu.memory_space<vmem>>) dst(%dma_wait3A_802 : memref<8x1024xf32, #tpu.memory_space<hbm>>)
    %dma_wait3A_803 = arith.constant 0 : i32
    %dma_wait3A_804 = tpu.memref_slice %arg5[%add3A_778, %dma_wait3A_803] : memref<16384x1024xf32, #tpu.memory_space<hbm>> -> memref<8x1024xf32, #tpu.memory_space<hbm>>
    %dma_wait3A_805 = arith.constant 0 : i32
    %dma_wait3A_806 = tpu.memref_slice %arg5[%add3A_778, %dma_wait3A_805] : memref<16384x1024xf32, #tpu.memory_space<hbm>> -> memref<8x1024xf32, #tpu.memory_space<hbm>>
    tpu.wait_dma2 semaphore(%arg28 : memref<!tpu.dma_semaphore, #tpu.memory_space<semaphore_mem>>) src(%arg8 : memref<8x1024xf32, #tpu.memory_space<vmem>>) dst(%dma_wait3A_806 : memref<8x1024xf32, #tpu.memory_space<hbm>>)
    %dma_wait3A_807 = arith.constant 0 : i32
    %dma_wait3A_808 = tpu.memref_slice %arg5[%add3A_786, %dma_wait3A_807] : memref<16384x1024xf32, #tpu.memory_space<hbm>> -> memref<8x1024xf32, #tpu.memory_space<hbm>>
    %dma_wait3A_809 = arith.constant 0 : i32
    %dma_wait3A_810 = tpu.memref_slice %arg5[%add3A_786, %dma_wait3A_809] : memref<16384x1024xf32, #tpu.memory_space<hbm>> -> memref<8x1024xf32, #tpu.memory_space<hbm>>
    tpu.wait_dma2 semaphore(%arg28 : memref<!tpu.dma_semaphore, #tpu.memory_space<semaphore_mem>>) src(%arg9 : memref<8x1024xf32, #tpu.memory_space<vmem>>) dst(%dma_wait3A_810 : memref<8x1024xf32, #tpu.memory_space<hbm>>)
    %dma_wait3A_811 = arith.constant 0 : i32
    %dma_wait3A_812 = tpu.memref_slice %arg5[%add3A_794, %dma_wait3A_811] : memref<16384x1024xf32, #tpu.memory_space<hbm>> -> memref<8x1024xf32, #tpu.memory_space<hbm>>
    %dma_wait3A_813 = arith.constant 0 : i32
    %dma_wait3A_814 = tpu.memref_slice %arg5[%add3A_794, %dma_wait3A_813] : memref<16384x1024xf32, #tpu.memory_space<hbm>> -> memref<8x1024xf32, #tpu.memory_space<hbm>>
    tpu.wait_dma2 semaphore(%arg28 : memref<!tpu.dma_semaphore, #tpu.memory_space<semaphore_mem>>) src(%arg10 : memref<8x1024xf32, #tpu.memory_space<vmem>>) dst(%dma_wait3A_814 : memref<8x1024xf32, #tpu.memory_space<hbm>>)
    %add3A_815 = arith.constant 72 : i32
    %add3A_816 = arith.addi %mul3A_2, %add3A_815 : i32
    %dma_start3A_817 = arith.constant 0 : i32
    %dma_start3A_818 = tpu.memref_slice %arg4[%add3A_816, %dma_start3A_817] : memref<8192x1024xf32, #tpu.memory_space<hbm>> -> memref<8x1024xf32, #tpu.memory_space<hbm>>
    %dma_start3A_819 = arith.constant 0 : i32
    %dma_start3A_820 = tpu.memref_slice %arg4[%add3A_816, %dma_start3A_819] : memref<8192x1024xf32, #tpu.memory_space<hbm>> -> memref<8x1024xf32, #tpu.memory_space<hbm>>
    tpu.enqueue_dma source(%dma_start3A_820 : memref<8x1024xf32, #tpu.memory_space<hbm>>) target(%arg19 : memref<8x1024xf32, #tpu.memory_space<vmem>>) target_semaphore(%arg25 : memref<!tpu.dma_semaphore, #tpu.memory_space<semaphore_mem>>)
    %dma_start3A_821 = arith.constant 72 : i32
    %dma_start3A_822 = tpu.memref_slice %arg6[%dma_start3A_821] : memref<512xi32, #tpu.memory_space<vmem>> -> memref<8xi32, #tpu.memory_space<vmem>>
    %dma_start3A_823 = arith.constant 0 : i32
    %dma_start3A_824 = arith.constant 0 : i32
    %dma_start3A_825 = tpu.memref_slice %arg3[%dma_start3A_823, %dma_start3A_824] : memref<100000x1024xf32, #tpu.memory_space<hbm>> -> memref<100000x1024xf32, #tpu.memory_space<hbm>>
    tpu.enqueue_indirect_dma source(%dma_start3A_825 : memref<100000x1024xf32, #tpu.memory_space<hbm>>) target(%arg7 : memref<8x1024xf32, #tpu.memory_space<vmem>>) offsets(%dma_start3A_822 : memref<8xi32, #tpu.memory_space<vmem>>) semaphore(%arg22 : memref<!tpu.dma_semaphore, #tpu.memory_space<semaphore_mem>>)
    %dma_start3A_826 = arith.constant 200 : i32
    %dma_start3A_827 = tpu.memref_slice %arg6[%dma_start3A_826] : memref<512xi32, #tpu.memory_space<vmem>> -> memref<8xi32, #tpu.memory_space<vmem>>
    %dma_start3A_828 = arith.constant 0 : i32
    %dma_start3A_829 = arith.constant 0 : i32
    %dma_start3A_830 = tpu.memref_slice %arg3[%dma_start3A_828, %dma_start3A_829] : memref<100000x1024xf32, #tpu.memory_space<hbm>> -> memref<100000x1024xf32, #tpu.memory_space<hbm>>
    tpu.enqueue_indirect_dma source(%dma_start3A_830 : memref<100000x1024xf32, #tpu.memory_space<hbm>>) target(%arg8 : memref<8x1024xf32, #tpu.memory_space<vmem>>) offsets(%dma_start3A_827 : memref<8xi32, #tpu.memory_space<vmem>>) semaphore(%arg22 : memref<!tpu.dma_semaphore, #tpu.memory_space<semaphore_mem>>)
    %dma_start3A_831 = arith.constant 328 : i32
    %dma_start3A_832 = tpu.memref_slice %arg6[%dma_start3A_831] : memref<512xi32, #tpu.memory_space<vmem>> -> memref<8xi32, #tpu.memory_space<vmem>>
    %dma_start3A_833 = arith.constant 0 : i32
    %dma_start3A_834 = arith.constant 0 : i32
    %dma_start3A_835 = tpu.memref_slice %arg3[%dma_start3A_833, %dma_start3A_834] : memref<100000x1024xf32, #tpu.memory_space<hbm>> -> memref<100000x1024xf32, #tpu.memory_space<hbm>>
    tpu.enqueue_indirect_dma source(%dma_start3A_835 : memref<100000x1024xf32, #tpu.memory_space<hbm>>) target(%arg9 : memref<8x1024xf32, #tpu.memory_space<vmem>>) offsets(%dma_start3A_832 : memref<8xi32, #tpu.memory_space<vmem>>) semaphore(%arg22 : memref<!tpu.dma_semaphore, #tpu.memory_space<semaphore_mem>>)
    %dma_start3A_836 = arith.constant 456 : i32
    %dma_start3A_837 = tpu.memref_slice %arg6[%dma_start3A_836] : memref<512xi32, #tpu.memory_space<vmem>> -> memref<8xi32, #tpu.memory_space<vmem>>
    %dma_start3A_838 = arith.constant 0 : i32
    %dma_start3A_839 = arith.constant 0 : i32
    %dma_start3A_840 = tpu.memref_slice %arg3[%dma_start3A_838, %dma_start3A_839] : memref<100000x1024xf32, #tpu.memory_space<hbm>> -> memref<100000x1024xf32, #tpu.memory_space<hbm>>
    tpu.enqueue_indirect_dma source(%dma_start3A_840 : memref<100000x1024xf32, #tpu.memory_space<hbm>>) target(%arg10 : memref<8x1024xf32, #tpu.memory_space<vmem>>) offsets(%dma_start3A_837 : memref<8xi32, #tpu.memory_space<vmem>>) semaphore(%arg22 : memref<!tpu.dma_semaphore, #tpu.memory_space<semaphore_mem>>)
    %dma_wait3A_841 = arith.constant 0 : i32
    %dma_wait3A_842 = tpu.memref_slice %arg4[%add3A_614, %dma_wait3A_841] : memref<8192x1024xf32, #tpu.memory_space<hbm>> -> memref<8x1024xf32, #tpu.memory_space<hbm>>
    %dma_wait3A_843 = arith.constant 0 : i32
    %dma_wait3A_844 = tpu.memref_slice %arg4[%add3A_614, %dma_wait3A_843] : memref<8192x1024xf32, #tpu.memory_space<hbm>> -> memref<8x1024xf32, #tpu.memory_space<hbm>>
    tpu.wait_dma2 semaphore(%arg26 : memref<!tpu.dma_semaphore, #tpu.memory_space<semaphore_mem>>) src(%dma_wait3A_844 : memref<8x1024xf32, #tpu.memory_space<hbm>>) dst(%arg20 : memref<8x1024xf32, #tpu.memory_space<vmem>>)
    %dma_wait3A_845 = arith.constant 56 : i32
    %dma_wait3A_846 = tpu.memref_slice %arg6[%dma_wait3A_845] : memref<512xi32, #tpu.memory_space<vmem>> -> memref<8xi32, #tpu.memory_space<vmem>>
    %dma_wait3A_847 = arith.constant 0 : i32
    %dma_wait3A_848 = arith.constant 0 : i32
    %dma_wait3A_849 = tpu.memref_slice %arg3[%dma_wait3A_847, %dma_wait3A_848] : memref<100000x1024xf32, #tpu.memory_space<hbm>> -> memref<100000x1024xf32, #tpu.memory_space<hbm>>
    tpu.wait_indirect_dma semaphore(%arg23 : memref<!tpu.dma_semaphore, #tpu.memory_space<semaphore_mem>>) src(%dma_wait3A_849 : memref<100000x1024xf32, #tpu.memory_space<hbm>>) dst(%arg11 : memref<8x1024xf32, #tpu.memory_space<vmem>>)
    %dma_wait3A_850 = arith.constant 184 : i32
    %dma_wait3A_851 = tpu.memref_slice %arg6[%dma_wait3A_850] : memref<512xi32, #tpu.memory_space<vmem>> -> memref<8xi32, #tpu.memory_space<vmem>>
    %dma_wait3A_852 = arith.constant 0 : i32
    %dma_wait3A_853 = arith.constant 0 : i32
    %dma_wait3A_854 = tpu.memref_slice %arg3[%dma_wait3A_852, %dma_wait3A_853] : memref<100000x1024xf32, #tpu.memory_space<hbm>> -> memref<100000x1024xf32, #tpu.memory_space<hbm>>
    tpu.wait_indirect_dma semaphore(%arg23 : memref<!tpu.dma_semaphore, #tpu.memory_space<semaphore_mem>>) src(%dma_wait3A_854 : memref<100000x1024xf32, #tpu.memory_space<hbm>>) dst(%arg12 : memref<8x1024xf32, #tpu.memory_space<vmem>>)
    %dma_wait3A_855 = arith.constant 312 : i32
    %dma_wait3A_856 = tpu.memref_slice %arg6[%dma_wait3A_855] : memref<512xi32, #tpu.memory_space<vmem>> -> memref<8xi32, #tpu.memory_space<vmem>>
    %dma_wait3A_857 = arith.constant 0 : i32
    %dma_wait3A_858 = arith.constant 0 : i32
    %dma_wait3A_859 = tpu.memref_slice %arg3[%dma_wait3A_857, %dma_wait3A_858] : memref<100000x1024xf32, #tpu.memory_space<hbm>> -> memref<100000x1024xf32, #tpu.memory_space<hbm>>
    tpu.wait_indirect_dma semaphore(%arg23 : memref<!tpu.dma_semaphore, #tpu.memory_space<semaphore_mem>>) src(%dma_wait3A_859 : memref<100000x1024xf32, #tpu.memory_space<hbm>>) dst(%arg13 : memref<8x1024xf32, #tpu.memory_space<vmem>>)
    %dma_wait3A_860 = arith.constant 440 : i32
    %dma_wait3A_861 = tpu.memref_slice %arg6[%dma_wait3A_860] : memref<512xi32, #tpu.memory_space<vmem>> -> memref<8xi32, #tpu.memory_space<vmem>>
    %dma_wait3A_862 = arith.constant 0 : i32
    %dma_wait3A_863 = arith.constant 0 : i32
    %dma_wait3A_864 = tpu.memref_slice %arg3[%dma_wait3A_862, %dma_wait3A_863] : memref<100000x1024xf32, #tpu.memory_space<hbm>> -> memref<100000x1024xf32, #tpu.memory_space<hbm>>
    tpu.wait_indirect_dma semaphore(%arg23 : memref<!tpu.dma_semaphore, #tpu.memory_space<semaphore_mem>>) src(%dma_wait3A_864 : memref<100000x1024xf32, #tpu.memory_space<hbm>>) dst(%arg14 : memref<8x1024xf32, #tpu.memory_space<vmem>>)
    %parallel_loop3A_865 = arith.constant 0 : i32
    %parallel_loop3A_866 = arith.constant 512 : i32
    %parallel_loop3A_867 = arith.constant 1 : i32
    scf.for %parallel_loop3A_1672 = %parallel_loop3A_865 to %parallel_loop3A_866 step %parallel_loop3A_867  : i32 {
      %parallel_loop3A_1673 = arith.constant 64 : i32
      %parallel_loop3A_1674 = arith.divsi %parallel_loop3A_1672, %parallel_loop3A_1673 : i32
      %parallel_loop3A_1675 = arith.constant 0 : i32
      %parallel_loop3A_1676 = arith.cmpi sgt, %parallel_loop3A_1672, %parallel_loop3A_1675 : i32
      %parallel_loop3A_1677 = arith.extui %parallel_loop3A_1676 : i1 to i32
      %parallel_loop3A_1678 = arith.constant 0 : i32
      %parallel_loop3A_1679 = arith.cmpi slt, %parallel_loop3A_1672, %parallel_loop3A_1678 : i32
      %parallel_loop3A_1680 = arith.extui %parallel_loop3A_1679 : i1 to i32
      %parallel_loop3A_1681 = arith.subi %parallel_loop3A_1677, %parallel_loop3A_1680 : i32
      %parallel_loop3A_1682 = arith.constant 0 : i32
      %parallel_loop3A_1683 = arith.cmpi sgt, %parallel_loop3A_1673, %parallel_loop3A_1682 : i32
      %parallel_loop3A_1684 = arith.extui %parallel_loop3A_1683 : i1 to i32
      %parallel_loop3A_1685 = arith.constant 0 : i32
      %parallel_loop3A_1686 = arith.cmpi slt, %parallel_loop3A_1673, %parallel_loop3A_1685 : i32
      %parallel_loop3A_1687 = arith.extui %parallel_loop3A_1686 : i1 to i32
      %parallel_loop3A_1688 = arith.subi %parallel_loop3A_1684, %parallel_loop3A_1687 : i32
      %parallel_loop3A_1689 = arith.cmpi ne, %parallel_loop3A_1681, %parallel_loop3A_1688 : i32
      %parallel_loop3A_1690 = arith.remsi %parallel_loop3A_1672, %parallel_loop3A_1673 : i32
      %parallel_loop3A_1691 = arith.constant 0 : i32
      %parallel_loop3A_1692 = arith.cmpi ne, %parallel_loop3A_1690, %parallel_loop3A_1691 : i32
      %parallel_loop3A_1693 = arith.andi %parallel_loop3A_1689, %parallel_loop3A_1692 : i1
      %parallel_loop3A_1694 = arith.constant 1 : i32
      %parallel_loop3A_1695 = arith.subi %parallel_loop3A_1674, %parallel_loop3A_1694 : i32
      %parallel_loop3A_1696 = arith.select %parallel_loop3A_1693, %parallel_loop3A_1695, %parallel_loop3A_1674 : i32
      %parallel_loop3A_1697 = arith.constant 64 : i32
      %parallel_loop3A_1698 = arith.constant 0 : i32
      %parallel_loop3A_1699 = arith.cmpi eq, %parallel_loop3A_1697, %parallel_loop3A_1698 : i32
      %parallel_loop3A_1700 = arith.constant 1 : i32
      %parallel_loop3A_1701 = arith.select %parallel_loop3A_1699, %parallel_loop3A_1700, %parallel_loop3A_1697 : i32
      %parallel_loop3A_1702 = arith.remsi %parallel_loop3A_1672, %parallel_loop3A_1701 : i32
      %parallel_loop3A_1703 = arith.constant 0 : i32
      %parallel_loop3A_1704 = arith.cmpi ne, %parallel_loop3A_1702, %parallel_loop3A_1703 : i32
      %parallel_loop3A_1705 = arith.constant 0 : i32
      %parallel_loop3A_1706 = arith.cmpi slt, %parallel_loop3A_1702, %parallel_loop3A_1705 : i32
      %parallel_loop3A_1707 = arith.constant 0 : i32
      %parallel_loop3A_1708 = arith.cmpi slt, %parallel_loop3A_1701, %parallel_loop3A_1707 : i32
      %parallel_loop3A_1709 = arith.xori %parallel_loop3A_1706, %parallel_loop3A_1708 : i1
      %parallel_loop3A_1710 = arith.andi %parallel_loop3A_1709, %parallel_loop3A_1704 : i1
      %parallel_loop3A_1711 = arith.addi %parallel_loop3A_1702, %parallel_loop3A_1701 : i32
      %parallel_loop3A_1712 = arith.select %parallel_loop3A_1710, %parallel_loop3A_1711, %parallel_loop3A_1702 : i32
      %parallel_loop3A_1713 = arith.constant 16 : i32
      %parallel_loop3A_1714 = arith.muli %parallel_loop3A_1712, %parallel_loop3A_1713 : i32
      %parallel_loop3A_1715 = arith.index_cast %parallel_loop3A_1696 : i32 to index
      %parallel_loop3A_1716 = arith.index_cast %parallel_loop3A_1714 : i32 to index
      %parallel_loop3A_1717 = tpu.vector_load %arg20[%parallel_loop3A_1715, %parallel_loop3A_1716] {strides = array<i32>} : memref<8x1024xf32, #tpu.memory_space<vmem>>, vector<1x16xf32>,
      %parallel_loop3A_1718 = vector.shape_cast %parallel_loop3A_1717 : vector<1x16xf32> to vector<16xf32>
      %parallel_loop3A_1719 = arith.index_cast %parallel_loop3A_1696 : i32 to index
      %parallel_loop3A_1720 = arith.index_cast %parallel_loop3A_1714 : i32 to index
      %parallel_loop3A_1721 = tpu.vector_load %arg11[%parallel_loop3A_1719, %parallel_loop3A_1720] {strides = array<i32>} : memref<8x1024xf32, #tpu.memory_space<vmem>>, vector<1x16xf32>,
      %parallel_loop3A_1722 = vector.shape_cast %parallel_loop3A_1721 : vector<1x16xf32> to vector<16xf32>
      %parallel_loop3A_1723 = vector.shape_cast %parallel_loop3A_1718 : vector<16xf32> to vector<1x16xf32>
      tpu.vector_store %arg11[%parallel_loop3A_1719, %parallel_loop3A_1720], %parallel_loop3A_1723 {add = true, strides = array<i32>} : memref<8x1024xf32, #tpu.memory_space<vmem>>, vector<1x16xf32>,
      %parallel_loop3A_1724 = arith.index_cast %parallel_loop3A_1696 : i32 to index
      %parallel_loop3A_1725 = arith.index_cast %parallel_loop3A_1714 : i32 to index
      %parallel_loop3A_1726 = tpu.vector_load %arg12[%parallel_loop3A_1724, %parallel_loop3A_1725] {strides = array<i32>} : memref<8x1024xf32, #tpu.memory_space<vmem>>, vector<1x16xf32>,
      %parallel_loop3A_1727 = vector.shape_cast %parallel_loop3A_1726 : vector<1x16xf32> to vector<16xf32>
      %parallel_loop3A_1728 = vector.shape_cast %parallel_loop3A_1718 : vector<16xf32> to vector<1x16xf32>
      tpu.vector_store %arg12[%parallel_loop3A_1724, %parallel_loop3A_1725], %parallel_loop3A_1728 {add = true, strides = array<i32>} : memref<8x1024xf32, #tpu.memory_space<vmem>>, vector<1x16xf32>,
      %parallel_loop3A_1729 = arith.index_cast %parallel_loop3A_1696 : i32 to index
      %parallel_loop3A_1730 = arith.index_cast %parallel_loop3A_1714 : i32 to index
      %parallel_loop3A_1731 = tpu.vector_load %arg13[%parallel_loop3A_1729, %parallel_loop3A_1730] {strides = array<i32>} : memref<8x1024xf32, #tpu.memory_space<vmem>>, vector<1x16xf32>,
      %parallel_loop3A_1732 = vector.shape_cast %parallel_loop3A_1731 : vector<1x16xf32> to vector<16xf32>
      %parallel_loop3A_1733 = vector.shape_cast %parallel_loop3A_1718 : vector<16xf32> to vector<1x16xf32>
      tpu.vector_store %arg13[%parallel_loop3A_1729, %parallel_loop3A_1730], %parallel_loop3A_1733 {add = true, strides = array<i32>} : memref<8x1024xf32, #tpu.memory_space<vmem>>, vector<1x16xf32>,
      %parallel_loop3A_1734 = arith.index_cast %parallel_loop3A_1696 : i32 to index
      %parallel_loop3A_1735 = arith.index_cast %parallel_loop3A_1714 : i32 to index
      %parallel_loop3A_1736 = tpu.vector_load %arg14[%parallel_loop3A_1734, %parallel_loop3A_1735] {strides = array<i32>} : memref<8x1024xf32, #tpu.memory_space<vmem>>, vector<1x16xf32>,
      %parallel_loop3A_1737 = vector.shape_cast %parallel_loop3A_1736 : vector<1x16xf32> to vector<16xf32>
      %parallel_loop3A_1738 = vector.shape_cast %parallel_loop3A_1718 : vector<16xf32> to vector<1x16xf32>
      tpu.vector_store %arg14[%parallel_loop3A_1734, %parallel_loop3A_1735], %parallel_loop3A_1738 {add = true, strides = array<i32>} : memref<8x1024xf32, #tpu.memory_space<vmem>>, vector<1x16xf32>,
    } {sc.loop_unroll_factor = 2 : i64, sc.parallel_access}
    %add3A_868 = arith.constant 0 : i32
    %add3A_869 = arith.addi %add3A_868, %mul3A_2 : i32
    %add3A_870 = arith.constant 56 : i32
    %add3A_871 = arith.addi %add3A_869, %add3A_870 : i32
    %dma_start3A_872 = arith.constant 0 : i32
    %dma_start3A_873 = tpu.memref_slice %arg5[%add3A_871, %dma_start3A_872] : memref<16384x1024xf32, #tpu.memory_space<hbm>> -> memref<8x1024xf32, #tpu.memory_space<hbm>>
    %dma_start3A_874 = arith.constant 0 : i32
    %dma_start3A_875 = tpu.memref_slice %arg5[%add3A_871, %dma_start3A_874] : memref<16384x1024xf32, #tpu.memory_space<hbm>> -> memref<8x1024xf32, #tpu.memory_space<hbm>>
    tpu.enqueue_dma source(%arg11 : memref<8x1024xf32, #tpu.memory_space<vmem>>) target(%dma_start3A_875 : memref<8x1024xf32, #tpu.memory_space<hbm>>) target_semaphore(%arg29 : memref<!tpu.dma_semaphore, #tpu.memory_space<semaphore_mem>>)
    %add3A_876 = arith.constant 4096 : i32
    %add3A_877 = arith.addi %add3A_876, %mul3A_2 : i32
    %add3A_878 = arith.constant 56 : i32
    %add3A_879 = arith.addi %add3A_877, %add3A_878 : i32
    %dma_start3A_880 = arith.constant 0 : i32
    %dma_start3A_881 = tpu.memref_slice %arg5[%add3A_879, %dma_start3A_880] : memref<16384x1024xf32, #tpu.memory_space<hbm>> -> memref<8x1024xf32, #tpu.memory_space<hbm>>
    %dma_start3A_882 = arith.constant 0 : i32
    %dma_start3A_883 = tpu.memref_slice %arg5[%add3A_879, %dma_start3A_882] : memref<16384x1024xf32, #tpu.memory_space<hbm>> -> memref<8x1024xf32, #tpu.memory_space<hbm>>
    tpu.enqueue_dma source(%arg12 : memref<8x1024xf32, #tpu.memory_space<vmem>>) target(%dma_start3A_883 : memref<8x1024xf32, #tpu.memory_space<hbm>>) target_semaphore(%arg29 : memref<!tpu.dma_semaphore, #tpu.memory_space<semaphore_mem>>)
    %add3A_884 = arith.constant 8192 : i32
    %add3A_885 = arith.addi %add3A_884, %mul3A_2 : i32
    %add3A_886 = arith.constant 56 : i32
    %add3A_887 = arith.addi %add3A_885, %add3A_886 : i32
    %dma_start3A_888 = arith.constant 0 : i32
    %dma_start3A_889 = tpu.memref_slice %arg5[%add3A_887, %dma_start3A_888] : memref<16384x1024xf32, #tpu.memory_space<hbm>> -> memref<8x1024xf32, #tpu.memory_space<hbm>>
    %dma_start3A_890 = arith.constant 0 : i32
    %dma_start3A_891 = tpu.memref_slice %arg5[%add3A_887, %dma_start3A_890] : memref<16384x1024xf32, #tpu.memory_space<hbm>> -> memref<8x1024xf32, #tpu.memory_space<hbm>>
    tpu.enqueue_dma source(%arg13 : memref<8x1024xf32, #tpu.memory_space<vmem>>) target(%dma_start3A_891 : memref<8x1024xf32, #tpu.memory_space<hbm>>) target_semaphore(%arg29 : memref<!tpu.dma_semaphore, #tpu.memory_space<semaphore_mem>>)
    %add3A_892 = arith.constant 12288 : i32
    %add3A_893 = arith.addi %add3A_892, %mul3A_2 : i32
    %add3A_894 = arith.constant 56 : i32
    %add3A_895 = arith.addi %add3A_893, %add3A_894 : i32
    %dma_start3A_896 = arith.constant 0 : i32
    %dma_start3A_897 = tpu.memref_slice %arg5[%add3A_895, %dma_start3A_896] : memref<16384x1024xf32, #tpu.memory_space<hbm>> -> memref<8x1024xf32, #tpu.memory_space<hbm>>
    %dma_start3A_898 = arith.constant 0 : i32
    %dma_start3A_899 = tpu.memref_slice %arg5[%add3A_895, %dma_start3A_898] : memref<16384x1024xf32, #tpu.memory_space<hbm>> -> memref<8x1024xf32, #tpu.memory_space<hbm>>
    tpu.enqueue_dma source(%arg14 : memref<8x1024xf32, #tpu.memory_space<vmem>>) target(%dma_start3A_899 : memref<8x1024xf32, #tpu.memory_space<hbm>>) target_semaphore(%arg29 : memref<!tpu.dma_semaphore, #tpu.memory_space<semaphore_mem>>)
    %dma_wait3A_900 = arith.constant 0 : i32
    %dma_wait3A_901 = tpu.memref_slice %arg5[%add3A_871, %dma_wait3A_900] : memref<16384x1024xf32, #tpu.memory_space<hbm>> -> memref<8x1024xf32, #tpu.memory_space<hbm>>
    %dma_wait3A_902 = arith.constant 0 : i32
    %dma_wait3A_903 = tpu.memref_slice %arg5[%add3A_871, %dma_wait3A_902] : memref<16384x1024xf32, #tpu.memory_space<hbm>> -> memref<8x1024xf32, #tpu.memory_space<hbm>>
    tpu.wait_dma2 semaphore(%arg29 : memref<!tpu.dma_semaphore, #tpu.memory_space<semaphore_mem>>) src(%arg11 : memref<8x1024xf32, #tpu.memory_space<vmem>>) dst(%dma_wait3A_903 : memref<8x1024xf32, #tpu.memory_space<hbm>>)
    %dma_wait3A_904 = arith.constant 0 : i32
    %dma_wait3A_905 = tpu.memref_slice %arg5[%add3A_879, %dma_wait3A_904] : memref<16384x1024xf32, #tpu.memory_space<hbm>> -> memref<8x1024xf32, #tpu.memory_space<hbm>>
    %dma_wait3A_906 = arith.constant 0 : i32
    %dma_wait3A_907 = tpu.memref_slice %arg5[%add3A_879, %dma_wait3A_906] : memref<16384x1024xf32, #tpu.memory_space<hbm>> -> memref<8x1024xf32, #tpu.memory_space<hbm>>
    tpu.wait_dma2 semaphore(%arg29 : memref<!tpu.dma_semaphore, #tpu.memory_space<semaphore_mem>>) src(%arg12 : memref<8x1024xf32, #tpu.memory_space<vmem>>) dst(%dma_wait3A_907 : memref<8x1024xf32, #tpu.memory_space<hbm>>)
    %dma_wait3A_908 = arith.constant 0 : i32
    %dma_wait3A_909 = tpu.memref_slice %arg5[%add3A_887, %dma_wait3A_908] : memref<16384x1024xf32, #tpu.memory_space<hbm>> -> memref<8x1024xf32, #tpu.memory_space<hbm>>
    %dma_wait3A_910 = arith.constant 0 : i32
    %dma_wait3A_911 = tpu.memref_slice %arg5[%add3A_887, %dma_wait3A_910] : memref<16384x1024xf32, #tpu.memory_space<hbm>> -> memref<8x1024xf32, #tpu.memory_space<hbm>>
    tpu.wait_dma2 semaphore(%arg29 : memref<!tpu.dma_semaphore, #tpu.memory_space<semaphore_mem>>) src(%arg13 : memref<8x1024xf32, #tpu.memory_space<vmem>>) dst(%dma_wait3A_911 : memref<8x1024xf32, #tpu.memory_space<hbm>>)
    %dma_wait3A_912 = arith.constant 0 : i32
    %dma_wait3A_913 = tpu.memref_slice %arg5[%add3A_895, %dma_wait3A_912] : memref<16384x1024xf32, #tpu.memory_space<hbm>> -> memref<8x1024xf32, #tpu.memory_space<hbm>>
    %dma_wait3A_914 = arith.constant 0 : i32
    %dma_wait3A_915 = tpu.memref_slice %arg5[%add3A_895, %dma_wait3A_914] : memref<16384x1024xf32, #tpu.memory_space<hbm>> -> memref<8x1024xf32, #tpu.memory_space<hbm>>
    tpu.wait_dma2 semaphore(%arg29 : memref<!tpu.dma_semaphore, #tpu.memory_space<semaphore_mem>>) src(%arg14 : memref<8x1024xf32, #tpu.memory_space<vmem>>) dst(%dma_wait3A_915 : memref<8x1024xf32, #tpu.memory_space<hbm>>)
    %add3A_916 = arith.constant 80 : i32
    %add3A_917 = arith.addi %mul3A_2, %add3A_916 : i32
    %dma_start3A_918 = arith.constant 0 : i32
    %dma_start3A_919 = tpu.memref_slice %arg4[%add3A_917, %dma_start3A_918] : memref<8192x1024xf32, #tpu.memory_space<hbm>> -> memref<8x1024xf32, #tpu.memory_space<hbm>>
    %dma_start3A_920 = arith.constant 0 : i32
    %dma_start3A_921 = tpu.memref_slice %arg4[%add3A_917, %dma_start3A_920] : memref<8192x1024xf32, #tpu.memory_space<hbm>> -> memref<8x1024xf32, #tpu.memory_space<hbm>>
    tpu.enqueue_dma source(%dma_start3A_921 : memref<8x1024xf32, #tpu.memory_space<hbm>>) target(%arg20 : memref<8x1024xf32, #tpu.memory_space<vmem>>) target_semaphore(%arg26 : memref<!tpu.dma_semaphore, #tpu.memory_space<semaphore_mem>>)
    %dma_start3A_922 = arith.constant 80 : i32
    %dma_start3A_923 = tpu.memref_slice %arg6[%dma_start3A_922] : memref<512xi32, #tpu.memory_space<vmem>> -> memref<8xi32, #tpu.memory_space<vmem>>
    %dma_start3A_924 = arith.constant 0 : i32
    %dma_start3A_925 = arith.constant 0 : i32
    %dma_start3A_926 = tpu.memref_slice %arg3[%dma_start3A_924, %dma_start3A_925] : memref<100000x1024xf32, #tpu.memory_space<hbm>> -> memref<100000x1024xf32, #tpu.memory_space<hbm>>
    tpu.enqueue_indirect_dma source(%dma_start3A_926 : memref<100000x1024xf32, #tpu.memory_space<hbm>>) target(%arg11 : memref<8x1024xf32, #tpu.memory_space<vmem>>) offsets(%dma_start3A_923 : memref<8xi32, #tpu.memory_space<vmem>>) semaphore(%arg23 : memref<!tpu.dma_semaphore, #tpu.memory_space<semaphore_mem>>)
    %dma_start3A_927 = arith.constant 208 : i32
    %dma_start3A_928 = tpu.memref_slice %arg6[%dma_start3A_927] : memref<512xi32, #tpu.memory_space<vmem>> -> memref<8xi32, #tpu.memory_space<vmem>>
    %dma_start3A_929 = arith.constant 0 : i32
    %dma_start3A_930 = arith.constant 0 : i32
    %dma_start3A_931 = tpu.memref_slice %arg3[%dma_start3A_929, %dma_start3A_930] : memref<100000x1024xf32, #tpu.memory_space<hbm>> -> memref<100000x1024xf32, #tpu.memory_space<hbm>>
    tpu.enqueue_indirect_dma source(%dma_start3A_931 : memref<100000x1024xf32, #tpu.memory_space<hbm>>) target(%arg12 : memref<8x1024xf32, #tpu.memory_space<vmem>>) offsets(%dma_start3A_928 : memref<8xi32, #tpu.memory_space<vmem>>) semaphore(%arg23 : memref<!tpu.dma_semaphore, #tpu.memory_space<semaphore_mem>>)
    %dma_start3A_932 = arith.constant 336 : i32
    %dma_start3A_933 = tpu.memref_slice %arg6[%dma_start3A_932] : memref<512xi32, #tpu.memory_space<vmem>> -> memref<8xi32, #tpu.memory_space<vmem>>
    %dma_start3A_934 = arith.constant 0 : i32
    %dma_start3A_935 = arith.constant 0 : i32
    %dma_start3A_936 = tpu.memref_slice %arg3[%dma_start3A_934, %dma_start3A_935] : memref<100000x1024xf32, #tpu.memory_space<hbm>> -> memref<100000x1024xf32, #tpu.memory_space<hbm>>
    tpu.enqueue_indirect_dma source(%dma_start3A_936 : memref<100000x1024xf32, #tpu.memory_space<hbm>>) target(%arg13 : memref<8x1024xf32, #tpu.memory_space<vmem>>) offsets(%dma_start3A_933 : memref<8xi32, #tpu.memory_space<vmem>>) semaphore(%arg23 : memref<!tpu.dma_semaphore, #tpu.memory_space<semaphore_mem>>)
    %dma_start3A_937 = arith.constant 464 : i32
    %dma_start3A_938 = tpu.memref_slice %arg6[%dma_start3A_937] : memref<512xi32, #tpu.memory_space<vmem>> -> memref<8xi32, #tpu.memory_space<vmem>>
    %dma_start3A_939 = arith.constant 0 : i32
    %dma_start3A_940 = arith.constant 0 : i32
    %dma_start3A_941 = tpu.memref_slice %arg3[%dma_start3A_939, %dma_start3A_940] : memref<100000x1024xf32, #tpu.memory_space<hbm>> -> memref<100000x1024xf32, #tpu.memory_space<hbm>>
    tpu.enqueue_indirect_dma source(%dma_start3A_941 : memref<100000x1024xf32, #tpu.memory_space<hbm>>) target(%arg14 : memref<8x1024xf32, #tpu.memory_space<vmem>>) offsets(%dma_start3A_938 : memref<8xi32, #tpu.memory_space<vmem>>) semaphore(%arg23 : memref<!tpu.dma_semaphore, #tpu.memory_space<semaphore_mem>>)
    %dma_wait3A_942 = arith.constant 0 : i32
    %dma_wait3A_943 = tpu.memref_slice %arg4[%add3A_715, %dma_wait3A_942] : memref<8192x1024xf32, #tpu.memory_space<hbm>> -> memref<8x1024xf32, #tpu.memory_space<hbm>>
    %dma_wait3A_944 = arith.constant 0 : i32
    %dma_wait3A_945 = tpu.memref_slice %arg4[%add3A_715, %dma_wait3A_944] : memref<8192x1024xf32, #tpu.memory_space<hbm>> -> memref<8x1024xf32, #tpu.memory_space<hbm>>
    tpu.wait_dma2 semaphore(%arg27 : memref<!tpu.dma_semaphore, #tpu.memory_space<semaphore_mem>>) src(%dma_wait3A_945 : memref<8x1024xf32, #tpu.memory_space<hbm>>) dst(%arg21 : memref<8x1024xf32, #tpu.memory_space<vmem>>)
    %dma_wait3A_946 = arith.constant 64 : i32
    %dma_wait3A_947 = tpu.memref_slice %arg6[%dma_wait3A_946] : memref<512xi32, #tpu.memory_space<vmem>> -> memref<8xi32, #tpu.memory_space<vmem>>
    %dma_wait3A_948 = arith.constant 0 : i32
    %dma_wait3A_949 = arith.constant 0 : i32
    %dma_wait3A_950 = tpu.memref_slice %arg3[%dma_wait3A_948, %dma_wait3A_949] : memref<100000x1024xf32, #tpu.memory_space<hbm>> -> memref<100000x1024xf32, #tpu.memory_space<hbm>>
    tpu.wait_indirect_dma semaphore(%arg24 : memref<!tpu.dma_semaphore, #tpu.memory_space<semaphore_mem>>) src(%dma_wait3A_950 : memref<100000x1024xf32, #tpu.memory_space<hbm>>) dst(%arg15 : memref<8x1024xf32, #tpu.memory_space<vmem>>)
    %dma_wait3A_951 = arith.constant 192 : i32
    %dma_wait3A_952 = tpu.memref_slice %arg6[%dma_wait3A_951] : memref<512xi32, #tpu.memory_space<vmem>> -> memref<8xi32, #tpu.memory_space<vmem>>
    %dma_wait3A_953 = arith.constant 0 : i32
    %dma_wait3A_954 = arith.constant 0 : i32
    %dma_wait3A_955 = tpu.memref_slice %arg3[%dma_wait3A_953, %dma_wait3A_954] : memref<100000x1024xf32, #tpu.memory_space<hbm>> -> memref<100000x1024xf32, #tpu.memory_space<hbm>>
    tpu.wait_indirect_dma semaphore(%arg24 : memref<!tpu.dma_semaphore, #tpu.memory_space<semaphore_mem>>) src(%dma_wait3A_955 : memref<100000x1024xf32, #tpu.memory_space<hbm>>) dst(%arg16 : memref<8x1024xf32, #tpu.memory_space<vmem>>)
    %dma_wait3A_956 = arith.constant 320 : i32
    %dma_wait3A_957 = tpu.memref_slice %arg6[%dma_wait3A_956] : memref<512xi32, #tpu.memory_space<vmem>> -> memref<8xi32, #tpu.memory_space<vmem>>
    %dma_wait3A_958 = arith.constant 0 : i32
    %dma_wait3A_959 = arith.constant 0 : i32
    %dma_wait3A_960 = tpu.memref_slice %arg3[%dma_wait3A_958, %dma_wait3A_959] : memref<100000x1024xf32, #tpu.memory_space<hbm>> -> memref<100000x1024xf32, #tpu.memory_space<hbm>>
    tpu.wait_indirect_dma semaphore(%arg24 : memref<!tpu.dma_semaphore, #tpu.memory_space<semaphore_mem>>) src(%dma_wait3A_960 : memref<100000x1024xf32, #tpu.memory_space<hbm>>) dst(%arg17 : memref<8x1024xf32, #tpu.memory_space<vmem>>)
    %dma_wait3A_961 = arith.constant 448 : i32
    %dma_wait3A_962 = tpu.memref_slice %arg6[%dma_wait3A_961] : memref<512xi32, #tpu.memory_space<vmem>> -> memref<8xi32, #tpu.memory_space<vmem>>
    %dma_wait3A_963 = arith.constant 0 : i32
    %dma_wait3A_964 = arith.constant 0 : i32
    %dma_wait3A_965 = tpu.memref_slice %arg3[%dma_wait3A_963, %dma_wait3A_964] : memref<100000x1024xf32, #tpu.memory_space<hbm>> -> memref<100000x1024xf32, #tpu.memory_space<hbm>>
    tpu.wait_indirect_dma semaphore(%arg24 : memref<!tpu.dma_semaphore, #tpu.memory_space<semaphore_mem>>) src(%dma_wait3A_965 : memref<100000x1024xf32, #tpu.memory_space<hbm>>) dst(%arg18 : memref<8x1024xf32, #tpu.memory_space<vmem>>)
    %parallel_loop3A_966 = arith.constant 0 : i32
    %parallel_loop3A_967 = arith.constant 512 : i32
    %parallel_loop3A_968 = arith.constant 1 : i32
    scf.for %parallel_loop3A_1672 = %parallel_loop3A_966 to %parallel_loop3A_967 step %parallel_loop3A_968  : i32 {
      %parallel_loop3A_1673 = arith.constant 64 : i32
      %parallel_loop3A_1674 = arith.divsi %parallel_loop3A_1672, %parallel_loop3A_1673 : i32
      %parallel_loop3A_1675 = arith.constant 0 : i32
      %parallel_loop3A_1676 = arith.cmpi sgt, %parallel_loop3A_1672, %parallel_loop3A_1675 : i32
      %parallel_loop3A_1677 = arith.extui %parallel_loop3A_1676 : i1 to i32
      %parallel_loop3A_1678 = arith.constant 0 : i32
      %parallel_loop3A_1679 = arith.cmpi slt, %parallel_loop3A_1672, %parallel_loop3A_1678 : i32
      %parallel_loop3A_1680 = arith.extui %parallel_loop3A_1679 : i1 to i32
      %parallel_loop3A_1681 = arith.subi %parallel_loop3A_1677, %parallel_loop3A_1680 : i32
      %parallel_loop3A_1682 = arith.constant 0 : i32
      %parallel_loop3A_1683 = arith.cmpi sgt, %parallel_loop3A_1673, %parallel_loop3A_1682 : i32
      %parallel_loop3A_1684 = arith.extui %parallel_loop3A_1683 : i1 to i32
      %parallel_loop3A_1685 = arith.constant 0 : i32
      %parallel_loop3A_1686 = arith.cmpi slt, %parallel_loop3A_1673, %parallel_loop3A_1685 : i32
      %parallel_loop3A_1687 = arith.extui %parallel_loop3A_1686 : i1 to i32
      %parallel_loop3A_1688 = arith.subi %parallel_loop3A_1684, %parallel_loop3A_1687 : i32
      %parallel_loop3A_1689 = arith.cmpi ne, %parallel_loop3A_1681, %parallel_loop3A_1688 : i32
      %parallel_loop3A_1690 = arith.remsi %parallel_loop3A_1672, %parallel_loop3A_1673 : i32
      %parallel_loop3A_1691 = arith.constant 0 : i32
      %parallel_loop3A_1692 = arith.cmpi ne, %parallel_loop3A_1690, %parallel_loop3A_1691 : i32
      %parallel_loop3A_1693 = arith.andi %parallel_loop3A_1689, %parallel_loop3A_1692 : i1
      %parallel_loop3A_1694 = arith.constant 1 : i32
      %parallel_loop3A_1695 = arith.subi %parallel_loop3A_1674, %parallel_loop3A_1694 : i32
      %parallel_loop3A_1696 = arith.select %parallel_loop3A_1693, %parallel_loop3A_1695, %parallel_loop3A_1674 : i32
      %parallel_loop3A_1697 = arith.constant 64 : i32
      %parallel_loop3A_1698 = arith.constant 0 : i32
      %parallel_loop3A_1699 = arith.cmpi eq, %parallel_loop3A_1697, %parallel_loop3A_1698 : i32
      %parallel_loop3A_1700 = arith.constant 1 : i32
      %parallel_loop3A_1701 = arith.select %parallel_loop3A_1699, %parallel_loop3A_1700, %parallel_loop3A_1697 : i32
      %parallel_loop3A_1702 = arith.remsi %parallel_loop3A_1672, %parallel_loop3A_1701 : i32
      %parallel_loop3A_1703 = arith.constant 0 : i32
      %parallel_loop3A_1704 = arith.cmpi ne, %parallel_loop3A_1702, %parallel_loop3A_1703 : i32
      %parallel_loop3A_1705 = arith.constant 0 : i32
      %parallel_loop3A_1706 = arith.cmpi slt, %parallel_loop3A_1702, %parallel_loop3A_1705 : i32
      %parallel_loop3A_1707 = arith.constant 0 : i32
      %parallel_loop3A_1708 = arith.cmpi slt, %parallel_loop3A_1701, %parallel_loop3A_1707 : i32
      %parallel_loop3A_1709 = arith.xori %parallel_loop3A_1706, %parallel_loop3A_1708 : i1
      %parallel_loop3A_1710 = arith.andi %parallel_loop3A_1709, %parallel_loop3A_1704 : i1
      %parallel_loop3A_1711 = arith.addi %parallel_loop3A_1702, %parallel_loop3A_1701 : i32
      %parallel_loop3A_1712 = arith.select %parallel_loop3A_1710, %parallel_loop3A_1711, %parallel_loop3A_1702 : i32
      %parallel_loop3A_1713 = arith.constant 16 : i32
      %parallel_loop3A_1714 = arith.muli %parallel_loop3A_1712, %parallel_loop3A_1713 : i32
      %parallel_loop3A_1715 = arith.index_cast %parallel_loop3A_1696 : i32 to index
      %parallel_loop3A_1716 = arith.index_cast %parallel_loop3A_1714 : i32 to index
      %parallel_loop3A_1717 = tpu.vector_load %arg21[%parallel_loop3A_1715, %parallel_loop3A_1716] {strides = array<i32>} : memref<8x1024xf32, #tpu.memory_space<vmem>>, vector<1x16xf32>,
      %parallel_loop3A_1718 = vector.shape_cast %parallel_loop3A_1717 : vector<1x16xf32> to vector<16xf32>
      %parallel_loop3A_1719 = arith.index_cast %parallel_loop3A_1696 : i32 to index
      %parallel_loop3A_1720 = arith.index_cast %parallel_loop3A_1714 : i32 to index
      %parallel_loop3A_1721 = tpu.vector_load %arg15[%parallel_loop3A_1719, %parallel_loop3A_1720] {strides = array<i32>} : memref<8x1024xf32, #tpu.memory_space<vmem>>, vector<1x16xf32>,
      %parallel_loop3A_1722 = vector.shape_cast %parallel_loop3A_1721 : vector<1x16xf32> to vector<16xf32>
      %parallel_loop3A_1723 = vector.shape_cast %parallel_loop3A_1718 : vector<16xf32> to vector<1x16xf32>
      tpu.vector_store %arg15[%parallel_loop3A_1719, %parallel_loop3A_1720], %parallel_loop3A_1723 {add = true, strides = array<i32>} : memref<8x1024xf32, #tpu.memory_space<vmem>>, vector<1x16xf32>,
      %parallel_loop3A_1724 = arith.index_cast %parallel_loop3A_1696 : i32 to index
      %parallel_loop3A_1725 = arith.index_cast %parallel_loop3A_1714 : i32 to index
      %parallel_loop3A_1726 = tpu.vector_load %arg16[%parallel_loop3A_1724, %parallel_loop3A_1725] {strides = array<i32>} : memref<8x1024xf32, #tpu.memory_space<vmem>>, vector<1x16xf32>,
      %parallel_loop3A_1727 = vector.shape_cast %parallel_loop3A_1726 : vector<1x16xf32> to vector<16xf32>
      %parallel_loop3A_1728 = vector.shape_cast %parallel_loop3A_1718 : vector<16xf32> to vector<1x16xf32>
      tpu.vector_store %arg16[%parallel_loop3A_1724, %parallel_loop3A_1725], %parallel_loop3A_1728 {add = true, strides = array<i32>} : memref<8x1024xf32, #tpu.memory_space<vmem>>, vector<1x16xf32>,
      %parallel_loop3A_1729 = arith.index_cast %parallel_loop3A_1696 : i32 to index
      %parallel_loop3A_1730 = arith.index_cast %parallel_loop3A_1714 : i32 to index
      %parallel_loop3A_1731 = tpu.vector_load %arg17[%parallel_loop3A_1729, %parallel_loop3A_1730] {strides = array<i32>} : memref<8x1024xf32, #tpu.memory_space<vmem>>, vector<1x16xf32>,
      %parallel_loop3A_1732 = vector.shape_cast %parallel_loop3A_1731 : vector<1x16xf32> to vector<16xf32>
      %parallel_loop3A_1733 = vector.shape_cast %parallel_loop3A_1718 : vector<16xf32> to vector<1x16xf32>
      tpu.vector_store %arg17[%parallel_loop3A_1729, %parallel_loop3A_1730], %parallel_loop3A_1733 {add = true, strides = array<i32>} : memref<8x1024xf32, #tpu.memory_space<vmem>>, vector<1x16xf32>,
      %parallel_loop3A_1734 = arith.index_cast %parallel_loop3A_1696 : i32 to index
      %parallel_loop3A_1735 = arith.index_cast %parallel_loop3A_1714 : i32 to index
      %parallel_loop3A_1736 = tpu.vector_load %arg18[%parallel_loop3A_1734, %parallel_loop3A_1735] {strides = array<i32>} : memref<8x1024xf32, #tpu.memory_space<vmem>>, vector<1x16xf32>,
      %parallel_loop3A_1737 = vector.shape_cast %parallel_loop3A_1736 : vector<1x16xf32> to vector<16xf32>
      %parallel_loop3A_1738 = vector.shape_cast %parallel_loop3A_1718 : vector<16xf32> to vector<1x16xf32>
      tpu.vector_store %arg18[%parallel_loop3A_1734, %parallel_loop3A_1735], %parallel_loop3A_1738 {add = true, strides = array<i32>} : memref<8x1024xf32, #tpu.memory_space<vmem>>, vector<1x16xf32>,
    } {sc.loop_unroll_factor = 2 : i64, sc.parallel_access}
    %add3A_969 = arith.constant 0 : i32
    %add3A_970 = arith.addi %add3A_969, %mul3A_2 : i32
    %add3A_971 = arith.constant 64 : i32
    %add3A_972 = arith.addi %add3A_970, %add3A_971 : i32
    %dma_start3A_973 = arith.constant 0 : i32
    %dma_start3A_974 = tpu.memref_slice %arg5[%add3A_972, %dma_start3A_973] : memref<16384x1024xf32, #tpu.memory_space<hbm>> -> memref<8x1024xf32, #tpu.memory_space<hbm>>
    %dma_start3A_975 = arith.constant 0 : i32
    %dma_start3A_976 = tpu.memref_slice %arg5[%add3A_972, %dma_start3A_975] : memref<16384x1024xf32, #tpu.memory_space<hbm>> -> memref<8x1024xf32, #tpu.memory_space<hbm>>
    tpu.enqueue_dma source(%arg15 : memref<8x1024xf32, #tpu.memory_space<vmem>>) target(%dma_start3A_976 : memref<8x1024xf32, #tpu.memory_space<hbm>>) target_semaphore(%arg30 : memref<!tpu.dma_semaphore, #tpu.memory_space<semaphore_mem>>)
    %add3A_977 = arith.constant 4096 : i32
    %add3A_978 = arith.addi %add3A_977, %mul3A_2 : i32
    %add3A_979 = arith.constant 64 : i32
    %add3A_980 = arith.addi %add3A_978, %add3A_979 : i32
    %dma_start3A_981 = arith.constant 0 : i32
    %dma_start3A_982 = tpu.memref_slice %arg5[%add3A_980, %dma_start3A_981] : memref<16384x1024xf32, #tpu.memory_space<hbm>> -> memref<8x1024xf32, #tpu.memory_space<hbm>>
    %dma_start3A_983 = arith.constant 0 : i32
    %dma_start3A_984 = tpu.memref_slice %arg5[%add3A_980, %dma_start3A_983] : memref<16384x1024xf32, #tpu.memory_space<hbm>> -> memref<8x1024xf32, #tpu.memory_space<hbm>>
    tpu.enqueue_dma source(%arg16 : memref<8x1024xf32, #tpu.memory_space<vmem>>) target(%dma_start3A_984 : memref<8x1024xf32, #tpu.memory_space<hbm>>) target_semaphore(%arg30 : memref<!tpu.dma_semaphore, #tpu.memory_space<semaphore_mem>>)
    %add3A_985 = arith.constant 8192 : i32
    %add3A_986 = arith.addi %add3A_985, %mul3A_2 : i32
    %add3A_987 = arith.constant 64 : i32
    %add3A_988 = arith.addi %add3A_986, %add3A_987 : i32
    %dma_start3A_989 = arith.constant 0 : i32
    %dma_start3A_990 = tpu.memref_slice %arg5[%add3A_988, %dma_start3A_989] : memref<16384x1024xf32, #tpu.memory_space<hbm>> -> memref<8x1024xf32, #tpu.memory_space<hbm>>
    %dma_start3A_991 = arith.constant 0 : i32
    %dma_start3A_992 = tpu.memref_slice %arg5[%add3A_988, %dma_start3A_991] : memref<16384x1024xf32, #tpu.memory_space<hbm>> -> memref<8x1024xf32, #tpu.memory_space<hbm>>
    tpu.enqueue_dma source(%arg17 : memref<8x1024xf32, #tpu.memory_space<vmem>>) target(%dma_start3A_992 : memref<8x1024xf32, #tpu.memory_space<hbm>>) target_semaphore(%arg30 : memref<!tpu.dma_semaphore, #tpu.memory_space<semaphore_mem>>)
    %add3A_993 = arith.constant 12288 : i32
    %add3A_994 = arith.addi %add3A_993, %mul3A_2 : i32
    %add3A_995 = arith.constant 64 : i32
    %add3A_996 = arith.addi %add3A_994, %add3A_995 : i32
    %dma_start3A_997 = arith.constant 0 : i32
    %dma_start3A_998 = tpu.memref_slice %arg5[%add3A_996, %dma_start3A_997] : memref<16384x1024xf32, #tpu.memory_space<hbm>> -> memref<8x1024xf32, #tpu.memory_space<hbm>>
    %dma_start3A_999 = arith.constant 0 : i32
    %dma_start3A_1000 = tpu.memref_slice %arg5[%add3A_996, %dma_start3A_999] : memref<16384x1024xf32, #tpu.memory_space<hbm>> -> memref<8x1024xf32, #tpu.memory_space<hbm>>
    tpu.enqueue_dma source(%arg18 : memref<8x1024xf32, #tpu.memory_space<vmem>>) target(%dma_start3A_1000 : memref<8x1024xf32, #tpu.memory_space<hbm>>) target_semaphore(%arg30 : memref<!tpu.dma_semaphore, #tpu.memory_space<semaphore_mem>>)
    %dma_wait3A_1001 = arith.constant 0 : i32
    %dma_wait3A_1002 = tpu.memref_slice %arg5[%add3A_972, %dma_wait3A_1001] : memref<16384x1024xf32, #tpu.memory_space<hbm>> -> memref<8x1024xf32, #tpu.memory_space<hbm>>
    %dma_wait3A_1003 = arith.constant 0 : i32
    %dma_wait3A_1004 = tpu.memref_slice %arg5[%add3A_972, %dma_wait3A_1003] : memref<16384x1024xf32, #tpu.memory_space<hbm>> -> memref<8x1024xf32, #tpu.memory_space<hbm>>
    tpu.wait_dma2 semaphore(%arg30 : memref<!tpu.dma_semaphore, #tpu.memory_space<semaphore_mem>>) src(%arg15 : memref<8x1024xf32, #tpu.memory_space<vmem>>) dst(%dma_wait3A_1004 : memref<8x1024xf32, #tpu.memory_space<hbm>>)
    %dma_wait3A_1005 = arith.constant 0 : i32
    %dma_wait3A_1006 = tpu.memref_slice %arg5[%add3A_980, %dma_wait3A_1005] : memref<16384x1024xf32, #tpu.memory_space<hbm>> -> memref<8x1024xf32, #tpu.memory_space<hbm>>
    %dma_wait3A_1007 = arith.constant 0 : i32
    %dma_wait3A_1008 = tpu.memref_slice %arg5[%add3A_980, %dma_wait3A_1007] : memref<16384x1024xf32, #tpu.memory_space<hbm>> -> memref<8x1024xf32, #tpu.memory_space<hbm>>
    tpu.wait_dma2 semaphore(%arg30 : memref<!tpu.dma_semaphore, #tpu.memory_space<semaphore_mem>>) src(%arg16 : memref<8x1024xf32, #tpu.memory_space<vmem>>) dst(%dma_wait3A_1008 : memref<8x1024xf32, #tpu.memory_space<hbm>>)
    %dma_wait3A_1009 = arith.constant 0 : i32
    %dma_wait3A_1010 = tpu.memref_slice %arg5[%add3A_988, %dma_wait3A_1009] : memref<16384x1024xf32, #tpu.memory_space<hbm>> -> memref<8x1024xf32, #tpu.memory_space<hbm>>
    %dma_wait3A_1011 = arith.constant 0 : i32
    %dma_wait3A_1012 = tpu.memref_slice %arg5[%add3A_988, %dma_wait3A_1011] : memref<16384x1024xf32, #tpu.memory_space<hbm>> -> memref<8x1024xf32, #tpu.memory_space<hbm>>
    tpu.wait_dma2 semaphore(%arg30 : memref<!tpu.dma_semaphore, #tpu.memory_space<semaphore_mem>>) src(%arg17 : memref<8x1024xf32, #tpu.memory_space<vmem>>) dst(%dma_wait3A_1012 : memref<8x1024xf32, #tpu.memory_space<hbm>>)
    %dma_wait3A_1013 = arith.constant 0 : i32
    %dma_wait3A_1014 = tpu.memref_slice %arg5[%add3A_996, %dma_wait3A_1013] : memref<16384x1024xf32, #tpu.memory_space<hbm>> -> memref<8x1024xf32, #tpu.memory_space<hbm>>
    %dma_wait3A_1015 = arith.constant 0 : i32
    %dma_wait3A_1016 = tpu.memref_slice %arg5[%add3A_996, %dma_wait3A_1015] : memref<16384x1024xf32, #tpu.memory_space<hbm>> -> memref<8x1024xf32, #tpu.memory_space<hbm>>
    tpu.wait_dma2 semaphore(%arg30 : memref<!tpu.dma_semaphore, #tpu.memory_space<semaphore_mem>>) src(%arg18 : memref<8x1024xf32, #tpu.memory_space<vmem>>) dst(%dma_wait3A_1016 : memref<8x1024xf32, #tpu.memory_space<hbm>>)
    %add3A_1017 = arith.constant 88 : i32
    %add3A_1018 = arith.addi %mul3A_2, %add3A_1017 : i32
    %dma_start3A_1019 = arith.constant 0 : i32
    %dma_start3A_1020 = tpu.memref_slice %arg4[%add3A_1018, %dma_start3A_1019] : memref<8192x1024xf32, #tpu.memory_space<hbm>> -> memref<8x1024xf32, #tpu.memory_space<hbm>>
    %dma_start3A_1021 = arith.constant 0 : i32
    %dma_start3A_1022 = tpu.memref_slice %arg4[%add3A_1018, %dma_start3A_1021] : memref<8192x1024xf32, #tpu.memory_space<hbm>> -> memref<8x1024xf32, #tpu.memory_space<hbm>>
    tpu.enqueue_dma source(%dma_start3A_1022 : memref<8x1024xf32, #tpu.memory_space<hbm>>) target(%arg21 : memref<8x1024xf32, #tpu.memory_space<vmem>>) target_semaphore(%arg27 : memref<!tpu.dma_semaphore, #tpu.memory_space<semaphore_mem>>)
    %dma_start3A_1023 = arith.constant 88 : i32
    %dma_start3A_1024 = tpu.memref_slice %arg6[%dma_start3A_1023] : memref<512xi32, #tpu.memory_space<vmem>> -> memref<8xi32, #tpu.memory_space<vmem>>
    %dma_start3A_1025 = arith.constant 0 : i32
    %dma_start3A_1026 = arith.constant 0 : i32
    %dma_start3A_1027 = tpu.memref_slice %arg3[%dma_start3A_1025, %dma_start3A_1026] : memref<100000x1024xf32, #tpu.memory_space<hbm>> -> memref<100000x1024xf32, #tpu.memory_space<hbm>>
    tpu.enqueue_indirect_dma source(%dma_start3A_1027 : memref<100000x1024xf32, #tpu.memory_space<hbm>>) target(%arg15 : memref<8x1024xf32, #tpu.memory_space<vmem>>) offsets(%dma_start3A_1024 : memref<8xi32, #tpu.memory_space<vmem>>) semaphore(%arg24 : memref<!tpu.dma_semaphore, #tpu.memory_space<semaphore_mem>>)
    %dma_start3A_1028 = arith.constant 216 : i32
    %dma_start3A_1029 = tpu.memref_slice %arg6[%dma_start3A_1028] : memref<512xi32, #tpu.memory_space<vmem>> -> memref<8xi32, #tpu.memory_space<vmem>>
    %dma_start3A_1030 = arith.constant 0 : i32
    %dma_start3A_1031 = arith.constant 0 : i32
    %dma_start3A_1032 = tpu.memref_slice %arg3[%dma_start3A_1030, %dma_start3A_1031] : memref<100000x1024xf32, #tpu.memory_space<hbm>> -> memref<100000x1024xf32, #tpu.memory_space<hbm>>
    tpu.enqueue_indirect_dma source(%dma_start3A_1032 : memref<100000x1024xf32, #tpu.memory_space<hbm>>) target(%arg16 : memref<8x1024xf32, #tpu.memory_space<vmem>>) offsets(%dma_start3A_1029 : memref<8xi32, #tpu.memory_space<vmem>>) semaphore(%arg24 : memref<!tpu.dma_semaphore, #tpu.memory_space<semaphore_mem>>)
    %dma_start3A_1033 = arith.constant 344 : i32
    %dma_start3A_1034 = tpu.memref_slice %arg6[%dma_start3A_1033] : memref<512xi32, #tpu.memory_space<vmem>> -> memref<8xi32, #tpu.memory_space<vmem>>
    %dma_start3A_1035 = arith.constant 0 : i32
    %dma_start3A_1036 = arith.constant 0 : i32
    %dma_start3A_1037 = tpu.memref_slice %arg3[%dma_start3A_1035, %dma_start3A_1036] : memref<100000x1024xf32, #tpu.memory_space<hbm>> -> memref<100000x1024xf32, #tpu.memory_space<hbm>>
    tpu.enqueue_indirect_dma source(%dma_start3A_1037 : memref<100000x1024xf32, #tpu.memory_space<hbm>>) target(%arg17 : memref<8x1024xf32, #tpu.memory_space<vmem>>) offsets(%dma_start3A_1034 : memref<8xi32, #tpu.memory_space<vmem>>) semaphore(%arg24 : memref<!tpu.dma_semaphore, #tpu.memory_space<semaphore_mem>>)
    %dma_start3A_1038 = arith.constant 472 : i32
    %dma_start3A_1039 = tpu.memref_slice %arg6[%dma_start3A_1038] : memref<512xi32, #tpu.memory_space<vmem>> -> memref<8xi32, #tpu.memory_space<vmem>>
    %dma_start3A_1040 = arith.constant 0 : i32
    %dma_start3A_1041 = arith.constant 0 : i32
    %dma_start3A_1042 = tpu.memref_slice %arg3[%dma_start3A_1040, %dma_start3A_1041] : memref<100000x1024xf32, #tpu.memory_space<hbm>> -> memref<100000x1024xf32, #tpu.memory_space<hbm>>
    tpu.enqueue_indirect_dma source(%dma_start3A_1042 : memref<100000x1024xf32, #tpu.memory_space<hbm>>) target(%arg18 : memref<8x1024xf32, #tpu.memory_space<vmem>>) offsets(%dma_start3A_1039 : memref<8xi32, #tpu.memory_space<vmem>>) semaphore(%arg24 : memref<!tpu.dma_semaphore, #tpu.memory_space<semaphore_mem>>)
    %dma_wait3A_1043 = arith.constant 0 : i32
    %dma_wait3A_1044 = tpu.memref_slice %arg4[%add3A_816, %dma_wait3A_1043] : memref<8192x1024xf32, #tpu.memory_space<hbm>> -> memref<8x1024xf32, #tpu.memory_space<hbm>>
    %dma_wait3A_1045 = arith.constant 0 : i32
    %dma_wait3A_1046 = tpu.memref_slice %arg4[%add3A_816, %dma_wait3A_1045] : memref<8192x1024xf32, #tpu.memory_space<hbm>> -> memref<8x1024xf32, #tpu.memory_space<hbm>>
    tpu.wait_dma2 semaphore(%arg25 : memref<!tpu.dma_semaphore, #tpu.memory_space<semaphore_mem>>) src(%dma_wait3A_1046 : memref<8x1024xf32, #tpu.memory_space<hbm>>) dst(%arg19 : memref<8x1024xf32, #tpu.memory_space<vmem>>)
    %dma_wait3A_1047 = arith.constant 72 : i32
    %dma_wait3A_1048 = tpu.memref_slice %arg6[%dma_wait3A_1047] : memref<512xi32, #tpu.memory_space<vmem>> -> memref<8xi32, #tpu.memory_space<vmem>>
    %dma_wait3A_1049 = arith.constant 0 : i32
    %dma_wait3A_1050 = arith.constant 0 : i32
    %dma_wait3A_1051 = tpu.memref_slice %arg3[%dma_wait3A_1049, %dma_wait3A_1050] : memref<100000x1024xf32, #tpu.memory_space<hbm>> -> memref<100000x1024xf32, #tpu.memory_space<hbm>>
    tpu.wait_indirect_dma semaphore(%arg22 : memref<!tpu.dma_semaphore, #tpu.memory_space<semaphore_mem>>) src(%dma_wait3A_1051 : memref<100000x1024xf32, #tpu.memory_space<hbm>>) dst(%arg7 : memref<8x1024xf32, #tpu.memory_space<vmem>>)
    %dma_wait3A_1052 = arith.constant 200 : i32
    %dma_wait3A_1053 = tpu.memref_slice %arg6[%dma_wait3A_1052] : memref<512xi32, #tpu.memory_space<vmem>> -> memref<8xi32, #tpu.memory_space<vmem>>
    %dma_wait3A_1054 = arith.constant 0 : i32
    %dma_wait3A_1055 = arith.constant 0 : i32
    %dma_wait3A_1056 = tpu.memref_slice %arg3[%dma_wait3A_1054, %dma_wait3A_1055] : memref<100000x1024xf32, #tpu.memory_space<hbm>> -> memref<100000x1024xf32, #tpu.memory_space<hbm>>
    tpu.wait_indirect_dma semaphore(%arg22 : memref<!tpu.dma_semaphore, #tpu.memory_space<semaphore_mem>>) src(%dma_wait3A_1056 : memref<100000x1024xf32, #tpu.memory_space<hbm>>) dst(%arg8 : memref<8x1024xf32, #tpu.memory_space<vmem>>)
    %dma_wait3A_1057 = arith.constant 328 : i32
    %dma_wait3A_1058 = tpu.memref_slice %arg6[%dma_wait3A_1057] : memref<512xi32, #tpu.memory_space<vmem>> -> memref<8xi32, #tpu.memory_space<vmem>>
    %dma_wait3A_1059 = arith.constant 0 : i32
    %dma_wait3A_1060 = arith.constant 0 : i32
    %dma_wait3A_1061 = tpu.memref_slice %arg3[%dma_wait3A_1059, %dma_wait3A_1060] : memref<100000x1024xf32, #tpu.memory_space<hbm>> -> memref<100000x1024xf32, #tpu.memory_space<hbm>>
    tpu.wait_indirect_dma semaphore(%arg22 : memref<!tpu.dma_semaphore, #tpu.memory_space<semaphore_mem>>) src(%dma_wait3A_1061 : memref<100000x1024xf32, #tpu.memory_space<hbm>>) dst(%arg9 : memref<8x1024xf32, #tpu.memory_space<vmem>>)
    %dma_wait3A_1062 = arith.constant 456 : i32
    %dma_wait3A_1063 = tpu.memref_slice %arg6[%dma_wait3A_1062] : memref<512xi32, #tpu.memory_space<vmem>> -> memref<8xi32, #tpu.memory_space<vmem>>
    %dma_wait3A_1064 = arith.constant 0 : i32
    %dma_wait3A_1065 = arith.constant 0 : i32
    %dma_wait3A_1066 = tpu.memref_slice %arg3[%dma_wait3A_1064, %dma_wait3A_1065] : memref<100000x1024xf32, #tpu.memory_space<hbm>> -> memref<100000x1024xf32, #tpu.memory_space<hbm>>
    tpu.wait_indirect_dma semaphore(%arg22 : memref<!tpu.dma_semaphore, #tpu.memory_space<semaphore_mem>>) src(%dma_wait3A_1066 : memref<100000x1024xf32, #tpu.memory_space<hbm>>) dst(%arg10 : memref<8x1024xf32, #tpu.memory_space<vmem>>)
    %parallel_loop3A_1067 = arith.constant 0 : i32
    %parallel_loop3A_1068 = arith.constant 512 : i32
    %parallel_loop3A_1069 = arith.constant 1 : i32
    scf.for %parallel_loop3A_1672 = %parallel_loop3A_1067 to %parallel_loop3A_1068 step %parallel_loop3A_1069  : i32 {
      %parallel_loop3A_1673 = arith.constant 64 : i32
      %parallel_loop3A_1674 = arith.divsi %parallel_loop3A_1672, %parallel_loop3A_1673 : i32
      %parallel_loop3A_1675 = arith.constant 0 : i32
      %parallel_loop3A_1676 = arith.cmpi sgt, %parallel_loop3A_1672, %parallel_loop3A_1675 : i32
      %parallel_loop3A_1677 = arith.extui %parallel_loop3A_1676 : i1 to i32
      %parallel_loop3A_1678 = arith.constant 0 : i32
      %parallel_loop3A_1679 = arith.cmpi slt, %parallel_loop3A_1672, %parallel_loop3A_1678 : i32
      %parallel_loop3A_1680 = arith.extui %parallel_loop3A_1679 : i1 to i32
      %parallel_loop3A_1681 = arith.subi %parallel_loop3A_1677, %parallel_loop3A_1680 : i32
      %parallel_loop3A_1682 = arith.constant 0 : i32
      %parallel_loop3A_1683 = arith.cmpi sgt, %parallel_loop3A_1673, %parallel_loop3A_1682 : i32
      %parallel_loop3A_1684 = arith.extui %parallel_loop3A_1683 : i1 to i32
      %parallel_loop3A_1685 = arith.constant 0 : i32
      %parallel_loop3A_1686 = arith.cmpi slt, %parallel_loop3A_1673, %parallel_loop3A_1685 : i32
      %parallel_loop3A_1687 = arith.extui %parallel_loop3A_1686 : i1 to i32
      %parallel_loop3A_1688 = arith.subi %parallel_loop3A_1684, %parallel_loop3A_1687 : i32
      %parallel_loop3A_1689 = arith.cmpi ne, %parallel_loop3A_1681, %parallel_loop3A_1688 : i32
      %parallel_loop3A_1690 = arith.remsi %parallel_loop3A_1672, %parallel_loop3A_1673 : i32
      %parallel_loop3A_1691 = arith.constant 0 : i32
      %parallel_loop3A_1692 = arith.cmpi ne, %parallel_loop3A_1690, %parallel_loop3A_1691 : i32
      %parallel_loop3A_1693 = arith.andi %parallel_loop3A_1689, %parallel_loop3A_1692 : i1
      %parallel_loop3A_1694 = arith.constant 1 : i32
      %parallel_loop3A_1695 = arith.subi %parallel_loop3A_1674, %parallel_loop3A_1694 : i32
      %parallel_loop3A_1696 = arith.select %parallel_loop3A_1693, %parallel_loop3A_1695, %parallel_loop3A_1674 : i32
      %parallel_loop3A_1697 = arith.constant 64 : i32
      %parallel_loop3A_1698 = arith.constant 0 : i32
      %parallel_loop3A_1699 = arith.cmpi eq, %parallel_loop3A_1697, %parallel_loop3A_1698 : i32
      %parallel_loop3A_1700 = arith.constant 1 : i32
      %parallel_loop3A_1701 = arith.select %parallel_loop3A_1699, %parallel_loop3A_1700, %parallel_loop3A_1697 : i32
      %parallel_loop3A_1702 = arith.remsi %parallel_loop3A_1672, %parallel_loop3A_1701 : i32
      %parallel_loop3A_1703 = arith.constant 0 : i32
      %parallel_loop3A_1704 = arith.cmpi ne, %parallel_loop3A_1702, %parallel_loop3A_1703 : i32
      %parallel_loop3A_1705 = arith.constant 0 : i32
      %parallel_loop3A_1706 = arith.cmpi slt, %parallel_loop3A_1702, %parallel_loop3A_1705 : i32
      %parallel_loop3A_1707 = arith.constant 0 : i32
      %parallel_loop3A_1708 = arith.cmpi slt, %parallel_loop3A_1701, %parallel_loop3A_1707 : i32
      %parallel_loop3A_1709 = arith.xori %parallel_loop3A_1706, %parallel_loop3A_1708 : i1
      %parallel_loop3A_1710 = arith.andi %parallel_loop3A_1709, %parallel_loop3A_1704 : i1
      %parallel_loop3A_1711 = arith.addi %parallel_loop3A_1702, %parallel_loop3A_1701 : i32
      %parallel_loop3A_1712 = arith.select %parallel_loop3A_1710, %parallel_loop3A_1711, %parallel_loop3A_1702 : i32
      %parallel_loop3A_1713 = arith.constant 16 : i32
      %parallel_loop3A_1714 = arith.muli %parallel_loop3A_1712, %parallel_loop3A_1713 : i32
      %parallel_loop3A_1715 = arith.index_cast %parallel_loop3A_1696 : i32 to index
      %parallel_loop3A_1716 = arith.index_cast %parallel_loop3A_1714 : i32 to index
      %parallel_loop3A_1717 = tpu.vector_load %arg19[%parallel_loop3A_1715, %parallel_loop3A_1716] {strides = array<i32>} : memref<8x1024xf32, #tpu.memory_space<vmem>>, vector<1x16xf32>,
      %parallel_loop3A_1718 = vector.shape_cast %parallel_loop3A_1717 : vector<1x16xf32> to vector<16xf32>
      %parallel_loop3A_1719 = arith.index_cast %parallel_loop3A_1696 : i32 to index
      %parallel_loop3A_1720 = arith.index_cast %parallel_loop3A_1714 : i32 to index
      %parallel_loop3A_1721 = tpu.vector_load %arg7[%parallel_loop3A_1719, %parallel_loop3A_1720] {strides = array<i32>} : memref<8x1024xf32, #tpu.memory_space<vmem>>, vector<1x16xf32>,
      %parallel_loop3A_1722 = vector.shape_cast %parallel_loop3A_1721 : vector<1x16xf32> to vector<16xf32>
      %parallel_loop3A_1723 = vector.shape_cast %parallel_loop3A_1718 : vector<16xf32> to vector<1x16xf32>
      tpu.vector_store %arg7[%parallel_loop3A_1719, %parallel_loop3A_1720], %parallel_loop3A_1723 {add = true, strides = array<i32>} : memref<8x1024xf32, #tpu.memory_space<vmem>>, vector<1x16xf32>,
      %parallel_loop3A_1724 = arith.index_cast %parallel_loop3A_1696 : i32 to index
      %parallel_loop3A_1725 = arith.index_cast %parallel_loop3A_1714 : i32 to index
      %parallel_loop3A_1726 = tpu.vector_load %arg8[%parallel_loop3A_1724, %parallel_loop3A_1725] {strides = array<i32>} : memref<8x1024xf32, #tpu.memory_space<vmem>>, vector<1x16xf32>,
      %parallel_loop3A_1727 = vector.shape_cast %parallel_loop3A_1726 : vector<1x16xf32> to vector<16xf32>
      %parallel_loop3A_1728 = vector.shape_cast %parallel_loop3A_1718 : vector<16xf32> to vector<1x16xf32>
      tpu.vector_store %arg8[%parallel_loop3A_1724, %parallel_loop3A_1725], %parallel_loop3A_1728 {add = true, strides = array<i32>} : memref<8x1024xf32, #tpu.memory_space<vmem>>, vector<1x16xf32>,
      %parallel_loop3A_1729 = arith.index_cast %parallel_loop3A_1696 : i32 to index
      %parallel_loop3A_1730 = arith.index_cast %parallel_loop3A_1714 : i32 to index
      %parallel_loop3A_1731 = tpu.vector_load %arg9[%parallel_loop3A_1729, %parallel_loop3A_1730] {strides = array<i32>} : memref<8x1024xf32, #tpu.memory_space<vmem>>, vector<1x16xf32>,
      %parallel_loop3A_1732 = vector.shape_cast %parallel_loop3A_1731 : vector<1x16xf32> to vector<16xf32>
      %parallel_loop3A_1733 = vector.shape_cast %parallel_loop3A_1718 : vector<16xf32> to vector<1x16xf32>
      tpu.vector_store %arg9[%parallel_loop3A_1729, %parallel_loop3A_1730], %parallel_loop3A_1733 {add = true, strides = array<i32>} : memref<8x1024xf32, #tpu.memory_space<vmem>>, vector<1x16xf32>,
      %parallel_loop3A_1734 = arith.index_cast %parallel_loop3A_1696 : i32 to index
      %parallel_loop3A_1735 = arith.index_cast %parallel_loop3A_1714 : i32 to index
      %parallel_loop3A_1736 = tpu.vector_load %arg10[%parallel_loop3A_1734, %parallel_loop3A_1735] {strides = array<i32>} : memref<8x1024xf32, #tpu.memory_space<vmem>>, vector<1x16xf32>,
      %parallel_loop3A_1737 = vector.shape_cast %parallel_loop3A_1736 : vector<1x16xf32> to vector<16xf32>
      %parallel_loop3A_1738 = vector.shape_cast %parallel_loop3A_1718 : vector<16xf32> to vector<1x16xf32>
      tpu.vector_store %arg10[%parallel_loop3A_1734, %parallel_loop3A_1735], %parallel_loop3A_1738 {add = true, strides = array<i32>} : memref<8x1024xf32, #tpu.memory_space<vmem>>, vector<1x16xf32>,
    } {sc.loop_unroll_factor = 2 : i64, sc.parallel_access}
    %add3A_1070 = arith.constant 0 : i32
    %add3A_1071 = arith.addi %add3A_1070, %mul3A_2 : i32
    %add3A_1072 = arith.constant 72 : i32
    %add3A_1073 = arith.addi %add3A_1071, %add3A_1072 : i32
    %dma_start3A_1074 = arith.constant 0 : i32
    %dma_start3A_1075 = tpu.memref_slice %arg5[%add3A_1073, %dma_start3A_1074] : memref<16384x1024xf32, #tpu.memory_space<hbm>> -> memref<8x1024xf32, #tpu.memory_space<hbm>>
    %dma_start3A_1076 = arith.constant 0 : i32
    %dma_start3A_1077 = tpu.memref_slice %arg5[%add3A_1073, %dma_start3A_1076] : memref<16384x1024xf32, #tpu.memory_space<hbm>> -> memref<8x1024xf32, #tpu.memory_space<hbm>>
    tpu.enqueue_dma source(%arg7 : memref<8x1024xf32, #tpu.memory_space<vmem>>) target(%dma_start3A_1077 : memref<8x1024xf32, #tpu.memory_space<hbm>>) target_semaphore(%arg28 : memref<!tpu.dma_semaphore, #tpu.memory_space<semaphore_mem>>)
    %add3A_1078 = arith.constant 4096 : i32
    %add3A_1079 = arith.addi %add3A_1078, %mul3A_2 : i32
    %add3A_1080 = arith.constant 72 : i32
    %add3A_1081 = arith.addi %add3A_1079, %add3A_1080 : i32
    %dma_start3A_1082 = arith.constant 0 : i32
    %dma_start3A_1083 = tpu.memref_slice %arg5[%add3A_1081, %dma_start3A_1082] : memref<16384x1024xf32, #tpu.memory_space<hbm>> -> memref<8x1024xf32, #tpu.memory_space<hbm>>
    %dma_start3A_1084 = arith.constant 0 : i32
    %dma_start3A_1085 = tpu.memref_slice %arg5[%add3A_1081, %dma_start3A_1084] : memref<16384x1024xf32, #tpu.memory_space<hbm>> -> memref<8x1024xf32, #tpu.memory_space<hbm>>
    tpu.enqueue_dma source(%arg8 : memref<8x1024xf32, #tpu.memory_space<vmem>>) target(%dma_start3A_1085 : memref<8x1024xf32, #tpu.memory_space<hbm>>) target_semaphore(%arg28 : memref<!tpu.dma_semaphore, #tpu.memory_space<semaphore_mem>>)
    %add3A_1086 = arith.constant 8192 : i32
    %add3A_1087 = arith.addi %add3A_1086, %mul3A_2 : i32
    %add3A_1088 = arith.constant 72 : i32
    %add3A_1089 = arith.addi %add3A_1087, %add3A_1088 : i32
    %dma_start3A_1090 = arith.constant 0 : i32
    %dma_start3A_1091 = tpu.memref_slice %arg5[%add3A_1089, %dma_start3A_1090] : memref<16384x1024xf32, #tpu.memory_space<hbm>> -> memref<8x1024xf32, #tpu.memory_space<hbm>>
    %dma_start3A_1092 = arith.constant 0 : i32
    %dma_start3A_1093 = tpu.memref_slice %arg5[%add3A_1089, %dma_start3A_1092] : memref<16384x1024xf32, #tpu.memory_space<hbm>> -> memref<8x1024xf32, #tpu.memory_space<hbm>>
    tpu.enqueue_dma source(%arg9 : memref<8x1024xf32, #tpu.memory_space<vmem>>) target(%dma_start3A_1093 : memref<8x1024xf32, #tpu.memory_space<hbm>>) target_semaphore(%arg28 : memref<!tpu.dma_semaphore, #tpu.memory_space<semaphore_mem>>)
    %add3A_1094 = arith.constant 12288 : i32
    %add3A_1095 = arith.addi %add3A_1094, %mul3A_2 : i32
    %add3A_1096 = arith.constant 72 : i32
    %add3A_1097 = arith.addi %add3A_1095, %add3A_1096 : i32
    %dma_start3A_1098 = arith.constant 0 : i32
    %dma_start3A_1099 = tpu.memref_slice %arg5[%add3A_1097, %dma_start3A_1098] : memref<16384x1024xf32, #tpu.memory_space<hbm>> -> memref<8x1024xf32, #tpu.memory_space<hbm>>
    %dma_start3A_1100 = arith.constant 0 : i32
    %dma_start3A_1101 = tpu.memref_slice %arg5[%add3A_1097, %dma_start3A_1100] : memref<16384x1024xf32, #tpu.memory_space<hbm>> -> memref<8x1024xf32, #tpu.memory_space<hbm>>
    tpu.enqueue_dma source(%arg10 : memref<8x1024xf32, #tpu.memory_space<vmem>>) target(%dma_start3A_1101 : memref<8x1024xf32, #tpu.memory_space<hbm>>) target_semaphore(%arg28 : memref<!tpu.dma_semaphore, #tpu.memory_space<semaphore_mem>>)
    %dma_wait3A_1102 = arith.constant 0 : i32
    %dma_wait3A_1103 = tpu.memref_slice %arg5[%add3A_1073, %dma_wait3A_1102] : memref<16384x1024xf32, #tpu.memory_space<hbm>> -> memref<8x1024xf32, #tpu.memory_space<hbm>>
    %dma_wait3A_1104 = arith.constant 0 : i32
    %dma_wait3A_1105 = tpu.memref_slice %arg5[%add3A_1073, %dma_wait3A_1104] : memref<16384x1024xf32, #tpu.memory_space<hbm>> -> memref<8x1024xf32, #tpu.memory_space<hbm>>
    tpu.wait_dma2 semaphore(%arg28 : memref<!tpu.dma_semaphore, #tpu.memory_space<semaphore_mem>>) src(%arg7 : memref<8x1024xf32, #tpu.memory_space<vmem>>) dst(%dma_wait3A_1105 : memref<8x1024xf32, #tpu.memory_space<hbm>>)
    %dma_wait3A_1106 = arith.constant 0 : i32
    %dma_wait3A_1107 = tpu.memref_slice %arg5[%add3A_1081, %dma_wait3A_1106] : memref<16384x1024xf32, #tpu.memory_space<hbm>> -> memref<8x1024xf32, #tpu.memory_space<hbm>>
    %dma_wait3A_1108 = arith.constant 0 : i32
    %dma_wait3A_1109 = tpu.memref_slice %arg5[%add3A_1081, %dma_wait3A_1108] : memref<16384x1024xf32, #tpu.memory_space<hbm>> -> memref<8x1024xf32, #tpu.memory_space<hbm>>
    tpu.wait_dma2 semaphore(%arg28 : memref<!tpu.dma_semaphore, #tpu.memory_space<semaphore_mem>>) src(%arg8 : memref<8x1024xf32, #tpu.memory_space<vmem>>) dst(%dma_wait3A_1109 : memref<8x1024xf32, #tpu.memory_space<hbm>>)
    %dma_wait3A_1110 = arith.constant 0 : i32
    %dma_wait3A_1111 = tpu.memref_slice %arg5[%add3A_1089, %dma_wait3A_1110] : memref<16384x1024xf32, #tpu.memory_space<hbm>> -> memref<8x1024xf32, #tpu.memory_space<hbm>>
    %dma_wait3A_1112 = arith.constant 0 : i32
    %dma_wait3A_1113 = tpu.memref_slice %arg5[%add3A_1089, %dma_wait3A_1112] : memref<16384x1024xf32, #tpu.memory_space<hbm>> -> memref<8x1024xf32, #tpu.memory_space<hbm>>
    tpu.wait_dma2 semaphore(%arg28 : memref<!tpu.dma_semaphore, #tpu.memory_space<semaphore_mem>>) src(%arg9 : memref<8x1024xf32, #tpu.memory_space<vmem>>) dst(%dma_wait3A_1113 : memref<8x1024xf32, #tpu.memory_space<hbm>>)
    %dma_wait3A_1114 = arith.constant 0 : i32
    %dma_wait3A_1115 = tpu.memref_slice %arg5[%add3A_1097, %dma_wait3A_1114] : memref<16384x1024xf32, #tpu.memory_space<hbm>> -> memref<8x1024xf32, #tpu.memory_space<hbm>>
    %dma_wait3A_1116 = arith.constant 0 : i32
    %dma_wait3A_1117 = tpu.memref_slice %arg5[%add3A_1097, %dma_wait3A_1116] : memref<16384x1024xf32, #tpu.memory_space<hbm>> -> memref<8x1024xf32, #tpu.memory_space<hbm>>
    tpu.wait_dma2 semaphore(%arg28 : memref<!tpu.dma_semaphore, #tpu.memory_space<semaphore_mem>>) src(%arg10 : memref<8x1024xf32, #tpu.memory_space<vmem>>) dst(%dma_wait3A_1117 : memref<8x1024xf32, #tpu.memory_space<hbm>>)
    %add3A_1118 = arith.constant 96 : i32
    %add3A_1119 = arith.addi %mul3A_2, %add3A_1118 : i32
    %dma_start3A_1120 = arith.constant 0 : i32
    %dma_start3A_1121 = tpu.memref_slice %arg4[%add3A_1119, %dma_start3A_1120] : memref<8192x1024xf32, #tpu.memory_space<hbm>> -> memref<8x1024xf32, #tpu.memory_space<hbm>>
    %dma_start3A_1122 = arith.constant 0 : i32
    %dma_start3A_1123 = tpu.memref_slice %arg4[%add3A_1119, %dma_start3A_1122] : memref<8192x1024xf32, #tpu.memory_space<hbm>> -> memref<8x1024xf32, #tpu.memory_space<hbm>>
    tpu.enqueue_dma source(%dma_start3A_1123 : memref<8x1024xf32, #tpu.memory_space<hbm>>) target(%arg19 : memref<8x1024xf32, #tpu.memory_space<vmem>>) target_semaphore(%arg25 : memref<!tpu.dma_semaphore, #tpu.memory_space<semaphore_mem>>)
    %dma_start3A_1124 = arith.constant 96 : i32
    %dma_start3A_1125 = tpu.memref_slice %arg6[%dma_start3A_1124] : memref<512xi32, #tpu.memory_space<vmem>> -> memref<8xi32, #tpu.memory_space<vmem>>
    %dma_start3A_1126 = arith.constant 0 : i32
    %dma_start3A_1127 = arith.constant 0 : i32
    %dma_start3A_1128 = tpu.memref_slice %arg3[%dma_start3A_1126, %dma_start3A_1127] : memref<100000x1024xf32, #tpu.memory_space<hbm>> -> memref<100000x1024xf32, #tpu.memory_space<hbm>>
    tpu.enqueue_indirect_dma source(%dma_start3A_1128 : memref<100000x1024xf32, #tpu.memory_space<hbm>>) target(%arg7 : memref<8x1024xf32, #tpu.memory_space<vmem>>) offsets(%dma_start3A_1125 : memref<8xi32, #tpu.memory_space<vmem>>) semaphore(%arg22 : memref<!tpu.dma_semaphore, #tpu.memory_space<semaphore_mem>>)
    %dma_start3A_1129 = arith.constant 224 : i32
    %dma_start3A_1130 = tpu.memref_slice %arg6[%dma_start3A_1129] : memref<512xi32, #tpu.memory_space<vmem>> -> memref<8xi32, #tpu.memory_space<vmem>>
    %dma_start3A_1131 = arith.constant 0 : i32
    %dma_start3A_1132 = arith.constant 0 : i32
    %dma_start3A_1133 = tpu.memref_slice %arg3[%dma_start3A_1131, %dma_start3A_1132] : memref<100000x1024xf32, #tpu.memory_space<hbm>> -> memref<100000x1024xf32, #tpu.memory_space<hbm>>
    tpu.enqueue_indirect_dma source(%dma_start3A_1133 : memref<100000x1024xf32, #tpu.memory_space<hbm>>) target(%arg8 : memref<8x1024xf32, #tpu.memory_space<vmem>>) offsets(%dma_start3A_1130 : memref<8xi32, #tpu.memory_space<vmem>>) semaphore(%arg22 : memref<!tpu.dma_semaphore, #tpu.memory_space<semaphore_mem>>)
    %dma_start3A_1134 = arith.constant 352 : i32
    %dma_start3A_1135 = tpu.memref_slice %arg6[%dma_start3A_1134] : memref<512xi32, #tpu.memory_space<vmem>> -> memref<8xi32, #tpu.memory_space<vmem>>
    %dma_start3A_1136 = arith.constant 0 : i32
    %dma_start3A_1137 = arith.constant 0 : i32
    %dma_start3A_1138 = tpu.memref_slice %arg3[%dma_start3A_1136, %dma_start3A_1137] : memref<100000x1024xf32, #tpu.memory_space<hbm>> -> memref<100000x1024xf32, #tpu.memory_space<hbm>>
    tpu.enqueue_indirect_dma source(%dma_start3A_1138 : memref<100000x1024xf32, #tpu.memory_space<hbm>>) target(%arg9 : memref<8x1024xf32, #tpu.memory_space<vmem>>) offsets(%dma_start3A_1135 : memref<8xi32, #tpu.memory_space<vmem>>) semaphore(%arg22 : memref<!tpu.dma_semaphore, #tpu.memory_space<semaphore_mem>>)
    %dma_start3A_1139 = arith.constant 480 : i32
    %dma_start3A_1140 = tpu.memref_slice %arg6[%dma_start3A_1139] : memref<512xi32, #tpu.memory_space<vmem>> -> memref<8xi32, #tpu.memory_space<vmem>>
    %dma_start3A_1141 = arith.constant 0 : i32
    %dma_start3A_1142 = arith.constant 0 : i32
    %dma_start3A_1143 = tpu.memref_slice %arg3[%dma_start3A_1141, %dma_start3A_1142] : memref<100000x1024xf32, #tpu.memory_space<hbm>> -> memref<100000x1024xf32, #tpu.memory_space<hbm>>
    tpu.enqueue_indirect_dma source(%dma_start3A_1143 : memref<100000x1024xf32, #tpu.memory_space<hbm>>) target(%arg10 : memref<8x1024xf32, #tpu.memory_space<vmem>>) offsets(%dma_start3A_1140 : memref<8xi32, #tpu.memory_space<vmem>>) semaphore(%arg22 : memref<!tpu.dma_semaphore, #tpu.memory_space<semaphore_mem>>)
    %dma_wait3A_1144 = arith.constant 0 : i32
    %dma_wait3A_1145 = tpu.memref_slice %arg4[%add3A_917, %dma_wait3A_1144] : memref<8192x1024xf32, #tpu.memory_space<hbm>> -> memref<8x1024xf32, #tpu.memory_space<hbm>>
    %dma_wait3A_1146 = arith.constant 0 : i32
    %dma_wait3A_1147 = tpu.memref_slice %arg4[%add3A_917, %dma_wait3A_1146] : memref<8192x1024xf32, #tpu.memory_space<hbm>> -> memref<8x1024xf32, #tpu.memory_space<hbm>>
    tpu.wait_dma2 semaphore(%arg26 : memref<!tpu.dma_semaphore, #tpu.memory_space<semaphore_mem>>) src(%dma_wait3A_1147 : memref<8x1024xf32, #tpu.memory_space<hbm>>) dst(%arg20 : memref<8x1024xf32, #tpu.memory_space<vmem>>)
    %dma_wait3A_1148 = arith.constant 80 : i32
    %dma_wait3A_1149 = tpu.memref_slice %arg6[%dma_wait3A_1148] : memref<512xi32, #tpu.memory_space<vmem>> -> memref<8xi32, #tpu.memory_space<vmem>>
    %dma_wait3A_1150 = arith.constant 0 : i32
    %dma_wait3A_1151 = arith.constant 0 : i32
    %dma_wait3A_1152 = tpu.memref_slice %arg3[%dma_wait3A_1150, %dma_wait3A_1151] : memref<100000x1024xf32, #tpu.memory_space<hbm>> -> memref<100000x1024xf32, #tpu.memory_space<hbm>>
    tpu.wait_indirect_dma semaphore(%arg23 : memref<!tpu.dma_semaphore, #tpu.memory_space<semaphore_mem>>) src(%dma_wait3A_1152 : memref<100000x1024xf32, #tpu.memory_space<hbm>>) dst(%arg11 : memref<8x1024xf32, #tpu.memory_space<vmem>>)
    %dma_wait3A_1153 = arith.constant 208 : i32
    %dma_wait3A_1154 = tpu.memref_slice %arg6[%dma_wait3A_1153] : memref<512xi32, #tpu.memory_space<vmem>> -> memref<8xi32, #tpu.memory_space<vmem>>
    %dma_wait3A_1155 = arith.constant 0 : i32
    %dma_wait3A_1156 = arith.constant 0 : i32
    %dma_wait3A_1157 = tpu.memref_slice %arg3[%dma_wait3A_1155, %dma_wait3A_1156] : memref<100000x1024xf32, #tpu.memory_space<hbm>> -> memref<100000x1024xf32, #tpu.memory_space<hbm>>
    tpu.wait_indirect_dma semaphore(%arg23 : memref<!tpu.dma_semaphore, #tpu.memory_space<semaphore_mem>>) src(%dma_wait3A_1157 : memref<100000x1024xf32, #tpu.memory_space<hbm>>) dst(%arg12 : memref<8x1024xf32, #tpu.memory_space<vmem>>)
    %dma_wait3A_1158 = arith.constant 336 : i32
    %dma_wait3A_1159 = tpu.memref_slice %arg6[%dma_wait3A_1158] : memref<512xi32, #tpu.memory_space<vmem>> -> memref<8xi32, #tpu.memory_space<vmem>>
    %dma_wait3A_1160 = arith.constant 0 : i32
    %dma_wait3A_1161 = arith.constant 0 : i32
    %dma_wait3A_1162 = tpu.memref_slice %arg3[%dma_wait3A_1160, %dma_wait3A_1161] : memref<100000x1024xf32, #tpu.memory_space<hbm>> -> memref<100000x1024xf32, #tpu.memory_space<hbm>>
    tpu.wait_indirect_dma semaphore(%arg23 : memref<!tpu.dma_semaphore, #tpu.memory_space<semaphore_mem>>) src(%dma_wait3A_1162 : memref<100000x1024xf32, #tpu.memory_space<hbm>>) dst(%arg13 : memref<8x1024xf32, #tpu.memory_space<vmem>>)
    %dma_wait3A_1163 = arith.constant 464 : i32
    %dma_wait3A_1164 = tpu.memref_slice %arg6[%dma_wait3A_1163] : memref<512xi32, #tpu.memory_space<vmem>> -> memref<8xi32, #tpu.memory_space<vmem>>
    %dma_wait3A_1165 = arith.constant 0 : i32
    %dma_wait3A_1166 = arith.constant 0 : i32
    %dma_wait3A_1167 = tpu.memref_slice %arg3[%dma_wait3A_1165, %dma_wait3A_1166] : memref<100000x1024xf32, #tpu.memory_space<hbm>> -> memref<100000x1024xf32, #tpu.memory_space<hbm>>
    tpu.wait_indirect_dma semaphore(%arg23 : memref<!tpu.dma_semaphore, #tpu.memory_space<semaphore_mem>>) src(%dma_wait3A_1167 : memref<100000x1024xf32, #tpu.memory_space<hbm>>) dst(%arg14 : memref<8x1024xf32, #tpu.memory_space<vmem>>)
    %parallel_loop3A_1168 = arith.constant 0 : i32
    %parallel_loop3A_1169 = arith.constant 512 : i32
    %parallel_loop3A_1170 = arith.constant 1 : i32
    scf.for %parallel_loop3A_1672 = %parallel_loop3A_1168 to %parallel_loop3A_1169 step %parallel_loop3A_1170  : i32 {
      %parallel_loop3A_1673 = arith.constant 64 : i32
      %parallel_loop3A_1674 = arith.divsi %parallel_loop3A_1672, %parallel_loop3A_1673 : i32
      %parallel_loop3A_1675 = arith.constant 0 : i32
      %parallel_loop3A_1676 = arith.cmpi sgt, %parallel_loop3A_1672, %parallel_loop3A_1675 : i32
      %parallel_loop3A_1677 = arith.extui %parallel_loop3A_1676 : i1 to i32
      %parallel_loop3A_1678 = arith.constant 0 : i32
      %parallel_loop3A_1679 = arith.cmpi slt, %parallel_loop3A_1672, %parallel_loop3A_1678 : i32
      %parallel_loop3A_1680 = arith.extui %parallel_loop3A_1679 : i1 to i32
      %parallel_loop3A_1681 = arith.subi %parallel_loop3A_1677, %parallel_loop3A_1680 : i32
      %parallel_loop3A_1682 = arith.constant 0 : i32
      %parallel_loop3A_1683 = arith.cmpi sgt, %parallel_loop3A_1673, %parallel_loop3A_1682 : i32
      %parallel_loop3A_1684 = arith.extui %parallel_loop3A_1683 : i1 to i32
      %parallel_loop3A_1685 = arith.constant 0 : i32
      %parallel_loop3A_1686 = arith.cmpi slt, %parallel_loop3A_1673, %parallel_loop3A_1685 : i32
      %parallel_loop3A_1687 = arith.extui %parallel_loop3A_1686 : i1 to i32
      %parallel_loop3A_1688 = arith.subi %parallel_loop3A_1684, %parallel_loop3A_1687 : i32
      %parallel_loop3A_1689 = arith.cmpi ne, %parallel_loop3A_1681, %parallel_loop3A_1688 : i32
      %parallel_loop3A_1690 = arith.remsi %parallel_loop3A_1672, %parallel_loop3A_1673 : i32
      %parallel_loop3A_1691 = arith.constant 0 : i32
      %parallel_loop3A_1692 = arith.cmpi ne, %parallel_loop3A_1690, %parallel_loop3A_1691 : i32
      %parallel_loop3A_1693 = arith.andi %parallel_loop3A_1689, %parallel_loop3A_1692 : i1
      %parallel_loop3A_1694 = arith.constant 1 : i32
      %parallel_loop3A_1695 = arith.subi %parallel_loop3A_1674, %parallel_loop3A_1694 : i32
      %parallel_loop3A_1696 = arith.select %parallel_loop3A_1693, %parallel_loop3A_1695, %parallel_loop3A_1674 : i32
      %parallel_loop3A_1697 = arith.constant 64 : i32
      %parallel_loop3A_1698 = arith.constant 0 : i32
      %parallel_loop3A_1699 = arith.cmpi eq, %parallel_loop3A_1697, %parallel_loop3A_1698 : i32
      %parallel_loop3A_1700 = arith.constant 1 : i32
      %parallel_loop3A_1701 = arith.select %parallel_loop3A_1699, %parallel_loop3A_1700, %parallel_loop3A_1697 : i32
      %parallel_loop3A_1702 = arith.remsi %parallel_loop3A_1672, %parallel_loop3A_1701 : i32
      %parallel_loop3A_1703 = arith.constant 0 : i32
      %parallel_loop3A_1704 = arith.cmpi ne, %parallel_loop3A_1702, %parallel_loop3A_1703 : i32
      %parallel_loop3A_1705 = arith.constant 0 : i32
      %parallel_loop3A_1706 = arith.cmpi slt, %parallel_loop3A_1702, %parallel_loop3A_1705 : i32
      %parallel_loop3A_1707 = arith.constant 0 : i32
      %parallel_loop3A_1708 = arith.cmpi slt, %parallel_loop3A_1701, %parallel_loop3A_1707 : i32
      %parallel_loop3A_1709 = arith.xori %parallel_loop3A_1706, %parallel_loop3A_1708 : i1
      %parallel_loop3A_1710 = arith.andi %parallel_loop3A_1709, %parallel_loop3A_1704 : i1
      %parallel_loop3A_1711 = arith.addi %parallel_loop3A_1702, %parallel_loop3A_1701 : i32
      %parallel_loop3A_1712 = arith.select %parallel_loop3A_1710, %parallel_loop3A_1711, %parallel_loop3A_1702 : i32
      %parallel_loop3A_1713 = arith.constant 16 : i32
      %parallel_loop3A_1714 = arith.muli %parallel_loop3A_1712, %parallel_loop3A_1713 : i32
      %parallel_loop3A_1715 = arith.index_cast %parallel_loop3A_1696 : i32 to index
      %parallel_loop3A_1716 = arith.index_cast %parallel_loop3A_1714 : i32 to index
      %parallel_loop3A_1717 = tpu.vector_load %arg20[%parallel_loop3A_1715, %parallel_loop3A_1716] {strides = array<i32>} : memref<8x1024xf32, #tpu.memory_space<vmem>>, vector<1x16xf32>,
      %parallel_loop3A_1718 = vector.shape_cast %parallel_loop3A_1717 : vector<1x16xf32> to vector<16xf32>
      %parallel_loop3A_1719 = arith.index_cast %parallel_loop3A_1696 : i32 to index
      %parallel_loop3A_1720 = arith.index_cast %parallel_loop3A_1714 : i32 to index
      %parallel_loop3A_1721 = tpu.vector_load %arg11[%parallel_loop3A_1719, %parallel_loop3A_1720] {strides = array<i32>} : memref<8x1024xf32, #tpu.memory_space<vmem>>, vector<1x16xf32>,
      %parallel_loop3A_1722 = vector.shape_cast %parallel_loop3A_1721 : vector<1x16xf32> to vector<16xf32>
      %parallel_loop3A_1723 = vector.shape_cast %parallel_loop3A_1718 : vector<16xf32> to vector<1x16xf32>
      tpu.vector_store %arg11[%parallel_loop3A_1719, %parallel_loop3A_1720], %parallel_loop3A_1723 {add = true, strides = array<i32>} : memref<8x1024xf32, #tpu.memory_space<vmem>>, vector<1x16xf32>,
      %parallel_loop3A_1724 = arith.index_cast %parallel_loop3A_1696 : i32 to index
      %parallel_loop3A_1725 = arith.index_cast %parallel_loop3A_1714 : i32 to index
      %parallel_loop3A_1726 = tpu.vector_load %arg12[%parallel_loop3A_1724, %parallel_loop3A_1725] {strides = array<i32>} : memref<8x1024xf32, #tpu.memory_space<vmem>>, vector<1x16xf32>,
      %parallel_loop3A_1727 = vector.shape_cast %parallel_loop3A_1726 : vector<1x16xf32> to vector<16xf32>
      %parallel_loop3A_1728 = vector.shape_cast %parallel_loop3A_1718 : vector<16xf32> to vector<1x16xf32>
      tpu.vector_store %arg12[%parallel_loop3A_1724, %parallel_loop3A_1725], %parallel_loop3A_1728 {add = true, strides = array<i32>} : memref<8x1024xf32, #tpu.memory_space<vmem>>, vector<1x16xf32>,
      %parallel_loop3A_1729 = arith.index_cast %parallel_loop3A_1696 : i32 to index
      %parallel_loop3A_1730 = arith.index_cast %parallel_loop3A_1714 : i32 to index
      %parallel_loop3A_1731 = tpu.vector_load %arg13[%parallel_loop3A_1729, %parallel_loop3A_1730] {strides = array<i32>} : memref<8x1024xf32, #tpu.memory_space<vmem>>, vector<1x16xf32>,
      %parallel_loop3A_1732 = vector.shape_cast %parallel_loop3A_1731 : vector<1x16xf32> to vector<16xf32>
      %parallel_loop3A_1733 = vector.shape_cast %parallel_loop3A_1718 : vector<16xf32> to vector<1x16xf32>
      tpu.vector_store %arg13[%parallel_loop3A_1729, %parallel_loop3A_1730], %parallel_loop3A_1733 {add = true, strides = array<i32>} : memref<8x1024xf32, #tpu.memory_space<vmem>>, vector<1x16xf32>,
      %parallel_loop3A_1734 = arith.index_cast %parallel_loop3A_1696 : i32 to index
      %parallel_loop3A_1735 = arith.index_cast %parallel_loop3A_1714 : i32 to index
      %parallel_loop3A_1736 = tpu.vector_load %arg14[%parallel_loop3A_1734, %parallel_loop3A_1735] {strides = array<i32>} : memref<8x1024xf32, #tpu.memory_space<vmem>>, vector<1x16xf32>,
      %parallel_loop3A_1737 = vector.shape_cast %parallel_loop3A_1736 : vector<1x16xf32> to vector<16xf32>
      %parallel_loop3A_1738 = vector.shape_cast %parallel_loop3A_1718 : vector<16xf32> to vector<1x16xf32>
      tpu.vector_store %arg14[%parallel_loop3A_1734, %parallel_loop3A_1735], %parallel_loop3A_1738 {add = true, strides = array<i32>} : memref<8x1024xf32, #tpu.memory_space<vmem>>, vector<1x16xf32>,
    } {sc.loop_unroll_factor = 2 : i64, sc.parallel_access}
    %add3A_1171 = arith.constant 0 : i32
    %add3A_1172 = arith.addi %add3A_1171, %mul3A_2 : i32
    %add3A_1173 = arith.constant 80 : i32
    %add3A_1174 = arith.addi %add3A_1172, %add3A_1173 : i32
    %dma_start3A_1175 = arith.constant 0 : i32
    %dma_start3A_1176 = tpu.memref_slice %arg5[%add3A_1174, %dma_start3A_1175] : memref<16384x1024xf32, #tpu.memory_space<hbm>> -> memref<8x1024xf32, #tpu.memory_space<hbm>>
    %dma_start3A_1177 = arith.constant 0 : i32
    %dma_start3A_1178 = tpu.memref_slice %arg5[%add3A_1174, %dma_start3A_1177] : memref<16384x1024xf32, #tpu.memory_space<hbm>> -> memref<8x1024xf32, #tpu.memory_space<hbm>>
    tpu.enqueue_dma source(%arg11 : memref<8x1024xf32, #tpu.memory_space<vmem>>) target(%dma_start3A_1178 : memref<8x1024xf32, #tpu.memory_space<hbm>>) target_semaphore(%arg29 : memref<!tpu.dma_semaphore, #tpu.memory_space<semaphore_mem>>)
    %add3A_1179 = arith.constant 4096 : i32
    %add3A_1180 = arith.addi %add3A_1179, %mul3A_2 : i32
    %add3A_1181 = arith.constant 80 : i32
    %add3A_1182 = arith.addi %add3A_1180, %add3A_1181 : i32
    %dma_start3A_1183 = arith.constant 0 : i32
    %dma_start3A_1184 = tpu.memref_slice %arg5[%add3A_1182, %dma_start3A_1183] : memref<16384x1024xf32, #tpu.memory_space<hbm>> -> memref<8x1024xf32, #tpu.memory_space<hbm>>
    %dma_start3A_1185 = arith.constant 0 : i32
    %dma_start3A_1186 = tpu.memref_slice %arg5[%add3A_1182, %dma_start3A_1185] : memref<16384x1024xf32, #tpu.memory_space<hbm>> -> memref<8x1024xf32, #tpu.memory_space<hbm>>
    tpu.enqueue_dma source(%arg12 : memref<8x1024xf32, #tpu.memory_space<vmem>>) target(%dma_start3A_1186 : memref<8x1024xf32, #tpu.memory_space<hbm>>) target_semaphore(%arg29 : memref<!tpu.dma_semaphore, #tpu.memory_space<semaphore_mem>>)
    %add3A_1187 = arith.constant 8192 : i32
    %add3A_1188 = arith.addi %add3A_1187, %mul3A_2 : i32
    %add3A_1189 = arith.constant 80 : i32
    %add3A_1190 = arith.addi %add3A_1188, %add3A_1189 : i32
    %dma_start3A_1191 = arith.constant 0 : i32
    %dma_start3A_1192 = tpu.memref_slice %arg5[%add3A_1190, %dma_start3A_1191] : memref<16384x1024xf32, #tpu.memory_space<hbm>> -> memref<8x1024xf32, #tpu.memory_space<hbm>>
    %dma_start3A_1193 = arith.constant 0 : i32
    %dma_start3A_1194 = tpu.memref_slice %arg5[%add3A_1190, %dma_start3A_1193] : memref<16384x1024xf32, #tpu.memory_space<hbm>> -> memref<8x1024xf32, #tpu.memory_space<hbm>>
    tpu.enqueue_dma source(%arg13 : memref<8x1024xf32, #tpu.memory_space<vmem>>) target(%dma_start3A_1194 : memref<8x1024xf32, #tpu.memory_space<hbm>>) target_semaphore(%arg29 : memref<!tpu.dma_semaphore, #tpu.memory_space<semaphore_mem>>)
    %add3A_1195 = arith.constant 12288 : i32
    %add3A_1196 = arith.addi %add3A_1195, %mul3A_2 : i32
    %add3A_1197 = arith.constant 80 : i32
    %add3A_1198 = arith.addi %add3A_1196, %add3A_1197 : i32
    %dma_start3A_1199 = arith.constant 0 : i32
    %dma_start3A_1200 = tpu.memref_slice %arg5[%add3A_1198, %dma_start3A_1199] : memref<16384x1024xf32, #tpu.memory_space<hbm>> -> memref<8x1024xf32, #tpu.memory_space<hbm>>
    %dma_start3A_1201 = arith.constant 0 : i32
    %dma_start3A_1202 = tpu.memref_slice %arg5[%add3A_1198, %dma_start3A_1201] : memref<16384x1024xf32, #tpu.memory_space<hbm>> -> memref<8x1024xf32, #tpu.memory_space<hbm>>
    tpu.enqueue_dma source(%arg14 : memref<8x1024xf32, #tpu.memory_space<vmem>>) target(%dma_start3A_1202 : memref<8x1024xf32, #tpu.memory_space<hbm>>) target_semaphore(%arg29 : memref<!tpu.dma_semaphore, #tpu.memory_space<semaphore_mem>>)
    %dma_wait3A_1203 = arith.constant 0 : i32
    %dma_wait3A_1204 = tpu.memref_slice %arg5[%add3A_1174, %dma_wait3A_1203] : memref<16384x1024xf32, #tpu.memory_space<hbm>> -> memref<8x1024xf32, #tpu.memory_space<hbm>>
    %dma_wait3A_1205 = arith.constant 0 : i32
    %dma_wait3A_1206 = tpu.memref_slice %arg5[%add3A_1174, %dma_wait3A_1205] : memref<16384x1024xf32, #tpu.memory_space<hbm>> -> memref<8x1024xf32, #tpu.memory_space<hbm>>
    tpu.wait_dma2 semaphore(%arg29 : memref<!tpu.dma_semaphore, #tpu.memory_space<semaphore_mem>>) src(%arg11 : memref<8x1024xf32, #tpu.memory_space<vmem>>) dst(%dma_wait3A_1206 : memref<8x1024xf32, #tpu.memory_space<hbm>>)
    %dma_wait3A_1207 = arith.constant 0 : i32
    %dma_wait3A_1208 = tpu.memref_slice %arg5[%add3A_1182, %dma_wait3A_1207] : memref<16384x1024xf32, #tpu.memory_space<hbm>> -> memref<8x1024xf32, #tpu.memory_space<hbm>>
    %dma_wait3A_1209 = arith.constant 0 : i32
    %dma_wait3A_1210 = tpu.memref_slice %arg5[%add3A_1182, %dma_wait3A_1209] : memref<16384x1024xf32, #tpu.memory_space<hbm>> -> memref<8x1024xf32, #tpu.memory_space<hbm>>
    tpu.wait_dma2 semaphore(%arg29 : memref<!tpu.dma_semaphore, #tpu.memory_space<semaphore_mem>>) src(%arg12 : memref<8x1024xf32, #tpu.memory_space<vmem>>) dst(%dma_wait3A_1210 : memref<8x1024xf32, #tpu.memory_space<hbm>>)
    %dma_wait3A_1211 = arith.constant 0 : i32
    %dma_wait3A_1212 = tpu.memref_slice %arg5[%add3A_1190, %dma_wait3A_1211] : memref<16384x1024xf32, #tpu.memory_space<hbm>> -> memref<8x1024xf32, #tpu.memory_space<hbm>>
    %dma_wait3A_1213 = arith.constant 0 : i32
    %dma_wait3A_1214 = tpu.memref_slice %arg5[%add3A_1190, %dma_wait3A_1213] : memref<16384x1024xf32, #tpu.memory_space<hbm>> -> memref<8x1024xf32, #tpu.memory_space<hbm>>
    tpu.wait_dma2 semaphore(%arg29 : memref<!tpu.dma_semaphore, #tpu.memory_space<semaphore_mem>>) src(%arg13 : memref<8x1024xf32, #tpu.memory_space<vmem>>) dst(%dma_wait3A_1214 : memref<8x1024xf32, #tpu.memory_space<hbm>>)
    %dma_wait3A_1215 = arith.constant 0 : i32
    %dma_wait3A_1216 = tpu.memref_slice %arg5[%add3A_1198, %dma_wait3A_1215] : memref<16384x1024xf32, #tpu.memory_space<hbm>> -> memref<8x1024xf32, #tpu.memory_space<hbm>>
    %dma_wait3A_1217 = arith.constant 0 : i32
    %dma_wait3A_1218 = tpu.memref_slice %arg5[%add3A_1198, %dma_wait3A_1217] : memref<16384x1024xf32, #tpu.memory_space<hbm>> -> memref<8x1024xf32, #tpu.memory_space<hbm>>
    tpu.wait_dma2 semaphore(%arg29 : memref<!tpu.dma_semaphore, #tpu.memory_space<semaphore_mem>>) src(%arg14 : memref<8x1024xf32, #tpu.memory_space<vmem>>) dst(%dma_wait3A_1218 : memref<8x1024xf32, #tpu.memory_space<hbm>>)
    %add3A_1219 = arith.constant 104 : i32
    %add3A_1220 = arith.addi %mul3A_2, %add3A_1219 : i32
    %dma_start3A_1221 = arith.constant 0 : i32
    %dma_start3A_1222 = tpu.memref_slice %arg4[%add3A_1220, %dma_start3A_1221] : memref<8192x1024xf32, #tpu.memory_space<hbm>> -> memref<8x1024xf32, #tpu.memory_space<hbm>>
    %dma_start3A_1223 = arith.constant 0 : i32
    %dma_start3A_1224 = tpu.memref_slice %arg4[%add3A_1220, %dma_start3A_1223] : memref<8192x1024xf32, #tpu.memory_space<hbm>> -> memref<8x1024xf32, #tpu.memory_space<hbm>>
    tpu.enqueue_dma source(%dma_start3A_1224 : memref<8x1024xf32, #tpu.memory_space<hbm>>) target(%arg20 : memref<8x1024xf32, #tpu.memory_space<vmem>>) target_semaphore(%arg26 : memref<!tpu.dma_semaphore, #tpu.memory_space<semaphore_mem>>)
    %dma_start3A_1225 = arith.constant 104 : i32
    %dma_start3A_1226 = tpu.memref_slice %arg6[%dma_start3A_1225] : memref<512xi32, #tpu.memory_space<vmem>> -> memref<8xi32, #tpu.memory_space<vmem>>
    %dma_start3A_1227 = arith.constant 0 : i32
    %dma_start3A_1228 = arith.constant 0 : i32
    %dma_start3A_1229 = tpu.memref_slice %arg3[%dma_start3A_1227, %dma_start3A_1228] : memref<100000x1024xf32, #tpu.memory_space<hbm>> -> memref<100000x1024xf32, #tpu.memory_space<hbm>>
    tpu.enqueue_indirect_dma source(%dma_start3A_1229 : memref<100000x1024xf32, #tpu.memory_space<hbm>>) target(%arg11 : memref<8x1024xf32, #tpu.memory_space<vmem>>) offsets(%dma_start3A_1226 : memref<8xi32, #tpu.memory_space<vmem>>) semaphore(%arg23 : memref<!tpu.dma_semaphore, #tpu.memory_space<semaphore_mem>>)
    %dma_start3A_1230 = arith.constant 232 : i32
    %dma_start3A_1231 = tpu.memref_slice %arg6[%dma_start3A_1230] : memref<512xi32, #tpu.memory_space<vmem>> -> memref<8xi32, #tpu.memory_space<vmem>>
    %dma_start3A_1232 = arith.constant 0 : i32
    %dma_start3A_1233 = arith.constant 0 : i32
    %dma_start3A_1234 = tpu.memref_slice %arg3[%dma_start3A_1232, %dma_start3A_1233] : memref<100000x1024xf32, #tpu.memory_space<hbm>> -> memref<100000x1024xf32, #tpu.memory_space<hbm>>
    tpu.enqueue_indirect_dma source(%dma_start3A_1234 : memref<100000x1024xf32, #tpu.memory_space<hbm>>) target(%arg12 : memref<8x1024xf32, #tpu.memory_space<vmem>>) offsets(%dma_start3A_1231 : memref<8xi32, #tpu.memory_space<vmem>>) semaphore(%arg23 : memref<!tpu.dma_semaphore, #tpu.memory_space<semaphore_mem>>)
    %dma_start3A_1235 = arith.constant 360 : i32
    %dma_start3A_1236 = tpu.memref_slice %arg6[%dma_start3A_1235] : memref<512xi32, #tpu.memory_space<vmem>> -> memref<8xi32, #tpu.memory_space<vmem>>
    %dma_start3A_1237 = arith.constant 0 : i32
    %dma_start3A_1238 = arith.constant 0 : i32
    %dma_start3A_1239 = tpu.memref_slice %arg3[%dma_start3A_1237, %dma_start3A_1238] : memref<100000x1024xf32, #tpu.memory_space<hbm>> -> memref<100000x1024xf32, #tpu.memory_space<hbm>>
    tpu.enqueue_indirect_dma source(%dma_start3A_1239 : memref<100000x1024xf32, #tpu.memory_space<hbm>>) target(%arg13 : memref<8x1024xf32, #tpu.memory_space<vmem>>) offsets(%dma_start3A_1236 : memref<8xi32, #tpu.memory_space<vmem>>) semaphore(%arg23 : memref<!tpu.dma_semaphore, #tpu.memory_space<semaphore_mem>>)
    %dma_start3A_1240 = arith.constant 488 : i32
    %dma_start3A_1241 = tpu.memref_slice %arg6[%dma_start3A_1240] : memref<512xi32, #tpu.memory_space<vmem>> -> memref<8xi32, #tpu.memory_space<vmem>>
    %dma_start3A_1242 = arith.constant 0 : i32
    %dma_start3A_1243 = arith.constant 0 : i32
    %dma_start3A_1244 = tpu.memref_slice %arg3[%dma_start3A_1242, %dma_start3A_1243] : memref<100000x1024xf32, #tpu.memory_space<hbm>> -> memref<100000x1024xf32, #tpu.memory_space<hbm>>
    tpu.enqueue_indirect_dma source(%dma_start3A_1244 : memref<100000x1024xf32, #tpu.memory_space<hbm>>) target(%arg14 : memref<8x1024xf32, #tpu.memory_space<vmem>>) offsets(%dma_start3A_1241 : memref<8xi32, #tpu.memory_space<vmem>>) semaphore(%arg23 : memref<!tpu.dma_semaphore, #tpu.memory_space<semaphore_mem>>)
    %dma_wait3A_1245 = arith.constant 0 : i32
    %dma_wait3A_1246 = tpu.memref_slice %arg4[%add3A_1018, %dma_wait3A_1245] : memref<8192x1024xf32, #tpu.memory_space<hbm>> -> memref<8x1024xf32, #tpu.memory_space<hbm>>
    %dma_wait3A_1247 = arith.constant 0 : i32
    %dma_wait3A_1248 = tpu.memref_slice %arg4[%add3A_1018, %dma_wait3A_1247] : memref<8192x1024xf32, #tpu.memory_space<hbm>> -> memref<8x1024xf32, #tpu.memory_space<hbm>>
    tpu.wait_dma2 semaphore(%arg27 : memref<!tpu.dma_semaphore, #tpu.memory_space<semaphore_mem>>) src(%dma_wait3A_1248 : memref<8x1024xf32, #tpu.memory_space<hbm>>) dst(%arg21 : memref<8x1024xf32, #tpu.memory_space<vmem>>)
    %dma_wait3A_1249 = arith.constant 88 : i32
    %dma_wait3A_1250 = tpu.memref_slice %arg6[%dma_wait3A_1249] : memref<512xi32, #tpu.memory_space<vmem>> -> memref<8xi32, #tpu.memory_space<vmem>>
    %dma_wait3A_1251 = arith.constant 0 : i32
    %dma_wait3A_1252 = arith.constant 0 : i32
    %dma_wait3A_1253 = tpu.memref_slice %arg3[%dma_wait3A_1251, %dma_wait3A_1252] : memref<100000x1024xf32, #tpu.memory_space<hbm>> -> memref<100000x1024xf32, #tpu.memory_space<hbm>>
    tpu.wait_indirect_dma semaphore(%arg24 : memref<!tpu.dma_semaphore, #tpu.memory_space<semaphore_mem>>) src(%dma_wait3A_1253 : memref<100000x1024xf32, #tpu.memory_space<hbm>>) dst(%arg15 : memref<8x1024xf32, #tpu.memory_space<vmem>>)
    %dma_wait3A_1254 = arith.constant 216 : i32
    %dma_wait3A_1255 = tpu.memref_slice %arg6[%dma_wait3A_1254] : memref<512xi32, #tpu.memory_space<vmem>> -> memref<8xi32, #tpu.memory_space<vmem>>
    %dma_wait3A_1256 = arith.constant 0 : i32
    %dma_wait3A_1257 = arith.constant 0 : i32
    %dma_wait3A_1258 = tpu.memref_slice %arg3[%dma_wait3A_1256, %dma_wait3A_1257] : memref<100000x1024xf32, #tpu.memory_space<hbm>> -> memref<100000x1024xf32, #tpu.memory_space<hbm>>
    tpu.wait_indirect_dma semaphore(%arg24 : memref<!tpu.dma_semaphore, #tpu.memory_space<semaphore_mem>>) src(%dma_wait3A_1258 : memref<100000x1024xf32, #tpu.memory_space<hbm>>) dst(%arg16 : memref<8x1024xf32, #tpu.memory_space<vmem>>)
    %dma_wait3A_1259 = arith.constant 344 : i32
    %dma_wait3A_1260 = tpu.memref_slice %arg6[%dma_wait3A_1259] : memref<512xi32, #tpu.memory_space<vmem>> -> memref<8xi32, #tpu.memory_space<vmem>>
    %dma_wait3A_1261 = arith.constant 0 : i32
    %dma_wait3A_1262 = arith.constant 0 : i32
    %dma_wait3A_1263 = tpu.memref_slice %arg3[%dma_wait3A_1261, %dma_wait3A_1262] : memref<100000x1024xf32, #tpu.memory_space<hbm>> -> memref<100000x1024xf32, #tpu.memory_space<hbm>>
    tpu.wait_indirect_dma semaphore(%arg24 : memref<!tpu.dma_semaphore, #tpu.memory_space<semaphore_mem>>) src(%dma_wait3A_1263 : memref<100000x1024xf32, #tpu.memory_space<hbm>>) dst(%arg17 : memref<8x1024xf32, #tpu.memory_space<vmem>>)
    %dma_wait3A_1264 = arith.constant 472 : i32
    %dma_wait3A_1265 = tpu.memref_slice %arg6[%dma_wait3A_1264] : memref<512xi32, #tpu.memory_space<vmem>> -> memref<8xi32, #tpu.memory_space<vmem>>
    %dma_wait3A_1266 = arith.constant 0 : i32
    %dma_wait3A_1267 = arith.constant 0 : i32
    %dma_wait3A_1268 = tpu.memref_slice %arg3[%dma_wait3A_1266, %dma_wait3A_1267] : memref<100000x1024xf32, #tpu.memory_space<hbm>> -> memref<100000x1024xf32, #tpu.memory_space<hbm>>
    tpu.wait_indirect_dma semaphore(%arg24 : memref<!tpu.dma_semaphore, #tpu.memory_space<semaphore_mem>>) src(%dma_wait3A_1268 : memref<100000x1024xf32, #tpu.memory_space<hbm>>) dst(%arg18 : memref<8x1024xf32, #tpu.memory_space<vmem>>)
    %parallel_loop3A_1269 = arith.constant 0 : i32
    %parallel_loop3A_1270 = arith.constant 512 : i32
    %parallel_loop3A_1271 = arith.constant 1 : i32
    scf.for %parallel_loop3A_1672 = %parallel_loop3A_1269 to %parallel_loop3A_1270 step %parallel_loop3A_1271  : i32 {
      %parallel_loop3A_1673 = arith.constant 64 : i32
      %parallel_loop3A_1674 = arith.divsi %parallel_loop3A_1672, %parallel_loop3A_1673 : i32
      %parallel_loop3A_1675 = arith.constant 0 : i32
      %parallel_loop3A_1676 = arith.cmpi sgt, %parallel_loop3A_1672, %parallel_loop3A_1675 : i32
      %parallel_loop3A_1677 = arith.extui %parallel_loop3A_1676 : i1 to i32
      %parallel_loop3A_1678 = arith.constant 0 : i32
      %parallel_loop3A_1679 = arith.cmpi slt, %parallel_loop3A_1672, %parallel_loop3A_1678 : i32
      %parallel_loop3A_1680 = arith.extui %parallel_loop3A_1679 : i1 to i32
      %parallel_loop3A_1681 = arith.subi %parallel_loop3A_1677, %parallel_loop3A_1680 : i32
      %parallel_loop3A_1682 = arith.constant 0 : i32
      %parallel_loop3A_1683 = arith.cmpi sgt, %parallel_loop3A_1673, %parallel_loop3A_1682 : i32
      %parallel_loop3A_1684 = arith.extui %parallel_loop3A_1683 : i1 to i32
      %parallel_loop3A_1685 = arith.constant 0 : i32
      %parallel_loop3A_1686 = arith.cmpi slt, %parallel_loop3A_1673, %parallel_loop3A_1685 : i32
      %parallel_loop3A_1687 = arith.extui %parallel_loop3A_1686 : i1 to i32
      %parallel_loop3A_1688 = arith.subi %parallel_loop3A_1684, %parallel_loop3A_1687 : i32
      %parallel_loop3A_1689 = arith.cmpi ne, %parallel_loop3A_1681, %parallel_loop3A_1688 : i32
      %parallel_loop3A_1690 = arith.remsi %parallel_loop3A_1672, %parallel_loop3A_1673 : i32
      %parallel_loop3A_1691 = arith.constant 0 : i32
      %parallel_loop3A_1692 = arith.cmpi ne, %parallel_loop3A_1690, %parallel_loop3A_1691 : i32
      %parallel_loop3A_1693 = arith.andi %parallel_loop3A_1689, %parallel_loop3A_1692 : i1
      %parallel_loop3A_1694 = arith.constant 1 : i32
      %parallel_loop3A_1695 = arith.subi %parallel_loop3A_1674, %parallel_loop3A_1694 : i32
      %parallel_loop3A_1696 = arith.select %parallel_loop3A_1693, %parallel_loop3A_1695, %parallel_loop3A_1674 : i32
      %parallel_loop3A_1697 = arith.constant 64 : i32
      %parallel_loop3A_1698 = arith.constant 0 : i32
      %parallel_loop3A_1699 = arith.cmpi eq, %parallel_loop3A_1697, %parallel_loop3A_1698 : i32
      %parallel_loop3A_1700 = arith.constant 1 : i32
      %parallel_loop3A_1701 = arith.select %parallel_loop3A_1699, %parallel_loop3A_1700, %parallel_loop3A_1697 : i32
      %parallel_loop3A_1702 = arith.remsi %parallel_loop3A_1672, %parallel_loop3A_1701 : i32
      %parallel_loop3A_1703 = arith.constant 0 : i32
      %parallel_loop3A_1704 = arith.cmpi ne, %parallel_loop3A_1702, %parallel_loop3A_1703 : i32
      %parallel_loop3A_1705 = arith.constant 0 : i32
      %parallel_loop3A_1706 = arith.cmpi slt, %parallel_loop3A_1702, %parallel_loop3A_1705 : i32
      %parallel_loop3A_1707 = arith.constant 0 : i32
      %parallel_loop3A_1708 = arith.cmpi slt, %parallel_loop3A_1701, %parallel_loop3A_1707 : i32
      %parallel_loop3A_1709 = arith.xori %parallel_loop3A_1706, %parallel_loop3A_1708 : i1
      %parallel_loop3A_1710 = arith.andi %parallel_loop3A_1709, %parallel_loop3A_1704 : i1
      %parallel_loop3A_1711 = arith.addi %parallel_loop3A_1702, %parallel_loop3A_1701 : i32
      %parallel_loop3A_1712 = arith.select %parallel_loop3A_1710, %parallel_loop3A_1711, %parallel_loop3A_1702 : i32
      %parallel_loop3A_1713 = arith.constant 16 : i32
      %parallel_loop3A_1714 = arith.muli %parallel_loop3A_1712, %parallel_loop3A_1713 : i32
      %parallel_loop3A_1715 = arith.index_cast %parallel_loop3A_1696 : i32 to index
      %parallel_loop3A_1716 = arith.index_cast %parallel_loop3A_1714 : i32 to index
      %parallel_loop3A_1717 = tpu.vector_load %arg21[%parallel_loop3A_1715, %parallel_loop3A_1716] {strides = array<i32>} : memref<8x1024xf32, #tpu.memory_space<vmem>>, vector<1x16xf32>,
      %parallel_loop3A_1718 = vector.shape_cast %parallel_loop3A_1717 : vector<1x16xf32> to vector<16xf32>
      %parallel_loop3A_1719 = arith.index_cast %parallel_loop3A_1696 : i32 to index
      %parallel_loop3A_1720 = arith.index_cast %parallel_loop3A_1714 : i32 to index
      %parallel_loop3A_1721 = tpu.vector_load %arg15[%parallel_loop3A_1719, %parallel_loop3A_1720] {strides = array<i32>} : memref<8x1024xf32, #tpu.memory_space<vmem>>, vector<1x16xf32>,
      %parallel_loop3A_1722 = vector.shape_cast %parallel_loop3A_1721 : vector<1x16xf32> to vector<16xf32>
      %parallel_loop3A_1723 = vector.shape_cast %parallel_loop3A_1718 : vector<16xf32> to vector<1x16xf32>
      tpu.vector_store %arg15[%parallel_loop3A_1719, %parallel_loop3A_1720], %parallel_loop3A_1723 {add = true, strides = array<i32>} : memref<8x1024xf32, #tpu.memory_space<vmem>>, vector<1x16xf32>,
      %parallel_loop3A_1724 = arith.index_cast %parallel_loop3A_1696 : i32 to index
      %parallel_loop3A_1725 = arith.index_cast %parallel_loop3A_1714 : i32 to index
      %parallel_loop3A_1726 = tpu.vector_load %arg16[%parallel_loop3A_1724, %parallel_loop3A_1725] {strides = array<i32>} : memref<8x1024xf32, #tpu.memory_space<vmem>>, vector<1x16xf32>,
      %parallel_loop3A_1727 = vector.shape_cast %parallel_loop3A_1726 : vector<1x16xf32> to vector<16xf32>
      %parallel_loop3A_1728 = vector.shape_cast %parallel_loop3A_1718 : vector<16xf32> to vector<1x16xf32>
      tpu.vector_store %arg16[%parallel_loop3A_1724, %parallel_loop3A_1725], %parallel_loop3A_1728 {add = true, strides = array<i32>} : memref<8x1024xf32, #tpu.memory_space<vmem>>, vector<1x16xf32>,
      %parallel_loop3A_1729 = arith.index_cast %parallel_loop3A_1696 : i32 to index
      %parallel_loop3A_1730 = arith.index_cast %parallel_loop3A_1714 : i32 to index
      %parallel_loop3A_1731 = tpu.vector_load %arg17[%parallel_loop3A_1729, %parallel_loop3A_1730] {strides = array<i32>} : memref<8x1024xf32, #tpu.memory_space<vmem>>, vector<1x16xf32>,
      %parallel_loop3A_1732 = vector.shape_cast %parallel_loop3A_1731 : vector<1x16xf32> to vector<16xf32>
      %parallel_loop3A_1733 = vector.shape_cast %parallel_loop3A_1718 : vector<16xf32> to vector<1x16xf32>
      tpu.vector_store %arg17[%parallel_loop3A_1729, %parallel_loop3A_1730], %parallel_loop3A_1733 {add = true, strides = array<i32>} : memref<8x1024xf32, #tpu.memory_space<vmem>>, vector<1x16xf32>,
      %parallel_loop3A_1734 = arith.index_cast %parallel_loop3A_1696 : i32 to index
      %parallel_loop3A_1735 = arith.index_cast %parallel_loop3A_1714 : i32 to index
      %parallel_loop3A_1736 = tpu.vector_load %arg18[%parallel_loop3A_1734, %parallel_loop3A_1735] {strides = array<i32>} : memref<8x1024xf32, #tpu.memory_space<vmem>>, vector<1x16xf32>,
      %parallel_loop3A_1737 = vector.shape_cast %parallel_loop3A_1736 : vector<1x16xf32> to vector<16xf32>
      %parallel_loop3A_1738 = vector.shape_cast %parallel_loop3A_1718 : vector<16xf32> to vector<1x16xf32>
      tpu.vector_store %arg18[%parallel_loop3A_1734, %parallel_loop3A_1735], %parallel_loop3A_1738 {add = true, strides = array<i32>} : memref<8x1024xf32, #tpu.memory_space<vmem>>, vector<1x16xf32>,
    } {sc.loop_unroll_factor = 2 : i64, sc.parallel_access}
    %add3A_1272 = arith.constant 0 : i32
    %add3A_1273 = arith.addi %add3A_1272, %mul3A_2 : i32
    %add3A_1274 = arith.constant 88 : i32
    %add3A_1275 = arith.addi %add3A_1273, %add3A_1274 : i32
    %dma_start3A_1276 = arith.constant 0 : i32
    %dma_start3A_1277 = tpu.memref_slice %arg5[%add3A_1275, %dma_start3A_1276] : memref<16384x1024xf32, #tpu.memory_space<hbm>> -> memref<8x1024xf32, #tpu.memory_space<hbm>>
    %dma_start3A_1278 = arith.constant 0 : i32
    %dma_start3A_1279 = tpu.memref_slice %arg5[%add3A_1275, %dma_start3A_1278] : memref<16384x1024xf32, #tpu.memory_space<hbm>> -> memref<8x1024xf32, #tpu.memory_space<hbm>>
    tpu.enqueue_dma source(%arg15 : memref<8x1024xf32, #tpu.memory_space<vmem>>) target(%dma_start3A_1279 : memref<8x1024xf32, #tpu.memory_space<hbm>>) target_semaphore(%arg30 : memref<!tpu.dma_semaphore, #tpu.memory_space<semaphore_mem>>)
    %add3A_1280 = arith.constant 4096 : i32
    %add3A_1281 = arith.addi %add3A_1280, %mul3A_2 : i32
    %add3A_1282 = arith.constant 88 : i32
    %add3A_1283 = arith.addi %add3A_1281, %add3A_1282 : i32
    %dma_start3A_1284 = arith.constant 0 : i32
    %dma_start3A_1285 = tpu.memref_slice %arg5[%add3A_1283, %dma_start3A_1284] : memref<16384x1024xf32, #tpu.memory_space<hbm>> -> memref<8x1024xf32, #tpu.memory_space<hbm>>
    %dma_start3A_1286 = arith.constant 0 : i32
    %dma_start3A_1287 = tpu.memref_slice %arg5[%add3A_1283, %dma_start3A_1286] : memref<16384x1024xf32, #tpu.memory_space<hbm>> -> memref<8x1024xf32, #tpu.memory_space<hbm>>
    tpu.enqueue_dma source(%arg16 : memref<8x1024xf32, #tpu.memory_space<vmem>>) target(%dma_start3A_1287 : memref<8x1024xf32, #tpu.memory_space<hbm>>) target_semaphore(%arg30 : memref<!tpu.dma_semaphore, #tpu.memory_space<semaphore_mem>>)
    %add3A_1288 = arith.constant 8192 : i32
    %add3A_1289 = arith.addi %add3A_1288, %mul3A_2 : i32
    %add3A_1290 = arith.constant 88 : i32
    %add3A_1291 = arith.addi %add3A_1289, %add3A_1290 : i32
    %dma_start3A_1292 = arith.constant 0 : i32
    %dma_start3A_1293 = tpu.memref_slice %arg5[%add3A_1291, %dma_start3A_1292] : memref<16384x1024xf32, #tpu.memory_space<hbm>> -> memref<8x1024xf32, #tpu.memory_space<hbm>>
    %dma_start3A_1294 = arith.constant 0 : i32
    %dma_start3A_1295 = tpu.memref_slice %arg5[%add3A_1291, %dma_start3A_1294] : memref<16384x1024xf32, #tpu.memory_space<hbm>> -> memref<8x1024xf32, #tpu.memory_space<hbm>>
    tpu.enqueue_dma source(%arg17 : memref<8x1024xf32, #tpu.memory_space<vmem>>) target(%dma_start3A_1295 : memref<8x1024xf32, #tpu.memory_space<hbm>>) target_semaphore(%arg30 : memref<!tpu.dma_semaphore, #tpu.memory_space<semaphore_mem>>)
    %add3A_1296 = arith.constant 12288 : i32
    %add3A_1297 = arith.addi %add3A_1296, %mul3A_2 : i32
    %add3A_1298 = arith.constant 88 : i32
    %add3A_1299 = arith.addi %add3A_1297, %add3A_1298 : i32
    %dma_start3A_1300 = arith.constant 0 : i32
    %dma_start3A_1301 = tpu.memref_slice %arg5[%add3A_1299, %dma_start3A_1300] : memref<16384x1024xf32, #tpu.memory_space<hbm>> -> memref<8x1024xf32, #tpu.memory_space<hbm>>
    %dma_start3A_1302 = arith.constant 0 : i32
    %dma_start3A_1303 = tpu.memref_slice %arg5[%add3A_1299, %dma_start3A_1302] : memref<16384x1024xf32, #tpu.memory_space<hbm>> -> memref<8x1024xf32, #tpu.memory_space<hbm>>
    tpu.enqueue_dma source(%arg18 : memref<8x1024xf32, #tpu.memory_space<vmem>>) target(%dma_start3A_1303 : memref<8x1024xf32, #tpu.memory_space<hbm>>) target_semaphore(%arg30 : memref<!tpu.dma_semaphore, #tpu.memory_space<semaphore_mem>>)
    %dma_wait3A_1304 = arith.constant 0 : i32
    %dma_wait3A_1305 = tpu.memref_slice %arg5[%add3A_1275, %dma_wait3A_1304] : memref<16384x1024xf32, #tpu.memory_space<hbm>> -> memref<8x1024xf32, #tpu.memory_space<hbm>>
    %dma_wait3A_1306 = arith.constant 0 : i32
    %dma_wait3A_1307 = tpu.memref_slice %arg5[%add3A_1275, %dma_wait3A_1306] : memref<16384x1024xf32, #tpu.memory_space<hbm>> -> memref<8x1024xf32, #tpu.memory_space<hbm>>
    tpu.wait_dma2 semaphore(%arg30 : memref<!tpu.dma_semaphore, #tpu.memory_space<semaphore_mem>>) src(%arg15 : memref<8x1024xf32, #tpu.memory_space<vmem>>) dst(%dma_wait3A_1307 : memref<8x1024xf32, #tpu.memory_space<hbm>>)
    %dma_wait3A_1308 = arith.constant 0 : i32
    %dma_wait3A_1309 = tpu.memref_slice %arg5[%add3A_1283, %dma_wait3A_1308] : memref<16384x1024xf32, #tpu.memory_space<hbm>> -> memref<8x1024xf32, #tpu.memory_space<hbm>>
    %dma_wait3A_1310 = arith.constant 0 : i32
    %dma_wait3A_1311 = tpu.memref_slice %arg5[%add3A_1283, %dma_wait3A_1310] : memref<16384x1024xf32, #tpu.memory_space<hbm>> -> memref<8x1024xf32, #tpu.memory_space<hbm>>
    tpu.wait_dma2 semaphore(%arg30 : memref<!tpu.dma_semaphore, #tpu.memory_space<semaphore_mem>>) src(%arg16 : memref<8x1024xf32, #tpu.memory_space<vmem>>) dst(%dma_wait3A_1311 : memref<8x1024xf32, #tpu.memory_space<hbm>>)
    %dma_wait3A_1312 = arith.constant 0 : i32
    %dma_wait3A_1313 = tpu.memref_slice %arg5[%add3A_1291, %dma_wait3A_1312] : memref<16384x1024xf32, #tpu.memory_space<hbm>> -> memref<8x1024xf32, #tpu.memory_space<hbm>>
    %dma_wait3A_1314 = arith.constant 0 : i32
    %dma_wait3A_1315 = tpu.memref_slice %arg5[%add3A_1291, %dma_wait3A_1314] : memref<16384x1024xf32, #tpu.memory_space<hbm>> -> memref<8x1024xf32, #tpu.memory_space<hbm>>
    tpu.wait_dma2 semaphore(%arg30 : memref<!tpu.dma_semaphore, #tpu.memory_space<semaphore_mem>>) src(%arg17 : memref<8x1024xf32, #tpu.memory_space<vmem>>) dst(%dma_wait3A_1315 : memref<8x1024xf32, #tpu.memory_space<hbm>>)
    %dma_wait3A_1316 = arith.constant 0 : i32
    %dma_wait3A_1317 = tpu.memref_slice %arg5[%add3A_1299, %dma_wait3A_1316] : memref<16384x1024xf32, #tpu.memory_space<hbm>> -> memref<8x1024xf32, #tpu.memory_space<hbm>>
    %dma_wait3A_1318 = arith.constant 0 : i32
    %dma_wait3A_1319 = tpu.memref_slice %arg5[%add3A_1299, %dma_wait3A_1318] : memref<16384x1024xf32, #tpu.memory_space<hbm>> -> memref<8x1024xf32, #tpu.memory_space<hbm>>
    tpu.wait_dma2 semaphore(%arg30 : memref<!tpu.dma_semaphore, #tpu.memory_space<semaphore_mem>>) src(%arg18 : memref<8x1024xf32, #tpu.memory_space<vmem>>) dst(%dma_wait3A_1319 : memref<8x1024xf32, #tpu.memory_space<hbm>>)
    %add3A_1320 = arith.constant 112 : i32
    %add3A_1321 = arith.addi %mul3A_2, %add3A_1320 : i32
    %dma_start3A_1322 = arith.constant 0 : i32
    %dma_start3A_1323 = tpu.memref_slice %arg4[%add3A_1321, %dma_start3A_1322] : memref<8192x1024xf32, #tpu.memory_space<hbm>> -> memref<8x1024xf32, #tpu.memory_space<hbm>>
    %dma_start3A_1324 = arith.constant 0 : i32
    %dma_start3A_1325 = tpu.memref_slice %arg4[%add3A_1321, %dma_start3A_1324] : memref<8192x1024xf32, #tpu.memory_space<hbm>> -> memref<8x1024xf32, #tpu.memory_space<hbm>>
    tpu.enqueue_dma source(%dma_start3A_1325 : memref<8x1024xf32, #tpu.memory_space<hbm>>) target(%arg21 : memref<8x1024xf32, #tpu.memory_space<vmem>>) target_semaphore(%arg27 : memref<!tpu.dma_semaphore, #tpu.memory_space<semaphore_mem>>)
    %dma_start3A_1326 = arith.constant 112 : i32
    %dma_start3A_1327 = tpu.memref_slice %arg6[%dma_start3A_1326] : memref<512xi32, #tpu.memory_space<vmem>> -> memref<8xi32, #tpu.memory_space<vmem>>
    %dma_start3A_1328 = arith.constant 0 : i32
    %dma_start3A_1329 = arith.constant 0 : i32
    %dma_start3A_1330 = tpu.memref_slice %arg3[%dma_start3A_1328, %dma_start3A_1329] : memref<100000x1024xf32, #tpu.memory_space<hbm>> -> memref<100000x1024xf32, #tpu.memory_space<hbm>>
    tpu.enqueue_indirect_dma source(%dma_start3A_1330 : memref<100000x1024xf32, #tpu.memory_space<hbm>>) target(%arg15 : memref<8x1024xf32, #tpu.memory_space<vmem>>) offsets(%dma_start3A_1327 : memref<8xi32, #tpu.memory_space<vmem>>) semaphore(%arg24 : memref<!tpu.dma_semaphore, #tpu.memory_space<semaphore_mem>>)
    %dma_start3A_1331 = arith.constant 240 : i32
    %dma_start3A_1332 = tpu.memref_slice %arg6[%dma_start3A_1331] : memref<512xi32, #tpu.memory_space<vmem>> -> memref<8xi32, #tpu.memory_space<vmem>>
    %dma_start3A_1333 = arith.constant 0 : i32
    %dma_start3A_1334 = arith.constant 0 : i32
    %dma_start3A_1335 = tpu.memref_slice %arg3[%dma_start3A_1333, %dma_start3A_1334] : memref<100000x1024xf32, #tpu.memory_space<hbm>> -> memref<100000x1024xf32, #tpu.memory_space<hbm>>
    tpu.enqueue_indirect_dma source(%dma_start3A_1335 : memref<100000x1024xf32, #tpu.memory_space<hbm>>) target(%arg16 : memref<8x1024xf32, #tpu.memory_space<vmem>>) offsets(%dma_start3A_1332 : memref<8xi32, #tpu.memory_space<vmem>>) semaphore(%arg24 : memref<!tpu.dma_semaphore, #tpu.memory_space<semaphore_mem>>)
    %dma_start3A_1336 = arith.constant 368 : i32
    %dma_start3A_1337 = tpu.memref_slice %arg6[%dma_start3A_1336] : memref<512xi32, #tpu.memory_space<vmem>> -> memref<8xi32, #tpu.memory_space<vmem>>
    %dma_start3A_1338 = arith.constant 0 : i32
    %dma_start3A_1339 = arith.constant 0 : i32
    %dma_start3A_1340 = tpu.memref_slice %arg3[%dma_start3A_1338, %dma_start3A_1339] : memref<100000x1024xf32, #tpu.memory_space<hbm>> -> memref<100000x1024xf32, #tpu.memory_space<hbm>>
    tpu.enqueue_indirect_dma source(%dma_start3A_1340 : memref<100000x1024xf32, #tpu.memory_space<hbm>>) target(%arg17 : memref<8x1024xf32, #tpu.memory_space<vmem>>) offsets(%dma_start3A_1337 : memref<8xi32, #tpu.memory_space<vmem>>) semaphore(%arg24 : memref<!tpu.dma_semaphore, #tpu.memory_space<semaphore_mem>>)
    %dma_start3A_1341 = arith.constant 496 : i32
    %dma_start3A_1342 = tpu.memref_slice %arg6[%dma_start3A_1341] : memref<512xi32, #tpu.memory_space<vmem>> -> memref<8xi32, #tpu.memory_space<vmem>>
    %dma_start3A_1343 = arith.constant 0 : i32
    %dma_start3A_1344 = arith.constant 0 : i32
    %dma_start3A_1345 = tpu.memref_slice %arg3[%dma_start3A_1343, %dma_start3A_1344] : memref<100000x1024xf32, #tpu.memory_space<hbm>> -> memref<100000x1024xf32, #tpu.memory_space<hbm>>
    tpu.enqueue_indirect_dma source(%dma_start3A_1345 : memref<100000x1024xf32, #tpu.memory_space<hbm>>) target(%arg18 : memref<8x1024xf32, #tpu.memory_space<vmem>>) offsets(%dma_start3A_1342 : memref<8xi32, #tpu.memory_space<vmem>>) semaphore(%arg24 : memref<!tpu.dma_semaphore, #tpu.memory_space<semaphore_mem>>)
    %dma_wait3A_1346 = arith.constant 0 : i32
    %dma_wait3A_1347 = tpu.memref_slice %arg4[%add3A_1119, %dma_wait3A_1346] : memref<8192x1024xf32, #tpu.memory_space<hbm>> -> memref<8x1024xf32, #tpu.memory_space<hbm>>
    %dma_wait3A_1348 = arith.constant 0 : i32
    %dma_wait3A_1349 = tpu.memref_slice %arg4[%add3A_1119, %dma_wait3A_1348] : memref<8192x1024xf32, #tpu.memory_space<hbm>> -> memref<8x1024xf32, #tpu.memory_space<hbm>>
    tpu.wait_dma2 semaphore(%arg25 : memref<!tpu.dma_semaphore, #tpu.memory_space<semaphore_mem>>) src(%dma_wait3A_1349 : memref<8x1024xf32, #tpu.memory_space<hbm>>) dst(%arg19 : memref<8x1024xf32, #tpu.memory_space<vmem>>)
    %dma_wait3A_1350 = arith.constant 96 : i32
    %dma_wait3A_1351 = tpu.memref_slice %arg6[%dma_wait3A_1350] : memref<512xi32, #tpu.memory_space<vmem>> -> memref<8xi32, #tpu.memory_space<vmem>>
    %dma_wait3A_1352 = arith.constant 0 : i32
    %dma_wait3A_1353 = arith.constant 0 : i32
    %dma_wait3A_1354 = tpu.memref_slice %arg3[%dma_wait3A_1352, %dma_wait3A_1353] : memref<100000x1024xf32, #tpu.memory_space<hbm>> -> memref<100000x1024xf32, #tpu.memory_space<hbm>>
    tpu.wait_indirect_dma semaphore(%arg22 : memref<!tpu.dma_semaphore, #tpu.memory_space<semaphore_mem>>) src(%dma_wait3A_1354 : memref<100000x1024xf32, #tpu.memory_space<hbm>>) dst(%arg7 : memref<8x1024xf32, #tpu.memory_space<vmem>>)
    %dma_wait3A_1355 = arith.constant 224 : i32
    %dma_wait3A_1356 = tpu.memref_slice %arg6[%dma_wait3A_1355] : memref<512xi32, #tpu.memory_space<vmem>> -> memref<8xi32, #tpu.memory_space<vmem>>
    %dma_wait3A_1357 = arith.constant 0 : i32
    %dma_wait3A_1358 = arith.constant 0 : i32
    %dma_wait3A_1359 = tpu.memref_slice %arg3[%dma_wait3A_1357, %dma_wait3A_1358] : memref<100000x1024xf32, #tpu.memory_space<hbm>> -> memref<100000x1024xf32, #tpu.memory_space<hbm>>
    tpu.wait_indirect_dma semaphore(%arg22 : memref<!tpu.dma_semaphore, #tpu.memory_space<semaphore_mem>>) src(%dma_wait3A_1359 : memref<100000x1024xf32, #tpu.memory_space<hbm>>) dst(%arg8 : memref<8x1024xf32, #tpu.memory_space<vmem>>)
    %dma_wait3A_1360 = arith.constant 352 : i32
    %dma_wait3A_1361 = tpu.memref_slice %arg6[%dma_wait3A_1360] : memref<512xi32, #tpu.memory_space<vmem>> -> memref<8xi32, #tpu.memory_space<vmem>>
    %dma_wait3A_1362 = arith.constant 0 : i32
    %dma_wait3A_1363 = arith.constant 0 : i32
    %dma_wait3A_1364 = tpu.memref_slice %arg3[%dma_wait3A_1362, %dma_wait3A_1363] : memref<100000x1024xf32, #tpu.memory_space<hbm>> -> memref<100000x1024xf32, #tpu.memory_space<hbm>>
    tpu.wait_indirect_dma semaphore(%arg22 : memref<!tpu.dma_semaphore, #tpu.memory_space<semaphore_mem>>) src(%dma_wait3A_1364 : memref<100000x1024xf32, #tpu.memory_space<hbm>>) dst(%arg9 : memref<8x1024xf32, #tpu.memory_space<vmem>>)
    %dma_wait3A_1365 = arith.constant 480 : i32
    %dma_wait3A_1366 = tpu.memref_slice %arg6[%dma_wait3A_1365] : memref<512xi32, #tpu.memory_space<vmem>> -> memref<8xi32, #tpu.memory_space<vmem>>
    %dma_wait3A_1367 = arith.constant 0 : i32
    %dma_wait3A_1368 = arith.constant 0 : i32
    %dma_wait3A_1369 = tpu.memref_slice %arg3[%dma_wait3A_1367, %dma_wait3A_1368] : memref<100000x1024xf32, #tpu.memory_space<hbm>> -> memref<100000x1024xf32, #tpu.memory_space<hbm>>
    tpu.wait_indirect_dma semaphore(%arg22 : memref<!tpu.dma_semaphore, #tpu.memory_space<semaphore_mem>>) src(%dma_wait3A_1369 : memref<100000x1024xf32, #tpu.memory_space<hbm>>) dst(%arg10 : memref<8x1024xf32, #tpu.memory_space<vmem>>)
    %parallel_loop3A_1370 = arith.constant 0 : i32
    %parallel_loop3A_1371 = arith.constant 512 : i32
    %parallel_loop3A_1372 = arith.constant 1 : i32
    scf.for %parallel_loop3A_1672 = %parallel_loop3A_1370 to %parallel_loop3A_1371 step %parallel_loop3A_1372  : i32 {
      %parallel_loop3A_1673 = arith.constant 64 : i32
      %parallel_loop3A_1674 = arith.divsi %parallel_loop3A_1672, %parallel_loop3A_1673 : i32
      %parallel_loop3A_1675 = arith.constant 0 : i32
      %parallel_loop3A_1676 = arith.cmpi sgt, %parallel_loop3A_1672, %parallel_loop3A_1675 : i32
      %parallel_loop3A_1677 = arith.extui %parallel_loop3A_1676 : i1 to i32
      %parallel_loop3A_1678 = arith.constant 0 : i32
      %parallel_loop3A_1679 = arith.cmpi slt, %parallel_loop3A_1672, %parallel_loop3A_1678 : i32
      %parallel_loop3A_1680 = arith.extui %parallel_loop3A_1679 : i1 to i32
      %parallel_loop3A_1681 = arith.subi %parallel_loop3A_1677, %parallel_loop3A_1680 : i32
      %parallel_loop3A_1682 = arith.constant 0 : i32
      %parallel_loop3A_1683 = arith.cmpi sgt, %parallel_loop3A_1673, %parallel_loop3A_1682 : i32
      %parallel_loop3A_1684 = arith.extui %parallel_loop3A_1683 : i1 to i32
      %parallel_loop3A_1685 = arith.constant 0 : i32
      %parallel_loop3A_1686 = arith.cmpi slt, %parallel_loop3A_1673, %parallel_loop3A_1685 : i32
      %parallel_loop3A_1687 = arith.extui %parallel_loop3A_1686 : i1 to i32
      %parallel_loop3A_1688 = arith.subi %parallel_loop3A_1684, %parallel_loop3A_1687 : i32
      %parallel_loop3A_1689 = arith.cmpi ne, %parallel_loop3A_1681, %parallel_loop3A_1688 : i32
      %parallel_loop3A_1690 = arith.remsi %parallel_loop3A_1672, %parallel_loop3A_1673 : i32
      %parallel_loop3A_1691 = arith.constant 0 : i32
      %parallel_loop3A_1692 = arith.cmpi ne, %parallel_loop3A_1690, %parallel_loop3A_1691 : i32
      %parallel_loop3A_1693 = arith.andi %parallel_loop3A_1689, %parallel_loop3A_1692 : i1
      %parallel_loop3A_1694 = arith.constant 1 : i32
      %parallel_loop3A_1695 = arith.subi %parallel_loop3A_1674, %parallel_loop3A_1694 : i32
      %parallel_loop3A_1696 = arith.select %parallel_loop3A_1693, %parallel_loop3A_1695, %parallel_loop3A_1674 : i32
      %parallel_loop3A_1697 = arith.constant 64 : i32
      %parallel_loop3A_1698 = arith.constant 0 : i32
      %parallel_loop3A_1699 = arith.cmpi eq, %parallel_loop3A_1697, %parallel_loop3A_1698 : i32
      %parallel_loop3A_1700 = arith.constant 1 : i32
      %parallel_loop3A_1701 = arith.select %parallel_loop3A_1699, %parallel_loop3A_1700, %parallel_loop3A_1697 : i32
      %parallel_loop3A_1702 = arith.remsi %parallel_loop3A_1672, %parallel_loop3A_1701 : i32
      %parallel_loop3A_1703 = arith.constant 0 : i32
      %parallel_loop3A_1704 = arith.cmpi ne, %parallel_loop3A_1702, %parallel_loop3A_1703 : i32
      %parallel_loop3A_1705 = arith.constant 0 : i32
      %parallel_loop3A_1706 = arith.cmpi slt, %parallel_loop3A_1702, %parallel_loop3A_1705 : i32
      %parallel_loop3A_1707 = arith.constant 0 : i32
      %parallel_loop3A_1708 = arith.cmpi slt, %parallel_loop3A_1701, %parallel_loop3A_1707 : i32
      %parallel_loop3A_1709 = arith.xori %parallel_loop3A_1706, %parallel_loop3A_1708 : i1
      %parallel_loop3A_1710 = arith.andi %parallel_loop3A_1709, %parallel_loop3A_1704 : i1
      %parallel_loop3A_1711 = arith.addi %parallel_loop3A_1702, %parallel_loop3A_1701 : i32
      %parallel_loop3A_1712 = arith.select %parallel_loop3A_1710, %parallel_loop3A_1711, %parallel_loop3A_1702 : i32
      %parallel_loop3A_1713 = arith.constant 16 : i32
      %parallel_loop3A_1714 = arith.muli %parallel_loop3A_1712, %parallel_loop3A_1713 : i32
      %parallel_loop3A_1715 = arith.index_cast %parallel_loop3A_1696 : i32 to index
      %parallel_loop3A_1716 = arith.index_cast %parallel_loop3A_1714 : i32 to index
      %parallel_loop3A_1717 = tpu.vector_load %arg19[%parallel_loop3A_1715, %parallel_loop3A_1716] {strides = array<i32>} : memref<8x1024xf32, #tpu.memory_space<vmem>>, vector<1x16xf32>,
      %parallel_loop3A_1718 = vector.shape_cast %parallel_loop3A_1717 : vector<1x16xf32> to vector<16xf32>
      %parallel_loop3A_1719 = arith.index_cast %parallel_loop3A_1696 : i32 to index
      %parallel_loop3A_1720 = arith.index_cast %parallel_loop3A_1714 : i32 to index
      %parallel_loop3A_1721 = tpu.vector_load %arg7[%parallel_loop3A_1719, %parallel_loop3A_1720] {strides = array<i32>} : memref<8x1024xf32, #tpu.memory_space<vmem>>, vector<1x16xf32>,
      %parallel_loop3A_1722 = vector.shape_cast %parallel_loop3A_1721 : vector<1x16xf32> to vector<16xf32>
      %parallel_loop3A_1723 = vector.shape_cast %parallel_loop3A_1718 : vector<16xf32> to vector<1x16xf32>
      tpu.vector_store %arg7[%parallel_loop3A_1719, %parallel_loop3A_1720], %parallel_loop3A_1723 {add = true, strides = array<i32>} : memref<8x1024xf32, #tpu.memory_space<vmem>>, vector<1x16xf32>,
      %parallel_loop3A_1724 = arith.index_cast %parallel_loop3A_1696 : i32 to index
      %parallel_loop3A_1725 = arith.index_cast %parallel_loop3A_1714 : i32 to index
      %parallel_loop3A_1726 = tpu.vector_load %arg8[%parallel_loop3A_1724, %parallel_loop3A_1725] {strides = array<i32>} : memref<8x1024xf32, #tpu.memory_space<vmem>>, vector<1x16xf32>,
      %parallel_loop3A_1727 = vector.shape_cast %parallel_loop3A_1726 : vector<1x16xf32> to vector<16xf32>
      %parallel_loop3A_1728 = vector.shape_cast %parallel_loop3A_1718 : vector<16xf32> to vector<1x16xf32>
      tpu.vector_store %arg8[%parallel_loop3A_1724, %parallel_loop3A_1725], %parallel_loop3A_1728 {add = true, strides = array<i32>} : memref<8x1024xf32, #tpu.memory_space<vmem>>, vector<1x16xf32>,
      %parallel_loop3A_1729 = arith.index_cast %parallel_loop3A_1696 : i32 to index
      %parallel_loop3A_1730 = arith.index_cast %parallel_loop3A_1714 : i32 to index
      %parallel_loop3A_1731 = tpu.vector_load %arg9[%parallel_loop3A_1729, %parallel_loop3A_1730] {strides = array<i32>} : memref<8x1024xf32, #tpu.memory_space<vmem>>, vector<1x16xf32>,
      %parallel_loop3A_1732 = vector.shape_cast %parallel_loop3A_1731 : vector<1x16xf32> to vector<16xf32>
      %parallel_loop3A_1733 = vector.shape_cast %parallel_loop3A_1718 : vector<16xf32> to vector<1x16xf32>
      tpu.vector_store %arg9[%parallel_loop3A_1729, %parallel_loop3A_1730], %parallel_loop3A_1733 {add = true, strides = array<i32>} : memref<8x1024xf32, #tpu.memory_space<vmem>>, vector<1x16xf32>,
      %parallel_loop3A_1734 = arith.index_cast %parallel_loop3A_1696 : i32 to index
      %parallel_loop3A_1735 = arith.index_cast %parallel_loop3A_1714 : i32 to index
      %parallel_loop3A_1736 = tpu.vector_load %arg10[%parallel_loop3A_1734, %parallel_loop3A_1735] {strides = array<i32>} : memref<8x1024xf32, #tpu.memory_space<vmem>>, vector<1x16xf32>,
      %parallel_loop3A_1737 = vector.shape_cast %parallel_loop3A_1736 : vector<1x16xf32> to vector<16xf32>
      %parallel_loop3A_1738 = vector.shape_cast %parallel_loop3A_1718 : vector<16xf32> to vector<1x16xf32>
      tpu.vector_store %arg10[%parallel_loop3A_1734, %parallel_loop3A_1735], %parallel_loop3A_1738 {add = true, strides = array<i32>} : memref<8x1024xf32, #tpu.memory_space<vmem>>, vector<1x16xf32>,
    } {sc.loop_unroll_factor = 2 : i64, sc.parallel_access}
    %add3A_1373 = arith.constant 0 : i32
    %add3A_1374 = arith.addi %add3A_1373, %mul3A_2 : i32
    %add3A_1375 = arith.constant 96 : i32
    %add3A_1376 = arith.addi %add3A_1374, %add3A_1375 : i32
    %dma_start3A_1377 = arith.constant 0 : i32
    %dma_start3A_1378 = tpu.memref_slice %arg5[%add3A_1376, %dma_start3A_1377] : memref<16384x1024xf32, #tpu.memory_space<hbm>> -> memref<8x1024xf32, #tpu.memory_space<hbm>>
    %dma_start3A_1379 = arith.constant 0 : i32
    %dma_start3A_1380 = tpu.memref_slice %arg5[%add3A_1376, %dma_start3A_1379] : memref<16384x1024xf32, #tpu.memory_space<hbm>> -> memref<8x1024xf32, #tpu.memory_space<hbm>>
    tpu.enqueue_dma source(%arg7 : memref<8x1024xf32, #tpu.memory_space<vmem>>) target(%dma_start3A_1380 : memref<8x1024xf32, #tpu.memory_space<hbm>>) target_semaphore(%arg28 : memref<!tpu.dma_semaphore, #tpu.memory_space<semaphore_mem>>)
    %add3A_1381 = arith.constant 4096 : i32
    %add3A_1382 = arith.addi %add3A_1381, %mul3A_2 : i32
    %add3A_1383 = arith.constant 96 : i32
    %add3A_1384 = arith.addi %add3A_1382, %add3A_1383 : i32
    %dma_start3A_1385 = arith.constant 0 : i32
    %dma_start3A_1386 = tpu.memref_slice %arg5[%add3A_1384, %dma_start3A_1385] : memref<16384x1024xf32, #tpu.memory_space<hbm>> -> memref<8x1024xf32, #tpu.memory_space<hbm>>
    %dma_start3A_1387 = arith.constant 0 : i32
    %dma_start3A_1388 = tpu.memref_slice %arg5[%add3A_1384, %dma_start3A_1387] : memref<16384x1024xf32, #tpu.memory_space<hbm>> -> memref<8x1024xf32, #tpu.memory_space<hbm>>
    tpu.enqueue_dma source(%arg8 : memref<8x1024xf32, #tpu.memory_space<vmem>>) target(%dma_start3A_1388 : memref<8x1024xf32, #tpu.memory_space<hbm>>) target_semaphore(%arg28 : memref<!tpu.dma_semaphore, #tpu.memory_space<semaphore_mem>>)
    %add3A_1389 = arith.constant 8192 : i32
    %add3A_1390 = arith.addi %add3A_1389, %mul3A_2 : i32
    %add3A_1391 = arith.constant 96 : i32
    %add3A_1392 = arith.addi %add3A_1390, %add3A_1391 : i32
    %dma_start3A_1393 = arith.constant 0 : i32
    %dma_start3A_1394 = tpu.memref_slice %arg5[%add3A_1392, %dma_start3A_1393] : memref<16384x1024xf32, #tpu.memory_space<hbm>> -> memref<8x1024xf32, #tpu.memory_space<hbm>>
    %dma_start3A_1395 = arith.constant 0 : i32
    %dma_start3A_1396 = tpu.memref_slice %arg5[%add3A_1392, %dma_start3A_1395] : memref<16384x1024xf32, #tpu.memory_space<hbm>> -> memref<8x1024xf32, #tpu.memory_space<hbm>>
    tpu.enqueue_dma source(%arg9 : memref<8x1024xf32, #tpu.memory_space<vmem>>) target(%dma_start3A_1396 : memref<8x1024xf32, #tpu.memory_space<hbm>>) target_semaphore(%arg28 : memref<!tpu.dma_semaphore, #tpu.memory_space<semaphore_mem>>)
    %add3A_1397 = arith.constant 12288 : i32
    %add3A_1398 = arith.addi %add3A_1397, %mul3A_2 : i32
    %add3A_1399 = arith.constant 96 : i32
    %add3A_1400 = arith.addi %add3A_1398, %add3A_1399 : i32
    %dma_start3A_1401 = arith.constant 0 : i32
    %dma_start3A_1402 = tpu.memref_slice %arg5[%add3A_1400, %dma_start3A_1401] : memref<16384x1024xf32, #tpu.memory_space<hbm>> -> memref<8x1024xf32, #tpu.memory_space<hbm>>
    %dma_start3A_1403 = arith.constant 0 : i32
    %dma_start3A_1404 = tpu.memref_slice %arg5[%add3A_1400, %dma_start3A_1403] : memref<16384x1024xf32, #tpu.memory_space<hbm>> -> memref<8x1024xf32, #tpu.memory_space<hbm>>
    tpu.enqueue_dma source(%arg10 : memref<8x1024xf32, #tpu.memory_space<vmem>>) target(%dma_start3A_1404 : memref<8x1024xf32, #tpu.memory_space<hbm>>) target_semaphore(%arg28 : memref<!tpu.dma_semaphore, #tpu.memory_space<semaphore_mem>>)
    %dma_wait3A_1405 = arith.constant 0 : i32
    %dma_wait3A_1406 = tpu.memref_slice %arg5[%add3A_1376, %dma_wait3A_1405] : memref<16384x1024xf32, #tpu.memory_space<hbm>> -> memref<8x1024xf32, #tpu.memory_space<hbm>>
    %dma_wait3A_1407 = arith.constant 0 : i32
    %dma_wait3A_1408 = tpu.memref_slice %arg5[%add3A_1376, %dma_wait3A_1407] : memref<16384x1024xf32, #tpu.memory_space<hbm>> -> memref<8x1024xf32, #tpu.memory_space<hbm>>
    tpu.wait_dma2 semaphore(%arg28 : memref<!tpu.dma_semaphore, #tpu.memory_space<semaphore_mem>>) src(%arg7 : memref<8x1024xf32, #tpu.memory_space<vmem>>) dst(%dma_wait3A_1408 : memref<8x1024xf32, #tpu.memory_space<hbm>>)
    %dma_wait3A_1409 = arith.constant 0 : i32
    %dma_wait3A_1410 = tpu.memref_slice %arg5[%add3A_1384, %dma_wait3A_1409] : memref<16384x1024xf32, #tpu.memory_space<hbm>> -> memref<8x1024xf32, #tpu.memory_space<hbm>>
    %dma_wait3A_1411 = arith.constant 0 : i32
    %dma_wait3A_1412 = tpu.memref_slice %arg5[%add3A_1384, %dma_wait3A_1411] : memref<16384x1024xf32, #tpu.memory_space<hbm>> -> memref<8x1024xf32, #tpu.memory_space<hbm>>
    tpu.wait_dma2 semaphore(%arg28 : memref<!tpu.dma_semaphore, #tpu.memory_space<semaphore_mem>>) src(%arg8 : memref<8x1024xf32, #tpu.memory_space<vmem>>) dst(%dma_wait3A_1412 : memref<8x1024xf32, #tpu.memory_space<hbm>>)
    %dma_wait3A_1413 = arith.constant 0 : i32
    %dma_wait3A_1414 = tpu.memref_slice %arg5[%add3A_1392, %dma_wait3A_1413] : memref<16384x1024xf32, #tpu.memory_space<hbm>> -> memref<8x1024xf32, #tpu.memory_space<hbm>>
    %dma_wait3A_1415 = arith.constant 0 : i32
    %dma_wait3A_1416 = tpu.memref_slice %arg5[%add3A_1392, %dma_wait3A_1415] : memref<16384x1024xf32, #tpu.memory_space<hbm>> -> memref<8x1024xf32, #tpu.memory_space<hbm>>
    tpu.wait_dma2 semaphore(%arg28 : memref<!tpu.dma_semaphore, #tpu.memory_space<semaphore_mem>>) src(%arg9 : memref<8x1024xf32, #tpu.memory_space<vmem>>) dst(%dma_wait3A_1416 : memref<8x1024xf32, #tpu.memory_space<hbm>>)
    %dma_wait3A_1417 = arith.constant 0 : i32
    %dma_wait3A_1418 = tpu.memref_slice %arg5[%add3A_1400, %dma_wait3A_1417] : memref<16384x1024xf32, #tpu.memory_space<hbm>> -> memref<8x1024xf32, #tpu.memory_space<hbm>>
    %dma_wait3A_1419 = arith.constant 0 : i32
    %dma_wait3A_1420 = tpu.memref_slice %arg5[%add3A_1400, %dma_wait3A_1419] : memref<16384x1024xf32, #tpu.memory_space<hbm>> -> memref<8x1024xf32, #tpu.memory_space<hbm>>
    tpu.wait_dma2 semaphore(%arg28 : memref<!tpu.dma_semaphore, #tpu.memory_space<semaphore_mem>>) src(%arg10 : memref<8x1024xf32, #tpu.memory_space<vmem>>) dst(%dma_wait3A_1420 : memref<8x1024xf32, #tpu.memory_space<hbm>>)
    %add3A_1421 = arith.constant 120 : i32
    %add3A_1422 = arith.addi %mul3A_2, %add3A_1421 : i32
    %dma_start3A_1423 = arith.constant 0 : i32
    %dma_start3A_1424 = tpu.memref_slice %arg4[%add3A_1422, %dma_start3A_1423] : memref<8192x1024xf32, #tpu.memory_space<hbm>> -> memref<8x1024xf32, #tpu.memory_space<hbm>>
    %dma_start3A_1425 = arith.constant 0 : i32
    %dma_start3A_1426 = tpu.memref_slice %arg4[%add3A_1422, %dma_start3A_1425] : memref<8192x1024xf32, #tpu.memory_space<hbm>> -> memref<8x1024xf32, #tpu.memory_space<hbm>>
    tpu.enqueue_dma source(%dma_start3A_1426 : memref<8x1024xf32, #tpu.memory_space<hbm>>) target(%arg19 : memref<8x1024xf32, #tpu.memory_space<vmem>>) target_semaphore(%arg25 : memref<!tpu.dma_semaphore, #tpu.memory_space<semaphore_mem>>)
    %dma_start3A_1427 = arith.constant 120 : i32
    %dma_start3A_1428 = tpu.memref_slice %arg6[%dma_start3A_1427] : memref<512xi32, #tpu.memory_space<vmem>> -> memref<8xi32, #tpu.memory_space<vmem>>
    %dma_start3A_1429 = arith.constant 0 : i32
    %dma_start3A_1430 = arith.constant 0 : i32
    %dma_start3A_1431 = tpu.memref_slice %arg3[%dma_start3A_1429, %dma_start3A_1430] : memref<100000x1024xf32, #tpu.memory_space<hbm>> -> memref<100000x1024xf32, #tpu.memory_space<hbm>>
    tpu.enqueue_indirect_dma source(%dma_start3A_1431 : memref<100000x1024xf32, #tpu.memory_space<hbm>>) target(%arg7 : memref<8x1024xf32, #tpu.memory_space<vmem>>) offsets(%dma_start3A_1428 : memref<8xi32, #tpu.memory_space<vmem>>) semaphore(%arg22 : memref<!tpu.dma_semaphore, #tpu.memory_space<semaphore_mem>>)
    %dma_start3A_1432 = arith.constant 248 : i32
    %dma_start3A_1433 = tpu.memref_slice %arg6[%dma_start3A_1432] : memref<512xi32, #tpu.memory_space<vmem>> -> memref<8xi32, #tpu.memory_space<vmem>>
    %dma_start3A_1434 = arith.constant 0 : i32
    %dma_start3A_1435 = arith.constant 0 : i32
    %dma_start3A_1436 = tpu.memref_slice %arg3[%dma_start3A_1434, %dma_start3A_1435] : memref<100000x1024xf32, #tpu.memory_space<hbm>> -> memref<100000x1024xf32, #tpu.memory_space<hbm>>
    tpu.enqueue_indirect_dma source(%dma_start3A_1436 : memref<100000x1024xf32, #tpu.memory_space<hbm>>) target(%arg8 : memref<8x1024xf32, #tpu.memory_space<vmem>>) offsets(%dma_start3A_1433 : memref<8xi32, #tpu.memory_space<vmem>>) semaphore(%arg22 : memref<!tpu.dma_semaphore, #tpu.memory_space<semaphore_mem>>)
    %dma_start3A_1437 = arith.constant 376 : i32
    %dma_start3A_1438 = tpu.memref_slice %arg6[%dma_start3A_1437] : memref<512xi32, #tpu.memory_space<vmem>> -> memref<8xi32, #tpu.memory_space<vmem>>
    %dma_start3A_1439 = arith.constant 0 : i32
    %dma_start3A_1440 = arith.constant 0 : i32
    %dma_start3A_1441 = tpu.memref_slice %arg3[%dma_start3A_1439, %dma_start3A_1440] : memref<100000x1024xf32, #tpu.memory_space<hbm>> -> memref<100000x1024xf32, #tpu.memory_space<hbm>>
    tpu.enqueue_indirect_dma source(%dma_start3A_1441 : memref<100000x1024xf32, #tpu.memory_space<hbm>>) target(%arg9 : memref<8x1024xf32, #tpu.memory_space<vmem>>) offsets(%dma_start3A_1438 : memref<8xi32, #tpu.memory_space<vmem>>) semaphore(%arg22 : memref<!tpu.dma_semaphore, #tpu.memory_space<semaphore_mem>>)
    %dma_start3A_1442 = arith.constant 504 : i32
    %dma_start3A_1443 = tpu.memref_slice %arg6[%dma_start3A_1442] : memref<512xi32, #tpu.memory_space<vmem>> -> memref<8xi32, #tpu.memory_space<vmem>>
    %dma_start3A_1444 = arith.constant 0 : i32
    %dma_start3A_1445 = arith.constant 0 : i32
    %dma_start3A_1446 = tpu.memref_slice %arg3[%dma_start3A_1444, %dma_start3A_1445] : memref<100000x1024xf32, #tpu.memory_space<hbm>> -> memref<100000x1024xf32, #tpu.memory_space<hbm>>
    tpu.enqueue_indirect_dma source(%dma_start3A_1446 : memref<100000x1024xf32, #tpu.memory_space<hbm>>) target(%arg10 : memref<8x1024xf32, #tpu.memory_space<vmem>>) offsets(%dma_start3A_1443 : memref<8xi32, #tpu.memory_space<vmem>>) semaphore(%arg22 : memref<!tpu.dma_semaphore, #tpu.memory_space<semaphore_mem>>)
    %dma_wait3A_1447 = arith.constant 0 : i32
    %dma_wait3A_1448 = tpu.memref_slice %arg4[%add3A_1220, %dma_wait3A_1447] : memref<8192x1024xf32, #tpu.memory_space<hbm>> -> memref<8x1024xf32, #tpu.memory_space<hbm>>
    %dma_wait3A_1449 = arith.constant 0 : i32
    %dma_wait3A_1450 = tpu.memref_slice %arg4[%add3A_1220, %dma_wait3A_1449] : memref<8192x1024xf32, #tpu.memory_space<hbm>> -> memref<8x1024xf32, #tpu.memory_space<hbm>>
    tpu.wait_dma2 semaphore(%arg26 : memref<!tpu.dma_semaphore, #tpu.memory_space<semaphore_mem>>) src(%dma_wait3A_1450 : memref<8x1024xf32, #tpu.memory_space<hbm>>) dst(%arg20 : memref<8x1024xf32, #tpu.memory_space<vmem>>)
    %dma_wait3A_1451 = arith.constant 104 : i32
    %dma_wait3A_1452 = tpu.memref_slice %arg6[%dma_wait3A_1451] : memref<512xi32, #tpu.memory_space<vmem>> -> memref<8xi32, #tpu.memory_space<vmem>>
    %dma_wait3A_1453 = arith.constant 0 : i32
    %dma_wait3A_1454 = arith.constant 0 : i32
    %dma_wait3A_1455 = tpu.memref_slice %arg3[%dma_wait3A_1453, %dma_wait3A_1454] : memref<100000x1024xf32, #tpu.memory_space<hbm>> -> memref<100000x1024xf32, #tpu.memory_space<hbm>>
    tpu.wait_indirect_dma semaphore(%arg23 : memref<!tpu.dma_semaphore, #tpu.memory_space<semaphore_mem>>) src(%dma_wait3A_1455 : memref<100000x1024xf32, #tpu.memory_space<hbm>>) dst(%arg11 : memref<8x1024xf32, #tpu.memory_space<vmem>>)
    %dma_wait3A_1456 = arith.constant 232 : i32
    %dma_wait3A_1457 = tpu.memref_slice %arg6[%dma_wait3A_1456] : memref<512xi32, #tpu.memory_space<vmem>> -> memref<8xi32, #tpu.memory_space<vmem>>
    %dma_wait3A_1458 = arith.constant 0 : i32
    %dma_wait3A_1459 = arith.constant 0 : i32
    %dma_wait3A_1460 = tpu.memref_slice %arg3[%dma_wait3A_1458, %dma_wait3A_1459] : memref<100000x1024xf32, #tpu.memory_space<hbm>> -> memref<100000x1024xf32, #tpu.memory_space<hbm>>
    tpu.wait_indirect_dma semaphore(%arg23 : memref<!tpu.dma_semaphore, #tpu.memory_space<semaphore_mem>>) src(%dma_wait3A_1460 : memref<100000x1024xf32, #tpu.memory_space<hbm>>) dst(%arg12 : memref<8x1024xf32, #tpu.memory_space<vmem>>)
    %dma_wait3A_1461 = arith.constant 360 : i32
    %dma_wait3A_1462 = tpu.memref_slice %arg6[%dma_wait3A_1461] : memref<512xi32, #tpu.memory_space<vmem>> -> memref<8xi32, #tpu.memory_space<vmem>>
    %dma_wait3A_1463 = arith.constant 0 : i32
    %dma_wait3A_1464 = arith.constant 0 : i32
    %dma_wait3A_1465 = tpu.memref_slice %arg3[%dma_wait3A_1463, %dma_wait3A_1464] : memref<100000x1024xf32, #tpu.memory_space<hbm>> -> memref<100000x1024xf32, #tpu.memory_space<hbm>>
    tpu.wait_indirect_dma semaphore(%arg23 : memref<!tpu.dma_semaphore, #tpu.memory_space<semaphore_mem>>) src(%dma_wait3A_1465 : memref<100000x1024xf32, #tpu.memory_space<hbm>>) dst(%arg13 : memref<8x1024xf32, #tpu.memory_space<vmem>>)
    %dma_wait3A_1466 = arith.constant 488 : i32
    %dma_wait3A_1467 = tpu.memref_slice %arg6[%dma_wait3A_1466] : memref<512xi32, #tpu.memory_space<vmem>> -> memref<8xi32, #tpu.memory_space<vmem>>
    %dma_wait3A_1468 = arith.constant 0 : i32
    %dma_wait3A_1469 = arith.constant 0 : i32
    %dma_wait3A_1470 = tpu.memref_slice %arg3[%dma_wait3A_1468, %dma_wait3A_1469] : memref<100000x1024xf32, #tpu.memory_space<hbm>> -> memref<100000x1024xf32, #tpu.memory_space<hbm>>
    tpu.wait_indirect_dma semaphore(%arg23 : memref<!tpu.dma_semaphore, #tpu.memory_space<semaphore_mem>>) src(%dma_wait3A_1470 : memref<100000x1024xf32, #tpu.memory_space<hbm>>) dst(%arg14 : memref<8x1024xf32, #tpu.memory_space<vmem>>)
    %parallel_loop3A_1471 = arith.constant 0 : i32
    %parallel_loop3A_1472 = arith.constant 512 : i32
    %parallel_loop3A_1473 = arith.constant 1 : i32
    scf.for %parallel_loop3A_1672 = %parallel_loop3A_1471 to %parallel_loop3A_1472 step %parallel_loop3A_1473  : i32 {
      %parallel_loop3A_1673 = arith.constant 64 : i32
      %parallel_loop3A_1674 = arith.divsi %parallel_loop3A_1672, %parallel_loop3A_1673 : i32
      %parallel_loop3A_1675 = arith.constant 0 : i32
      %parallel_loop3A_1676 = arith.cmpi sgt, %parallel_loop3A_1672, %parallel_loop3A_1675 : i32
      %parallel_loop3A_1677 = arith.extui %parallel_loop3A_1676 : i1 to i32
      %parallel_loop3A_1678 = arith.constant 0 : i32
      %parallel_loop3A_1679 = arith.cmpi slt, %parallel_loop3A_1672, %parallel_loop3A_1678 : i32
      %parallel_loop3A_1680 = arith.extui %parallel_loop3A_1679 : i1 to i32
      %parallel_loop3A_1681 = arith.subi %parallel_loop3A_1677, %parallel_loop3A_1680 : i32
      %parallel_loop3A_1682 = arith.constant 0 : i32
      %parallel_loop3A_1683 = arith.cmpi sgt, %parallel_loop3A_1673, %parallel_loop3A_1682 : i32
      %parallel_loop3A_1684 = arith.extui %parallel_loop3A_1683 : i1 to i32
      %parallel_loop3A_1685 = arith.constant 0 : i32
      %parallel_loop3A_1686 = arith.cmpi slt, %parallel_loop3A_1673, %parallel_loop3A_1685 : i32
      %parallel_loop3A_1687 = arith.extui %parallel_loop3A_1686 : i1 to i32
      %parallel_loop3A_1688 = arith.subi %parallel_loop3A_1684, %parallel_loop3A_1687 : i32
      %parallel_loop3A_1689 = arith.cmpi ne, %parallel_loop3A_1681, %parallel_loop3A_1688 : i32
      %parallel_loop3A_1690 = arith.remsi %parallel_loop3A_1672, %parallel_loop3A_1673 : i32
      %parallel_loop3A_1691 = arith.constant 0 : i32
      %parallel_loop3A_1692 = arith.cmpi ne, %parallel_loop3A_1690, %parallel_loop3A_1691 : i32
      %parallel_loop3A_1693 = arith.andi %parallel_loop3A_1689, %parallel_loop3A_1692 : i1
      %parallel_loop3A_1694 = arith.constant 1 : i32
      %parallel_loop3A_1695 = arith.subi %parallel_loop3A_1674, %parallel_loop3A_1694 : i32
      %parallel_loop3A_1696 = arith.select %parallel_loop3A_1693, %parallel_loop3A_1695, %parallel_loop3A_1674 : i32
      %parallel_loop3A_1697 = arith.constant 64 : i32
      %parallel_loop3A_1698 = arith.constant 0 : i32
      %parallel_loop3A_1699 = arith.cmpi eq, %parallel_loop3A_1697, %parallel_loop3A_1698 : i32
      %parallel_loop3A_1700 = arith.constant 1 : i32
      %parallel_loop3A_1701 = arith.select %parallel_loop3A_1699, %parallel_loop3A_1700, %parallel_loop3A_1697 : i32
      %parallel_loop3A_1702 = arith.remsi %parallel_loop3A_1672, %parallel_loop3A_1701 : i32
      %parallel_loop3A_1703 = arith.constant 0 : i32
      %parallel_loop3A_1704 = arith.cmpi ne, %parallel_loop3A_1702, %parallel_loop3A_1703 : i32
      %parallel_loop3A_1705 = arith.constant 0 : i32
      %parallel_loop3A_1706 = arith.cmpi slt, %parallel_loop3A_1702, %parallel_loop3A_1705 : i32
      %parallel_loop3A_1707 = arith.constant 0 : i32
      %parallel_loop3A_1708 = arith.cmpi slt, %parallel_loop3A_1701, %parallel_loop3A_1707 : i32
      %parallel_loop3A_1709 = arith.xori %parallel_loop3A_1706, %parallel_loop3A_1708 : i1
      %parallel_loop3A_1710 = arith.andi %parallel_loop3A_1709, %parallel_loop3A_1704 : i1
      %parallel_loop3A_1711 = arith.addi %parallel_loop3A_1702, %parallel_loop3A_1701 : i32
      %parallel_loop3A_1712 = arith.select %parallel_loop3A_1710, %parallel_loop3A_1711, %parallel_loop3A_1702 : i32
      %parallel_loop3A_1713 = arith.constant 16 : i32
      %parallel_loop3A_1714 = arith.muli %parallel_loop3A_1712, %parallel_loop3A_1713 : i32
      %parallel_loop3A_1715 = arith.index_cast %parallel_loop3A_1696 : i32 to index
      %parallel_loop3A_1716 = arith.index_cast %parallel_loop3A_1714 : i32 to index
      %parallel_loop3A_1717 = tpu.vector_load %arg20[%parallel_loop3A_1715, %parallel_loop3A_1716] {strides = array<i32>} : memref<8x1024xf32, #tpu.memory_space<vmem>>, vector<1x16xf32>,
      %parallel_loop3A_1718 = vector.shape_cast %parallel_loop3A_1717 : vector<1x16xf32> to vector<16xf32>
      %parallel_loop3A_1719 = arith.index_cast %parallel_loop3A_1696 : i32 to index
      %parallel_loop3A_1720 = arith.index_cast %parallel_loop3A_1714 : i32 to index
      %parallel_loop3A_1721 = tpu.vector_load %arg11[%parallel_loop3A_1719, %parallel_loop3A_1720] {strides = array<i32>} : memref<8x1024xf32, #tpu.memory_space<vmem>>, vector<1x16xf32>,
      %parallel_loop3A_1722 = vector.shape_cast %parallel_loop3A_1721 : vector<1x16xf32> to vector<16xf32>
      %parallel_loop3A_1723 = vector.shape_cast %parallel_loop3A_1718 : vector<16xf32> to vector<1x16xf32>
      tpu.vector_store %arg11[%parallel_loop3A_1719, %parallel_loop3A_1720], %parallel_loop3A_1723 {add = true, strides = array<i32>} : memref<8x1024xf32, #tpu.memory_space<vmem>>, vector<1x16xf32>,
      %parallel_loop3A_1724 = arith.index_cast %parallel_loop3A_1696 : i32 to index
      %parallel_loop3A_1725 = arith.index_cast %parallel_loop3A_1714 : i32 to index
      %parallel_loop3A_1726 = tpu.vector_load %arg12[%parallel_loop3A_1724, %parallel_loop3A_1725] {strides = array<i32>} : memref<8x1024xf32, #tpu.memory_space<vmem>>, vector<1x16xf32>,
      %parallel_loop3A_1727 = vector.shape_cast %parallel_loop3A_1726 : vector<1x16xf32> to vector<16xf32>
      %parallel_loop3A_1728 = vector.shape_cast %parallel_loop3A_1718 : vector<16xf32> to vector<1x16xf32>
      tpu.vector_store %arg12[%parallel_loop3A_1724, %parallel_loop3A_1725], %parallel_loop3A_1728 {add = true, strides = array<i32>} : memref<8x1024xf32, #tpu.memory_space<vmem>>, vector<1x16xf32>,
      %parallel_loop3A_1729 = arith.index_cast %parallel_loop3A_1696 : i32 to index
      %parallel_loop3A_1730 = arith.index_cast %parallel_loop3A_1714 : i32 to index
      %parallel_loop3A_1731 = tpu.vector_load %arg13[%parallel_loop3A_1729, %parallel_loop3A_1730] {strides = array<i32>} : memref<8x1024xf32, #tpu.memory_space<vmem>>, vector<1x16xf32>,
      %parallel_loop3A_1732 = vector.shape_cast %parallel_loop3A_1731 : vector<1x16xf32> to vector<16xf32>
      %parallel_loop3A_1733 = vector.shape_cast %parallel_loop3A_1718 : vector<16xf32> to vector<1x16xf32>
      tpu.vector_store %arg13[%parallel_loop3A_1729, %parallel_loop3A_1730], %parallel_loop3A_1733 {add = true, strides = array<i32>} : memref<8x1024xf32, #tpu.memory_space<vmem>>, vector<1x16xf32>,
      %parallel_loop3A_1734 = arith.index_cast %parallel_loop3A_1696 : i32 to index
      %parallel_loop3A_1735 = arith.index_cast %parallel_loop3A_1714 : i32 to index
      %parallel_loop3A_1736 = tpu.vector_load %arg14[%parallel_loop3A_1734, %parallel_loop3A_1735] {strides = array<i32>} : memref<8x1024xf32, #tpu.memory_space<vmem>>, vector<1x16xf32>,
      %parallel_loop3A_1737 = vector.shape_cast %parallel_loop3A_1736 : vector<1x16xf32> to vector<16xf32>
      %parallel_loop3A_1738 = vector.shape_cast %parallel_loop3A_1718 : vector<16xf32> to vector<1x16xf32>
      tpu.vector_store %arg14[%parallel_loop3A_1734, %parallel_loop3A_1735], %parallel_loop3A_1738 {add = true, strides = array<i32>} : memref<8x1024xf32, #tpu.memory_space<vmem>>, vector<1x16xf32>,
    } {sc.loop_unroll_factor = 2 : i64, sc.parallel_access}
    %add3A_1474 = arith.constant 0 : i32
    %add3A_1475 = arith.addi %add3A_1474, %mul3A_2 : i32
    %add3A_1476 = arith.constant 104 : i32
    %add3A_1477 = arith.addi %add3A_1475, %add3A_1476 : i32
    %dma_start3A_1478 = arith.constant 0 : i32
    %dma_start3A_1479 = tpu.memref_slice %arg5[%add3A_1477, %dma_start3A_1478] : memref<16384x1024xf32, #tpu.memory_space<hbm>> -> memref<8x1024xf32, #tpu.memory_space<hbm>>
    %dma_start3A_1480 = arith.constant 0 : i32
    %dma_start3A_1481 = tpu.memref_slice %arg5[%add3A_1477, %dma_start3A_1480] : memref<16384x1024xf32, #tpu.memory_space<hbm>> -> memref<8x1024xf32, #tpu.memory_space<hbm>>
    tpu.enqueue_dma source(%arg11 : memref<8x1024xf32, #tpu.memory_space<vmem>>) target(%dma_start3A_1481 : memref<8x1024xf32, #tpu.memory_space<hbm>>) target_semaphore(%arg29 : memref<!tpu.dma_semaphore, #tpu.memory_space<semaphore_mem>>)
    %add3A_1482 = arith.constant 4096 : i32
    %add3A_1483 = arith.addi %add3A_1482, %mul3A_2 : i32
    %add3A_1484 = arith.constant 104 : i32
    %add3A_1485 = arith.addi %add3A_1483, %add3A_1484 : i32
    %dma_start3A_1486 = arith.constant 0 : i32
    %dma_start3A_1487 = tpu.memref_slice %arg5[%add3A_1485, %dma_start3A_1486] : memref<16384x1024xf32, #tpu.memory_space<hbm>> -> memref<8x1024xf32, #tpu.memory_space<hbm>>
    %dma_start3A_1488 = arith.constant 0 : i32
    %dma_start3A_1489 = tpu.memref_slice %arg5[%add3A_1485, %dma_start3A_1488] : memref<16384x1024xf32, #tpu.memory_space<hbm>> -> memref<8x1024xf32, #tpu.memory_space<hbm>>
    tpu.enqueue_dma source(%arg12 : memref<8x1024xf32, #tpu.memory_space<vmem>>) target(%dma_start3A_1489 : memref<8x1024xf32, #tpu.memory_space<hbm>>) target_semaphore(%arg29 : memref<!tpu.dma_semaphore, #tpu.memory_space<semaphore_mem>>)
    %add3A_1490 = arith.constant 8192 : i32
    %add3A_1491 = arith.addi %add3A_1490, %mul3A_2 : i32
    %add3A_1492 = arith.constant 104 : i32
    %add3A_1493 = arith.addi %add3A_1491, %add3A_1492 : i32
    %dma_start3A_1494 = arith.constant 0 : i32
    %dma_start3A_1495 = tpu.memref_slice %arg5[%add3A_1493, %dma_start3A_1494] : memref<16384x1024xf32, #tpu.memory_space<hbm>> -> memref<8x1024xf32, #tpu.memory_space<hbm>>
    %dma_start3A_1496 = arith.constant 0 : i32
    %dma_start3A_1497 = tpu.memref_slice %arg5[%add3A_1493, %dma_start3A_1496] : memref<16384x1024xf32, #tpu.memory_space<hbm>> -> memref<8x1024xf32, #tpu.memory_space<hbm>>
    tpu.enqueue_dma source(%arg13 : memref<8x1024xf32, #tpu.memory_space<vmem>>) target(%dma_start3A_1497 : memref<8x1024xf32, #tpu.memory_space<hbm>>) target_semaphore(%arg29 : memref<!tpu.dma_semaphore, #tpu.memory_space<semaphore_mem>>)
    %add3A_1498 = arith.constant 12288 : i32
    %add3A_1499 = arith.addi %add3A_1498, %mul3A_2 : i32
    %add3A_1500 = arith.constant 104 : i32
    %add3A_1501 = arith.addi %add3A_1499, %add3A_1500 : i32
    %dma_start3A_1502 = arith.constant 0 : i32
    %dma_start3A_1503 = tpu.memref_slice %arg5[%add3A_1501, %dma_start3A_1502] : memref<16384x1024xf32, #tpu.memory_space<hbm>> -> memref<8x1024xf32, #tpu.memory_space<hbm>>
    %dma_start3A_1504 = arith.constant 0 : i32
    %dma_start3A_1505 = tpu.memref_slice %arg5[%add3A_1501, %dma_start3A_1504] : memref<16384x1024xf32, #tpu.memory_space<hbm>> -> memref<8x1024xf32, #tpu.memory_space<hbm>>
    tpu.enqueue_dma source(%arg14 : memref<8x1024xf32, #tpu.memory_space<vmem>>) target(%dma_start3A_1505 : memref<8x1024xf32, #tpu.memory_space<hbm>>) target_semaphore(%arg29 : memref<!tpu.dma_semaphore, #tpu.memory_space<semaphore_mem>>)
    %dma_wait3A_1506 = arith.constant 0 : i32
    %dma_wait3A_1507 = tpu.memref_slice %arg4[%add3A_1321, %dma_wait3A_1506] : memref<8192x1024xf32, #tpu.memory_space<hbm>> -> memref<8x1024xf32, #tpu.memory_space<hbm>>
    %dma_wait3A_1508 = arith.constant 0 : i32
    %dma_wait3A_1509 = tpu.memref_slice %arg4[%add3A_1321, %dma_wait3A_1508] : memref<8192x1024xf32, #tpu.memory_space<hbm>> -> memref<8x1024xf32, #tpu.memory_space<hbm>>
    tpu.wait_dma2 semaphore(%arg27 : memref<!tpu.dma_semaphore, #tpu.memory_space<semaphore_mem>>) src(%dma_wait3A_1509 : memref<8x1024xf32, #tpu.memory_space<hbm>>) dst(%arg21 : memref<8x1024xf32, #tpu.memory_space<vmem>>)
    %dma_wait3A_1510 = arith.constant 112 : i32
    %dma_wait3A_1511 = tpu.memref_slice %arg6[%dma_wait3A_1510] : memref<512xi32, #tpu.memory_space<vmem>> -> memref<8xi32, #tpu.memory_space<vmem>>
    %dma_wait3A_1512 = arith.constant 0 : i32
    %dma_wait3A_1513 = arith.constant 0 : i32
    %dma_wait3A_1514 = tpu.memref_slice %arg3[%dma_wait3A_1512, %dma_wait3A_1513] : memref<100000x1024xf32, #tpu.memory_space<hbm>> -> memref<100000x1024xf32, #tpu.memory_space<hbm>>
    tpu.wait_indirect_dma semaphore(%arg24 : memref<!tpu.dma_semaphore, #tpu.memory_space<semaphore_mem>>) src(%dma_wait3A_1514 : memref<100000x1024xf32, #tpu.memory_space<hbm>>) dst(%arg15 : memref<8x1024xf32, #tpu.memory_space<vmem>>)
    %dma_wait3A_1515 = arith.constant 240 : i32
    %dma_wait3A_1516 = tpu.memref_slice %arg6[%dma_wait3A_1515] : memref<512xi32, #tpu.memory_space<vmem>> -> memref<8xi32, #tpu.memory_space<vmem>>
    %dma_wait3A_1517 = arith.constant 0 : i32
    %dma_wait3A_1518 = arith.constant 0 : i32
    %dma_wait3A_1519 = tpu.memref_slice %arg3[%dma_wait3A_1517, %dma_wait3A_1518] : memref<100000x1024xf32, #tpu.memory_space<hbm>> -> memref<100000x1024xf32, #tpu.memory_space<hbm>>
    tpu.wait_indirect_dma semaphore(%arg24 : memref<!tpu.dma_semaphore, #tpu.memory_space<semaphore_mem>>) src(%dma_wait3A_1519 : memref<100000x1024xf32, #tpu.memory_space<hbm>>) dst(%arg16 : memref<8x1024xf32, #tpu.memory_space<vmem>>)
    %dma_wait3A_1520 = arith.constant 368 : i32
    %dma_wait3A_1521 = tpu.memref_slice %arg6[%dma_wait3A_1520] : memref<512xi32, #tpu.memory_space<vmem>> -> memref<8xi32, #tpu.memory_space<vmem>>
    %dma_wait3A_1522 = arith.constant 0 : i32
    %dma_wait3A_1523 = arith.constant 0 : i32
    %dma_wait3A_1524 = tpu.memref_slice %arg3[%dma_wait3A_1522, %dma_wait3A_1523] : memref<100000x1024xf32, #tpu.memory_space<hbm>> -> memref<100000x1024xf32, #tpu.memory_space<hbm>>
    tpu.wait_indirect_dma semaphore(%arg24 : memref<!tpu.dma_semaphore, #tpu.memory_space<semaphore_mem>>) src(%dma_wait3A_1524 : memref<100000x1024xf32, #tpu.memory_space<hbm>>) dst(%arg17 : memref<8x1024xf32, #tpu.memory_space<vmem>>)
    %dma_wait3A_1525 = arith.constant 496 : i32
    %dma_wait3A_1526 = tpu.memref_slice %arg6[%dma_wait3A_1525] : memref<512xi32, #tpu.memory_space<vmem>> -> memref<8xi32, #tpu.memory_space<vmem>>
    %dma_wait3A_1527 = arith.constant 0 : i32
    %dma_wait3A_1528 = arith.constant 0 : i32
    %dma_wait3A_1529 = tpu.memref_slice %arg3[%dma_wait3A_1527, %dma_wait3A_1528] : memref<100000x1024xf32, #tpu.memory_space<hbm>> -> memref<100000x1024xf32, #tpu.memory_space<hbm>>
    tpu.wait_indirect_dma semaphore(%arg24 : memref<!tpu.dma_semaphore, #tpu.memory_space<semaphore_mem>>) src(%dma_wait3A_1529 : memref<100000x1024xf32, #tpu.memory_space<hbm>>) dst(%arg18 : memref<8x1024xf32, #tpu.memory_space<vmem>>)
    %parallel_loop3A_1530 = arith.constant 0 : i32
    %parallel_loop3A_1531 = arith.constant 512 : i32
    %parallel_loop3A_1532 = arith.constant 1 : i32
    scf.for %parallel_loop3A_1672 = %parallel_loop3A_1530 to %parallel_loop3A_1531 step %parallel_loop3A_1532  : i32 {
      %parallel_loop3A_1673 = arith.constant 64 : i32
      %parallel_loop3A_1674 = arith.divsi %parallel_loop3A_1672, %parallel_loop3A_1673 : i32
      %parallel_loop3A_1675 = arith.constant 0 : i32
      %parallel_loop3A_1676 = arith.cmpi sgt, %parallel_loop3A_1672, %parallel_loop3A_1675 : i32
      %parallel_loop3A_1677 = arith.extui %parallel_loop3A_1676 : i1 to i32
      %parallel_loop3A_1678 = arith.constant 0 : i32
      %parallel_loop3A_1679 = arith.cmpi slt, %parallel_loop3A_1672, %parallel_loop3A_1678 : i32
      %parallel_loop3A_1680 = arith.extui %parallel_loop3A_1679 : i1 to i32
      %parallel_loop3A_1681 = arith.subi %parallel_loop3A_1677, %parallel_loop3A_1680 : i32
      %parallel_loop3A_1682 = arith.constant 0 : i32
      %parallel_loop3A_1683 = arith.cmpi sgt, %parallel_loop3A_1673, %parallel_loop3A_1682 : i32
      %parallel_loop3A_1684 = arith.extui %parallel_loop3A_1683 : i1 to i32
      %parallel_loop3A_1685 = arith.constant 0 : i32
      %parallel_loop3A_1686 = arith.cmpi slt, %parallel_loop3A_1673, %parallel_loop3A_1685 : i32
      %parallel_loop3A_1687 = arith.extui %parallel_loop3A_1686 : i1 to i32
      %parallel_loop3A_1688 = arith.subi %parallel_loop3A_1684, %parallel_loop3A_1687 : i32
      %parallel_loop3A_1689 = arith.cmpi ne, %parallel_loop3A_1681, %parallel_loop3A_1688 : i32
      %parallel_loop3A_1690 = arith.remsi %parallel_loop3A_1672, %parallel_loop3A_1673 : i32
      %parallel_loop3A_1691 = arith.constant 0 : i32
      %parallel_loop3A_1692 = arith.cmpi ne, %parallel_loop3A_1690, %parallel_loop3A_1691 : i32
      %parallel_loop3A_1693 = arith.andi %parallel_loop3A_1689, %parallel_loop3A_1692 : i1
      %parallel_loop3A_1694 = arith.constant 1 : i32
      %parallel_loop3A_1695 = arith.subi %parallel_loop3A_1674, %parallel_loop3A_1694 : i32
      %parallel_loop3A_1696 = arith.select %parallel_loop3A_1693, %parallel_loop3A_1695, %parallel_loop3A_1674 : i32
      %parallel_loop3A_1697 = arith.constant 64 : i32
      %parallel_loop3A_1698 = arith.constant 0 : i32
      %parallel_loop3A_1699 = arith.cmpi eq, %parallel_loop3A_1697, %parallel_loop3A_1698 : i32
      %parallel_loop3A_1700 = arith.constant 1 : i32
      %parallel_loop3A_1701 = arith.select %parallel_loop3A_1699, %parallel_loop3A_1700, %parallel_loop3A_1697 : i32
      %parallel_loop3A_1702 = arith.remsi %parallel_loop3A_1672, %parallel_loop3A_1701 : i32
      %parallel_loop3A_1703 = arith.constant 0 : i32
      %parallel_loop3A_1704 = arith.cmpi ne, %parallel_loop3A_1702, %parallel_loop3A_1703 : i32
      %parallel_loop3A_1705 = arith.constant 0 : i32
      %parallel_loop3A_1706 = arith.cmpi slt, %parallel_loop3A_1702, %parallel_loop3A_1705 : i32
      %parallel_loop3A_1707 = arith.constant 0 : i32
      %parallel_loop3A_1708 = arith.cmpi slt, %parallel_loop3A_1701, %parallel_loop3A_1707 : i32
      %parallel_loop3A_1709 = arith.xori %parallel_loop3A_1706, %parallel_loop3A_1708 : i1
      %parallel_loop3A_1710 = arith.andi %parallel_loop3A_1709, %parallel_loop3A_1704 : i1
      %parallel_loop3A_1711 = arith.addi %parallel_loop3A_1702, %parallel_loop3A_1701 : i32
      %parallel_loop3A_1712 = arith.select %parallel_loop3A_1710, %parallel_loop3A_1711, %parallel_loop3A_1702 : i32
      %parallel_loop3A_1713 = arith.constant 16 : i32
      %parallel_loop3A_1714 = arith.muli %parallel_loop3A_1712, %parallel_loop3A_1713 : i32
      %parallel_loop3A_1715 = arith.index_cast %parallel_loop3A_1696 : i32 to index
      %parallel_loop3A_1716 = arith.index_cast %parallel_loop3A_1714 : i32 to index
      %parallel_loop3A_1717 = tpu.vector_load %arg21[%parallel_loop3A_1715, %parallel_loop3A_1716] {strides = array<i32>} : memref<8x1024xf32, #tpu.memory_space<vmem>>, vector<1x16xf32>,
      %parallel_loop3A_1718 = vector.shape_cast %parallel_loop3A_1717 : vector<1x16xf32> to vector<16xf32>
      %parallel_loop3A_1719 = arith.index_cast %parallel_loop3A_1696 : i32 to index
      %parallel_loop3A_1720 = arith.index_cast %parallel_loop3A_1714 : i32 to index
      %parallel_loop3A_1721 = tpu.vector_load %arg15[%parallel_loop3A_1719, %parallel_loop3A_1720] {strides = array<i32>} : memref<8x1024xf32, #tpu.memory_space<vmem>>, vector<1x16xf32>,
      %parallel_loop3A_1722 = vector.shape_cast %parallel_loop3A_1721 : vector<1x16xf32> to vector<16xf32>
      %parallel_loop3A_1723 = vector.shape_cast %parallel_loop3A_1718 : vector<16xf32> to vector<1x16xf32>
      tpu.vector_store %arg15[%parallel_loop3A_1719, %parallel_loop3A_1720], %parallel_loop3A_1723 {add = true, strides = array<i32>} : memref<8x1024xf32, #tpu.memory_space<vmem>>, vector<1x16xf32>,
      %parallel_loop3A_1724 = arith.index_cast %parallel_loop3A_1696 : i32 to index
      %parallel_loop3A_1725 = arith.index_cast %parallel_loop3A_1714 : i32 to index
      %parallel_loop3A_1726 = tpu.vector_load %arg16[%parallel_loop3A_1724, %parallel_loop3A_1725] {strides = array<i32>} : memref<8x1024xf32, #tpu.memory_space<vmem>>, vector<1x16xf32>,
      %parallel_loop3A_1727 = vector.shape_cast %parallel_loop3A_1726 : vector<1x16xf32> to vector<16xf32>
      %parallel_loop3A_1728 = vector.shape_cast %parallel_loop3A_1718 : vector<16xf32> to vector<1x16xf32>
      tpu.vector_store %arg16[%parallel_loop3A_1724, %parallel_loop3A_1725], %parallel_loop3A_1728 {add = true, strides = array<i32>} : memref<8x1024xf32, #tpu.memory_space<vmem>>, vector<1x16xf32>,
      %parallel_loop3A_1729 = arith.index_cast %parallel_loop3A_1696 : i32 to index
      %parallel_loop3A_1730 = arith.index_cast %parallel_loop3A_1714 : i32 to index
      %parallel_loop3A_1731 = tpu.vector_load %arg17[%parallel_loop3A_1729, %parallel_loop3A_1730] {strides = array<i32>} : memref<8x1024xf32, #tpu.memory_space<vmem>>, vector<1x16xf32>,
      %parallel_loop3A_1732 = vector.shape_cast %parallel_loop3A_1731 : vector<1x16xf32> to vector<16xf32>
      %parallel_loop3A_1733 = vector.shape_cast %parallel_loop3A_1718 : vector<16xf32> to vector<1x16xf32>
      tpu.vector_store %arg17[%parallel_loop3A_1729, %parallel_loop3A_1730], %parallel_loop3A_1733 {add = true, strides = array<i32>} : memref<8x1024xf32, #tpu.memory_space<vmem>>, vector<1x16xf32>,
      %parallel_loop3A_1734 = arith.index_cast %parallel_loop3A_1696 : i32 to index
      %parallel_loop3A_1735 = arith.index_cast %parallel_loop3A_1714 : i32 to index
      %parallel_loop3A_1736 = tpu.vector_load %arg18[%parallel_loop3A_1734, %parallel_loop3A_1735] {strides = array<i32>} : memref<8x1024xf32, #tpu.memory_space<vmem>>, vector<1x16xf32>,
      %parallel_loop3A_1737 = vector.shape_cast %parallel_loop3A_1736 : vector<1x16xf32> to vector<16xf32>
      %parallel_loop3A_1738 = vector.shape_cast %parallel_loop3A_1718 : vector<16xf32> to vector<1x16xf32>
      tpu.vector_store %arg18[%parallel_loop3A_1734, %parallel_loop3A_1735], %parallel_loop3A_1738 {add = true, strides = array<i32>} : memref<8x1024xf32, #tpu.memory_space<vmem>>, vector<1x16xf32>,
    } {sc.loop_unroll_factor = 2 : i64, sc.parallel_access}
    %add3A_1533 = arith.constant 0 : i32
    %add3A_1534 = arith.addi %add3A_1533, %mul3A_2 : i32
    %add3A_1535 = arith.constant 112 : i32
    %add3A_1536 = arith.addi %add3A_1534, %add3A_1535 : i32
    %dma_start3A_1537 = arith.constant 0 : i32
    %dma_start3A_1538 = tpu.memref_slice %arg5[%add3A_1536, %dma_start3A_1537] : memref<16384x1024xf32, #tpu.memory_space<hbm>> -> memref<8x1024xf32, #tpu.memory_space<hbm>>
    %dma_start3A_1539 = arith.constant 0 : i32
    %dma_start3A_1540 = tpu.memref_slice %arg5[%add3A_1536, %dma_start3A_1539] : memref<16384x1024xf32, #tpu.memory_space<hbm>> -> memref<8x1024xf32, #tpu.memory_space<hbm>>
    tpu.enqueue_dma source(%arg15 : memref<8x1024xf32, #tpu.memory_space<vmem>>) target(%dma_start3A_1540 : memref<8x1024xf32, #tpu.memory_space<hbm>>) target_semaphore(%arg30 : memref<!tpu.dma_semaphore, #tpu.memory_space<semaphore_mem>>)
    %add3A_1541 = arith.constant 4096 : i32
    %add3A_1542 = arith.addi %add3A_1541, %mul3A_2 : i32
    %add3A_1543 = arith.constant 112 : i32
    %add3A_1544 = arith.addi %add3A_1542, %add3A_1543 : i32
    %dma_start3A_1545 = arith.constant 0 : i32
    %dma_start3A_1546 = tpu.memref_slice %arg5[%add3A_1544, %dma_start3A_1545] : memref<16384x1024xf32, #tpu.memory_space<hbm>> -> memref<8x1024xf32, #tpu.memory_space<hbm>>
    %dma_start3A_1547 = arith.constant 0 : i32
    %dma_start3A_1548 = tpu.memref_slice %arg5[%add3A_1544, %dma_start3A_1547] : memref<16384x1024xf32, #tpu.memory_space<hbm>> -> memref<8x1024xf32, #tpu.memory_space<hbm>>
    tpu.enqueue_dma source(%arg16 : memref<8x1024xf32, #tpu.memory_space<vmem>>) target(%dma_start3A_1548 : memref<8x1024xf32, #tpu.memory_space<hbm>>) target_semaphore(%arg30 : memref<!tpu.dma_semaphore, #tpu.memory_space<semaphore_mem>>)
    %add3A_1549 = arith.constant 8192 : i32
    %add3A_1550 = arith.addi %add3A_1549, %mul3A_2 : i32
    %add3A_1551 = arith.constant 112 : i32
    %add3A_1552 = arith.addi %add3A_1550, %add3A_1551 : i32
    %dma_start3A_1553 = arith.constant 0 : i32
    %dma_start3A_1554 = tpu.memref_slice %arg5[%add3A_1552, %dma_start3A_1553] : memref<16384x1024xf32, #tpu.memory_space<hbm>> -> memref<8x1024xf32, #tpu.memory_space<hbm>>
    %dma_start3A_1555 = arith.constant 0 : i32
    %dma_start3A_1556 = tpu.memref_slice %arg5[%add3A_1552, %dma_start3A_1555] : memref<16384x1024xf32, #tpu.memory_space<hbm>> -> memref<8x1024xf32, #tpu.memory_space<hbm>>
    tpu.enqueue_dma source(%arg17 : memref<8x1024xf32, #tpu.memory_space<vmem>>) target(%dma_start3A_1556 : memref<8x1024xf32, #tpu.memory_space<hbm>>) target_semaphore(%arg30 : memref<!tpu.dma_semaphore, #tpu.memory_space<semaphore_mem>>)
    %add3A_1557 = arith.constant 12288 : i32
    %add3A_1558 = arith.addi %add3A_1557, %mul3A_2 : i32
    %add3A_1559 = arith.constant 112 : i32
    %add3A_1560 = arith.addi %add3A_1558, %add3A_1559 : i32
    %dma_start3A_1561 = arith.constant 0 : i32
    %dma_start3A_1562 = tpu.memref_slice %arg5[%add3A_1560, %dma_start3A_1561] : memref<16384x1024xf32, #tpu.memory_space<hbm>> -> memref<8x1024xf32, #tpu.memory_space<hbm>>
    %dma_start3A_1563 = arith.constant 0 : i32
    %dma_start3A_1564 = tpu.memref_slice %arg5[%add3A_1560, %dma_start3A_1563] : memref<16384x1024xf32, #tpu.memory_space<hbm>> -> memref<8x1024xf32, #tpu.memory_space<hbm>>
    tpu.enqueue_dma source(%arg18 : memref<8x1024xf32, #tpu.memory_space<vmem>>) target(%dma_start3A_1564 : memref<8x1024xf32, #tpu.memory_space<hbm>>) target_semaphore(%arg30 : memref<!tpu.dma_semaphore, #tpu.memory_space<semaphore_mem>>)
    %dma_wait3A_1565 = arith.constant 0 : i32
    %dma_wait3A_1566 = tpu.memref_slice %arg4[%add3A_1422, %dma_wait3A_1565] : memref<8192x1024xf32, #tpu.memory_space<hbm>> -> memref<8x1024xf32, #tpu.memory_space<hbm>>
    %dma_wait3A_1567 = arith.constant 0 : i32
    %dma_wait3A_1568 = tpu.memref_slice %arg4[%add3A_1422, %dma_wait3A_1567] : memref<8192x1024xf32, #tpu.memory_space<hbm>> -> memref<8x1024xf32, #tpu.memory_space<hbm>>
    tpu.wait_dma2 semaphore(%arg25 : memref<!tpu.dma_semaphore, #tpu.memory_space<semaphore_mem>>) src(%dma_wait3A_1568 : memref<8x1024xf32, #tpu.memory_space<hbm>>) dst(%arg19 : memref<8x1024xf32, #tpu.memory_space<vmem>>)
    %dma_wait3A_1569 = arith.constant 120 : i32
    %dma_wait3A_1570 = tpu.memref_slice %arg6[%dma_wait3A_1569] : memref<512xi32, #tpu.memory_space<vmem>> -> memref<8xi32, #tpu.memory_space<vmem>>
    %dma_wait3A_1571 = arith.constant 0 : i32
    %dma_wait3A_1572 = arith.constant 0 : i32
    %dma_wait3A_1573 = tpu.memref_slice %arg3[%dma_wait3A_1571, %dma_wait3A_1572] : memref<100000x1024xf32, #tpu.memory_space<hbm>> -> memref<100000x1024xf32, #tpu.memory_space<hbm>>
    tpu.wait_indirect_dma semaphore(%arg22 : memref<!tpu.dma_semaphore, #tpu.memory_space<semaphore_mem>>) src(%dma_wait3A_1573 : memref<100000x1024xf32, #tpu.memory_space<hbm>>) dst(%arg7 : memref<8x1024xf32, #tpu.memory_space<vmem>>)
    %dma_wait3A_1574 = arith.constant 248 : i32
    %dma_wait3A_1575 = tpu.memref_slice %arg6[%dma_wait3A_1574] : memref<512xi32, #tpu.memory_space<vmem>> -> memref<8xi32, #tpu.memory_space<vmem>>
    %dma_wait3A_1576 = arith.constant 0 : i32
    %dma_wait3A_1577 = arith.constant 0 : i32
    %dma_wait3A_1578 = tpu.memref_slice %arg3[%dma_wait3A_1576, %dma_wait3A_1577] : memref<100000x1024xf32, #tpu.memory_space<hbm>> -> memref<100000x1024xf32, #tpu.memory_space<hbm>>
    tpu.wait_indirect_dma semaphore(%arg22 : memref<!tpu.dma_semaphore, #tpu.memory_space<semaphore_mem>>) src(%dma_wait3A_1578 : memref<100000x1024xf32, #tpu.memory_space<hbm>>) dst(%arg8 : memref<8x1024xf32, #tpu.memory_space<vmem>>)
    %dma_wait3A_1579 = arith.constant 376 : i32
    %dma_wait3A_1580 = tpu.memref_slice %arg6[%dma_wait3A_1579] : memref<512xi32, #tpu.memory_space<vmem>> -> memref<8xi32, #tpu.memory_space<vmem>>
    %dma_wait3A_1581 = arith.constant 0 : i32
    %dma_wait3A_1582 = arith.constant 0 : i32
    %dma_wait3A_1583 = tpu.memref_slice %arg3[%dma_wait3A_1581, %dma_wait3A_1582] : memref<100000x1024xf32, #tpu.memory_space<hbm>> -> memref<100000x1024xf32, #tpu.memory_space<hbm>>
    tpu.wait_indirect_dma semaphore(%arg22 : memref<!tpu.dma_semaphore, #tpu.memory_space<semaphore_mem>>) src(%dma_wait3A_1583 : memref<100000x1024xf32, #tpu.memory_space<hbm>>) dst(%arg9 : memref<8x1024xf32, #tpu.memory_space<vmem>>)
    %dma_wait3A_1584 = arith.constant 504 : i32
    %dma_wait3A_1585 = tpu.memref_slice %arg6[%dma_wait3A_1584] : memref<512xi32, #tpu.memory_space<vmem>> -> memref<8xi32, #tpu.memory_space<vmem>>
    %dma_wait3A_1586 = arith.constant 0 : i32
    %dma_wait3A_1587 = arith.constant 0 : i32
    %dma_wait3A_1588 = tpu.memref_slice %arg3[%dma_wait3A_1586, %dma_wait3A_1587] : memref<100000x1024xf32, #tpu.memory_space<hbm>> -> memref<100000x1024xf32, #tpu.memory_space<hbm>>
    tpu.wait_indirect_dma semaphore(%arg22 : memref<!tpu.dma_semaphore, #tpu.memory_space<semaphore_mem>>) src(%dma_wait3A_1588 : memref<100000x1024xf32, #tpu.memory_space<hbm>>) dst(%arg10 : memref<8x1024xf32, #tpu.memory_space<vmem>>)
    %parallel_loop3A_1589 = arith.constant 0 : i32
    %parallel_loop3A_1590 = arith.constant 512 : i32
    %parallel_loop3A_1591 = arith.constant 1 : i32
    scf.for %parallel_loop3A_1672 = %parallel_loop3A_1589 to %parallel_loop3A_1590 step %parallel_loop3A_1591  : i32 {
      %parallel_loop3A_1673 = arith.constant 64 : i32
      %parallel_loop3A_1674 = arith.divsi %parallel_loop3A_1672, %parallel_loop3A_1673 : i32
      %parallel_loop3A_1675 = arith.constant 0 : i32
      %parallel_loop3A_1676 = arith.cmpi sgt, %parallel_loop3A_1672, %parallel_loop3A_1675 : i32
      %parallel_loop3A_1677 = arith.extui %parallel_loop3A_1676 : i1 to i32
      %parallel_loop3A_1678 = arith.constant 0 : i32
      %parallel_loop3A_1679 = arith.cmpi slt, %parallel_loop3A_1672, %parallel_loop3A_1678 : i32
      %parallel_loop3A_1680 = arith.extui %parallel_loop3A_1679 : i1 to i32
      %parallel_loop3A_1681 = arith.subi %parallel_loop3A_1677, %parallel_loop3A_1680 : i32
      %parallel_loop3A_1682 = arith.constant 0 : i32
      %parallel_loop3A_1683 = arith.cmpi sgt, %parallel_loop3A_1673, %parallel_loop3A_1682 : i32
      %parallel_loop3A_1684 = arith.extui %parallel_loop3A_1683 : i1 to i32
      %parallel_loop3A_1685 = arith.constant 0 : i32
      %parallel_loop3A_1686 = arith.cmpi slt, %parallel_loop3A_1673, %parallel_loop3A_1685 : i32
      %parallel_loop3A_1687 = arith.extui %parallel_loop3A_1686 : i1 to i32
      %parallel_loop3A_1688 = arith.subi %parallel_loop3A_1684, %parallel_loop3A_1687 : i32
      %parallel_loop3A_1689 = arith.cmpi ne, %parallel_loop3A_1681, %parallel_loop3A_1688 : i32
      %parallel_loop3A_1690 = arith.remsi %parallel_loop3A_1672, %parallel_loop3A_1673 : i32
      %parallel_loop3A_1691 = arith.constant 0 : i32
      %parallel_loop3A_1692 = arith.cmpi ne, %parallel_loop3A_1690, %parallel_loop3A_1691 : i32
      %parallel_loop3A_1693 = arith.andi %parallel_loop3A_1689, %parallel_loop3A_1692 : i1
      %parallel_loop3A_1694 = arith.constant 1 : i32
      %parallel_loop3A_1695 = arith.subi %parallel_loop3A_1674, %parallel_loop3A_1694 : i32
      %parallel_loop3A_1696 = arith.select %parallel_loop3A_1693, %parallel_loop3A_1695, %parallel_loop3A_1674 : i32
      %parallel_loop3A_1697 = arith.constant 64 : i32
      %parallel_loop3A_1698 = arith.constant 0 : i32
      %parallel_loop3A_1699 = arith.cmpi eq, %parallel_loop3A_1697, %parallel_loop3A_1698 : i32
      %parallel_loop3A_1700 = arith.constant 1 : i32
      %parallel_loop3A_1701 = arith.select %parallel_loop3A_1699, %parallel_loop3A_1700, %parallel_loop3A_1697 : i32
      %parallel_loop3A_1702 = arith.remsi %parallel_loop3A_1672, %parallel_loop3A_1701 : i32
      %parallel_loop3A_1703 = arith.constant 0 : i32
      %parallel_loop3A_1704 = arith.cmpi ne, %parallel_loop3A_1702, %parallel_loop3A_1703 : i32
      %parallel_loop3A_1705 = arith.constant 0 : i32
      %parallel_loop3A_1706 = arith.cmpi slt, %parallel_loop3A_1702, %parallel_loop3A_1705 : i32
      %parallel_loop3A_1707 = arith.constant 0 : i32
      %parallel_loop3A_1708 = arith.cmpi slt, %parallel_loop3A_1701, %parallel_loop3A_1707 : i32
      %parallel_loop3A_1709 = arith.xori %parallel_loop3A_1706, %parallel_loop3A_1708 : i1
      %parallel_loop3A_1710 = arith.andi %parallel_loop3A_1709, %parallel_loop3A_1704 : i1
      %parallel_loop3A_1711 = arith.addi %parallel_loop3A_1702, %parallel_loop3A_1701 : i32
      %parallel_loop3A_1712 = arith.select %parallel_loop3A_1710, %parallel_loop3A_1711, %parallel_loop3A_1702 : i32
      %parallel_loop3A_1713 = arith.constant 16 : i32
      %parallel_loop3A_1714 = arith.muli %parallel_loop3A_1712, %parallel_loop3A_1713 : i32
      %parallel_loop3A_1715 = arith.index_cast %parallel_loop3A_1696 : i32 to index
      %parallel_loop3A_1716 = arith.index_cast %parallel_loop3A_1714 : i32 to index
      %parallel_loop3A_1717 = tpu.vector_load %arg19[%parallel_loop3A_1715, %parallel_loop3A_1716] {strides = array<i32>} : memref<8x1024xf32, #tpu.memory_space<vmem>>, vector<1x16xf32>,
      %parallel_loop3A_1718 = vector.shape_cast %parallel_loop3A_1717 : vector<1x16xf32> to vector<16xf32>
      %parallel_loop3A_1719 = arith.index_cast %parallel_loop3A_1696 : i32 to index
      %parallel_loop3A_1720 = arith.index_cast %parallel_loop3A_1714 : i32 to index
      %parallel_loop3A_1721 = tpu.vector_load %arg7[%parallel_loop3A_1719, %parallel_loop3A_1720] {strides = array<i32>} : memref<8x1024xf32, #tpu.memory_space<vmem>>, vector<1x16xf32>,
      %parallel_loop3A_1722 = vector.shape_cast %parallel_loop3A_1721 : vector<1x16xf32> to vector<16xf32>
      %parallel_loop3A_1723 = vector.shape_cast %parallel_loop3A_1718 : vector<16xf32> to vector<1x16xf32>
      tpu.vector_store %arg7[%parallel_loop3A_1719, %parallel_loop3A_1720], %parallel_loop3A_1723 {add = true, strides = array<i32>} : memref<8x1024xf32, #tpu.memory_space<vmem>>, vector<1x16xf32>,
      %parallel_loop3A_1724 = arith.index_cast %parallel_loop3A_1696 : i32 to index
      %parallel_loop3A_1725 = arith.index_cast %parallel_loop3A_1714 : i32 to index
      %parallel_loop3A_1726 = tpu.vector_load %arg8[%parallel_loop3A_1724, %parallel_loop3A_1725] {strides = array<i32>} : memref<8x1024xf32, #tpu.memory_space<vmem>>, vector<1x16xf32>,
      %parallel_loop3A_1727 = vector.shape_cast %parallel_loop3A_1726 : vector<1x16xf32> to vector<16xf32>
      %parallel_loop3A_1728 = vector.shape_cast %parallel_loop3A_1718 : vector<16xf32> to vector<1x16xf32>
      tpu.vector_store %arg8[%parallel_loop3A_1724, %parallel_loop3A_1725], %parallel_loop3A_1728 {add = true, strides = array<i32>} : memref<8x1024xf32, #tpu.memory_space<vmem>>, vector<1x16xf32>,
      %parallel_loop3A_1729 = arith.index_cast %parallel_loop3A_1696 : i32 to index
      %parallel_loop3A_1730 = arith.index_cast %parallel_loop3A_1714 : i32 to index
      %parallel_loop3A_1731 = tpu.vector_load %arg9[%parallel_loop3A_1729, %parallel_loop3A_1730] {strides = array<i32>} : memref<8x1024xf32, #tpu.memory_space<vmem>>, vector<1x16xf32>,
      %parallel_loop3A_1732 = vector.shape_cast %parallel_loop3A_1731 : vector<1x16xf32> to vector<16xf32>
      %parallel_loop3A_1733 = vector.shape_cast %parallel_loop3A_1718 : vector<16xf32> to vector<1x16xf32>
      tpu.vector_store %arg9[%parallel_loop3A_1729, %parallel_loop3A_1730], %parallel_loop3A_1733 {add = true, strides = array<i32>} : memref<8x1024xf32, #tpu.memory_space<vmem>>, vector<1x16xf32>,
      %parallel_loop3A_1734 = arith.index_cast %parallel_loop3A_1696 : i32 to index
      %parallel_loop3A_1735 = arith.index_cast %parallel_loop3A_1714 : i32 to index
      %parallel_loop3A_1736 = tpu.vector_load %arg10[%parallel_loop3A_1734, %parallel_loop3A_1735] {strides = array<i32>} : memref<8x1024xf32, #tpu.memory_space<vmem>>, vector<1x16xf32>,
      %parallel_loop3A_1737 = vector.shape_cast %parallel_loop3A_1736 : vector<1x16xf32> to vector<16xf32>
      %parallel_loop3A_1738 = vector.shape_cast %parallel_loop3A_1718 : vector<16xf32> to vector<1x16xf32>
      tpu.vector_store %arg10[%parallel_loop3A_1734, %parallel_loop3A_1735], %parallel_loop3A_1738 {add = true, strides = array<i32>} : memref<8x1024xf32, #tpu.memory_space<vmem>>, vector<1x16xf32>,
    } {sc.loop_unroll_factor = 2 : i64, sc.parallel_access}
    %add3A_1592 = arith.constant 0 : i32
    %add3A_1593 = arith.addi %add3A_1592, %mul3A_2 : i32
    %add3A_1594 = arith.constant 120 : i32
    %add3A_1595 = arith.addi %add3A_1593, %add3A_1594 : i32
    %dma_start3A_1596 = arith.constant 0 : i32
    %dma_start3A_1597 = tpu.memref_slice %arg5[%add3A_1595, %dma_start3A_1596] : memref<16384x1024xf32, #tpu.memory_space<hbm>> -> memref<8x1024xf32, #tpu.memory_space<hbm>>
    %dma_start3A_1598 = arith.constant 0 : i32
    %dma_start3A_1599 = tpu.memref_slice %arg5[%add3A_1595, %dma_start3A_1598] : memref<16384x1024xf32, #tpu.memory_space<hbm>> -> memref<8x1024xf32, #tpu.memory_space<hbm>>
    tpu.enqueue_dma source(%arg7 : memref<8x1024xf32, #tpu.memory_space<vmem>>) target(%dma_start3A_1599 : memref<8x1024xf32, #tpu.memory_space<hbm>>) target_semaphore(%arg28 : memref<!tpu.dma_semaphore, #tpu.memory_space<semaphore_mem>>)
    %add3A_1600 = arith.constant 4096 : i32
    %add3A_1601 = arith.addi %add3A_1600, %mul3A_2 : i32
    %add3A_1602 = arith.constant 120 : i32
    %add3A_1603 = arith.addi %add3A_1601, %add3A_1602 : i32
    %dma_start3A_1604 = arith.constant 0 : i32
    %dma_start3A_1605 = tpu.memref_slice %arg5[%add3A_1603, %dma_start3A_1604] : memref<16384x1024xf32, #tpu.memory_space<hbm>> -> memref<8x1024xf32, #tpu.memory_space<hbm>>
    %dma_start3A_1606 = arith.constant 0 : i32
    %dma_start3A_1607 = tpu.memref_slice %arg5[%add3A_1603, %dma_start3A_1606] : memref<16384x1024xf32, #tpu.memory_space<hbm>> -> memref<8x1024xf32, #tpu.memory_space<hbm>>
    tpu.enqueue_dma source(%arg8 : memref<8x1024xf32, #tpu.memory_space<vmem>>) target(%dma_start3A_1607 : memref<8x1024xf32, #tpu.memory_space<hbm>>) target_semaphore(%arg28 : memref<!tpu.dma_semaphore, #tpu.memory_space<semaphore_mem>>)
    %add3A_1608 = arith.constant 8192 : i32
    %add3A_1609 = arith.addi %add3A_1608, %mul3A_2 : i32
    %add3A_1610 = arith.constant 120 : i32
    %add3A_1611 = arith.addi %add3A_1609, %add3A_1610 : i32
    %dma_start3A_1612 = arith.constant 0 : i32
    %dma_start3A_1613 = tpu.memref_slice %arg5[%add3A_1611, %dma_start3A_1612] : memref<16384x1024xf32, #tpu.memory_space<hbm>> -> memref<8x1024xf32, #tpu.memory_space<hbm>>
    %dma_start3A_1614 = arith.constant 0 : i32
    %dma_start3A_1615 = tpu.memref_slice %arg5[%add3A_1611, %dma_start3A_1614] : memref<16384x1024xf32, #tpu.memory_space<hbm>> -> memref<8x1024xf32, #tpu.memory_space<hbm>>
    tpu.enqueue_dma source(%arg9 : memref<8x1024xf32, #tpu.memory_space<vmem>>) target(%dma_start3A_1615 : memref<8x1024xf32, #tpu.memory_space<hbm>>) target_semaphore(%arg28 : memref<!tpu.dma_semaphore, #tpu.memory_space<semaphore_mem>>)
    %add3A_1616 = arith.constant 12288 : i32
    %add3A_1617 = arith.addi %add3A_1616, %mul3A_2 : i32
    %add3A_1618 = arith.constant 120 : i32
    %add3A_1619 = arith.addi %add3A_1617, %add3A_1618 : i32
    %dma_start3A_1620 = arith.constant 0 : i32
    %dma_start3A_1621 = tpu.memref_slice %arg5[%add3A_1619, %dma_start3A_1620] : memref<16384x1024xf32, #tpu.memory_space<hbm>> -> memref<8x1024xf32, #tpu.memory_space<hbm>>
    %dma_start3A_1622 = arith.constant 0 : i32
    %dma_start3A_1623 = tpu.memref_slice %arg5[%add3A_1619, %dma_start3A_1622] : memref<16384x1024xf32, #tpu.memory_space<hbm>> -> memref<8x1024xf32, #tpu.memory_space<hbm>>
    tpu.enqueue_dma source(%arg10 : memref<8x1024xf32, #tpu.memory_space<vmem>>) target(%dma_start3A_1623 : memref<8x1024xf32, #tpu.memory_space<hbm>>) target_semaphore(%arg28 : memref<!tpu.dma_semaphore, #tpu.memory_space<semaphore_mem>>)
    %dma_wait3A_1624 = arith.constant 0 : i32
    %dma_wait3A_1625 = tpu.memref_slice %arg5[%add3A_1477, %dma_wait3A_1624] : memref<16384x1024xf32, #tpu.memory_space<hbm>> -> memref<8x1024xf32, #tpu.memory_space<hbm>>
    %dma_wait3A_1626 = arith.constant 0 : i32
    %dma_wait3A_1627 = tpu.memref_slice %arg5[%add3A_1477, %dma_wait3A_1626] : memref<16384x1024xf32, #tpu.memory_space<hbm>> -> memref<8x1024xf32, #tpu.memory_space<hbm>>
    tpu.wait_dma2 semaphore(%arg29 : memref<!tpu.dma_semaphore, #tpu.memory_space<semaphore_mem>>) src(%arg11 : memref<8x1024xf32, #tpu.memory_space<vmem>>) dst(%dma_wait3A_1627 : memref<8x1024xf32, #tpu.memory_space<hbm>>)
    %dma_wait3A_1628 = arith.constant 0 : i32
    %dma_wait3A_1629 = tpu.memref_slice %arg5[%add3A_1485, %dma_wait3A_1628] : memref<16384x1024xf32, #tpu.memory_space<hbm>> -> memref<8x1024xf32, #tpu.memory_space<hbm>>
    %dma_wait3A_1630 = arith.constant 0 : i32
    %dma_wait3A_1631 = tpu.memref_slice %arg5[%add3A_1485, %dma_wait3A_1630] : memref<16384x1024xf32, #tpu.memory_space<hbm>> -> memref<8x1024xf32, #tpu.memory_space<hbm>>
    tpu.wait_dma2 semaphore(%arg29 : memref<!tpu.dma_semaphore, #tpu.memory_space<semaphore_mem>>) src(%arg12 : memref<8x1024xf32, #tpu.memory_space<vmem>>) dst(%dma_wait3A_1631 : memref<8x1024xf32, #tpu.memory_space<hbm>>)
    %dma_wait3A_1632 = arith.constant 0 : i32
    %dma_wait3A_1633 = tpu.memref_slice %arg5[%add3A_1493, %dma_wait3A_1632] : memref<16384x1024xf32, #tpu.memory_space<hbm>> -> memref<8x1024xf32, #tpu.memory_space<hbm>>
    %dma_wait3A_1634 = arith.constant 0 : i32
    %dma_wait3A_1635 = tpu.memref_slice %arg5[%add3A_1493, %dma_wait3A_1634] : memref<16384x1024xf32, #tpu.memory_space<hbm>> -> memref<8x1024xf32, #tpu.memory_space<hbm>>
    tpu.wait_dma2 semaphore(%arg29 : memref<!tpu.dma_semaphore, #tpu.memory_space<semaphore_mem>>) src(%arg13 : memref<8x1024xf32, #tpu.memory_space<vmem>>) dst(%dma_wait3A_1635 : memref<8x1024xf32, #tpu.memory_space<hbm>>)
    %dma_wait3A_1636 = arith.constant 0 : i32
    %dma_wait3A_1637 = tpu.memref_slice %arg5[%add3A_1501, %dma_wait3A_1636] : memref<16384x1024xf32, #tpu.memory_space<hbm>> -> memref<8x1024xf32, #tpu.memory_space<hbm>>
    %dma_wait3A_1638 = arith.constant 0 : i32
    %dma_wait3A_1639 = tpu.memref_slice %arg5[%add3A_1501, %dma_wait3A_1638] : memref<16384x1024xf32, #tpu.memory_space<hbm>> -> memref<8x1024xf32, #tpu.memory_space<hbm>>
    tpu.wait_dma2 semaphore(%arg29 : memref<!tpu.dma_semaphore, #tpu.memory_space<semaphore_mem>>) src(%arg14 : memref<8x1024xf32, #tpu.memory_space<vmem>>) dst(%dma_wait3A_1639 : memref<8x1024xf32, #tpu.memory_space<hbm>>)
    %dma_wait3A_1640 = arith.constant 0 : i32
    %dma_wait3A_1641 = tpu.memref_slice %arg5[%add3A_1536, %dma_wait3A_1640] : memref<16384x1024xf32, #tpu.memory_space<hbm>> -> memref<8x1024xf32, #tpu.memory_space<hbm>>
    %dma_wait3A_1642 = arith.constant 0 : i32
    %dma_wait3A_1643 = tpu.memref_slice %arg5[%add3A_1536, %dma_wait3A_1642] : memref<16384x1024xf32, #tpu.memory_space<hbm>> -> memref<8x1024xf32, #tpu.memory_space<hbm>>
    tpu.wait_dma2 semaphore(%arg30 : memref<!tpu.dma_semaphore, #tpu.memory_space<semaphore_mem>>) src(%arg15 : memref<8x1024xf32, #tpu.memory_space<vmem>>) dst(%dma_wait3A_1643 : memref<8x1024xf32, #tpu.memory_space<hbm>>)
    %dma_wait3A_1644 = arith.constant 0 : i32
    %dma_wait3A_1645 = tpu.memref_slice %arg5[%add3A_1544, %dma_wait3A_1644] : memref<16384x1024xf32, #tpu.memory_space<hbm>> -> memref<8x1024xf32, #tpu.memory_space<hbm>>
    %dma_wait3A_1646 = arith.constant 0 : i32
    %dma_wait3A_1647 = tpu.memref_slice %arg5[%add3A_1544, %dma_wait3A_1646] : memref<16384x1024xf32, #tpu.memory_space<hbm>> -> memref<8x1024xf32, #tpu.memory_space<hbm>>
    tpu.wait_dma2 semaphore(%arg30 : memref<!tpu.dma_semaphore, #tpu.memory_space<semaphore_mem>>) src(%arg16 : memref<8x1024xf32, #tpu.memory_space<vmem>>) dst(%dma_wait3A_1647 : memref<8x1024xf32, #tpu.memory_space<hbm>>)
    %dma_wait3A_1648 = arith.constant 0 : i32
    %dma_wait3A_1649 = tpu.memref_slice %arg5[%add3A_1552, %dma_wait3A_1648] : memref<16384x1024xf32, #tpu.memory_space<hbm>> -> memref<8x1024xf32, #tpu.memory_space<hbm>>
    %dma_wait3A_1650 = arith.constant 0 : i32
    %dma_wait3A_1651 = tpu.memref_slice %arg5[%add3A_1552, %dma_wait3A_1650] : memref<16384x1024xf32, #tpu.memory_space<hbm>> -> memref<8x1024xf32, #tpu.memory_space<hbm>>
    tpu.wait_dma2 semaphore(%arg30 : memref<!tpu.dma_semaphore, #tpu.memory_space<semaphore_mem>>) src(%arg17 : memref<8x1024xf32, #tpu.memory_space<vmem>>) dst(%dma_wait3A_1651 : memref<8x1024xf32, #tpu.memory_space<hbm>>)
    %dma_wait3A_1652 = arith.constant 0 : i32
    %dma_wait3A_1653 = tpu.memref_slice %arg5[%add3A_1560, %dma_wait3A_1652] : memref<16384x1024xf32, #tpu.memory_space<hbm>> -> memref<8x1024xf32, #tpu.memory_space<hbm>>
    %dma_wait3A_1654 = arith.constant 0 : i32
    %dma_wait3A_1655 = tpu.memref_slice %arg5[%add3A_1560, %dma_wait3A_1654] : memref<16384x1024xf32, #tpu.memory_space<hbm>> -> memref<8x1024xf32, #tpu.memory_space<hbm>>
    tpu.wait_dma2 semaphore(%arg30 : memref<!tpu.dma_semaphore, #tpu.memory_space<semaphore_mem>>) src(%arg18 : memref<8x1024xf32, #tpu.memory_space<vmem>>) dst(%dma_wait3A_1655 : memref<8x1024xf32, #tpu.memory_space<hbm>>)
    %dma_wait3A_1656 = arith.constant 0 : i32
    %dma_wait3A_1657 = tpu.memref_slice %arg5[%add3A_1595, %dma_wait3A_1656] : memref<16384x1024xf32, #tpu.memory_space<hbm>> -> memref<8x1024xf32, #tpu.memory_space<hbm>>
    %dma_wait3A_1658 = arith.constant 0 : i32
    %dma_wait3A_1659 = tpu.memref_slice %arg5[%add3A_1595, %dma_wait3A_1658] : memref<16384x1024xf32, #tpu.memory_space<hbm>> -> memref<8x1024xf32, #tpu.memory_space<hbm>>
    tpu.wait_dma2 semaphore(%arg28 : memref<!tpu.dma_semaphore, #tpu.memory_space<semaphore_mem>>) src(%arg7 : memref<8x1024xf32, #tpu.memory_space<vmem>>) dst(%dma_wait3A_1659 : memref<8x1024xf32, #tpu.memory_space<hbm>>)
    %dma_wait3A_1660 = arith.constant 0 : i32
    %dma_wait3A_1661 = tpu.memref_slice %arg5[%add3A_1603, %dma_wait3A_1660] : memref<16384x1024xf32, #tpu.memory_space<hbm>> -> memref<8x1024xf32, #tpu.memory_space<hbm>>
    %dma_wait3A_1662 = arith.constant 0 : i32
    %dma_wait3A_1663 = tpu.memref_slice %arg5[%add3A_1603, %dma_wait3A_1662] : memref<16384x1024xf32, #tpu.memory_space<hbm>> -> memref<8x1024xf32, #tpu.memory_space<hbm>>
    tpu.wait_dma2 semaphore(%arg28 : memref<!tpu.dma_semaphore, #tpu.memory_space<semaphore_mem>>) src(%arg8 : memref<8x1024xf32, #tpu.memory_space<vmem>>) dst(%dma_wait3A_1663 : memref<8x1024xf32, #tpu.memory_space<hbm>>)
    %dma_wait3A_1664 = arith.constant 0 : i32
    %dma_wait3A_1665 = tpu.memref_slice %arg5[%add3A_1611, %dma_wait3A_1664] : memref<16384x1024xf32, #tpu.memory_space<hbm>> -> memref<8x1024xf32, #tpu.memory_space<hbm>>
    %dma_wait3A_1666 = arith.constant 0 : i32
    %dma_wait3A_1667 = tpu.memref_slice %arg5[%add3A_1611, %dma_wait3A_1666] : memref<16384x1024xf32, #tpu.memory_space<hbm>> -> memref<8x1024xf32, #tpu.memory_space<hbm>>
    tpu.wait_dma2 semaphore(%arg28 : memref<!tpu.dma_semaphore, #tpu.memory_space<semaphore_mem>>) src(%arg9 : memref<8x1024xf32, #tpu.memory_space<vmem>>) dst(%dma_wait3A_1667 : memref<8x1024xf32, #tpu.memory_space<hbm>>)
    %dma_wait3A_1668 = arith.constant 0 : i32
    %dma_wait3A_1669 = tpu.memref_slice %arg5[%add3A_1619, %dma_wait3A_1668] : memref<16384x1024xf32, #tpu.memory_space<hbm>> -> memref<8x1024xf32, #tpu.memory_space<hbm>>
    %dma_wait3A_1670 = arith.constant 0 : i32
    %dma_wait3A_1671 = tpu.memref_slice %arg5[%add3A_1619, %dma_wait3A_1670] : memref<16384x1024xf32, #tpu.memory_space<hbm>> -> memref<8x1024xf32, #tpu.memory_space<hbm>>
    tpu.wait_dma2 semaphore(%arg28 : memref<!tpu.dma_semaphore, #tpu.memory_space<semaphore_mem>>) src(%arg10 : memref<8x1024xf32, #tpu.memory_space<vmem>>) dst(%dma_wait3A_1671 : memref<8x1024xf32, #tpu.memory_space<hbm>>)
    return
  }
}

</mosaic_0001>

<sc_bundles>
// kernel: kernel.3.cloned.1.call-start
scs
__scs_entry_jumppad:
0x0: {  	(pc) =	sbr.rel $0x88, $3  }
0x1: {  	(tag) =	ssettag $0x0;
	lr =	simm.s32 $0x1  }
0x2: {  	[smem:$0x3F9E] =	sst lr;
	_ =	strace $0xD0000000  }
0x3: {  	_ = 	snop  }
0x4: {  	_ = 	snop  }
0x5: {  	_ = 	snop  }
0x6: {  	_ = 	snop  }
0x7: {  	_ = 	snop  }
__scs_overlays_trampoline_lowered:
0x8: {  	[smem:$0x3FAD] =	sst s0  }
0x9: {  	[smem:$0x3FAE] =	sst s1  }
0xa: {  	[smem:$0x3FAF] =	sst s2  }
0xb: {  	[smem:$0x3FB0] =	sst s3  }
0xc: {  	[smem:$0x3FB1] =	sst s4  }
0xd: {  	[smem:$0x3FB2] =	sst s5  }
0xe: {  	[smem:$0x3FB3] =	sst s6  }
0xf: {  	[smem:$0x3FB4] =	sst s7  }
0x10: {  	[smem:$0x3FB5] =	sst s8  }
0x11: {  	[smem:$0x3FB6] =	sst s9;
	s0 =	simm.s32 @!p0 $0x0  }
0x12: {  	s1 =	sld [smem:$0x3F9C];
	s0 =	simm.s32 @p0 $0x1  }
0x13: {  	[smem:$0x3FB7] =	sst s0;
	s0 =	simm.s32 @!p1 $0x0  }
0x14: {  	s2 =	sld [smem:$0x3F9B];
	s0 =	simm.s32 @p1 $0x1  }
0x15: {  	[smem:$0x3FB8] =	sst s0;
	s0 =	simm.s32 @!p2 $0x0  }
0x16: {  	s3 =	sld [smem:$0x3FDB];
	s0 =	simm.s32 @p2 $0x1  }
0x17: {  	s4 =	simm.s32 $0x1BF5;
	[smem:$0x3FBA] =	sst s0  }
0x18: {  	s0 =	sld [smem:$0x3F9D];
	_ =	swait.ge [sflag:s4], $0x0  }
0x19: {  	s7 =	sld [smem:$0x3F9E]  }
0x1a: {  	s8 =	sadd.s32 $0xFFFFE003, lr  }
0x1b: {  	s9 =	sadd.s32 $0xFFFFFEF7, lr;
	s5 =	simm.s32 $0xFFFFFFFF;
	p2 =	slt.u32 s8, $0xFFFFF086  }
0x1c: {  	p1 =	slt.u32 s9, $0xF7A;
	s5 =	simm.s32 @!p2 $0x0  }
0x1d: {  	s5 =	simm.s32 @p1 $0x1;
	p0 =	seq.s32 s7, s2  }
0x1e: {  	s7 =	smul.u32 @!p0 $0xF7A, s2;
	p2 =	seq.s32 @!p0 s5, $0x0  }
0x1f: {  	s9 =	smul.u32 $0xF7A, s1;
	s8 =	simm.s32 @!p0 $0x1BF5;
	p2 =	por !p2, p0  }
0x20: {  	[sflag:s8] =	ssyncset.s32 @!p0 $0xFFFFF086;
	s6 =	sadd.s32 @!p0 s3, s7;
	s7 =	simm.s32 @!p0 $0x108  }
0x21: {  	s3 =	sadd.s32 s3, s9;
	s6 =	sadd.s32 @!p0 $0x88, s6;
	s7 =	simm.s32 @p2 $0x1082  }
0x22: {  	[simem:s7], [sflag:s8] =	dma.local @!p0 [hbm:s6], $0xF7A  }
0x23: {  	s9 =	sor.u32 $0xD0000000, s2;
	s6 =	simm.s32 $0x108;
	_ =	swait.ge @!p0 [sflag:s8], $0x0  }
0x24: {  	s3 =	sadd.s32 $0x88, s3;
	s6 =	simm.s32 @!p1 $0x1082;
	[sflag:s4] =	ssyncset.s32 $0xFFFFF086  }
0x25: {  	[simem:s6], [sflag:s4] =	dma.local [hbm:s3], $0xF7A  }
0x26: {  	[smem:$0x3F9E] =	sst s1;
	(tag) =	ssettag s2;
	_ =	strace s9  }
0x27: {  	s1 =	sld [smem:$0x3FAE]  }
0x28: {  	s2 =	sld [smem:$0x3FAF]  }
0x29: {  	s4 =	sld [smem:$0x3FB1]  }
0x2a: {  	p0 =	seq.s32 s5, $0x0;
	s5 =	sld [smem:$0x3FB2]  }
0x2b: {  	s6 =	sld [smem:$0x3FB3]  }
0x2c: {  	s7 =	sld [smem:$0x3FB4]  }
0x2d: {  	s3 =	simm.s32 $0x108;
	s8 =	sld [smem:$0x3FB5]  }
0x2e: {  	s3 =	simm.s32 @!p0 $0x1082;
	s9 =	sld [smem:$0x3FB6]  }
0x2f: {  	lr =	sadd.s32 s0, s3;
	s0 =	sld [smem:$0x3FAD]  }
0x30: {  	s3 =	sld [smem:$0x3FB0]  }
0x31: {  	[smem:$0x3FB9] =	sst s10  }
0x32: {  	s10 =	sld [smem:$0x3FB7];
	_ =	sdelay $0x3  }
0x33: {  	p0 =	seq.s32 s10, $0x1;
	s10 =	sld [smem:$0x3FB9];
	_ =	sdelay $0x3  }
0x34: {  	[smem:$0x3FB9] =	sst s10  }
0x35: {  	s10 =	sld [smem:$0x3FB8];
	_ =	sdelay $0x3  }
0x36: {  	p1 =	seq.s32 s10, $0x1;
	s10 =	sld [smem:$0x3FB9];
	_ =	sdelay $0x3  }
0x37: {  	[smem:$0x3FB9] =	sst s10  }
0x38: {  	s10 =	sld [smem:$0x3FBA]  }
0x39: {  	_ = 	snop;
	(pc) =	sbr.ind lr, $3  }
0x3a: {  	_ = 	snop  }
0x3b: {  	_ = 	snop  }
0x3c: {  	p2 =	seq.s32 s10, $0x1;
	s10 =	sld [smem:$0x3FB9]  }
0x3d: {  	_ =	shalt  }
0x3e: {  	_ =	shalt  }
0x3f: {  	_ =	shalt  }
0x40: {  	_ =	shalt  }
0x41: {  	_ =	shalt  }
0x42: {  	_ =	shalt  }
0x43: {  	_ =	shalt  }
0x44: {  	_ =	shalt  }
0x45: {  	_ =	shalt  }
0x46: {  	_ =	shalt  }
0x47: {  	_ =	shalt  }
0x48: {  	_ =	shalt  }
0x49: {  	_ =	shalt  }
0x4a: {  	_ =	shalt  }
0x4b: {  	_ =	shalt  }
0x4c: {  	_ =	shalt  }
0x4d: {  	_ =	shalt  }
0x4e: {  	_ =	shalt  }
0x4f: {  	_ =	shalt  }
0x50: {  	_ =	shalt  }
0x51: {  	_ =	shalt  }
0x52: {  	_ =	shalt  }
0x53: {  	_ =	shalt  }
0x54: {  	_ =	shalt  }
0x55: {  	_ =	shalt  }
0x56: {  	_ =	shalt  }
0x57: {  	_ =	shalt  }
0x58: {  	_ =	shalt  }
0x59: {  	_ =	shalt  }
0x5a: {  	_ =	shalt  }
0x5b: {  	_ =	shalt  }
0x5c: {  	_ =	shalt  }
0x5d: {  	_ =	shalt  }
0x5e: {  	_ =	shalt  }
0x5f: {  	_ =	shalt  }
0x60: {  	_ =	shalt  }
0x61: {  	_ =	shalt  }
0x62: {  	_ =	shalt  }
0x63: {  	_ =	shalt  }
0x64: {  	_ =	shalt  }
0x65: {  	_ =	shalt  }
0x66: {  	_ =	shalt  }
0x67: {  	_ =	shalt  }
0x68: {  	_ =	shalt  }
0x69: {  	_ =	shalt  }
0x6a: {  	_ =	shalt  }
0x6b: {  	_ =	shalt  }
0x6c: {  	_ =	shalt  }
0x6d: {  	_ =	shalt  }
0x6e: {  	_ =	shalt  }
0x6f: {  	_ =	shalt  }
0x70: {  	_ =	shalt  }
0x71: {  	_ =	shalt  }
0x72: {  	_ =	shalt  }
0x73: {  	_ =	shalt  }
0x74: {  	_ =	shalt  }
0x75: {  	_ =	shalt  }
0x76: {  	_ =	shalt  }
0x77: {  	_ =	shalt  }
0x78: {  	_ =	shalt  }
0x79: {  	_ =	shalt  }
0x7a: {  	_ =	shalt  }
0x7b: {  	_ =	shalt  }
0x7c: {  	_ =	shalt  }
0x7d: {  	_ =	shalt  }
0x7e: {  	_ =	shalt  }
0x7f: {  	_ =	shalt  }
0x80: {  	_ =	shalt  }
0x81: {  	_ =	shalt  }
0x82: {  	_ =	shalt  }
0x83: {  	_ =	shalt  }
0x84: {  	_ =	shalt  }
0x85: {  	_ =	shalt  }
0x86: {  	_ =	shalt  }
0x87: {  	_ =	shalt  }
.Lfunc_end0:
.L_simem_size_0:
called_computation_lowered:
.L_overlay_start_0:
0x88: {  	s2 =	sld [smem:$0x3FD9]  }
0x89: {  	s3 =	sld [smem:$0x3FFE];
	_ =	sdelay $0x1  }
0x8a: {  	s1 =	srdreg.scid  }
0x8b: {  	s0 =	sand.u32 $0x1, s1  }
0x8c: {  	s17 =	sshll.u32 s0, $0xA;
	s2 =	sadd.s32 s3, s2  }
0x8d: {  	s2 =	sadd.s32 s2, s17  }
0x8e: {  	[smem:$0x3FC5] =	sst s2  }
0x8f: {  	_ = 	snop  }
0x90: {  	s2 =	sld [smem:$0x3FC8]  }
0x91: {  	s18 =	sld [smem:$0x3FC7]  }
0x92: {  	s4 =	sld [smem:$0x3FD0];
	(tm) =	ssettm $0x1  }
0x93: {  	s5 =	sld [smem:$0x3FFB];
	_ =	sdelay $0x3  }
0x94: {  	_ =	strace s5  }
0x95: {  	s5 =	sld [smem:$0x3FFC];
	_ =	sdelay $0x3  }
0x96: {  	_ =	strace s5  }
0x97: {  	s5 =	sld [smem:$0x3FFD];
	_ =	sdelay $0x3  }
0x98: {  	_ =	strace s5  }
0x99: {  	_ =	strace $0x8FFFFFFF  }
0x9a: {  	s19 =	sld [smem:$0x3FDB];
	_ =	sdelay $0x1  }
0x9b: {  	s6 =	simm.s32 $_scs_section_size  }
0x9c: {  	s7 =	simm.s32 $_size__tile_overlayer_lowered;
	s8 =	simm.s32 $_tile_overlayer_lowered  }
0x9d: {  	s22 =	simm.s32 $0x1BFF;
	s21 =	sshll.u32 s8, $0x1;
	s5 =	sadd.s32 s6, s19  }
0x9e: {  	s9 =	simm.s32 $0x0;
	s20 =	sshll.u32 s7, $0x1;
	s7 =	sadd.s32 s21, s5  }
0x9f: {  	[timem:s9], [sflag:s22] =	dma.local [hbm:s7], s20  }
0xa0: {  	_ =	swait.ge [sflag:s22], s20  }
0xa1: {  	s6 =	ssub.s32 $0x0, s20;
	[sflag:s22] =	ssyncset.done $0x0  }
0xa2: {  	[sflag:s22] =	ssyncadd.s32 s6;
	_ =	sdelay $0x1  }
0xa3: {  	s23 =	simm.s32 $0x1B8B  }
0xa4: {  	_ =	swait.ge [sflag:s23], $0x1  }
0xa5: {  	[sflag:s23] =	ssyncset.done $0x0  }
0xa6: {  	s25 =	simm.s32 $0x1B8E;
	s24 =	sld [smem:$0x3FFE];
	[sflag:s23] =	ssyncadd.s32 $0xFFFFFFFF  }
0xa7: {  	s26 =	simm.s32 $execute0_lowered;
	[smem:$0x3FD2] =	sst s25  }
0xa8: {  	s7 =	sshll.u32 s26, $0x1;
	_ =	strace $0x80000046;
	[dreg:$0x1] =	wrdreg $0xFFFFFFFF  }
0xa9: {  	s28 =	simm.s32 $_size_execute0_lowered;
	s5 =	sadd.s32 s5, s7;
	[dreg:$0x0] =	wrdreg $0x0  }
0xaa: {  	s7 =	sshll.u32 s28, $0x1;
	[dreg:$0x2] =	wrdreg s5  }
0xab: {  	[dreg:$0x3] =	wrdreg s7  }
0xac: {  	[dreg:$0x4] =	wrdreg $0xC0  }
0xad: {  	_ =	task [dreg:s9], $0x5FFFF  }
0xae: {  	[dreg:$0x1] =	wrdreg $0xFFFFFFFF  }
0xaf: {  	[dreg:$0x0] =	wrdreg $0x60  }
0xb0: {  	[dreg:$0x2] =	wrdreg s24  }
0xb1: {  	[dreg:$0x3] =	wrdreg s2  }
0xb2: {  	[dreg:$0x4] =	wrdreg s18  }
0xb3: {  	[dreg:$0x5] =	wrdreg s4  }
0xb4: {  	[dreg:$0x6] =	wrdreg $0x9  }
0xb5: {  	_ =	task.clear_ibuf [dreg:s9], $0x7FFFF;
	_ =	strace $0x90000046  }
0xb6: {  	s29 =	simm.s32 $0x9;
	_ =	strace $0x80000048  }
0xb7: {  	_ =	swait.ge [sflag:s29], $0x1  }
0xb8: {  	[sflag:s29] =	ssyncadd.s32 $0xFFFFFFFF  }
0xb9: {  	_ =	strace $0x90000048  }
0xba: {  	_ =	sfence  }
0xbb: {  	s30 =	sld [smem:$0x0];
	_ =	sdelay $0x2  }
0xbc: {  	s31 =	sshll.u32 s1, $0xD;
	s1 =	sshrl.u32 s1, $0x2  }
0xbd: {  	s3 =	sand.u32 $0x4000, s31;
	s1 =	sadd.s32 s1, s30  }
0xbe: {  	s0 =	sor.u32 s3, s0;
	s1 =	sshll.u32 s1, $0x11  }
0xbf: {  	s0 =	sor.u32 s1, s0  }
0xc0: {  	s0 =	sadd.s32 $0x8F2B, s0  }
0xc1: {  	[sflag:s0] =	ssyncadd.remote.s32 $0x1  }
0xc2: {  	_ =	sfence.sel $0xFFFF  }
0xc3: {  	[dreg:$0x0] =	wrdreg $0xFFFFFFFF;
	(pc) =	sbr.abs _section_cstart, $3  }
0xc4: {  	[dreg:$0x1] =	wrdreg $0xFFFFFFFF  }
0xc5: {  	_ =	task.clear_ibuf [dreg:s9], $0x2FFFF;
	_ =	strace $0x9FFFFFFF  }
0xc6: {  	(tm) =	ssettm $0x7FFFFFFF  }
0xc7: {  	_ =	shalt  }
tec
execute0_lowered:
.L_overlay_start_1:
0x0: {  	(tag) =	ssettag $0x1  }
0x1: {  	s2 =	rddreg [dreg:$0x0]  }
0x2: {  	s1 =	rddreg [dreg:$0x1]  }
0x3: {  	s4 =	rddreg [dreg:$0x2];
	s5 =	srdreg.scid  }
0x4: {  	s0 =	rddreg [dreg:$0x3];
	s6 =	stileid.u32;
	s5 =	sand.u32 $0x1, s5  }
0x5: {  	s3 =	simm.s32 $0x0;
	s6 =	sshll.u32 s6, $0x8;
	s7 =	sshll.u32 s5, $0x7  }
0x6: {  	[smem:$0x7FF] =	sst s3;
	s8 =	sadd.s32 $0x400, s2;
	s22 =	sor.u32 s7, s6  }
0x7: {  	_ =	strace $0x80000047;
	s21 =	ssub.s32 $0x2, s5;
	s7 =	sshrl.u32 s22, $0x3  }
0x8: {  	s9 =	sor.u32 $0x1000, s22;
	s26 =	sor.u32 $0x2000, s22;
	s28 =	sor.u32 $0x3000, s22  }
0x9: {  	s5 =	sshll.u32 s22, $0x7;
	s24 =	sadd.s32 s8, s7;
	s25 =	sshrl.u32 s9, $0x3  }
0xa: {  	s10 =	sshrl.u32 s26, $0x3;
	[dreg:$0x5] =	wrdreg s24;
	s6 =	sadd.s32 s8, s25  }
0xb: {  	s11 =	sshrl.u32 s28, $0x3;
	s10 =	sadd.s32 s8, s10;
	[dreg:$0x6] =	wrdreg s6  }
0xc: {  	s29 =	sor.u32 $0x400, s5;
	s8 =	sadd.s32 s8, s11;
	[dreg:$0x7] =	wrdreg s10  }
0xd: {  	s12 =	sor.u32 $0x800, s5;
	s11 =	sadd.s32 s4, s29;
	[dreg:$0x8] =	wrdreg s8  }
0xe: {  	s9 =	sshll.u32 s9, $0x7;
	s13 =	sadd.s32 s4, s12;
	[dreg:$0x9] =	wrdreg s11  }
0xf: {  	s15 =	sor.u32 $0xC00, s5;
	s9 =	sadd.s32 s0, s9;
	[dreg:$0xa] =	wrdreg s13  }
0x10: {  	s17 =	sor.u32 $0x1000, s5;
	s16 =	sadd.s32 s4, s15;
	[dreg:$0xb] =	wrdreg s9  }
0x11: {  	s23 =	sshrl.u32 s21, $0x1;
	s18 =	sadd.s32 s4, s17;
	[dreg:$0xe] =	wrdreg s16  }
0x12: {  	s19 =	sor.u32 $0x1400, s5;
	s20 =	sadd.s32 s0, s12;
	[dreg:$0x10] =	wrdreg s18  }
0x13: {  	s2 =	ssub.s32 s21, s23;
	s21 =	sadd.s32 s4, s19;
	[dreg:$0x11] =	wrdreg s20  }
0x14: {  	s7 =	sadd.s32 s0, s15;
	[dreg:$0x12] =	wrdreg s21  }
0x15: {  	s22 =	sor.u32 $0x1800, s5;
	s23 =	sadd.s32 s0, s19;
	[dreg:$0x13] =	wrdreg s7  }
0x16: {  	s24 =	sadd.s32 s4, s22;
	[dreg:$0x15] =	wrdreg s23  }
0x17: {  	s25 =	sadd.s32 s0, s22;
	[dreg:$0x16] =	wrdreg s24  }
0x18: {  	s14 =	sshll.u32 s28, $0x7;
	s15 =	sadd.s32 s4, s5;
	[dreg:$0x17] =	wrdreg s25  }
0x19: {  	s6 =	sshll.u32 s26, $0x7;
	s8 =	sadd.s32 s0, s29;
	[smem:$0x7C6] =	sst s15  }
0x1a: {  	s26 =	sor.u32 $0x1C00, s5;
	s6 =	sadd.s32 s0, s6;
	[dreg:$0xf] =	wrdreg s8  }
0x1b: {  	s29 =	sor.u32 $0x2000, s5;
	s28 =	sadd.s32 s4, s26;
	[dreg:$0xc] =	wrdreg s6  }
0x1c: {  	s9 =	sor.u32 $0x2400, s5;
	s8 =	sadd.s32 s4, s29;
	[dreg:$0x18] =	wrdreg s28  }
0x1d: {  	s11 =	sor.u32 $0x2800, s5;
	s10 =	sadd.s32 s4, s9;
	[dreg:$0x1a] =	wrdreg s8  }
0x1e: {  	s16 =	sor.u32 $0x3000, s5;
	s12 =	sadd.s32 s4, s11;
	[dreg:$0x1c] =	wrdreg s10  }
0x1f: {  	s21 =	sadd.s32 s4, s16;
	[dreg:$0x1e] =	wrdreg s12  }
0x20: {  	s13 =	sor.u32 $0x2C00, s5;
	s6 =	sadd.s32 s0, s14;
	[smem:$0x7CB] =	sst s21  }
0x21: {  	s14 =	sadd.s32 s4, s13;
	[dreg:$0xd] =	wrdreg s6  }
0x22: {  	s8 =	sadd.s32 s0, s16;
	[smem:$0x7C4] =	sst s14  }
0x23: {  	s6 =	sadd.s32 s0, s17;
	[smem:$0x7CC] =	sst s8  }
0x24: {  	s17 =	sor.u32 $0x3400, s5;
	[dreg:$0x14] =	wrdreg s6;
	s6 =	sadd.s32 s0, s26  }
0x25: {  	s10 =	sor.u32 $0x3800, s5;
	s25 =	sadd.s32 s4, s17;
	[dreg:$0x19] =	wrdreg s6  }
0x26: {  	s26 =	sadd.s32 s4, s10;
	[smem:$0x7D0] =	sst s25  }
0x27: {  	s14 =	sadd.s32 s0, s17;
	[smem:$0x7D1] =	sst s26  }
0x28: {  	s6 =	sadd.s32 s0, s29;
	[smem:$0x7D8] =	sst s14  }
0x29: {  	[dreg:$0x1b] =	wrdreg s6;
	s6 =	sadd.s32 s0, s9  }
0x2a: {  	s9 =	smax.u32 s2, $0x1;
	[dreg:$0x1d] =	wrdreg s6  }
0x2b: {  	s6 =	sadd.s32 s0, s11;
	[smem:$0x7EA] =	sst s9  }
0x2c: {  	s11 =	sadd.s32 s0, s5;
	[dreg:$0x1f] =	wrdreg s6  }
0x2d: {  	s6 =	sadd.s32 s0, s13;
	[smem:$0x7FC] =	sst s11  }
0x2e: {  	s12 =	sadd.s32 $0x80400, s11;
	[smem:$0x7C5] =	sst s6  }
0x2f: {  	s18 =	sadd.s32 $0x100400, s11;
	[smem:$0x7C7] =	sst s12  }
0x30: {  	s19 =	sadd.s32 $0x180400, s11;
	[smem:$0x7C8] =	sst s18  }
0x31: {  	s20 =	sadd.s32 $0x80800, s11;
	[smem:$0x7C9] =	sst s19  }
0x32: {  	s22 =	sadd.s32 $0x100800, s11;
	[smem:$0x7CA] =	sst s20  }
0x33: {  	s23 =	sadd.s32 $0x180800, s11;
	[smem:$0x7CD] =	sst s22  }
0x34: {  	s5 =	sor.u32 $0x3C00, s5;
	s24 =	sadd.s32 $0x80C00, s11;
	[smem:$0x7CE] =	sst s23  }
0x35: {  	s4 =	sadd.s32 s4, s5;
	[smem:$0x7CF] =	sst s24  }
0x36: {  	s28 =	sadd.s32 $0x100C00, s11;
	[smem:$0x7D2] =	sst s4  }
0x37: {  	s29 =	sadd.s32 $0x180C00, s11;
	[smem:$0x7D3] =	sst s28  }
0x38: {  	s8 =	sadd.s32 $0x81000, s11;
	[smem:$0x7D4] =	sst s29  }
0x39: {  	s13 =	sadd.s32 $0x181000, s11;
	[smem:$0x7D5] =	sst s8  }
0x3a: {  	s15 =	sadd.s32 $0x101400, s11;
	[smem:$0x7D7] =	sst s13  }
0x3b: {  	s16 =	sadd.s32 $0x181400, s11;
	[smem:$0x7D9] =	sst s15  }
0x3c: {  	s17 =	sadd.s32 $0x81400, s11;
	[smem:$0x7DA] =	sst s16  }
0x3d: {  	s21 =	sadd.s32 $0x181800, s11;
	[smem:$0x7DB] =	sst s17  }
0x3e: {  	s25 =	sadd.s32 $0x82000, s11;
	[smem:$0x7DF] =	sst s21  }
0x3f: {  	s26 =	sadd.s32 $0x102000, s11;
	[smem:$0x7E3] =	sst s25  }
0x40: {  	s14 =	sadd.s32 $0x82C00, s11;
	[smem:$0x7E4] =	sst s26  }
0x41: {  	s12 =	sadd.s32 $0x101000, s11;
	[smem:$0x7EE] =	sst s14  }
0x42: {  	s18 =	sadd.s32 $0x81800, s11;
	[smem:$0x7D6] =	sst s12  }
0x43: {  	s19 =	sadd.s32 $0x101800, s11;
	[smem:$0x7DC] =	sst s18  }
0x44: {  	s20 =	sadd.s32 s0, s10;
	[smem:$0x7DD] =	sst s19  }
0x45: {  	s22 =	sadd.s32 $0x101C00, s11;
	[smem:$0x7DE] =	sst s20  }
0x46: {  	s23 =	sadd.s32 $0x81C00, s11;
	[smem:$0x7E0] =	sst s22  }
0x47: {  	s24 =	sadd.s32 $0x181C00, s11;
	[smem:$0x7E1] =	sst s23  }
0x48: {  	s28 =	sadd.s32 $0x182000, s11;
	[smem:$0x7E2] =	sst s24  }
0x49: {  	s29 =	sadd.s32 $0x82400, s11;
	[smem:$0x7E5] =	sst s28  }
0x4a: {  	s0 =	sadd.s32 s0, s5;
	[smem:$0x7E6] =	sst s29  }
0x4b: {  	s5 =	sadd.s32 $0x102400, s11;
	[smem:$0x7E7] =	sst s0  }
0x4c: {  	s31 =	simm.s32 $0x8200;
	s8 =	sadd.s32 $0x182400, s11;
	[smem:$0x7E8] =	sst s5  }
0x4d: {  	s30 =	sadd.s32 $0x100, s1;
	s10 =	sadd.s32 $0x102800, s11;
	[smem:$0x7E9] =	sst s8  }
0x4e: {  	s7 =	sadd.s32 $0x300, s1;
	s13 =	sadd.s32 $0x82800, s11;
	[smem:$0x7EB] =	sst s10  }
0x4f: {  	s2 =	simm.s32 $0x0;
	s15 =	sadd.s32 $0x102C00, s11;
	[smem:$0x7ED] =	sst s13  }
0x50: {  	s9 =	simm.s32 $0x2200;
	s16 =	sadd.s32 $0x182C00, s11;
	[smem:$0x7EF] =	sst s15  }
0x51: {  	s17 =	sadd.s32 $0x83000, s11;
	s21 =	sadd.s32 $0x103400, s11;
	[smem:$0x7F0] =	sst s16  }
0x52: {  	s6 =	sadd.s32 $0x200, s1;
	s25 =	sadd.s32 $0x183800, s11;
	[smem:$0x7F1] =	sst s17  }
0x53: {  	s26 =	sadd.s32 $0x83C00, s11;
	s4 =	simm.s32 $0x16200;
	[smem:$0x7F5] =	sst s21  }
0x54: {  	s14 =	simm.s32 $0x7;
	s12 =	sadd.s32 $0x182800, s11;
	[smem:$0x7F9] =	sst s25  }
0x55: {  	s18 =	sadd.s32 $0x103000, s11;
	s22 =	sadd.s32 $0x183400, s11;
	[smem:$0x7FA] =	sst s26  }
0x56: {  	s19 =	sadd.s32 $0x183000, s11;
	s23 =	sadd.s32 $0x103800, s11;
	[smem:$0x7EC] =	sst s12  }
0x57: {  	s20 =	sadd.s32 $0x83400, s11;
	s28 =	sadd.s32 $0x103C00, s11;
	[smem:$0x7F2] =	sst s18  }
0x58: {  	s24 =	sadd.s32 $0x83800, s11;
	s29 =	sadd.s32 $0x183C00, s11;
	[smem:$0x7F3] =	sst s19  }
0x59: {  	s11 =	simm.s32 $0x4;
	s5 =	simm.s32 $0x200;
	[smem:$0x7F4] =	sst s20  }
0x5a: {  	s26 =	simm.s32 $0x6200;
	s10 =	simm.s32 $0xA200;
	[smem:$0x7F6] =	sst s22  }
0x5b: {  	s8 =	simm.s32 $0xB200;
	s13 =	simm.s32 $0xC200;
	[smem:$0x7F7] =	sst s23  }
0x5c: {  	s17 =	simm.s32 $0xE200;
	s21 =	simm.s32 $0x10200;
	[smem:$0x7F8] =	sst s24  }
0x5d: {  	s25 =	simm.s32 $0x12200;
	s15 =	simm.s32 $0x15200;
	[smem:$0x7FB] =	sst s28  }
0x5e: {  	v0 =	vlaneseq.u32;
	s16 =	simm.s32 $0x2;
	[smem:$0x7FD] =	sst s29;
	s24 =	simm.s32 $0x4200  }
0x5f: {  	v1 =	vshrl.u32 v0, $0x3;
	s23 =	simm.s32 $0x14200;
	s12 =	simm.s32 $0x1;
	s18 =	simm.s32 $0x8  }
0x60: {  	vm0 =	vmmov $0xffff;
	v0 =	vand.u32 $0x7, v0;
	v1 =	vmul.u32 $0x8, v1;
	s19 =	simm.s32 $0x6;
	s20 =	simm.s32 $0x3;
	s22 =	simm.s32 $0x9  }
.LBB2_1:
0x61: {  	[smem:$0x7C3] =	sst s2  }
0x62: {  	s0 =	rddreg [dreg:$0x5]  }
0x63: {  	[tilespmem:s3], [sflag:$0x4] =	stream.linear.gather [hbm4b:s0+s3], $0x80, $0x38;
	[tilespmem:$0x1E200] =	vst v63  }
0x64: {  	s2 =	simm.s32 $0x80;
	s0 =	rddreg [dreg:$0x6]  }
0x65: {  	[tilespmem:s2], [sflag:$0x4] =	stream.linear.gather [hbm4b:s0+s3], $0x80, $0x38;
	[tilespmem:$0x1E200] =	vst v63  }
0x66: {  	s0 =	rddreg [dreg:$0x7];
	s2 =	simm.s32 $0x100  }
0x67: {  	[tilespmem:s2], [sflag:$0x4] =	stream.linear.gather [hbm4b:s0+s3], $0x80, $0x38;
	[tilespmem:$0x1E200] =	vst v63  }
0x68: {  	s0 =	rddreg [dreg:$0x8];
	s2 =	simm.s32 $0x180  }
0x69: {  	[tilespmem:s2], [sflag:$0x4] =	stream.linear.gather [hbm4b:s0+s3], $0x80, $0x38;
	[tilespmem:$0x1E200] =	vst v63  }
0x6a: {  	_ =	swait.ge [sflag:s11], $0x80  }
0x6b: {  	[sflag:s11] =	ssyncset.done $0x0  }
0x6c: {  	[sflag:s11] =	ssyncadd.s32 $0xFFFFFF80  }
0x6d: {  	_ =	swait.ge [sflag:s11], $0x80  }
0x6e: {  	[sflag:s11] =	ssyncset.done $0x0  }
0x6f: {  	[sflag:s11] =	ssyncadd.s32 $0xFFFFFF80  }
0x70: {  	_ =	swait.ge [sflag:s11], $0x80  }
0x71: {  	[sflag:s11] =	ssyncset.done $0x0  }
0x72: {  	[sflag:s11] =	ssyncadd.s32 $0xFFFFFF80  }
0x73: {  	_ =	swait.ge [sflag:s11], $0x80  }
0x74: {  	s0 =	sld [smem:$0x7C6]  }
0x75: {  	[sflag:s11] =	ssyncset.done $0x0  }
0x76: {  	s2 =	simm.s32 $0x18200;
	[sflag:s11] =	ssyncadd.s32 $0xFFFFFF80  }
0x77: {  	[tilespmem:s2], [sflag:$0x4] =	stream.linear.gather [hbm4b:s0+s3], $0x2000, $0x38;
	[tilespmem:$0x1E200] =	vst v63  }
0x78: {  	v2 =	vld.msk [tilespmem:$0x0], $0xff;
	_ =	sdelay $0x4  }
0x79: {  	v3 =	vshll.u32 v2, $0x3  }
0x7a: {  	v2 =	vand.u32 $0x7, v2;
	v3 =	vand.u32 $0xFFFFFFC0, v3  }
0x7b: {  	v2 =	vor.u32 v2, v3  }
0x7c: {  	v2 =	vperm.xlane v2, v0;
	_ =	sdelay $0x1  }
0x7d: {  	v2 =	vadd.s32 v1, v2;
	_ =	sdelay $0x4  }
0x7e: {  	[tilespmem:s5], [sflag:$0x1] =	stream.indirect_vreg.gather [hbm4b:s1+s3], $0x80, v2, vm0, $0xb8;
	[tilespmem:$0x1E200] =	vst v63  }
0x7f: {  	s5 =	simm.s32 $0xA00  }
0x80: {  	[tilespmem:s5], [sflag:$0x1] =	stream.indirect_vreg.gather [hbm4b:s30+s3], $0x80, v2, vm0, $0xb8;
	[tilespmem:$0x1E200] =	vst v63  }
0x81: {  	s2 =	simm.s32 $0x1200  }
0x82: {  	[tilespmem:s2], [sflag:$0x1] =	stream.indirect_vreg.gather [hbm4b:s6+s3], $0x80, v2, vm0, $0xb8;
	[tilespmem:$0x1E200] =	vst v63  }
0x83: {  	s5 =	simm.s32 $0x1A00  }
0x84: {  	[tilespmem:s5], [sflag:$0x1] =	stream.indirect_vreg.gather [hbm4b:s7+s3], $0x80, v2, vm0, $0xb8;
	[tilespmem:$0x1E200] =	vst v63  }
0x85: {  	v2 =	vld.msk [tilespmem:$0x80], $0xff;
	_ =	sdelay $0x4  }
0x86: {  	v3 =	vshll.u32 v2, $0x3  }
0x87: {  	v2 =	vand.u32 $0x7, v2;
	v3 =	vand.u32 $0xFFFFFFC0, v3  }
0x88: {  	v2 =	vor.u32 v2, v3  }
0x89: {  	v2 =	vperm.xlane v2, v0;
	_ =	sdelay $0x1  }
0x8a: {  	v2 =	vadd.s32 v1, v2;
	_ =	sdelay $0x4  }
0x8b: {  	[tilespmem:s9], [sflag:$0x1] =	stream.indirect_vreg.gather [hbm4b:s1+s3], $0x80, v2, vm0, $0xb8;
	[tilespmem:$0x1E200] =	vst v63  }
0x8c: {  	s2 =	simm.s32 $0x2A00  }
0x8d: {  	[tilespmem:s2], [sflag:$0x1] =	stream.indirect_vreg.gather [hbm4b:s30+s3], $0x80, v2, vm0, $0xb8;
	[tilespmem:$0x1E200] =	vst v63  }
0x8e: {  	s5 =	simm.s32 $0x3200  }
0x8f: {  	[tilespmem:s5], [sflag:$0x1] =	stream.indirect_vreg.gather [hbm4b:s6+s3], $0x80, v2, vm0, $0xb8;
	[tilespmem:$0x1E200] =	vst v63  }
0x90: {  	s9 =	simm.s32 $0x3A00  }
0x91: {  	[tilespmem:s9], [sflag:$0x1] =	stream.indirect_vreg.gather [hbm4b:s7+s3], $0x80, v2, vm0, $0xb8;
	[tilespmem:$0x1E200] =	vst v63  }
0x92: {  	v2 =	vld.msk [tilespmem:$0x100], $0xff;
	_ =	sdelay $0x4  }
0x93: {  	v3 =	vshll.u32 v2, $0x3  }
0x94: {  	v2 =	vand.u32 $0x7, v2;
	v3 =	vand.u32 $0xFFFFFFC0, v3  }
0x95: {  	v2 =	vor.u32 v2, v3  }
0x96: {  	v2 =	vperm.xlane v2, v0;
	_ =	sdelay $0x1  }
0x97: {  	v2 =	vadd.s32 v1, v2;
	_ =	sdelay $0x4  }
0x98: {  	[tilespmem:s24], [sflag:$0x1] =	stream.indirect_vreg.gather [hbm4b:s1+s3], $0x80, v2, vm0, $0xb8;
	[tilespmem:$0x1E200] =	vst v63  }
0x99: {  	s2 =	simm.s32 $0x4A00  }
0x9a: {  	[tilespmem:s2], [sflag:$0x1] =	stream.indirect_vreg.gather [hbm4b:s30+s3], $0x80, v2, vm0, $0xb8;
	[tilespmem:$0x1E200] =	vst v63  }
0x9b: {  	s5 =	simm.s32 $0x5200  }
0x9c: {  	[tilespmem:s5], [sflag:$0x1] =	stream.indirect_vreg.gather [hbm4b:s6+s3], $0x80, v2, vm0, $0xb8;
	[tilespmem:$0x1E200] =	vst v63  }
0x9d: {  	s9 =	simm.s32 $0x5A00  }
0x9e: {  	[tilespmem:s9], [sflag:$0x1] =	stream.indirect_vreg.gather [hbm4b:s7+s3], $0x80, v2, vm0, $0xb8;
	[tilespmem:$0x1E200] =	vst v63  }
0x9f: {  	v2 =	vld.msk [tilespmem:$0x180], $0xff;
	_ =	sdelay $0x4  }
0xa0: {  	v3 =	vshll.u32 v2, $0x3  }
0xa1: {  	v2 =	vand.u32 $0x7, v2;
	v3 =	vand.u32 $0xFFFFFFC0, v3  }
0xa2: {  	v2 =	vor.u32 v2, v3  }
0xa3: {  	v2 =	vperm.xlane v2, v0;
	_ =	sdelay $0x1  }
0xa4: {  	v2 =	vadd.s32 v1, v2;
	_ =	sdelay $0x4  }
0xa5: {  	[tilespmem:s26], [sflag:$0x1] =	stream.indirect_vreg.gather [hbm4b:s1+s3], $0x80, v2, vm0, $0xb8;
	[tilespmem:$0x1E200] =	vst v63  }
0xa6: {  	s24 =	simm.s32 $0x6A00  }
0xa7: {  	[tilespmem:s24], [sflag:$0x1] =	stream.indirect_vreg.gather [hbm4b:s30+s3], $0x80, v2, vm0, $0xb8;
	[tilespmem:$0x1E200] =	vst v63  }
0xa8: {  	s26 =	simm.s32 $0x7200  }
0xa9: {  	[tilespmem:s26], [sflag:$0x1] =	stream.indirect_vreg.gather [hbm4b:s6+s3], $0x80, v2, vm0, $0xb8;
	[tilespmem:$0x1E200] =	vst v63  }
0xaa: {  	s2 =	simm.s32 $0x7A00  }
0xab: {  	[tilespmem:s2], [sflag:$0x1] =	stream.indirect_vreg.gather [hbm4b:s7+s3], $0x80, v2, vm0, $0xb8;
	[tilespmem:$0x1E200] =	vst v63  }
0xac: {  	s5 =	rddreg [dreg:$0x9];
	s9 =	simm.s32 $0x1A200  }
0xad: {  	[tilespmem:s9], [sflag:$0x5] =	stream.linear.gather [hbm4b:s5+s3], $0x2000, $0x38;
	[tilespmem:$0x1E200] =	vst v63  }
0xae: {  	v2 =	vld.msk [tilespmem:$0x8], $0xff;
	_ =	sdelay $0x4  }
0xaf: {  	v3 =	vshll.u32 v2, $0x3  }
0xb0: {  	v2 =	vand.u32 $0x7, v2;
	v3 =	vand.u32 $0xFFFFFFC0, v3  }
0xb1: {  	v2 =	vor.u32 v2, v3  }
0xb2: {  	v2 =	vperm.xlane v2, v0;
	_ =	sdelay $0x1  }
0xb3: {  	v2 =	vadd.s32 v1, v2;
	_ =	sdelay $0x4  }
0xb4: {  	[tilespmem:s31], [sflag:$0x2] =	stream.indirect_vreg.gather [hbm4b:s1+s3], $0x80, v2, vm0, $0xb8;
	[tilespmem:$0x1E200] =	vst v63  }
0xb5: {  	s31 =	simm.s32 $0x8A00  }
0xb6: {  	[tilespmem:s31], [sflag:$0x2] =	stream.indirect_vreg.gather [hbm4b:s30+s3], $0x80, v2, vm0, $0xb8;
	[tilespmem:$0x1E200] =	vst v63  }
0xb7: {  	s24 =	simm.s32 $0x9200  }
0xb8: {  	[tilespmem:s24], [sflag:$0x2] =	stream.indirect_vreg.gather [hbm4b:s6+s3], $0x80, v2, vm0, $0xb8;
	[tilespmem:$0x1E200] =	vst v63  }
0xb9: {  	s26 =	simm.s32 $0x9A00  }
0xba: {  	[tilespmem:s26], [sflag:$0x2] =	stream.indirect_vreg.gather [hbm4b:s7+s3], $0x80, v2, vm0, $0xb8;
	[tilespmem:$0x1E200] =	vst v63  }
0xbb: {  	v2 =	vld.msk [tilespmem:$0x88], $0xff;
	_ =	sdelay $0x4  }
0xbc: {  	v3 =	vshll.u32 v2, $0x3  }
0xbd: {  	v2 =	vand.u32 $0x7, v2;
	v3 =	vand.u32 $0xFFFFFFC0, v3  }
0xbe: {  	v2 =	vor.u32 v2, v3  }
0xbf: {  	v2 =	vperm.xlane v2, v0;
	_ =	sdelay $0x1  }
0xc0: {  	v2 =	vadd.s32 v1, v2;
	_ =	sdelay $0x4  }
0xc1: {  	[tilespmem:s10], [sflag:$0x2] =	stream.indirect_vreg.gather [hbm4b:s1+s3], $0x80, v2, vm0, $0xb8;
	[tilespmem:$0x1E200] =	vst v63  }
0xc2: {  	s10 =	simm.s32 $0xAA00  }
0xc3: {  	[tilespmem:s10], [sflag:$0x2] =	stream.indirect_vreg.gather [hbm4b:s30+s3], $0x80, v2, vm0, $0xb8;
	[tilespmem:$0x1E200] =	vst v63  }
0xc4: {  	_ = 	snop  }
0xc5: {  	[tilespmem:s8], [sflag:$0x2] =	stream.indirect_vreg.gather [hbm4b:s6+s3], $0x80, v2, vm0, $0xb8;
	[tilespmem:$0x1E200] =	vst v63  }
0xc6: {  	s2 =	simm.s32 $0xBA00  }
0xc7: {  	[tilespmem:s2], [sflag:$0x2] =	stream.indirect_vreg.gather [hbm4b:s7+s3], $0x80, v2, vm0, $0xb8;
	[tilespmem:$0x1E200] =	vst v63  }
0xc8: {  	v2 =	vld.msk [tilespmem:$0x108], $0xff;
	_ =	sdelay $0x4  }
0xc9: {  	v3 =	vshll.u32 v2, $0x3  }
0xca: {  	v2 =	vand.u32 $0x7, v2;
	v3 =	vand.u32 $0xFFFFFFC0, v3  }
0xcb: {  	v2 =	vor.u32 v2, v3  }
0xcc: {  	v2 =	vperm.xlane v2, v0;
	_ =	sdelay $0x1  }
0xcd: {  	v2 =	vadd.s32 v1, v2;
	_ =	sdelay $0x4  }
0xce: {  	[tilespmem:s13], [sflag:$0x2] =	stream.indirect_vreg.gather [hbm4b:s1+s3], $0x80, v2, vm0, $0xb8;
	[tilespmem:$0x1E200] =	vst v63  }
0xcf: {  	s5 =	simm.s32 $0xCA00  }
0xd0: {  	[tilespmem:s5], [sflag:$0x2] =	stream.indirect_vreg.gather [hbm4b:s30+s3], $0x80, v2, vm0, $0xb8;
	[tilespmem:$0x1E200] =	vst v63  }
0xd1: {  	s9 =	simm.s32 $0xD200  }
0xd2: {  	[tilespmem:s9], [sflag:$0x2] =	stream.indirect_vreg.gather [hbm4b:s6+s3], $0x80, v2, vm0, $0xb8;
	[tilespmem:$0x1E200] =	vst v63  }
0xd3: {  	s13 =	simm.s32 $0xDA00  }
0xd4: {  	[tilespmem:s13], [sflag:$0x2] =	stream.indirect_vreg.gather [hbm4b:s7+s3], $0x80, v2, vm0, $0xb8;
	[tilespmem:$0x1E200] =	vst v63  }
0xd5: {  	v2 =	vld.msk [tilespmem:$0x188], $0xff;
	_ =	sdelay $0x4  }
0xd6: {  	v3 =	vshll.u32 v2, $0x3  }
0xd7: {  	v2 =	vand.u32 $0x7, v2;
	v3 =	vand.u32 $0xFFFFFFC0, v3  }
0xd8: {  	v2 =	vor.u32 v2, v3  }
0xd9: {  	v2 =	vperm.xlane v2, v0;
	_ =	sdelay $0x1  }
0xda: {  	v2 =	vadd.s32 v1, v2;
	_ =	sdelay $0x4  }
0xdb: {  	[tilespmem:s17], [sflag:$0x2] =	stream.indirect_vreg.gather [hbm4b:s1+s3], $0x80, v2, vm0, $0xb8;
	[tilespmem:$0x1E200] =	vst v63  }
0xdc: {  	s24 =	simm.s32 $0xEA00  }
0xdd: {  	[tilespmem:s24], [sflag:$0x2] =	stream.indirect_vreg.gather [hbm4b:s30+s3], $0x80, v2, vm0, $0xb8;
	[tilespmem:$0x1E200] =	vst v63  }
0xde: {  	s26 =	simm.s32 $0xF200  }
0xdf: {  	[tilespmem:s26], [sflag:$0x2] =	stream.indirect_vreg.gather [hbm4b:s6+s3], $0x80, v2, vm0, $0xb8;
	[tilespmem:$0x1E200] =	vst v63  }
0xe0: {  	s2 =	simm.s32 $0xFA00  }
0xe1: {  	[tilespmem:s2], [sflag:$0x2] =	stream.indirect_vreg.gather [hbm4b:s7+s3], $0x80, v2, vm0, $0xb8;
	[tilespmem:$0x1E200] =	vst v63  }
0xe2: {  	s5 =	rddreg [dreg:$0xa];
	s9 =	simm.s32 $0x1C200  }
0xe3: {  	[tilespmem:s9], [sflag:$0x6] =	stream.linear.gather [hbm4b:s5+s3], $0x2000, $0x38;
	[tilespmem:$0x1E200] =	vst v63  }
0xe4: {  	v2 =	vld.msk [tilespmem:$0x10], $0xff;
	_ =	sdelay $0x4  }
0xe5: {  	v3 =	vshll.u32 v2, $0x3  }
0xe6: {  	v2 =	vand.u32 $0x7, v2;
	v3 =	vand.u32 $0xFFFFFFC0, v3  }
0xe7: {  	v2 =	vor.u32 v2, v3  }
0xe8: {  	v2 =	vperm.xlane v2, v0;
	_ =	sdelay $0x1  }
0xe9: {  	v2 =	vadd.s32 v1, v2;
	_ =	sdelay $0x4  }
0xea: {  	[tilespmem:s21], [sflag:$0x3] =	stream.indirect_vreg.gather [hbm4b:s1+s3], $0x80, v2, vm0, $0xb8;
	[tilespmem:$0x1E200] =	vst v63  }
0xeb: {  	s13 =	simm.s32 $0x10A00  }
0xec: {  	[tilespmem:s13], [sflag:$0x3] =	stream.indirect_vreg.gather [hbm4b:s30+s3], $0x80, v2, vm0, $0xb8;
	[tilespmem:$0x1E200] =	vst v63  }
0xed: {  	s17 =	simm.s32 $0x11200  }
0xee: {  	[tilespmem:s17], [sflag:$0x3] =	stream.indirect_vreg.gather [hbm4b:s6+s3], $0x80, v2, vm0, $0xb8;
	[tilespmem:$0x1E200] =	vst v63  }
0xef: {  	s21 =	simm.s32 $0x11A00  }
0xf0: {  	[tilespmem:s21], [sflag:$0x3] =	stream.indirect_vreg.gather [hbm4b:s7+s3], $0x80, v2, vm0, $0xb8;
	[tilespmem:$0x1E200] =	vst v63  }
0xf1: {  	v2 =	vld.msk [tilespmem:$0x90], $0xff;
	_ =	sdelay $0x4  }
0xf2: {  	v3 =	vshll.u32 v2, $0x3  }
0xf3: {  	v2 =	vand.u32 $0x7, v2;
	v3 =	vand.u32 $0xFFFFFFC0, v3  }
0xf4: {  	v2 =	vor.u32 v2, v3  }
0xf5: {  	v2 =	vperm.xlane v2, v0;
	_ =	sdelay $0x1  }
0xf6: {  	v2 =	vadd.s32 v1, v2;
	_ =	sdelay $0x4  }
0xf7: {  	[tilespmem:s25], [sflag:$0x3] =	stream.indirect_vreg.gather [hbm4b:s1+s3], $0x80, v2, vm0, $0xb8;
	[tilespmem:$0x1E200] =	vst v63  }
0xf8: {  	s24 =	simm.s32 $0x12A00  }
0xf9: {  	[tilespmem:s24], [sflag:$0x3] =	stream.indirect_vreg.gather [hbm4b:s30+s3], $0x80, v2, vm0, $0xb8;
	[tilespmem:$0x1E200] =	vst v63  }
0xfa: {  	s25 =	simm.s32 $0x13200  }
0xfb: {  	[tilespmem:s25], [sflag:$0x3] =	stream.indirect_vreg.gather [hbm4b:s6+s3], $0x80, v2, vm0, $0xb8;
	[tilespmem:$0x1E200] =	vst v63  }
0xfc: {  	s26 =	simm.s32 $0x13A00  }
0xfd: {  	[tilespmem:s26], [sflag:$0x3] =	stream.indirect_vreg.gather [hbm4b:s7+s3], $0x80, v2, vm0, $0xb8;
	[tilespmem:$0x1E200] =	vst v63  }
0xfe: {  	v2 =	vld.msk [tilespmem:$0x110], $0xff;
	_ =	sdelay $0x4  }
0xff: {  	v3 =	vshll.u32 v2, $0x3  }
0x100: {  	v2 =	vand.u32 $0x7, v2;
	v3 =	vand.u32 $0xFFFFFFC0, v3  }
0x101: {  	v2 =	vor.u32 v2, v3  }
0x102: {  	v2 =	vperm.xlane v2, v0;
	_ =	sdelay $0x1  }
0x103: {  	v2 =	vadd.s32 v1, v2;
	_ =	sdelay $0x4  }
0x104: {  	[tilespmem:s23], [sflag:$0x3] =	stream.indirect_vreg.gather [hbm4b:s1+s3], $0x80, v2, vm0, $0xb8;
	[tilespmem:$0x1E200] =	vst v63  }
0x105: {  	s23 =	simm.s32 $0x14A00  }
0x106: {  	[tilespmem:s23], [sflag:$0x3] =	stream.indirect_vreg.gather [hbm4b:s30+s3], $0x80, v2, vm0, $0xb8;
	[tilespmem:$0x1E200] =	vst v63  }
0x107: {  	_ = 	snop  }
0x108: {  	[tilespmem:s15], [sflag:$0x3] =	stream.indirect_vreg.gather [hbm4b:s6+s3], $0x80, v2, vm0, $0xb8;
	[tilespmem:$0x1E200] =	vst v63  }
0x109: {  	s2 =	simm.s32 $0x15A00  }
0x10a: {  	[tilespmem:s2], [sflag:$0x3] =	stream.indirect_vreg.gather [hbm4b:s7+s3], $0x80, v2, vm0, $0xb8;
	[tilespmem:$0x1E200] =	vst v63  }
0x10b: {  	v2 =	vld.msk [tilespmem:$0x190], $0xff;
	_ =	sdelay $0x4  }
0x10c: {  	v3 =	vshll.u32 v2, $0x3  }
0x10d: {  	v2 =	vand.u32 $0x7, v2;
	v3 =	vand.u32 $0xFFFFFFC0, v3  }
0x10e: {  	v2 =	vor.u32 v2, v3  }
0x10f: {  	v2 =	vperm.xlane v2, v0;
	_ =	sdelay $0x1  }
0x110: {  	v2 =	vadd.s32 v1, v2;
	_ =	sdelay $0x4  }
0x111: {  	[tilespmem:s4], [sflag:$0x3] =	stream.indirect_vreg.gather [hbm4b:s1+s3], $0x80, v2, vm0, $0xb8;
	[tilespmem:$0x1E200] =	vst v63  }
0x112: {  	s5 =	simm.s32 $0x16A00  }
0x113: {  	[tilespmem:s5], [sflag:$0x3] =	stream.indirect_vreg.gather [hbm4b:s30+s3], $0x80, v2, vm0, $0xb8;
	[tilespmem:$0x1E200] =	vst v63  }
0x114: {  	s9 =	simm.s32 $0x17200  }
0x115: {  	[tilespmem:s9], [sflag:$0x3] =	stream.indirect_vreg.gather [hbm4b:s6+s3], $0x80, v2, vm0, $0xb8;
	[tilespmem:$0x1E200] =	vst v63  }
0x116: {  	s13 =	simm.s32 $0x17A00  }
0x117: {  	[tilespmem:s13], [sflag:$0x3] =	stream.indirect_vreg.gather [hbm4b:s7+s3], $0x80, v2, vm0, $0xb8;
	[tilespmem:$0x1E200] =	vst v63  }
0x118: {  	_ =	swait.ge [sflag:s11], $0x2000  }
0x119: {  	[sflag:s11] =	ssyncset.done $0x0  }
0x11a: {  	[sflag:s11] =	ssyncadd.s32 $0xFFFFE000  }
0x11b: {  	_ =	swait.ge [sflag:s12], $0x2000  }
0x11c: {  	[sflag:s12] =	ssyncset.done $0x0  }
0x11d: {  	[sflag:s12] =	ssyncadd.s32 $0xFFFFE000  }
0x11e: {  	_ =	swait.ge [sflag:s12], $0x2000  }
0x11f: {  	[sflag:s12] =	ssyncset.done $0x0  }
0x120: {  	[sflag:s12] =	ssyncadd.s32 $0xFFFFE000  }
0x121: {  	_ =	swait.ge [sflag:s12], $0x2000  }
0x122: {  	[sflag:s12] =	ssyncset.done $0x0  }
0x123: {  	[sflag:s12] =	ssyncadd.s32 $0xFFFFE000  }
0x124: {  	s17 =	sand.u32 $0x1C00, s3;
	s21 =	sand.u32 $0x380, s3;
	_ =	swait.ge [sflag:s12], $0x2000  }
0x125: {  	s0 =	sor.u32 s21, s17;
	s25 =	sand.u32 $0x60, s3;
	[sflag:s12] =	ssyncset.done $0x0  }
0x126: {  	s24 =	sor.u32 s25, s0;
	[sflag:s12] =	ssyncadd.s32 $0xFFFFE000  }
0x127: {  	v2 =	vld [tilespmem:s24+$0x18210]  }
0x128: {  	v3 =	vld [tilespmem:s24+$0x18200];
	_ =	sdelay $0x3  }
0x129: {  	s28 =	simm.s32 $0x20;
	[tilespmem:s24+$0x6210] =	vst.add.f32.msk $0xffff, v2  }
0x12a: {  	s29 =	simm.s32 $0x100;
	s0 =	simm.s32 $0x4;
	s26 =	simm.s32 $0x0;
	[tilespmem:s24+$0x200] =	vst.add.f32.msk $0xffff, v3  }
.LBB2_2:
0x12b: {  	s9 =	sand.u32 $0x1C00, s29;
	s2 =	sand.u32 $0x380, s0;
	s26 =	sadd.s32 $0x2, s26;
	[tilespmem:s24+$0x2200] =	vst.add.f32.msk $0xffff, v3  }
0x12c: {  	s5 =	sand.u32 $0x60, s28;
	s2 =	sor.u32 s2, s9;
	p0 =	slt.u32 s26, $0x1FE;
	[tilespmem:s24+$0x4200] =	vst.add.f32.msk $0xffff, v3  }
0x12d: {  	s2 =	sor.u32 s5, s2;
	[tilespmem:s24+$0x6200] =	vst.add.f32.msk $0xffff, v3  }
0x12e: {  	v4 =	vld [tilespmem:s2+$0x18210]  }
0x12f: {  	v3 =	vld [tilespmem:s2+$0x18200]  }
.Ltmp0:
0x130: {  	[tilespmem:s24+$0x210] =	vst.add.f32.msk $0xffff, v2;
	(pc) =	sbr.rel @p0 .LBB2_2-.Ltmp0, $4  }
0x131: {  	[tilespmem:s24+$0x2210] =	vst.add.f32.msk $0xffff, v2  }
0x132: {  	[tilespmem:s24+$0x4210] =	vst.add.f32.msk $0xffff, v2;
	s24 =	smov.u32 s2  }
0x133: {  	[tilespmem:s24+$0x6210] =	vst.add.f32.msk $0xffff, v4;
	v2 =	vmov v4  }
0x134: {  	s28 =	sadd.s32 $0x20, s28;
	s29 =	sadd.s32 $0x100, s29;
	s0 =	sadd.s32 $0x4, s0;
	[tilespmem:s24+$0x200] =	vst.add.f32.msk $0xffff, v3  }
0x135: {  	[tilespmem:s24+$0x2200] =	vst.add.f32.msk $0xffff, v3  }
0x136: {  	[tilespmem:s24+$0x4200] =	vst.add.f32.msk $0xffff, v3  }
0x137: {  	[tilespmem:s24+$0x6200] =	vst.add.f32.msk $0xffff, v3  }
0x138: {  	[tilespmem:s24+$0x210] =	vst.add.f32.msk $0xffff, v2  }
0x139: {  	[tilespmem:s24+$0x2210] =	vst.add.f32.msk $0xffff, v2  }
0x13a: {  	[tilespmem:s24+$0x4210] =	vst.add.f32.msk $0xffff, v2  }
0x13b: {  	s0 =	sld [smem:$0x7FC];
	_ =	sdelay $0x1  }
0x13c: {  	s24 =	simm.s32 $0x0;
	s5 =	simm.s32 $0x200  }
0x13d: {  	[hbm4b:s0+s24] =	stream.linear.scatter [tilespmem:s5], [sflag:$0x7], $0x2000, $0x38;
	[tilespmem:$0x1E200] =	vst v63  }
0x13e: {  	s9 =	simm.s32 $0x2200;
	s26 =	rddreg [dreg:$0xb]  }
0x13f: {  	[hbm4b:s26+s24] =	stream.linear.scatter [tilespmem:s9], [sflag:$0x7], $0x2000, $0x38;
	[tilespmem:$0x1E200] =	vst v63  }
0x140: {  	s21 =	simm.s32 $0x4200;
	s2 =	rddreg [dreg:$0xc]  }
0x141: {  	[hbm4b:s2+s24] =	stream.linear.scatter [tilespmem:s21], [sflag:$0x7], $0x2000, $0x38;
	[tilespmem:$0x1E200] =	vst v63  }
0x142: {  	s25 =	simm.s32 $0x6200;
	s4 =	rddreg [dreg:$0xd]  }
0x143: {  	[hbm4b:s4+s24] =	stream.linear.scatter [tilespmem:s25], [sflag:$0x7], $0x2000, $0x38;
	[tilespmem:$0x1E200] =	vst v63  }
0x144: {  	_ =	swait.ge [sflag:s14], $0x2000  }
0x145: {  	[sflag:s14] =	ssyncset.done $0x0  }
0x146: {  	[sflag:s14] =	ssyncadd.s32 $0xFFFFE000  }
0x147: {  	_ =	swait.ge [sflag:s14], $0x2000  }
0x148: {  	[sflag:s14] =	ssyncset.done $0x0  }
0x149: {  	[sflag:s14] =	ssyncadd.s32 $0xFFFFE000  }
0x14a: {  	_ =	swait.ge [sflag:s14], $0x2000  }
0x14b: {  	[sflag:s14] =	ssyncset.done $0x0  }
0x14c: {  	[sflag:s14] =	ssyncadd.s32 $0xFFFFE000  }
0x14d: {  	_ =	swait.ge [sflag:s14], $0x2000  }
0x14e: {  	[sflag:s14] =	ssyncset.done $0x0  }
0x14f: {  	s2 =	simm.s32 $0x18200;
	s13 =	rddreg [dreg:$0xe];
	[sflag:s14] =	ssyncadd.s32 $0xFFFFE000  }
0x150: {  	[tilespmem:s2], [sflag:$0x4] =	stream.linear.gather [hbm4b:s13+s24], $0x2000, $0x38;
	[tilespmem:$0x1E200] =	vst v63  }
0x151: {  	v2 =	vld.msk [tilespmem:$0x18], $0xff;
	_ =	sdelay $0x4  }
0x152: {  	v3 =	vshll.u32 v2, $0x3  }
0x153: {  	v2 =	vand.u32 $0x7, v2;
	v3 =	vand.u32 $0xFFFFFFC0, v3  }
0x154: {  	v2 =	vor.u32 v2, v3  }
0x155: {  	v2 =	vperm.xlane v2, v0;
	_ =	sdelay $0x1  }
0x156: {  	v2 =	vadd.s32 v1, v2;
	_ =	sdelay $0x4  }
0x157: {  	[tilespmem:s5], [sflag:$0x1] =	stream.indirect_vreg.gather [hbm4b:s1+s24], $0x80, v2, vm0, $0xb8;
	[tilespmem:$0x1E200] =	vst v63  }
0x158: {  	s17 =	simm.s32 $0xA00  }
0x159: {  	[tilespmem:s17], [sflag:$0x1] =	stream.indirect_vreg.gather [hbm4b:s30+s24], $0x80, v2, vm0, $0xb8;
	[tilespmem:$0x1E200] =	vst v63  }
0x15a: {  	s26 =	simm.s32 $0x1200  }
0x15b: {  	[tilespmem:s26], [sflag:$0x1] =	stream.indirect_vreg.gather [hbm4b:s6+s24], $0x80, v2, vm0, $0xb8;
	[tilespmem:$0x1E200] =	vst v63  }
0x15c: {  	s2 =	simm.s32 $0x1A00  }
0x15d: {  	[tilespmem:s2], [sflag:$0x1] =	stream.indirect_vreg.gather [hbm4b:s7+s24], $0x80, v2, vm0, $0xb8;
	[tilespmem:$0x1E200] =	vst v63  }
0x15e: {  	v2 =	vld.msk [tilespmem:$0x98], $0xff;
	_ =	sdelay $0x4  }
0x15f: {  	v3 =	vshll.u32 v2, $0x3  }
0x160: {  	v2 =	vand.u32 $0x7, v2;
	v3 =	vand.u32 $0xFFFFFFC0, v3  }
0x161: {  	v2 =	vor.u32 v2, v3  }
0x162: {  	v2 =	vperm.xlane v2, v0;
	_ =	sdelay $0x1  }
0x163: {  	v2 =	vadd.s32 v1, v2;
	_ =	sdelay $0x4  }
0x164: {  	[tilespmem:s9], [sflag:$0x1] =	stream.indirect_vreg.gather [hbm4b:s1+s24], $0x80, v2, vm0, $0xb8;
	[tilespmem:$0x1E200] =	vst v63  }
0x165: {  	s4 =	simm.s32 $0x2A00  }
0x166: {  	[tilespmem:s4], [sflag:$0x1] =	stream.indirect_vreg.gather [hbm4b:s30+s24], $0x80, v2, vm0, $0xb8;
	[tilespmem:$0x1E200] =	vst v63  }
0x167: {  	s5 =	simm.s32 $0x3200  }
0x168: {  	[tilespmem:s5], [sflag:$0x1] =	stream.indirect_vreg.gather [hbm4b:s6+s24], $0x80, v2, vm0, $0xb8;
	[tilespmem:$0x1E200] =	vst v63  }
0x169: {  	s9 =	simm.s32 $0x3A00  }
0x16a: {  	[tilespmem:s9], [sflag:$0x1] =	stream.indirect_vreg.gather [hbm4b:s7+s24], $0x80, v2, vm0, $0xb8;
	[tilespmem:$0x1E200] =	vst v63  }
0x16b: {  	v2 =	vld.msk [tilespmem:$0x118], $0xff;
	_ =	sdelay $0x4  }
0x16c: {  	v3 =	vshll.u32 v2, $0x3  }
0x16d: {  	v2 =	vand.u32 $0x7, v2;
	v3 =	vand.u32 $0xFFFFFFC0, v3  }
0x16e: {  	v2 =	vor.u32 v2, v3  }
0x16f: {  	v2 =	vperm.xlane v2, v0;
	_ =	sdelay $0x1  }
0x170: {  	v2 =	vadd.s32 v1, v2;
	_ =	sdelay $0x4  }
0x171: {  	[tilespmem:s21], [sflag:$0x1] =	stream.indirect_vreg.gather [hbm4b:s1+s24], $0x80, v2, vm0, $0xb8;
	[tilespmem:$0x1E200] =	vst v63  }
0x172: {  	s13 =	simm.s32 $0x4A00  }
0x173: {  	[tilespmem:s13], [sflag:$0x1] =	stream.indirect_vreg.gather [hbm4b:s30+s24], $0x80, v2, vm0, $0xb8;
	[tilespmem:$0x1E200] =	vst v63  }
0x174: {  	s17 =	simm.s32 $0x5200  }
0x175: {  	[tilespmem:s17], [sflag:$0x1] =	stream.indirect_vreg.gather [hbm4b:s6+s24], $0x80, v2, vm0, $0xb8;
	[tilespmem:$0x1E200] =	vst v63  }
0x176: {  	s26 =	simm.s32 $0x5A00  }
0x177: {  	[tilespmem:s26], [sflag:$0x1] =	stream.indirect_vreg.gather [hbm4b:s7+s24], $0x80, v2, vm0, $0xb8;
	[tilespmem:$0x1E200] =	vst v63  }
0x178: {  	v2 =	vld.msk [tilespmem:$0x198], $0xff;
	_ =	sdelay $0x4  }
0x179: {  	v3 =	vshll.u32 v2, $0x3  }
0x17a: {  	v2 =	vand.u32 $0x7, v2;
	v3 =	vand.u32 $0xFFFFFFC0, v3  }
0x17b: {  	v2 =	vor.u32 v2, v3  }
0x17c: {  	v2 =	vperm.xlane v2, v0;
	_ =	sdelay $0x1  }
0x17d: {  	v2 =	vadd.s32 v1, v2;
	_ =	sdelay $0x4  }
0x17e: {  	[tilespmem:s25], [sflag:$0x1] =	stream.indirect_vreg.gather [hbm4b:s1+s24], $0x80, v2, vm0, $0xb8;
	[tilespmem:$0x1E200] =	vst v63  }
0x17f: {  	s2 =	simm.s32 $0x6A00  }
0x180: {  	[tilespmem:s2], [sflag:$0x1] =	stream.indirect_vreg.gather [hbm4b:s30+s24], $0x80, v2, vm0, $0xb8;
	[tilespmem:$0x1E200] =	vst v63  }
0x181: {  	s4 =	simm.s32 $0x7200  }
0x182: {  	[tilespmem:s4], [sflag:$0x1] =	stream.indirect_vreg.gather [hbm4b:s6+s24], $0x80, v2, vm0, $0xb8;
	[tilespmem:$0x1E200] =	vst v63  }
0x183: {  	s5 =	simm.s32 $0x7A00;
	s9 =	simm.s32 $0x5  }
0x184: {  	[tilespmem:s5], [sflag:$0x1] =	stream.indirect_vreg.gather [hbm4b:s7+s24], $0x80, v2, vm0, $0xb8;
	[tilespmem:$0x1E200] =	vst v63  }
0x185: {  	_ =	swait.ge [sflag:s9], $0x2000  }
0x186: {  	[sflag:s9] =	ssyncset.done $0x0  }
0x187: {  	[sflag:s9] =	ssyncadd.s32 $0xFFFFE000  }
0x188: {  	_ =	swait.ge [sflag:s16], $0x2000  }
0x189: {  	[sflag:s16] =	ssyncset.done $0x0  }
0x18a: {  	[sflag:s16] =	ssyncadd.s32 $0xFFFFE000  }
0x18b: {  	_ =	swait.ge [sflag:s16], $0x2000  }
0x18c: {  	[sflag:s16] =	ssyncset.done $0x0  }
0x18d: {  	[sflag:s16] =	ssyncadd.s32 $0xFFFFE000  }
0x18e: {  	_ =	swait.ge [sflag:s16], $0x2000  }
0x18f: {  	[sflag:s16] =	ssyncset.done $0x0  }
0x190: {  	[sflag:s16] =	ssyncadd.s32 $0xFFFFE000  }
0x191: {  	s13 =	sand.u32 $0x1C00, s24;
	s17 =	sand.u32 $0x380, s24;
	_ =	swait.ge [sflag:s16], $0x2000  }
0x192: {  	s0 =	sor.u32 s17, s13;
	s26 =	sand.u32 $0x60, s24;
	[sflag:s16] =	ssyncset.done $0x0  }
0x193: {  	s24 =	sor.u32 s26, s0;
	[sflag:s16] =	ssyncadd.s32 $0xFFFFE000  }
0x194: {  	v2 =	vld [tilespmem:s24+$0x1A210]  }
0x195: {  	v3 =	vld [tilespmem:s24+$0x1A200];
	_ =	sdelay $0x3  }
0x196: {  	s28 =	simm.s32 $0x20;
	[tilespmem:s24+$0xE210] =	vst.add.f32.msk $0xffff, v2  }
0x197: {  	s29 =	simm.s32 $0x100;
	s26 =	simm.s32 $0x0;
	s0 =	simm.s32 $0x4;
	[tilespmem:s24+$0x8200] =	vst.add.f32.msk $0xffff, v3  }
.LBB2_4:
0x198: {  	s2 =	sand.u32 $0x1C00, s29;
	s5 =	sand.u32 $0x380, s0;
	s26 =	sadd.s32 $0x2, s26;
	[tilespmem:s24+$0xA200] =	vst.add.f32.msk $0xffff, v3  }
0x199: {  	s9 =	sand.u32 $0x60, s28;
	s2 =	sor.u32 s5, s2;
	p0 =	slt.u32 s26, $0x1FE;
	[tilespmem:s24+$0xC200] =	vst.add.f32.msk $0xffff, v3  }
0x19a: {  	s2 =	sor.u32 s9, s2;
	[tilespmem:s24+$0xE200] =	vst.add.f32.msk $0xffff, v3  }
0x19b: {  	v4 =	vld [tilespmem:s2+$0x1A210]  }
0x19c: {  	v3 =	vld [tilespmem:s2+$0x1A200]  }
.Ltmp1:
0x19d: {  	[tilespmem:s24+$0x8210] =	vst.add.f32.msk $0xffff, v2;
	(pc) =	sbr.rel @p0 .LBB2_4-.Ltmp1, $4  }
0x19e: {  	[tilespmem:s24+$0xA210] =	vst.add.f32.msk $0xffff, v2  }
0x19f: {  	[tilespmem:s24+$0xC210] =	vst.add.f32.msk $0xffff, v2;
	s24 =	smov.u32 s2  }
0x1a0: {  	[tilespmem:s24+$0xE210] =	vst.add.f32.msk $0xffff, v4;
	v2 =	vmov v4  }
0x1a1: {  	s28 =	sadd.s32 $0x20, s28;
	s29 =	sadd.s32 $0x100, s29;
	s0 =	sadd.s32 $0x4, s0;
	[tilespmem:s24+$0x8200] =	vst.add.f32.msk $0xffff, v3  }
0x1a2: {  	[tilespmem:s24+$0xA200] =	vst.add.f32.msk $0xffff, v3  }
0x1a3: {  	[tilespmem:s24+$0xC200] =	vst.add.f32.msk $0xffff, v3  }
0x1a4: {  	[tilespmem:s24+$0xE200] =	vst.add.f32.msk $0xffff, v3  }
0x1a5: {  	[tilespmem:s24+$0x8210] =	vst.add.f32.msk $0xffff, v2  }
0x1a6: {  	[tilespmem:s24+$0xA210] =	vst.add.f32.msk $0xffff, v2  }
0x1a7: {  	[tilespmem:s24+$0xC210] =	vst.add.f32.msk $0xffff, v2  }
0x1a8: {  	s0 =	rddreg [dreg:$0xf]  }
0x1a9: {  	s24 =	simm.s32 $0x0;
	s5 =	simm.s32 $0x8200;
	s26 =	sld [smem:$0x7C7]  }
0x1aa: {  	[hbm4b:s0+s24] =	stream.linear.scatter [tilespmem:s5], [sflag:$0x8], $0x2000, $0x38;
	[tilespmem:$0x1E200] =	vst v63  }
0x1ab: {  	s9 =	simm.s32 $0xA200;
	s2 =	sld [smem:$0x7C8]  }
0x1ac: {  	[hbm4b:s26+s24] =	stream.linear.scatter [tilespmem:s9], [sflag:$0x8], $0x2000, $0x38;
	[tilespmem:$0x1E200] =	vst v63  }
0x1ad: {  	s13 =	simm.s32 $0xC200;
	s4 =	sld [smem:$0x7C9]  }
0x1ae: {  	[hbm4b:s2+s24] =	stream.linear.scatter [tilespmem:s13], [sflag:$0x8], $0x2000, $0x38;
	[tilespmem:$0x1E200] =	vst v63  }
0x1af: {  	s17 =	simm.s32 $0xE200  }
0x1b0: {  	[hbm4b:s4+s24] =	stream.linear.scatter [tilespmem:s17], [sflag:$0x8], $0x2000, $0x38;
	[tilespmem:$0x1E200] =	vst v63  }
0x1b1: {  	_ =	swait.ge [sflag:s18], $0x2000  }
0x1b2: {  	[sflag:s18] =	ssyncset.done $0x0  }
0x1b3: {  	[sflag:s18] =	ssyncadd.s32 $0xFFFFE000  }
0x1b4: {  	_ =	swait.ge [sflag:s18], $0x2000  }
0x1b5: {  	[sflag:s18] =	ssyncset.done $0x0  }
0x1b6: {  	[sflag:s18] =	ssyncadd.s32 $0xFFFFE000  }
0x1b7: {  	_ =	swait.ge [sflag:s18], $0x2000  }
0x1b8: {  	[sflag:s18] =	ssyncset.done $0x0  }
0x1b9: {  	[sflag:s18] =	ssyncadd.s32 $0xFFFFE000  }
0x1ba: {  	_ =	swait.ge [sflag:s18], $0x2000  }
0x1bb: {  	[sflag:s18] =	ssyncset.done $0x0  }
0x1bc: {  	s2 =	simm.s32 $0x1A200;
	s26 =	rddreg [dreg:$0x10];
	[sflag:s18] =	ssyncadd.s32 $0xFFFFE000  }
0x1bd: {  	[tilespmem:s2], [sflag:$0x5] =	stream.linear.gather [hbm4b:s26+s24], $0x2000, $0x38;
	[tilespmem:$0x1E200] =	vst v63  }
0x1be: {  	v2 =	vld.msk [tilespmem:$0x20], $0xff;
	_ =	sdelay $0x4  }
0x1bf: {  	v3 =	vshll.u32 v2, $0x3  }
0x1c0: {  	v2 =	vand.u32 $0x7, v2;
	v3 =	vand.u32 $0xFFFFFFC0, v3  }
0x1c1: {  	v2 =	vor.u32 v2, v3  }
0x1c2: {  	v2 =	vperm.xlane v2, v0;
	_ =	sdelay $0x1  }
0x1c3: {  	v2 =	vadd.s32 v1, v2;
	_ =	sdelay $0x4  }
0x1c4: {  	[tilespmem:s5], [sflag:$0x2] =	stream.indirect_vreg.gather [hbm4b:s1+s24], $0x80, v2, vm0, $0xb8;
	[tilespmem:$0x1E200] =	vst v63  }
0x1c5: {  	_ = 	snop  }
0x1c6: {  	[tilespmem:s31], [sflag:$0x2] =	stream.indirect_vreg.gather [hbm4b:s30+s24], $0x80, v2, vm0, $0xb8;
	[tilespmem:$0x1E200] =	vst v63  }
0x1c7: {  	s4 =	simm.s32 $0x9200  }
0x1c8: {  	[tilespmem:s4], [sflag:$0x2] =	stream.indirect_vreg.gather [hbm4b:s6+s24], $0x80, v2, vm0, $0xb8;
	[tilespmem:$0x1E200] =	vst v63  }
0x1c9: {  	s5 =	simm.s32 $0x9A00  }
0x1ca: {  	[tilespmem:s5], [sflag:$0x2] =	stream.indirect_vreg.gather [hbm4b:s7+s24], $0x80, v2, vm0, $0xb8;
	[tilespmem:$0x1E200] =	vst v63  }
0x1cb: {  	v2 =	vld.msk [tilespmem:$0xA0], $0xff;
	_ =	sdelay $0x4  }
0x1cc: {  	v3 =	vshll.u32 v2, $0x3  }
0x1cd: {  	v2 =	vand.u32 $0x7, v2;
	v3 =	vand.u32 $0xFFFFFFC0, v3  }
0x1ce: {  	v2 =	vor.u32 v2, v3  }
0x1cf: {  	v2 =	vperm.xlane v2, v0;
	_ =	sdelay $0x1  }
0x1d0: {  	v2 =	vadd.s32 v1, v2;
	_ =	sdelay $0x4  }
0x1d1: {  	[tilespmem:s9], [sflag:$0x2] =	stream.indirect_vreg.gather [hbm4b:s1+s24], $0x80, v2, vm0, $0xb8;
	[tilespmem:$0x1E200] =	vst v63  }
0x1d2: {  	_ = 	snop  }
0x1d3: {  	[tilespmem:s10], [sflag:$0x2] =	stream.indirect_vreg.gather [hbm4b:s30+s24], $0x80, v2, vm0, $0xb8;
	[tilespmem:$0x1E200] =	vst v63  }
0x1d4: {  	_ = 	snop  }
0x1d5: {  	[tilespmem:s8], [sflag:$0x2] =	stream.indirect_vreg.gather [hbm4b:s6+s24], $0x80, v2, vm0, $0xb8;
	[tilespmem:$0x1E200] =	vst v63  }
0x1d6: {  	s9 =	simm.s32 $0xBA00  }
0x1d7: {  	[tilespmem:s9], [sflag:$0x2] =	stream.indirect_vreg.gather [hbm4b:s7+s24], $0x80, v2, vm0, $0xb8;
	[tilespmem:$0x1E200] =	vst v63  }
0x1d8: {  	v2 =	vld.msk [tilespmem:$0x120], $0xff;
	_ =	sdelay $0x4  }
0x1d9: {  	v3 =	vshll.u32 v2, $0x3  }
0x1da: {  	v2 =	vand.u32 $0x7, v2;
	v3 =	vand.u32 $0xFFFFFFC0, v3  }
0x1db: {  	v2 =	vor.u32 v2, v3  }
0x1dc: {  	v2 =	vperm.xlane v2, v0;
	_ =	sdelay $0x1  }
0x1dd: {  	v2 =	vadd.s32 v1, v2;
	_ =	sdelay $0x4  }
0x1de: {  	[tilespmem:s13], [sflag:$0x2] =	stream.indirect_vreg.gather [hbm4b:s1+s24], $0x80, v2, vm0, $0xb8;
	[tilespmem:$0x1E200] =	vst v63  }
0x1df: {  	s13 =	simm.s32 $0xCA00  }
0x1e0: {  	[tilespmem:s13], [sflag:$0x2] =	stream.indirect_vreg.gather [hbm4b:s30+s24], $0x80, v2, vm0, $0xb8;
	[tilespmem:$0x1E200] =	vst v63  }
0x1e1: {  	s26 =	simm.s32 $0xD200  }
0x1e2: {  	[tilespmem:s26], [sflag:$0x2] =	stream.indirect_vreg.gather [hbm4b:s6+s24], $0x80, v2, vm0, $0xb8;
	[tilespmem:$0x1E200] =	vst v63  }
0x1e3: {  	s2 =	simm.s32 $0xDA00  }
0x1e4: {  	[tilespmem:s2], [sflag:$0x2] =	stream.indirect_vreg.gather [hbm4b:s7+s24], $0x80, v2, vm0, $0xb8;
	[tilespmem:$0x1E200] =	vst v63  }
0x1e5: {  	v2 =	vld.msk [tilespmem:$0x1A0], $0xff;
	_ =	sdelay $0x4  }
0x1e6: {  	v3 =	vshll.u32 v2, $0x3  }
0x1e7: {  	v2 =	vand.u32 $0x7, v2;
	v3 =	vand.u32 $0xFFFFFFC0, v3  }
0x1e8: {  	v2 =	vor.u32 v2, v3  }
0x1e9: {  	v2 =	vperm.xlane v2, v0;
	_ =	sdelay $0x1  }
0x1ea: {  	v2 =	vadd.s32 v1, v2;
	_ =	sdelay $0x4  }
0x1eb: {  	[tilespmem:s17], [sflag:$0x2] =	stream.indirect_vreg.gather [hbm4b:s1+s24], $0x80, v2, vm0, $0xb8;
	[tilespmem:$0x1E200] =	vst v63  }
0x1ec: {  	s4 =	simm.s32 $0xEA00  }
0x1ed: {  	[tilespmem:s4], [sflag:$0x2] =	stream.indirect_vreg.gather [hbm4b:s30+s24], $0x80, v2, vm0, $0xb8;
	[tilespmem:$0x1E200] =	vst v63  }
0x1ee: {  	s5 =	simm.s32 $0xF200  }
0x1ef: {  	[tilespmem:s5], [sflag:$0x2] =	stream.indirect_vreg.gather [hbm4b:s6+s24], $0x80, v2, vm0, $0xb8;
	[tilespmem:$0x1E200] =	vst v63  }
0x1f0: {  	s9 =	simm.s32 $0xFA00  }
0x1f1: {  	[tilespmem:s9], [sflag:$0x2] =	stream.indirect_vreg.gather [hbm4b:s7+s24], $0x80, v2, vm0, $0xb8;
	[tilespmem:$0x1E200] =	vst v63  }
0x1f2: {  	_ =	swait.ge [sflag:s19], $0x2000  }
0x1f3: {  	[sflag:s19] =	ssyncset.done $0x0  }
0x1f4: {  	[sflag:s19] =	ssyncadd.s32 $0xFFFFE000  }
0x1f5: {  	_ =	swait.ge [sflag:s20], $0x2000  }
0x1f6: {  	[sflag:s20] =	ssyncset.done $0x0  }
0x1f7: {  	[sflag:s20] =	ssyncadd.s32 $0xFFFFE000  }
0x1f8: {  	_ =	swait.ge [sflag:s20], $0x2000  }
0x1f9: {  	[sflag:s20] =	ssyncset.done $0x0  }
0x1fa: {  	[sflag:s20] =	ssyncadd.s32 $0xFFFFE000  }
0x1fb: {  	_ =	swait.ge [sflag:s20], $0x2000  }
0x1fc: {  	[sflag:s20] =	ssyncset.done $0x0  }
0x1fd: {  	[sflag:s20] =	ssyncadd.s32 $0xFFFFE000  }
0x1fe: {  	s13 =	sand.u32 $0x1C00, s24;
	s17 =	sand.u32 $0x380, s24;
	_ =	swait.ge [sflag:s20], $0x2000  }
0x1ff: {  	s26 =	sand.u32 $0x60, s24;
	s0 =	sor.u32 s17, s13;
	[sflag:s20] =	ssyncset.done $0x0  }
0x200: {  	s24 =	sor.u32 s26, s0;
	[sflag:s20] =	ssyncadd.s32 $0xFFFFE000  }
0x201: {  	v2 =	vld [tilespmem:s24+$0x1C210]  }
0x202: {  	v3 =	vld [tilespmem:s24+$0x1C200];
	_ =	sdelay $0x3  }
0x203: {  	s28 =	simm.s32 $0x20;
	[tilespmem:s24+$0x16210] =	vst.add.f32.msk $0xffff, v2  }
0x204: {  	s29 =	simm.s32 $0x100;
	s26 =	simm.s32 $0x0;
	s0 =	simm.s32 $0x4;
	[tilespmem:s24+$0x10200] =	vst.add.f32.msk $0xffff, v3  }
.LBB2_6:
0x205: {  	s2 =	sand.u32 $0x1C00, s29;
	s5 =	sand.u32 $0x380, s0;
	s26 =	sadd.s32 $0x2, s26;
	[tilespmem:s24+$0x12200] =	vst.add.f32.msk $0xffff, v3  }
0x206: {  	s9 =	sand.u32 $0x60, s28;
	s2 =	sor.u32 s5, s2;
	p0 =	slt.u32 s26, $0x1FE;
	[tilespmem:s24+$0x14200] =	vst.add.f32.msk $0xffff, v3  }
0x207: {  	s2 =	sor.u32 s9, s2;
	[tilespmem:s24+$0x16200] =	vst.add.f32.msk $0xffff, v3  }
0x208: {  	v4 =	vld [tilespmem:s2+$0x1C210]  }
0x209: {  	v3 =	vld [tilespmem:s2+$0x1C200]  }
.Ltmp2:
0x20a: {  	[tilespmem:s24+$0x10210] =	vst.add.f32.msk $0xffff, v2;
	(pc) =	sbr.rel @p0 .LBB2_6-.Ltmp2, $4  }
0x20b: {  	[tilespmem:s24+$0x12210] =	vst.add.f32.msk $0xffff, v2  }
0x20c: {  	[tilespmem:s24+$0x14210] =	vst.add.f32.msk $0xffff, v2;
	s24 =	smov.u32 s2  }
0x20d: {  	[tilespmem:s24+$0x16210] =	vst.add.f32.msk $0xffff, v4;
	v2 =	vmov v4  }
0x20e: {  	s28 =	sadd.s32 $0x20, s28;
	s29 =	sadd.s32 $0x100, s29;
	s0 =	sadd.s32 $0x4, s0;
	[tilespmem:s24+$0x10200] =	vst.add.f32.msk $0xffff, v3  }
0x20f: {  	[tilespmem:s24+$0x12200] =	vst.add.f32.msk $0xffff, v3  }
0x210: {  	[tilespmem:s24+$0x14200] =	vst.add.f32.msk $0xffff, v3  }
0x211: {  	[tilespmem:s24+$0x16200] =	vst.add.f32.msk $0xffff, v3  }
0x212: {  	[tilespmem:s24+$0x10210] =	vst.add.f32.msk $0xffff, v2  }
0x213: {  	[tilespmem:s24+$0x12210] =	vst.add.f32.msk $0xffff, v2  }
0x214: {  	[tilespmem:s24+$0x14210] =	vst.add.f32.msk $0xffff, v2  }
0x215: {  	s0 =	rddreg [dreg:$0x11]  }
0x216: {  	s24 =	simm.s32 $0x0;
	s5 =	simm.s32 $0x10200;
	s17 =	sld [smem:$0x7CA]  }
0x217: {  	[hbm4b:s0+s24] =	stream.linear.scatter [tilespmem:s5], [sflag:$0x9], $0x2000, $0x38;
	[tilespmem:$0x1E200] =	vst v63  }
0x218: {  	s9 =	simm.s32 $0x12200;
	s26 =	sld [smem:$0x7CD]  }
0x219: {  	[hbm4b:s17+s24] =	stream.linear.scatter [tilespmem:s9], [sflag:$0x9], $0x2000, $0x38;
	[tilespmem:$0x1E200] =	vst v63  }
0x21a: {  	s13 =	simm.s32 $0x14200;
	s2 =	sld [smem:$0x7CE]  }
0x21b: {  	[hbm4b:s26+s24] =	stream.linear.scatter [tilespmem:s13], [sflag:$0x9], $0x2000, $0x38;
	[tilespmem:$0x1E200] =	vst v63  }
0x21c: {  	s4 =	simm.s32 $0x16200  }
0x21d: {  	[hbm4b:s2+s24] =	stream.linear.scatter [tilespmem:s4], [sflag:$0x9], $0x2000, $0x38;
	[tilespmem:$0x1E200] =	vst v63  }
0x21e: {  	_ =	swait.ge [sflag:s22], $0x2000  }
0x21f: {  	[sflag:s22] =	ssyncset.done $0x0  }
0x220: {  	[sflag:s22] =	ssyncadd.s32 $0xFFFFE000  }
0x221: {  	_ =	swait.ge [sflag:s22], $0x2000  }
0x222: {  	[sflag:s22] =	ssyncset.done $0x0  }
0x223: {  	[sflag:s22] =	ssyncadd.s32 $0xFFFFE000  }
0x224: {  	_ =	swait.ge [sflag:s22], $0x2000  }
0x225: {  	[sflag:s22] =	ssyncset.done $0x0  }
0x226: {  	[sflag:s22] =	ssyncadd.s32 $0xFFFFE000  }
0x227: {  	_ =	swait.ge [sflag:s22], $0x2000  }
0x228: {  	[sflag:s22] =	ssyncset.done $0x0  }
0x229: {  	s2 =	simm.s32 $0x1C200;
	s17 =	rddreg [dreg:$0x12];
	[sflag:s22] =	ssyncadd.s32 $0xFFFFE000  }
0x22a: {  	[tilespmem:s2], [sflag:$0x6] =	stream.linear.gather [hbm4b:s17+s24], $0x2000, $0x38;
	[tilespmem:$0x1E200] =	vst v63  }
0x22b: {  	v2 =	vld.msk [tilespmem:$0x28], $0xff;
	_ =	sdelay $0x4  }
0x22c: {  	v3 =	vshll.u32 v2, $0x3  }
0x22d: {  	v2 =	vand.u32 $0x7, v2;
	v3 =	vand.u32 $0xFFFFFFC0, v3  }
0x22e: {  	v2 =	vor.u32 v2, v3  }
0x22f: {  	v2 =	vperm.xlane v2, v0;
	_ =	sdelay $0x1  }
0x230: {  	v2 =	vadd.s32 v1, v2;
	_ =	sdelay $0x4  }
0x231: {  	[tilespmem:s5], [sflag:$0x3] =	stream.indirect_vreg.gather [hbm4b:s1+s24], $0x80, v2, vm0, $0xb8;
	[tilespmem:$0x1E200] =	vst v63  }
0x232: {  	s26 =	simm.s32 $0x10A00  }
0x233: {  	[tilespmem:s26], [sflag:$0x3] =	stream.indirect_vreg.gather [hbm4b:s30+s24], $0x80, v2, vm0, $0xb8;
	[tilespmem:$0x1E200] =	vst v63  }
0x234: {  	s2 =	simm.s32 $0x11200  }
0x235: {  	[tilespmem:s2], [sflag:$0x3] =	stream.indirect_vreg.gather [hbm4b:s6+s24], $0x80, v2, vm0, $0xb8;
	[tilespmem:$0x1E200] =	vst v63  }
0x236: {  	s5 =	simm.s32 $0x11A00  }
0x237: {  	[tilespmem:s5], [sflag:$0x3] =	stream.indirect_vreg.gather [hbm4b:s7+s24], $0x80, v2, vm0, $0xb8;
	[tilespmem:$0x1E200] =	vst v63  }
0x238: {  	v2 =	vld.msk [tilespmem:$0xA8], $0xff;
	_ =	sdelay $0x4  }
0x239: {  	v3 =	vshll.u32 v2, $0x3  }
0x23a: {  	v2 =	vand.u32 $0x7, v2;
	v3 =	vand.u32 $0xFFFFFFC0, v3  }
0x23b: {  	v2 =	vor.u32 v2, v3  }
0x23c: {  	v2 =	vperm.xlane v2, v0;
	_ =	sdelay $0x1  }
0x23d: {  	v2 =	vadd.s32 v1, v2;
	_ =	sdelay $0x4  }
0x23e: {  	[tilespmem:s9], [sflag:$0x3] =	stream.indirect_vreg.gather [hbm4b:s1+s24], $0x80, v2, vm0, $0xb8;
	[tilespmem:$0x1E200] =	vst v63  }
0x23f: {  	s9 =	simm.s32 $0x12A00  }
0x240: {  	[tilespmem:s9], [sflag:$0x3] =	stream.indirect_vreg.gather [hbm4b:s30+s24], $0x80, v2, vm0, $0xb8;
	[tilespmem:$0x1E200] =	vst v63  }
0x241: {  	s17 =	simm.s32 $0x13200  }
0x242: {  	[tilespmem:s17], [sflag:$0x3] =	stream.indirect_vreg.gather [hbm4b:s6+s24], $0x80, v2, vm0, $0xb8;
	[tilespmem:$0x1E200] =	vst v63  }
0x243: {  	s26 =	simm.s32 $0x13A00  }
0x244: {  	[tilespmem:s26], [sflag:$0x3] =	stream.indirect_vreg.gather [hbm4b:s7+s24], $0x80, v2, vm0, $0xb8;
	[tilespmem:$0x1E200] =	vst v63  }
0x245: {  	v2 =	vld.msk [tilespmem:$0x128], $0xff;
	_ =	sdelay $0x4  }
0x246: {  	v3 =	vshll.u32 v2, $0x3  }
0x247: {  	v2 =	vand.u32 $0x7, v2;
	v3 =	vand.u32 $0xFFFFFFC0, v3  }
0x248: {  	v2 =	vor.u32 v2, v3  }
0x249: {  	v2 =	vperm.xlane v2, v0;
	_ =	sdelay $0x1  }
0x24a: {  	v2 =	vadd.s32 v1, v2;
	_ =	sdelay $0x4  }
0x24b: {  	[tilespmem:s13], [sflag:$0x3] =	stream.indirect_vreg.gather [hbm4b:s1+s24], $0x80, v2, vm0, $0xb8;
	[tilespmem:$0x1E200] =	vst v63  }
0x24c: {  	_ = 	snop  }
0x24d: {  	[tilespmem:s23], [sflag:$0x3] =	stream.indirect_vreg.gather [hbm4b:s30+s24], $0x80, v2, vm0, $0xb8;
	[tilespmem:$0x1E200] =	vst v63  }
0x24e: {  	_ = 	snop  }
0x24f: {  	[tilespmem:s15], [sflag:$0x3] =	stream.indirect_vreg.gather [hbm4b:s6+s24], $0x80, v2, vm0, $0xb8;
	[tilespmem:$0x1E200] =	vst v63  }
0x250: {  	s2 =	simm.s32 $0x15A00  }
0x251: {  	[tilespmem:s2], [sflag:$0x3] =	stream.indirect_vreg.gather [hbm4b:s7+s24], $0x80, v2, vm0, $0xb8;
	[tilespmem:$0x1E200] =	vst v63  }
0x252: {  	v2 =	vld.msk [tilespmem:$0x1A8], $0xff;
	_ =	sdelay $0x4  }
0x253: {  	v3 =	vshll.u32 v2, $0x3  }
0x254: {  	v2 =	vand.u32 $0x7, v2;
	v3 =	vand.u32 $0xFFFFFFC0, v3  }
0x255: {  	v2 =	vor.u32 v2, v3  }
0x256: {  	v2 =	vperm.xlane v2, v0;
	_ =	sdelay $0x1  }
0x257: {  	v2 =	vadd.s32 v1, v2;
	_ =	sdelay $0x4  }
0x258: {  	[tilespmem:s4], [sflag:$0x3] =	stream.indirect_vreg.gather [hbm4b:s1+s24], $0x80, v2, vm0, $0xb8;
	[tilespmem:$0x1E200] =	vst v63  }
0x259: {  	s4 =	simm.s32 $0x16A00  }
0x25a: {  	[tilespmem:s4], [sflag:$0x3] =	stream.indirect_vreg.gather [hbm4b:s30+s24], $0x80, v2, vm0, $0xb8;
	[tilespmem:$0x1E200] =	vst v63  }
0x25b: {  	s5 =	simm.s32 $0x17200  }
0x25c: {  	[tilespmem:s5], [sflag:$0x3] =	stream.indirect_vreg.gather [hbm4b:s6+s24], $0x80, v2, vm0, $0xb8;
	[tilespmem:$0x1E200] =	vst v63  }
0x25d: {  	s9 =	simm.s32 $0x17A00  }
0x25e: {  	[tilespmem:s9], [sflag:$0x3] =	stream.indirect_vreg.gather [hbm4b:s7+s24], $0x80, v2, vm0, $0xb8;
	[tilespmem:$0x1E200] =	vst v63  }
0x25f: {  	_ =	swait.ge [sflag:s11], $0x2000  }
0x260: {  	[sflag:s11] =	ssyncset.done $0x0  }
0x261: {  	[sflag:s11] =	ssyncadd.s32 $0xFFFFE000  }
0x262: {  	_ =	swait.ge [sflag:s12], $0x2000  }
0x263: {  	[sflag:s12] =	ssyncset.done $0x0  }
0x264: {  	[sflag:s12] =	ssyncadd.s32 $0xFFFFE000  }
0x265: {  	_ =	swait.ge [sflag:s12], $0x2000  }
0x266: {  	[sflag:s12] =	ssyncset.done $0x0  }
0x267: {  	[sflag:s12] =	ssyncadd.s32 $0xFFFFE000  }
0x268: {  	_ =	swait.ge [sflag:s12], $0x2000  }
0x269: {  	[sflag:s12] =	ssyncset.done $0x0  }
0x26a: {  	[sflag:s12] =	ssyncadd.s32 $0xFFFFE000  }
0x26b: {  	s17 =	sand.u32 $0x380, s24;
	s13 =	sand.u32 $0x1C00, s24;
	_ =	swait.ge [sflag:s12], $0x2000  }
0x26c: {  	s26 =	sand.u32 $0x60, s24;
	s0 =	sor.u32 s17, s13;
	[sflag:s12] =	ssyncset.done $0x0  }
0x26d: {  	s24 =	sor.u32 s26, s0;
	[sflag:s12] =	ssyncadd.s32 $0xFFFFE000  }
0x26e: {  	v2 =	vld [tilespmem:s24+$0x18210]  }
0x26f: {  	v3 =	vld [tilespmem:s24+$0x18200];
	_ =	sdelay $0x3  }
0x270: {  	s28 =	simm.s32 $0x20;
	[tilespmem:s24+$0x6210] =	vst.add.f32.msk $0xffff, v2  }
0x271: {  	s29 =	simm.s32 $0x100;
	s26 =	simm.s32 $0x0;
	s0 =	simm.s32 $0x4;
	[tilespmem:s24+$0x200] =	vst.add.f32.msk $0xffff, v3  }
.LBB2_8:
0x272: {  	s2 =	sand.u32 $0x1C00, s29;
	s5 =	sand.u32 $0x380, s0;
	s26 =	sadd.s32 $0x2, s26;
	[tilespmem:s24+$0x2200] =	vst.add.f32.msk $0xffff, v3  }
0x273: {  	s9 =	sand.u32 $0x60, s28;
	s2 =	sor.u32 s5, s2;
	p0 =	slt.u32 s26, $0x1FE;
	[tilespmem:s24+$0x4200] =	vst.add.f32.msk $0xffff, v3  }
0x274: {  	s2 =	sor.u32 s9, s2;
	[tilespmem:s24+$0x6200] =	vst.add.f32.msk $0xffff, v3  }
0x275: {  	v4 =	vld [tilespmem:s2+$0x18210]  }
0x276: {  	v3 =	vld [tilespmem:s2+$0x18200]  }
.Ltmp3:
0x277: {  	[tilespmem:s24+$0x210] =	vst.add.f32.msk $0xffff, v2;
	(pc) =	sbr.rel @p0 .LBB2_8-.Ltmp3, $4  }
0x278: {  	[tilespmem:s24+$0x2210] =	vst.add.f32.msk $0xffff, v2  }
0x279: {  	[tilespmem:s24+$0x4210] =	vst.add.f32.msk $0xffff, v2;
	s24 =	smov.u32 s2  }
0x27a: {  	[tilespmem:s24+$0x6210] =	vst.add.f32.msk $0xffff, v4;
	v2 =	vmov v4  }
0x27b: {  	s28 =	sadd.s32 $0x20, s28;
	s29 =	sadd.s32 $0x100, s29;
	s0 =	sadd.s32 $0x4, s0;
	[tilespmem:s24+$0x200] =	vst.add.f32.msk $0xffff, v3  }
0x27c: {  	[tilespmem:s24+$0x2200] =	vst.add.f32.msk $0xffff, v3  }
0x27d: {  	[tilespmem:s24+$0x4200] =	vst.add.f32.msk $0xffff, v3  }
0x27e: {  	[tilespmem:s24+$0x6200] =	vst.add.f32.msk $0xffff, v3  }
0x27f: {  	[tilespmem:s24+$0x210] =	vst.add.f32.msk $0xffff, v2  }
0x280: {  	[tilespmem:s24+$0x2210] =	vst.add.f32.msk $0xffff, v2  }
0x281: {  	[tilespmem:s24+$0x4210] =	vst.add.f32.msk $0xffff, v2  }
0x282: {  	s0 =	rddreg [dreg:$0x13]  }
0x283: {  	s24 =	simm.s32 $0x0;
	s5 =	simm.s32 $0x200;
	s26 =	sld [smem:$0x7CF]  }
0x284: {  	[hbm4b:s0+s24] =	stream.linear.scatter [tilespmem:s5], [sflag:$0x7], $0x2000, $0x38;
	[tilespmem:$0x1E200] =	vst v63  }
0x285: {  	s9 =	simm.s32 $0x2200;
	s2 =	sld [smem:$0x7D3]  }
0x286: {  	[hbm4b:s26+s24] =	stream.linear.scatter [tilespmem:s9], [sflag:$0x7], $0x2000, $0x38;
	[tilespmem:$0x1E200] =	vst v63  }
0x287: {  	s4 =	sld [smem:$0x7D4]  }
0x288: {  	[hbm4b:s2+s24] =	stream.linear.scatter [tilespmem:s21], [sflag:$0x7], $0x2000, $0x38;
	[tilespmem:$0x1E200] =	vst v63  }
0x289: {  	_ = 	snop  }
0x28a: {  	[hbm4b:s4+s24] =	stream.linear.scatter [tilespmem:s25], [sflag:$0x7], $0x2000, $0x38;
	[tilespmem:$0x1E200] =	vst v63  }
0x28b: {  	_ =	swait.ge [sflag:s14], $0x2000  }
0x28c: {  	[sflag:s14] =	ssyncset.done $0x0  }
0x28d: {  	[sflag:s14] =	ssyncadd.s32 $0xFFFFE000  }
0x28e: {  	_ =	swait.ge [sflag:s14], $0x2000  }
0x28f: {  	[sflag:s14] =	ssyncset.done $0x0  }
0x290: {  	[sflag:s14] =	ssyncadd.s32 $0xFFFFE000  }
0x291: {  	_ =	swait.ge [sflag:s14], $0x2000  }
0x292: {  	[sflag:s14] =	ssyncset.done $0x0  }
0x293: {  	[sflag:s14] =	ssyncadd.s32 $0xFFFFE000  }
0x294: {  	_ =	swait.ge [sflag:s14], $0x2000  }
0x295: {  	[sflag:s14] =	ssyncset.done $0x0  }
0x296: {  	s2 =	simm.s32 $0x18200;
	s13 =	rddreg [dreg:$0x16];
	[sflag:s14] =	ssyncadd.s32 $0xFFFFE000  }
0x297: {  	[tilespmem:s2], [sflag:$0x4] =	stream.linear.gather [hbm4b:s13+s24], $0x2000, $0x38;
	[tilespmem:$0x1E200] =	vst v63  }
0x298: {  	v2 =	vld.msk [tilespmem:$0x30], $0xff;
	_ =	sdelay $0x4  }
0x299: {  	v3 =	vshll.u32 v2, $0x3  }
0x29a: {  	v2 =	vand.u32 $0x7, v2;
	v3 =	vand.u32 $0xFFFFFFC0, v3  }
0x29b: {  	v2 =	vor.u32 v2, v3  }
0x29c: {  	v2 =	vperm.xlane v2, v0;
	_ =	sdelay $0x1  }
0x29d: {  	v2 =	vadd.s32 v1, v2;
	_ =	sdelay $0x4  }
0x29e: {  	[tilespmem:s5], [sflag:$0x1] =	stream.indirect_vreg.gather [hbm4b:s1+s24], $0x80, v2, vm0, $0xb8;
	[tilespmem:$0x1E200] =	vst v63  }
0x29f: {  	s17 =	simm.s32 $0xA00  }
0x2a0: {  	[tilespmem:s17], [sflag:$0x1] =	stream.indirect_vreg.gather [hbm4b:s30+s24], $0x80, v2, vm0, $0xb8;
	[tilespmem:$0x1E200] =	vst v63  }
0x2a1: {  	s26 =	simm.s32 $0x1200  }
0x2a2: {  	[tilespmem:s26], [sflag:$0x1] =	stream.indirect_vreg.gather [hbm4b:s6+s24], $0x80, v2, vm0, $0xb8;
	[tilespmem:$0x1E200] =	vst v63  }
0x2a3: {  	s2 =	simm.s32 $0x1A00  }
0x2a4: {  	[tilespmem:s2], [sflag:$0x1] =	stream.indirect_vreg.gather [hbm4b:s7+s24], $0x80, v2, vm0, $0xb8;
	[tilespmem:$0x1E200] =	vst v63  }
0x2a5: {  	v2 =	vld.msk [tilespmem:$0xB0], $0xff;
	_ =	sdelay $0x4  }
0x2a6: {  	v3 =	vshll.u32 v2, $0x3  }
0x2a7: {  	v2 =	vand.u32 $0x7, v2;
	v3 =	vand.u32 $0xFFFFFFC0, v3  }
0x2a8: {  	v2 =	vor.u32 v2, v3  }
0x2a9: {  	v2 =	vperm.xlane v2, v0;
	_ =	sdelay $0x1  }
0x2aa: {  	v2 =	vadd.s32 v1, v2;
	_ =	sdelay $0x4  }
0x2ab: {  	[tilespmem:s9], [sflag:$0x1] =	stream.indirect_vreg.gather [hbm4b:s1+s24], $0x80, v2, vm0, $0xb8;
	[tilespmem:$0x1E200] =	vst v63  }
0x2ac: {  	s4 =	simm.s32 $0x2A00  }
0x2ad: {  	[tilespmem:s4], [sflag:$0x1] =	stream.indirect_vreg.gather [hbm4b:s30+s24], $0x80, v2, vm0, $0xb8;
	[tilespmem:$0x1E200] =	vst v63  }
0x2ae: {  	s5 =	simm.s32 $0x3200  }
0x2af: {  	[tilespmem:s5], [sflag:$0x1] =	stream.indirect_vreg.gather [hbm4b:s6+s24], $0x80, v2, vm0, $0xb8;
	[tilespmem:$0x1E200] =	vst v63  }
0x2b0: {  	s9 =	simm.s32 $0x3A00  }
0x2b1: {  	[tilespmem:s9], [sflag:$0x1] =	stream.indirect_vreg.gather [hbm4b:s7+s24], $0x80, v2, vm0, $0xb8;
	[tilespmem:$0x1E200] =	vst v63  }
0x2b2: {  	v2 =	vld.msk [tilespmem:$0x130], $0xff;
	_ =	sdelay $0x4  }
0x2b3: {  	v3 =	vshll.u32 v2, $0x3  }
0x2b4: {  	v2 =	vand.u32 $0x7, v2;
	v3 =	vand.u32 $0xFFFFFFC0, v3  }
0x2b5: {  	v2 =	vor.u32 v2, v3  }
0x2b6: {  	v2 =	vperm.xlane v2, v0;
	_ =	sdelay $0x1  }
0x2b7: {  	v2 =	vadd.s32 v1, v2;
	_ =	sdelay $0x4  }
0x2b8: {  	[tilespmem:s21], [sflag:$0x1] =	stream.indirect_vreg.gather [hbm4b:s1+s24], $0x80, v2, vm0, $0xb8;
	[tilespmem:$0x1E200] =	vst v63  }
0x2b9: {  	s13 =	simm.s32 $0x4A00  }
0x2ba: {  	[tilespmem:s13], [sflag:$0x1] =	stream.indirect_vreg.gather [hbm4b:s30+s24], $0x80, v2, vm0, $0xb8;
	[tilespmem:$0x1E200] =	vst v63  }
0x2bb: {  	s17 =	simm.s32 $0x5200  }
0x2bc: {  	[tilespmem:s17], [sflag:$0x1] =	stream.indirect_vreg.gather [hbm4b:s6+s24], $0x80, v2, vm0, $0xb8;
	[tilespmem:$0x1E200] =	vst v63  }
0x2bd: {  	s26 =	simm.s32 $0x5A00  }
0x2be: {  	[tilespmem:s26], [sflag:$0x1] =	stream.indirect_vreg.gather [hbm4b:s7+s24], $0x80, v2, vm0, $0xb8;
	[tilespmem:$0x1E200] =	vst v63  }
0x2bf: {  	v2 =	vld.msk [tilespmem:$0x1B0], $0xff;
	_ =	sdelay $0x4  }
0x2c0: {  	v3 =	vshll.u32 v2, $0x3  }
0x2c1: {  	v2 =	vand.u32 $0x7, v2;
	v3 =	vand.u32 $0xFFFFFFC0, v3  }
0x2c2: {  	v2 =	vor.u32 v2, v3  }
0x2c3: {  	v2 =	vperm.xlane v2, v0;
	_ =	sdelay $0x1  }
0x2c4: {  	v2 =	vadd.s32 v1, v2;
	_ =	sdelay $0x4  }
0x2c5: {  	[tilespmem:s25], [sflag:$0x1] =	stream.indirect_vreg.gather [hbm4b:s1+s24], $0x80, v2, vm0, $0xb8;
	[tilespmem:$0x1E200] =	vst v63  }
0x2c6: {  	s2 =	simm.s32 $0x6A00  }
0x2c7: {  	[tilespmem:s2], [sflag:$0x1] =	stream.indirect_vreg.gather [hbm4b:s30+s24], $0x80, v2, vm0, $0xb8;
	[tilespmem:$0x1E200] =	vst v63  }
0x2c8: {  	s4 =	simm.s32 $0x7200  }
0x2c9: {  	[tilespmem:s4], [sflag:$0x1] =	stream.indirect_vreg.gather [hbm4b:s6+s24], $0x80, v2, vm0, $0xb8;
	[tilespmem:$0x1E200] =	vst v63  }
0x2ca: {  	s5 =	simm.s32 $0x7A00;
	s9 =	simm.s32 $0x5  }
0x2cb: {  	[tilespmem:s5], [sflag:$0x1] =	stream.indirect_vreg.gather [hbm4b:s7+s24], $0x80, v2, vm0, $0xb8;
	[tilespmem:$0x1E200] =	vst v63  }
0x2cc: {  	_ =	swait.ge [sflag:s9], $0x2000  }
0x2cd: {  	[sflag:s9] =	ssyncset.done $0x0  }
0x2ce: {  	[sflag:s9] =	ssyncadd.s32 $0xFFFFE000  }
0x2cf: {  	_ =	swait.ge [sflag:s16], $0x2000  }
0x2d0: {  	[sflag:s16] =	ssyncset.done $0x0  }
0x2d1: {  	[sflag:s16] =	ssyncadd.s32 $0xFFFFE000  }
0x2d2: {  	_ =	swait.ge [sflag:s16], $0x2000  }
0x2d3: {  	[sflag:s16] =	ssyncset.done $0x0  }
0x2d4: {  	[sflag:s16] =	ssyncadd.s32 $0xFFFFE000  }
0x2d5: {  	_ =	swait.ge [sflag:s16], $0x2000  }
0x2d6: {  	[sflag:s16] =	ssyncset.done $0x0  }
0x2d7: {  	[sflag:s16] =	ssyncadd.s32 $0xFFFFE000  }
0x2d8: {  	s13 =	sand.u32 $0x1C00, s24;
	s17 =	sand.u32 $0x380, s24;
	_ =	swait.ge [sflag:s16], $0x2000  }
0x2d9: {  	s0 =	sor.u32 s17, s13;
	s26 =	sand.u32 $0x60, s24;
	[sflag:s16] =	ssyncset.done $0x0  }
0x2da: {  	s24 =	sor.u32 s26, s0;
	[sflag:s16] =	ssyncadd.s32 $0xFFFFE000  }
0x2db: {  	v2 =	vld [tilespmem:s24+$0x1A210]  }
0x2dc: {  	v3 =	vld [tilespmem:s24+$0x1A200];
	_ =	sdelay $0x3  }
0x2dd: {  	s28 =	simm.s32 $0x20;
	[tilespmem:s24+$0xE210] =	vst.add.f32.msk $0xffff, v2  }
0x2de: {  	s29 =	simm.s32 $0x100;
	s26 =	simm.s32 $0x0;
	s0 =	simm.s32 $0x4;
	[tilespmem:s24+$0x8200] =	vst.add.f32.msk $0xffff, v3  }
.LBB2_10:
0x2df: {  	s2 =	sand.u32 $0x1C00, s29;
	s5 =	sand.u32 $0x380, s0;
	s26 =	sadd.s32 $0x2, s26;
	[tilespmem:s24+$0xA200] =	vst.add.f32.msk $0xffff, v3  }
0x2e0: {  	s9 =	sand.u32 $0x60, s28;
	s2 =	sor.u32 s5, s2;
	p0 =	slt.u32 s26, $0x1FE;
	[tilespmem:s24+$0xC200] =	vst.add.f32.msk $0xffff, v3  }
0x2e1: {  	s2 =	sor.u32 s9, s2;
	[tilespmem:s24+$0xE200] =	vst.add.f32.msk $0xffff, v3  }
0x2e2: {  	v4 =	vld [tilespmem:s2+$0x1A210]  }
0x2e3: {  	v3 =	vld [tilespmem:s2+$0x1A200]  }
.Ltmp4:
0x2e4: {  	[tilespmem:s24+$0x8210] =	vst.add.f32.msk $0xffff, v2;
	(pc) =	sbr.rel @p0 .LBB2_10-.Ltmp4, $4  }
0x2e5: {  	[tilespmem:s24+$0xA210] =	vst.add.f32.msk $0xffff, v2  }
0x2e6: {  	[tilespmem:s24+$0xC210] =	vst.add.f32.msk $0xffff, v2;
	s24 =	smov.u32 s2  }
0x2e7: {  	[tilespmem:s24+$0xE210] =	vst.add.f32.msk $0xffff, v4;
	v2 =	vmov v4  }
0x2e8: {  	s28 =	sadd.s32 $0x20, s28;
	s29 =	sadd.s32 $0x100, s29;
	s0 =	sadd.s32 $0x4, s0;
	[tilespmem:s24+$0x8200] =	vst.add.f32.msk $0xffff, v3  }
0x2e9: {  	[tilespmem:s24+$0xA200] =	vst.add.f32.msk $0xffff, v3  }
0x2ea: {  	[tilespmem:s24+$0xC200] =	vst.add.f32.msk $0xffff, v3  }
0x2eb: {  	[tilespmem:s24+$0xE200] =	vst.add.f32.msk $0xffff, v3  }
0x2ec: {  	[tilespmem:s24+$0x8210] =	vst.add.f32.msk $0xffff, v2  }
0x2ed: {  	[tilespmem:s24+$0xA210] =	vst.add.f32.msk $0xffff, v2  }
0x2ee: {  	[tilespmem:s24+$0xC210] =	vst.add.f32.msk $0xffff, v2  }
0x2ef: {  	s0 =	rddreg [dreg:$0x14]  }
0x2f0: {  	s24 =	simm.s32 $0x0;
	s5 =	simm.s32 $0x8200;
	s26 =	sld [smem:$0x7D5]  }
0x2f1: {  	[hbm4b:s0+s24] =	stream.linear.scatter [tilespmem:s5], [sflag:$0x8], $0x2000, $0x38;
	[tilespmem:$0x1E200] =	vst v63  }
0x2f2: {  	s9 =	simm.s32 $0xA200;
	s2 =	sld [smem:$0x7D6]  }
0x2f3: {  	[hbm4b:s26+s24] =	stream.linear.scatter [tilespmem:s9], [sflag:$0x8], $0x2000, $0x38;
	[tilespmem:$0x1E200] =	vst v63  }
0x2f4: {  	s13 =	simm.s32 $0xC200;
	s4 =	sld [smem:$0x7D7]  }
0x2f5: {  	[hbm4b:s2+s24] =	stream.linear.scatter [tilespmem:s13], [sflag:$0x8], $0x2000, $0x38;
	[tilespmem:$0x1E200] =	vst v63  }
0x2f6: {  	s17 =	simm.s32 $0xE200  }
0x2f7: {  	[hbm4b:s4+s24] =	stream.linear.scatter [tilespmem:s17], [sflag:$0x8], $0x2000, $0x38;
	[tilespmem:$0x1E200] =	vst v63  }
0x2f8: {  	_ =	swait.ge [sflag:s18], $0x2000  }
0x2f9: {  	[sflag:s18] =	ssyncset.done $0x0  }
0x2fa: {  	[sflag:s18] =	ssyncadd.s32 $0xFFFFE000  }
0x2fb: {  	_ =	swait.ge [sflag:s18], $0x2000  }
0x2fc: {  	[sflag:s18] =	ssyncset.done $0x0  }
0x2fd: {  	[sflag:s18] =	ssyncadd.s32 $0xFFFFE000  }
0x2fe: {  	_ =	swait.ge [sflag:s18], $0x2000  }
0x2ff: {  	[sflag:s18] =	ssyncset.done $0x0  }
0x300: {  	[sflag:s18] =	ssyncadd.s32 $0xFFFFE000  }
0x301: {  	_ =	swait.ge [sflag:s18], $0x2000  }
0x302: {  	[sflag:s18] =	ssyncset.done $0x0  }
0x303: {  	s2 =	simm.s32 $0x1A200;
	s26 =	rddreg [dreg:$0x18];
	[sflag:s18] =	ssyncadd.s32 $0xFFFFE000  }
0x304: {  	[tilespmem:s2], [sflag:$0x5] =	stream.linear.gather [hbm4b:s26+s24], $0x2000, $0x38;
	[tilespmem:$0x1E200] =	vst v63  }
0x305: {  	v2 =	vld.msk [tilespmem:$0x38], $0xff;
	_ =	sdelay $0x4  }
0x306: {  	v3 =	vshll.u32 v2, $0x3  }
0x307: {  	v2 =	vand.u32 $0x7, v2;
	v3 =	vand.u32 $0xFFFFFFC0, v3  }
0x308: {  	v2 =	vor.u32 v2, v3  }
0x309: {  	v2 =	vperm.xlane v2, v0;
	_ =	sdelay $0x1  }
0x30a: {  	v2 =	vadd.s32 v1, v2;
	_ =	sdelay $0x4  }
0x30b: {  	[tilespmem:s5], [sflag:$0x2] =	stream.indirect_vreg.gather [hbm4b:s1+s24], $0x80, v2, vm0, $0xb8;
	[tilespmem:$0x1E200] =	vst v63  }
0x30c: {  	_ = 	snop  }
0x30d: {  	[tilespmem:s31], [sflag:$0x2] =	stream.indirect_vreg.gather [hbm4b:s30+s24], $0x80, v2, vm0, $0xb8;
	[tilespmem:$0x1E200] =	vst v63  }
0x30e: {  	s4 =	simm.s32 $0x9200  }
0x30f: {  	[tilespmem:s4], [sflag:$0x2] =	stream.indirect_vreg.gather [hbm4b:s6+s24], $0x80, v2, vm0, $0xb8;
	[tilespmem:$0x1E200] =	vst v63  }
0x310: {  	s5 =	simm.s32 $0x9A00  }
0x311: {  	[tilespmem:s5], [sflag:$0x2] =	stream.indirect_vreg.gather [hbm4b:s7+s24], $0x80, v2, vm0, $0xb8;
	[tilespmem:$0x1E200] =	vst v63  }
0x312: {  	v2 =	vld.msk [tilespmem:$0xB8], $0xff;
	_ =	sdelay $0x4  }
0x313: {  	v3 =	vshll.u32 v2, $0x3  }
0x314: {  	v2 =	vand.u32 $0x7, v2;
	v3 =	vand.u32 $0xFFFFFFC0, v3  }
0x315: {  	v2 =	vor.u32 v2, v3  }
0x316: {  	v2 =	vperm.xlane v2, v0;
	_ =	sdelay $0x1  }
0x317: {  	v2 =	vadd.s32 v1, v2;
	_ =	sdelay $0x4  }
0x318: {  	[tilespmem:s9], [sflag:$0x2] =	stream.indirect_vreg.gather [hbm4b:s1+s24], $0x80, v2, vm0, $0xb8;
	[tilespmem:$0x1E200] =	vst v63  }
0x319: {  	_ = 	snop  }
0x31a: {  	[tilespmem:s10], [sflag:$0x2] =	stream.indirect_vreg.gather [hbm4b:s30+s24], $0x80, v2, vm0, $0xb8;
	[tilespmem:$0x1E200] =	vst v63  }
0x31b: {  	_ = 	snop  }
0x31c: {  	[tilespmem:s8], [sflag:$0x2] =	stream.indirect_vreg.gather [hbm4b:s6+s24], $0x80, v2, vm0, $0xb8;
	[tilespmem:$0x1E200] =	vst v63  }
0x31d: {  	s9 =	simm.s32 $0xBA00  }
0x31e: {  	[tilespmem:s9], [sflag:$0x2] =	stream.indirect_vreg.gather [hbm4b:s7+s24], $0x80, v2, vm0, $0xb8;
	[tilespmem:$0x1E200] =	vst v63  }
0x31f: {  	v2 =	vld.msk [tilespmem:$0x138], $0xff;
	_ =	sdelay $0x4  }
0x320: {  	v3 =	vshll.u32 v2, $0x3  }
0x321: {  	v2 =	vand.u32 $0x7, v2;
	v3 =	vand.u32 $0xFFFFFFC0, v3  }
0x322: {  	v2 =	vor.u32 v2, v3  }
0x323: {  	v2 =	vperm.xlane v2, v0;
	_ =	sdelay $0x1  }
0x324: {  	v2 =	vadd.s32 v1, v2;
	_ =	sdelay $0x4  }
0x325: {  	[tilespmem:s13], [sflag:$0x2] =	stream.indirect_vreg.gather [hbm4b:s1+s24], $0x80, v2, vm0, $0xb8;
	[tilespmem:$0x1E200] =	vst v63  }
0x326: {  	s13 =	simm.s32 $0xCA00  }
0x327: {  	[tilespmem:s13], [sflag:$0x2] =	stream.indirect_vreg.gather [hbm4b:s30+s24], $0x80, v2, vm0, $0xb8;
	[tilespmem:$0x1E200] =	vst v63  }
0x328: {  	s26 =	simm.s32 $0xD200  }
0x329: {  	[tilespmem:s26], [sflag:$0x2] =	stream.indirect_vreg.gather [hbm4b:s6+s24], $0x80, v2, vm0, $0xb8;
	[tilespmem:$0x1E200] =	vst v63  }
0x32a: {  	s2 =	simm.s32 $0xDA00  }
0x32b: {  	[tilespmem:s2], [sflag:$0x2] =	stream.indirect_vreg.gather [hbm4b:s7+s24], $0x80, v2, vm0, $0xb8;
	[tilespmem:$0x1E200] =	vst v63  }
0x32c: {  	v2 =	vld.msk [tilespmem:$0x1B8], $0xff;
	_ =	sdelay $0x4  }
0x32d: {  	v3 =	vshll.u32 v2, $0x3  }
0x32e: {  	v2 =	vand.u32 $0x7, v2;
	v3 =	vand.u32 $0xFFFFFFC0, v3  }
0x32f: {  	v2 =	vor.u32 v2, v3  }
0x330: {  	v2 =	vperm.xlane v2, v0;
	_ =	sdelay $0x1  }
0x331: {  	v2 =	vadd.s32 v1, v2;
	_ =	sdelay $0x4  }
0x332: {  	[tilespmem:s17], [sflag:$0x2] =	stream.indirect_vreg.gather [hbm4b:s1+s24], $0x80, v2, vm0, $0xb8;
	[tilespmem:$0x1E200] =	vst v63  }
0x333: {  	s4 =	simm.s32 $0xEA00  }
0x334: {  	[tilespmem:s4], [sflag:$0x2] =	stream.indirect_vreg.gather [hbm4b:s30+s24], $0x80, v2, vm0, $0xb8;
	[tilespmem:$0x1E200] =	vst v63  }
0x335: {  	s5 =	simm.s32 $0xF200  }
0x336: {  	[tilespmem:s5], [sflag:$0x2] =	stream.indirect_vreg.gather [hbm4b:s6+s24], $0x80, v2, vm0, $0xb8;
	[tilespmem:$0x1E200] =	vst v63  }
0x337: {  	s9 =	simm.s32 $0xFA00  }
0x338: {  	[tilespmem:s9], [sflag:$0x2] =	stream.indirect_vreg.gather [hbm4b:s7+s24], $0x80, v2, vm0, $0xb8;
	[tilespmem:$0x1E200] =	vst v63  }
0x339: {  	_ =	swait.ge [sflag:s19], $0x2000  }
0x33a: {  	[sflag:s19] =	ssyncset.done $0x0  }
0x33b: {  	[sflag:s19] =	ssyncadd.s32 $0xFFFFE000  }
0x33c: {  	_ =	swait.ge [sflag:s20], $0x2000  }
0x33d: {  	[sflag:s20] =	ssyncset.done $0x0  }
0x33e: {  	[sflag:s20] =	ssyncadd.s32 $0xFFFFE000  }
0x33f: {  	_ =	swait.ge [sflag:s20], $0x2000  }
0x340: {  	[sflag:s20] =	ssyncset.done $0x0  }
0x341: {  	[sflag:s20] =	ssyncadd.s32 $0xFFFFE000  }
0x342: {  	_ =	swait.ge [sflag:s20], $0x2000  }
0x343: {  	[sflag:s20] =	ssyncset.done $0x0  }
0x344: {  	[sflag:s20] =	ssyncadd.s32 $0xFFFFE000  }
0x345: {  	s13 =	sand.u32 $0x1C00, s24;
	s17 =	sand.u32 $0x380, s24;
	_ =	swait.ge [sflag:s20], $0x2000  }
0x346: {  	s26 =	sand.u32 $0x60, s24;
	s0 =	sor.u32 s17, s13;
	[sflag:s20] =	ssyncset.done $0x0  }
0x347: {  	s24 =	sor.u32 s26, s0;
	[sflag:s20] =	ssyncadd.s32 $0xFFFFE000  }
0x348: {  	v2 =	vld [tilespmem:s24+$0x1C210]  }
0x349: {  	v3 =	vld [tilespmem:s24+$0x1C200];
	_ =	sdelay $0x3  }
0x34a: {  	s28 =	simm.s32 $0x20;
	[tilespmem:s24+$0x16210] =	vst.add.f32.msk $0xffff, v2  }
0x34b: {  	s29 =	simm.s32 $0x100;
	s26 =	simm.s32 $0x0;
	s0 =	simm.s32 $0x4;
	[tilespmem:s24+$0x10200] =	vst.add.f32.msk $0xffff, v3  }
.LBB2_12:
0x34c: {  	s2 =	sand.u32 $0x1C00, s29;
	s5 =	sand.u32 $0x380, s0;
	s26 =	sadd.s32 $0x2, s26;
	[tilespmem:s24+$0x12200] =	vst.add.f32.msk $0xffff, v3  }
0x34d: {  	s9 =	sand.u32 $0x60, s28;
	s2 =	sor.u32 s5, s2;
	p0 =	slt.u32 s26, $0x1FE;
	[tilespmem:s24+$0x14200] =	vst.add.f32.msk $0xffff, v3  }
0x34e: {  	s2 =	sor.u32 s9, s2;
	[tilespmem:s24+$0x16200] =	vst.add.f32.msk $0xffff, v3  }
0x34f: {  	v4 =	vld [tilespmem:s2+$0x1C210]  }
0x350: {  	v3 =	vld [tilespmem:s2+$0x1C200]  }
.Ltmp5:
0x351: {  	[tilespmem:s24+$0x10210] =	vst.add.f32.msk $0xffff, v2;
	(pc) =	sbr.rel @p0 .LBB2_12-.Ltmp5, $4  }
0x352: {  	[tilespmem:s24+$0x12210] =	vst.add.f32.msk $0xffff, v2  }
0x353: {  	[tilespmem:s24+$0x14210] =	vst.add.f32.msk $0xffff, v2;
	s24 =	smov.u32 s2  }
0x354: {  	[tilespmem:s24+$0x16210] =	vst.add.f32.msk $0xffff, v4;
	v2 =	vmov v4  }
0x355: {  	s28 =	sadd.s32 $0x20, s28;
	s29 =	sadd.s32 $0x100, s29;
	s0 =	sadd.s32 $0x4, s0;
	[tilespmem:s24+$0x10200] =	vst.add.f32.msk $0xffff, v3  }
0x356: {  	[tilespmem:s24+$0x12200] =	vst.add.f32.msk $0xffff, v3  }
0x357: {  	[tilespmem:s24+$0x14200] =	vst.add.f32.msk $0xffff, v3  }
0x358: {  	[tilespmem:s24+$0x16200] =	vst.add.f32.msk $0xffff, v3  }
0x359: {  	[tilespmem:s24+$0x10210] =	vst.add.f32.msk $0xffff, v2  }
0x35a: {  	[tilespmem:s24+$0x12210] =	vst.add.f32.msk $0xffff, v2  }
0x35b: {  	[tilespmem:s24+$0x14210] =	vst.add.f32.msk $0xffff, v2  }
0x35c: {  	s0 =	rddreg [dreg:$0x15]  }
0x35d: {  	s24 =	simm.s32 $0x0;
	s5 =	simm.s32 $0x10200;
	s17 =	sld [smem:$0x7DB]  }
0x35e: {  	[hbm4b:s0+s24] =	stream.linear.scatter [tilespmem:s5], [sflag:$0x9], $0x2000, $0x38;
	[tilespmem:$0x1E200] =	vst v63  }
0x35f: {  	s9 =	simm.s32 $0x12200;
	s26 =	sld [smem:$0x7D9]  }
0x360: {  	[hbm4b:s17+s24] =	stream.linear.scatter [tilespmem:s9], [sflag:$0x9], $0x2000, $0x38;
	[tilespmem:$0x1E200] =	vst v63  }
0x361: {  	s13 =	simm.s32 $0x14200;
	s2 =	sld [smem:$0x7DA]  }
0x362: {  	[hbm4b:s26+s24] =	stream.linear.scatter [tilespmem:s13], [sflag:$0x9], $0x2000, $0x38;
	[tilespmem:$0x1E200] =	vst v63  }
0x363: {  	s4 =	simm.s32 $0x16200  }
0x364: {  	[hbm4b:s2+s24] =	stream.linear.scatter [tilespmem:s4], [sflag:$0x9], $0x2000, $0x38;
	[tilespmem:$0x1E200] =	vst v63  }
0x365: {  	_ =	swait.ge [sflag:s22], $0x2000  }
0x366: {  	[sflag:s22] =	ssyncset.done $0x0  }
0x367: {  	[sflag:s22] =	ssyncadd.s32 $0xFFFFE000  }
0x368: {  	_ =	swait.ge [sflag:s22], $0x2000  }
0x369: {  	[sflag:s22] =	ssyncset.done $0x0  }
0x36a: {  	[sflag:s22] =	ssyncadd.s32 $0xFFFFE000  }
0x36b: {  	_ =	swait.ge [sflag:s22], $0x2000  }
0x36c: {  	[sflag:s22] =	ssyncset.done $0x0  }
0x36d: {  	[sflag:s22] =	ssyncadd.s32 $0xFFFFE000  }
0x36e: {  	_ =	swait.ge [sflag:s22], $0x2000  }
0x36f: {  	[sflag:s22] =	ssyncset.done $0x0  }
0x370: {  	s2 =	simm.s32 $0x1C200;
	s17 =	rddreg [dreg:$0x1a];
	[sflag:s22] =	ssyncadd.s32 $0xFFFFE000  }
0x371: {  	[tilespmem:s2], [sflag:$0x6] =	stream.linear.gather [hbm4b:s17+s24], $0x2000, $0x38;
	[tilespmem:$0x1E200] =	vst v63  }
0x372: {  	v2 =	vld.msk [tilespmem:$0x40], $0xff;
	_ =	sdelay $0x4  }
0x373: {  	v3 =	vshll.u32 v2, $0x3  }
0x374: {  	v2 =	vand.u32 $0x7, v2;
	v3 =	vand.u32 $0xFFFFFFC0, v3  }
0x375: {  	v2 =	vor.u32 v2, v3  }
0x376: {  	v2 =	vperm.xlane v2, v0;
	_ =	sdelay $0x1  }
0x377: {  	v2 =	vadd.s32 v1, v2;
	_ =	sdelay $0x4  }
0x378: {  	[tilespmem:s5], [sflag:$0x3] =	stream.indirect_vreg.gather [hbm4b:s1+s24], $0x80, v2, vm0, $0xb8;
	[tilespmem:$0x1E200] =	vst v63  }
0x379: {  	s26 =	simm.s32 $0x10A00  }
0x37a: {  	[tilespmem:s26], [sflag:$0x3] =	stream.indirect_vreg.gather [hbm4b:s30+s24], $0x80, v2, vm0, $0xb8;
	[tilespmem:$0x1E200] =	vst v63  }
0x37b: {  	s2 =	simm.s32 $0x11200  }
0x37c: {  	[tilespmem:s2], [sflag:$0x3] =	stream.indirect_vreg.gather [hbm4b:s6+s24], $0x80, v2, vm0, $0xb8;
	[tilespmem:$0x1E200] =	vst v63  }
0x37d: {  	s5 =	simm.s32 $0x11A00  }
0x37e: {  	[tilespmem:s5], [sflag:$0x3] =	stream.indirect_vreg.gather [hbm4b:s7+s24], $0x80, v2, vm0, $0xb8;
	[tilespmem:$0x1E200] =	vst v63  }
0x37f: {  	v2 =	vld.msk [tilespmem:$0xC0], $0xff;
	_ =	sdelay $0x4  }
0x380: {  	v3 =	vshll.u32 v2, $0x3  }
0x381: {  	v2 =	vand.u32 $0x7, v2;
	v3 =	vand.u32 $0xFFFFFFC0, v3  }
0x382: {  	v2 =	vor.u32 v2, v3  }
0x383: {  	v2 =	vperm.xlane v2, v0;
	_ =	sdelay $0x1  }
0x384: {  	v2 =	vadd.s32 v1, v2;
	_ =	sdelay $0x4  }
0x385: {  	[tilespmem:s9], [sflag:$0x3] =	stream.indirect_vreg.gather [hbm4b:s1+s24], $0x80, v2, vm0, $0xb8;
	[tilespmem:$0x1E200] =	vst v63  }
0x386: {  	s9 =	simm.s32 $0x12A00  }
0x387: {  	[tilespmem:s9], [sflag:$0x3] =	stream.indirect_vreg.gather [hbm4b:s30+s24], $0x80, v2, vm0, $0xb8;
	[tilespmem:$0x1E200] =	vst v63  }
0x388: {  	s17 =	simm.s32 $0x13200  }
0x389: {  	[tilespmem:s17], [sflag:$0x3] =	stream.indirect_vreg.gather [hbm4b:s6+s24], $0x80, v2, vm0, $0xb8;
	[tilespmem:$0x1E200] =	vst v63  }
0x38a: {  	s26 =	simm.s32 $0x13A00  }
0x38b: {  	[tilespmem:s26], [sflag:$0x3] =	stream.indirect_vreg.gather [hbm4b:s7+s24], $0x80, v2, vm0, $0xb8;
	[tilespmem:$0x1E200] =	vst v63  }
0x38c: {  	v2 =	vld.msk [tilespmem:$0x140], $0xff;
	_ =	sdelay $0x4  }
0x38d: {  	v3 =	vshll.u32 v2, $0x3  }
0x38e: {  	v2 =	vand.u32 $0x7, v2;
	v3 =	vand.u32 $0xFFFFFFC0, v3  }
0x38f: {  	v2 =	vor.u32 v2, v3  }
0x390: {  	v2 =	vperm.xlane v2, v0;
	_ =	sdelay $0x1  }
0x391: {  	v2 =	vadd.s32 v1, v2;
	_ =	sdelay $0x4  }
0x392: {  	[tilespmem:s13], [sflag:$0x3] =	stream.indirect_vreg.gather [hbm4b:s1+s24], $0x80, v2, vm0, $0xb8;
	[tilespmem:$0x1E200] =	vst v63  }
0x393: {  	_ = 	snop  }
0x394: {  	[tilespmem:s23], [sflag:$0x3] =	stream.indirect_vreg.gather [hbm4b:s30+s24], $0x80, v2, vm0, $0xb8;
	[tilespmem:$0x1E200] =	vst v63  }
0x395: {  	_ = 	snop  }
0x396: {  	[tilespmem:s15], [sflag:$0x3] =	stream.indirect_vreg.gather [hbm4b:s6+s24], $0x80, v2, vm0, $0xb8;
	[tilespmem:$0x1E200] =	vst v63  }
0x397: {  	s2 =	simm.s32 $0x15A00  }
0x398: {  	[tilespmem:s2], [sflag:$0x3] =	stream.indirect_vreg.gather [hbm4b:s7+s24], $0x80, v2, vm0, $0xb8;
	[tilespmem:$0x1E200] =	vst v63  }
0x399: {  	v2 =	vld.msk [tilespmem:$0x1C0], $0xff;
	_ =	sdelay $0x4  }
0x39a: {  	v3 =	vshll.u32 v2, $0x3  }
0x39b: {  	v2 =	vand.u32 $0x7, v2;
	v3 =	vand.u32 $0xFFFFFFC0, v3  }
0x39c: {  	v2 =	vor.u32 v2, v3  }
0x39d: {  	v2 =	vperm.xlane v2, v0;
	_ =	sdelay $0x1  }
0x39e: {  	v2 =	vadd.s32 v1, v2;
	_ =	sdelay $0x4  }
0x39f: {  	[tilespmem:s4], [sflag:$0x3] =	stream.indirect_vreg.gather [hbm4b:s1+s24], $0x80, v2, vm0, $0xb8;
	[tilespmem:$0x1E200] =	vst v63  }
0x3a0: {  	s4 =	simm.s32 $0x16A00  }
0x3a1: {  	[tilespmem:s4], [sflag:$0x3] =	stream.indirect_vreg.gather [hbm4b:s30+s24], $0x80, v2, vm0, $0xb8;
	[tilespmem:$0x1E200] =	vst v63  }
0x3a2: {  	s5 =	simm.s32 $0x17200  }
0x3a3: {  	[tilespmem:s5], [sflag:$0x3] =	stream.indirect_vreg.gather [hbm4b:s6+s24], $0x80, v2, vm0, $0xb8;
	[tilespmem:$0x1E200] =	vst v63  }
0x3a4: {  	s9 =	simm.s32 $0x17A00  }
0x3a5: {  	[tilespmem:s9], [sflag:$0x3] =	stream.indirect_vreg.gather [hbm4b:s7+s24], $0x80, v2, vm0, $0xb8;
	[tilespmem:$0x1E200] =	vst v63  }
0x3a6: {  	_ =	swait.ge [sflag:s11], $0x2000  }
0x3a7: {  	[sflag:s11] =	ssyncset.done $0x0  }
0x3a8: {  	[sflag:s11] =	ssyncadd.s32 $0xFFFFE000  }
0x3a9: {  	_ =	swait.ge [sflag:s12], $0x2000  }
0x3aa: {  	[sflag:s12] =	ssyncset.done $0x0  }
0x3ab: {  	[sflag:s12] =	ssyncadd.s32 $0xFFFFE000  }
0x3ac: {  	_ =	swait.ge [sflag:s12], $0x2000  }
0x3ad: {  	[sflag:s12] =	ssyncset.done $0x0  }
0x3ae: {  	[sflag:s12] =	ssyncadd.s32 $0xFFFFE000  }
0x3af: {  	_ =	swait.ge [sflag:s12], $0x2000  }
0x3b0: {  	[sflag:s12] =	ssyncset.done $0x0  }
0x3b1: {  	[sflag:s12] =	ssyncadd.s32 $0xFFFFE000  }
0x3b2: {  	s17 =	sand.u32 $0x380, s24;
	s13 =	sand.u32 $0x1C00, s24;
	_ =	swait.ge [sflag:s12], $0x2000  }
0x3b3: {  	s26 =	sand.u32 $0x60, s24;
	s0 =	sor.u32 s17, s13;
	[sflag:s12] =	ssyncset.done $0x0  }
0x3b4: {  	s24 =	sor.u32 s26, s0;
	[sflag:s12] =	ssyncadd.s32 $0xFFFFE000  }
0x3b5: {  	v2 =	vld [tilespmem:s24+$0x18210]  }
0x3b6: {  	v3 =	vld [tilespmem:s24+$0x18200];
	_ =	sdelay $0x3  }
0x3b7: {  	s28 =	simm.s32 $0x20;
	[tilespmem:s24+$0x6210] =	vst.add.f32.msk $0xffff, v2  }
0x3b8: {  	s29 =	simm.s32 $0x100;
	s26 =	simm.s32 $0x0;
	s0 =	simm.s32 $0x4;
	[tilespmem:s24+$0x200] =	vst.add.f32.msk $0xffff, v3  }
.LBB2_14:
0x3b9: {  	s2 =	sand.u32 $0x1C00, s29;
	s5 =	sand.u32 $0x380, s0;
	s26 =	sadd.s32 $0x2, s26;
	[tilespmem:s24+$0x2200] =	vst.add.f32.msk $0xffff, v3  }
0x3ba: {  	s9 =	sand.u32 $0x60, s28;
	s2 =	sor.u32 s5, s2;
	p0 =	slt.u32 s26, $0x1FE;
	[tilespmem:s24+$0x4200] =	vst.add.f32.msk $0xffff, v3  }
0x3bb: {  	s2 =	sor.u32 s9, s2;
	[tilespmem:s24+$0x6200] =	vst.add.f32.msk $0xffff, v3  }
0x3bc: {  	v4 =	vld [tilespmem:s2+$0x18210]  }
0x3bd: {  	v3 =	vld [tilespmem:s2+$0x18200]  }
.Ltmp6:
0x3be: {  	[tilespmem:s24+$0x210] =	vst.add.f32.msk $0xffff, v2;
	(pc) =	sbr.rel @p0 .LBB2_14-.Ltmp6, $4  }
0x3bf: {  	[tilespmem:s24+$0x2210] =	vst.add.f32.msk $0xffff, v2  }
0x3c0: {  	[tilespmem:s24+$0x4210] =	vst.add.f32.msk $0xffff, v2;
	s24 =	smov.u32 s2  }
0x3c1: {  	[tilespmem:s24+$0x6210] =	vst.add.f32.msk $0xffff, v4;
	v2 =	vmov v4  }
0x3c2: {  	s28 =	sadd.s32 $0x20, s28;
	s29 =	sadd.s32 $0x100, s29;
	s0 =	sadd.s32 $0x4, s0;
	[tilespmem:s24+$0x200] =	vst.add.f32.msk $0xffff, v3  }
0x3c3: {  	[tilespmem:s24+$0x2200] =	vst.add.f32.msk $0xffff, v3  }
0x3c4: {  	[tilespmem:s24+$0x4200] =	vst.add.f32.msk $0xffff, v3  }
0x3c5: {  	[tilespmem:s24+$0x6200] =	vst.add.f32.msk $0xffff, v3  }
0x3c6: {  	[tilespmem:s24+$0x210] =	vst.add.f32.msk $0xffff, v2  }
0x3c7: {  	[tilespmem:s24+$0x2210] =	vst.add.f32.msk $0xffff, v2  }
0x3c8: {  	[tilespmem:s24+$0x4210] =	vst.add.f32.msk $0xffff, v2  }
0x3c9: {  	s0 =	rddreg [dreg:$0x17]  }
0x3ca: {  	s24 =	simm.s32 $0x0;
	s5 =	simm.s32 $0x200;
	s26 =	sld [smem:$0x7DC]  }
0x3cb: {  	[hbm4b:s0+s24] =	stream.linear.scatter [tilespmem:s5], [sflag:$0x7], $0x2000, $0x38;
	[tilespmem:$0x1E200] =	vst v63  }
0x3cc: {  	s9 =	simm.s32 $0x2200;
	s2 =	sld [smem:$0x7DD]  }
0x3cd: {  	[hbm4b:s26+s24] =	stream.linear.scatter [tilespmem:s9], [sflag:$0x7], $0x2000, $0x38;
	[tilespmem:$0x1E200] =	vst v63  }
0x3ce: {  	s4 =	sld [smem:$0x7DF]  }
0x3cf: {  	[hbm4b:s2+s24] =	stream.linear.scatter [tilespmem:s21], [sflag:$0x7], $0x2000, $0x38;
	[tilespmem:$0x1E200] =	vst v63  }
0x3d0: {  	_ = 	snop  }
0x3d1: {  	[hbm4b:s4+s24] =	stream.linear.scatter [tilespmem:s25], [sflag:$0x7], $0x2000, $0x38;
	[tilespmem:$0x1E200] =	vst v63  }
0x3d2: {  	_ =	swait.ge [sflag:s14], $0x2000  }
0x3d3: {  	[sflag:s14] =	ssyncset.done $0x0  }
0x3d4: {  	[sflag:s14] =	ssyncadd.s32 $0xFFFFE000  }
0x3d5: {  	_ =	swait.ge [sflag:s14], $0x2000  }
0x3d6: {  	[sflag:s14] =	ssyncset.done $0x0  }
0x3d7: {  	[sflag:s14] =	ssyncadd.s32 $0xFFFFE000  }
0x3d8: {  	_ =	swait.ge [sflag:s14], $0x2000  }
0x3d9: {  	[sflag:s14] =	ssyncset.done $0x0  }
0x3da: {  	[sflag:s14] =	ssyncadd.s32 $0xFFFFE000  }
0x3db: {  	_ =	swait.ge [sflag:s14], $0x2000  }
0x3dc: {  	[sflag:s14] =	ssyncset.done $0x0  }
0x3dd: {  	s2 =	simm.s32 $0x18200;
	s13 =	rddreg [dreg:$0x1c];
	[sflag:s14] =	ssyncadd.s32 $0xFFFFE000  }
0x3de: {  	[tilespmem:s2], [sflag:$0x4] =	stream.linear.gather [hbm4b:s13+s24], $0x2000, $0x38;
	[tilespmem:$0x1E200] =	vst v63  }
0x3df: {  	v2 =	vld.msk [tilespmem:$0x48], $0xff;
	_ =	sdelay $0x4  }
0x3e0: {  	v3 =	vshll.u32 v2, $0x3  }
0x3e1: {  	v2 =	vand.u32 $0x7, v2;
	v3 =	vand.u32 $0xFFFFFFC0, v3  }
0x3e2: {  	v2 =	vor.u32 v2, v3  }
0x3e3: {  	v2 =	vperm.xlane v2, v0;
	_ =	sdelay $0x1  }
0x3e4: {  	v2 =	vadd.s32 v1, v2;
	_ =	sdelay $0x4  }
0x3e5: {  	[tilespmem:s5], [sflag:$0x1] =	stream.indirect_vreg.gather [hbm4b:s1+s24], $0x80, v2, vm0, $0xb8;
	[tilespmem:$0x1E200] =	vst v63  }
0x3e6: {  	s17 =	simm.s32 $0xA00  }
0x3e7: {  	[tilespmem:s17], [sflag:$0x1] =	stream.indirect_vreg.gather [hbm4b:s30+s24], $0x80, v2, vm0, $0xb8;
	[tilespmem:$0x1E200] =	vst v63  }
0x3e8: {  	s26 =	simm.s32 $0x1200  }
0x3e9: {  	[tilespmem:s26], [sflag:$0x1] =	stream.indirect_vreg.gather [hbm4b:s6+s24], $0x80, v2, vm0, $0xb8;
	[tilespmem:$0x1E200] =	vst v63  }
0x3ea: {  	s2 =	simm.s32 $0x1A00  }
0x3eb: {  	[tilespmem:s2], [sflag:$0x1] =	stream.indirect_vreg.gather [hbm4b:s7+s24], $0x80, v2, vm0, $0xb8;
	[tilespmem:$0x1E200] =	vst v63  }
0x3ec: {  	v2 =	vld.msk [tilespmem:$0xC8], $0xff;
	_ =	sdelay $0x4  }
0x3ed: {  	v3 =	vshll.u32 v2, $0x3  }
0x3ee: {  	v2 =	vand.u32 $0x7, v2;
	v3 =	vand.u32 $0xFFFFFFC0, v3  }
0x3ef: {  	v2 =	vor.u32 v2, v3  }
0x3f0: {  	v2 =	vperm.xlane v2, v0;
	_ =	sdelay $0x1  }
0x3f1: {  	v2 =	vadd.s32 v1, v2;
	_ =	sdelay $0x4  }
0x3f2: {  	[tilespmem:s9], [sflag:$0x1] =	stream.indirect_vreg.gather [hbm4b:s1+s24], $0x80, v2, vm0, $0xb8;
	[tilespmem:$0x1E200] =	vst v63  }
0x3f3: {  	s4 =	simm.s32 $0x2A00  }
0x3f4: {  	[tilespmem:s4], [sflag:$0x1] =	stream.indirect_vreg.gather [hbm4b:s30+s24], $0x80, v2, vm0, $0xb8;
	[tilespmem:$0x1E200] =	vst v63  }
0x3f5: {  	s5 =	simm.s32 $0x3200  }
0x3f6: {  	[tilespmem:s5], [sflag:$0x1] =	stream.indirect_vreg.gather [hbm4b:s6+s24], $0x80, v2, vm0, $0xb8;
	[tilespmem:$0x1E200] =	vst v63  }
0x3f7: {  	s9 =	simm.s32 $0x3A00  }
0x3f8: {  	[tilespmem:s9], [sflag:$0x1] =	stream.indirect_vreg.gather [hbm4b:s7+s24], $0x80, v2, vm0, $0xb8;
	[tilespmem:$0x1E200] =	vst v63  }
0x3f9: {  	v2 =	vld.msk [tilespmem:$0x148], $0xff;
	_ =	sdelay $0x4  }
0x3fa: {  	v3 =	vshll.u32 v2, $0x3  }
0x3fb: {  	v2 =	vand.u32 $0x7, v2;
	v3 =	vand.u32 $0xFFFFFFC0, v3  }
0x3fc: {  	v2 =	vor.u32 v2, v3  }
0x3fd: {  	v2 =	vperm.xlane v2, v0;
	_ =	sdelay $0x1  }
0x3fe: {  	v2 =	vadd.s32 v1, v2;
	_ =	sdelay $0x4  }
0x3ff: {  	[tilespmem:s21], [sflag:$0x1] =	stream.indirect_vreg.gather [hbm4b:s1+s24], $0x80, v2, vm0, $0xb8;
	[tilespmem:$0x1E200] =	vst v63  }
0x400: {  	s13 =	simm.s32 $0x4A00  }
0x401: {  	[tilespmem:s13], [sflag:$0x1] =	stream.indirect_vreg.gather [hbm4b:s30+s24], $0x80, v2, vm0, $0xb8;
	[tilespmem:$0x1E200] =	vst v63  }
0x402: {  	s17 =	simm.s32 $0x5200  }
0x403: {  	[tilespmem:s17], [sflag:$0x1] =	stream.indirect_vreg.gather [hbm4b:s6+s24], $0x80, v2, vm0, $0xb8;
	[tilespmem:$0x1E200] =	vst v63  }
0x404: {  	s26 =	simm.s32 $0x5A00  }
0x405: {  	[tilespmem:s26], [sflag:$0x1] =	stream.indirect_vreg.gather [hbm4b:s7+s24], $0x80, v2, vm0, $0xb8;
	[tilespmem:$0x1E200] =	vst v63  }
0x406: {  	v2 =	vld.msk [tilespmem:$0x1C8], $0xff;
	_ =	sdelay $0x4  }
0x407: {  	v3 =	vshll.u32 v2, $0x3  }
0x408: {  	v2 =	vand.u32 $0x7, v2;
	v3 =	vand.u32 $0xFFFFFFC0, v3  }
0x409: {  	v2 =	vor.u32 v2, v3  }
0x40a: {  	v2 =	vperm.xlane v2, v0;
	_ =	sdelay $0x1  }
0x40b: {  	v2 =	vadd.s32 v1, v2;
	_ =	sdelay $0x4  }
0x40c: {  	[tilespmem:s25], [sflag:$0x1] =	stream.indirect_vreg.gather [hbm4b:s1+s24], $0x80, v2, vm0, $0xb8;
	[tilespmem:$0x1E200] =	vst v63  }
0x40d: {  	s2 =	simm.s32 $0x6A00  }
0x40e: {  	[tilespmem:s2], [sflag:$0x1] =	stream.indirect_vreg.gather [hbm4b:s30+s24], $0x80, v2, vm0, $0xb8;
	[tilespmem:$0x1E200] =	vst v63  }
0x40f: {  	s4 =	simm.s32 $0x7200  }
0x410: {  	[tilespmem:s4], [sflag:$0x1] =	stream.indirect_vreg.gather [hbm4b:s6+s24], $0x80, v2, vm0, $0xb8;
	[tilespmem:$0x1E200] =	vst v63  }
0x411: {  	s5 =	simm.s32 $0x7A00;
	s9 =	simm.s32 $0x5  }
0x412: {  	[tilespmem:s5], [sflag:$0x1] =	stream.indirect_vreg.gather [hbm4b:s7+s24], $0x80, v2, vm0, $0xb8;
	[tilespmem:$0x1E200] =	vst v63  }
0x413: {  	_ =	swait.ge [sflag:s9], $0x2000  }
0x414: {  	[sflag:s9] =	ssyncset.done $0x0  }
0x415: {  	[sflag:s9] =	ssyncadd.s32 $0xFFFFE000  }
0x416: {  	_ =	swait.ge [sflag:s16], $0x2000  }
0x417: {  	[sflag:s16] =	ssyncset.done $0x0  }
0x418: {  	[sflag:s16] =	ssyncadd.s32 $0xFFFFE000  }
0x419: {  	_ =	swait.ge [sflag:s16], $0x2000  }
0x41a: {  	[sflag:s16] =	ssyncset.done $0x0  }
0x41b: {  	[sflag:s16] =	ssyncadd.s32 $0xFFFFE000  }
0x41c: {  	_ =	swait.ge [sflag:s16], $0x2000  }
0x41d: {  	[sflag:s16] =	ssyncset.done $0x0  }
0x41e: {  	[sflag:s16] =	ssyncadd.s32 $0xFFFFE000  }
0x41f: {  	s13 =	sand.u32 $0x1C00, s24;
	s17 =	sand.u32 $0x380, s24;
	_ =	swait.ge [sflag:s16], $0x2000  }
0x420: {  	s0 =	sor.u32 s17, s13;
	s26 =	sand.u32 $0x60, s24;
	[sflag:s16] =	ssyncset.done $0x0  }
0x421: {  	s24 =	sor.u32 s26, s0;
	[sflag:s16] =	ssyncadd.s32 $0xFFFFE000  }
0x422: {  	v2 =	vld [tilespmem:s24+$0x1A210]  }
0x423: {  	v3 =	vld [tilespmem:s24+$0x1A200];
	_ =	sdelay $0x3  }
0x424: {  	s28 =	simm.s32 $0x20;
	[tilespmem:s24+$0xE210] =	vst.add.f32.msk $0xffff, v2  }
0x425: {  	s29 =	simm.s32 $0x100;
	s26 =	simm.s32 $0x0;
	s0 =	simm.s32 $0x4;
	[tilespmem:s24+$0x8200] =	vst.add.f32.msk $0xffff, v3  }
.LBB2_16:
0x426: {  	s2 =	sand.u32 $0x1C00, s29;
	s5 =	sand.u32 $0x380, s0;
	s26 =	sadd.s32 $0x2, s26;
	[tilespmem:s24+$0xA200] =	vst.add.f32.msk $0xffff, v3  }
0x427: {  	s9 =	sand.u32 $0x60, s28;
	s2 =	sor.u32 s5, s2;
	p0 =	slt.u32 s26, $0x1FE;
	[tilespmem:s24+$0xC200] =	vst.add.f32.msk $0xffff, v3  }
0x428: {  	s2 =	sor.u32 s9, s2;
	[tilespmem:s24+$0xE200] =	vst.add.f32.msk $0xffff, v3  }
0x429: {  	v4 =	vld [tilespmem:s2+$0x1A210]  }
0x42a: {  	v3 =	vld [tilespmem:s2+$0x1A200]  }
.Ltmp7:
0x42b: {  	[tilespmem:s24+$0x8210] =	vst.add.f32.msk $0xffff, v2;
	(pc) =	sbr.rel @p0 .LBB2_16-.Ltmp7, $4  }
0x42c: {  	[tilespmem:s24+$0xA210] =	vst.add.f32.msk $0xffff, v2  }
0x42d: {  	[tilespmem:s24+$0xC210] =	vst.add.f32.msk $0xffff, v2;
	s24 =	smov.u32 s2  }
0x42e: {  	[tilespmem:s24+$0xE210] =	vst.add.f32.msk $0xffff, v4;
	v2 =	vmov v4  }
0x42f: {  	s28 =	sadd.s32 $0x20, s28;
	s29 =	sadd.s32 $0x100, s29;
	s0 =	sadd.s32 $0x4, s0;
	[tilespmem:s24+$0x8200] =	vst.add.f32.msk $0xffff, v3  }
0x430: {  	[tilespmem:s24+$0xA200] =	vst.add.f32.msk $0xffff, v3  }
0x431: {  	[tilespmem:s24+$0xC200] =	vst.add.f32.msk $0xffff, v3  }
0x432: {  	[tilespmem:s24+$0xE200] =	vst.add.f32.msk $0xffff, v3  }
0x433: {  	[tilespmem:s24+$0x8210] =	vst.add.f32.msk $0xffff, v2  }
0x434: {  	[tilespmem:s24+$0xA210] =	vst.add.f32.msk $0xffff, v2  }
0x435: {  	[tilespmem:s24+$0xC210] =	vst.add.f32.msk $0xffff, v2  }
0x436: {  	s0 =	rddreg [dreg:$0x19]  }
0x437: {  	s24 =	simm.s32 $0x0;
	s5 =	simm.s32 $0x8200;
	s17 =	sld [smem:$0x7E1]  }
0x438: {  	[hbm4b:s0+s24] =	stream.linear.scatter [tilespmem:s5], [sflag:$0x8], $0x2000, $0x38;
	[tilespmem:$0x1E200] =	vst v63  }
0x439: {  	s9 =	simm.s32 $0xA200;
	s26 =	sld [smem:$0x7E0]  }
0x43a: {  	[hbm4b:s17+s24] =	stream.linear.scatter [tilespmem:s9], [sflag:$0x8], $0x2000, $0x38;
	[tilespmem:$0x1E200] =	vst v63  }
0x43b: {  	s13 =	simm.s32 $0xC200;
	s2 =	sld [smem:$0x7E2]  }
0x43c: {  	[hbm4b:s26+s24] =	stream.linear.scatter [tilespmem:s13], [sflag:$0x8], $0x2000, $0x38;
	[tilespmem:$0x1E200] =	vst v63  }
0x43d: {  	s17 =	simm.s32 $0xE200  }
0x43e: {  	[hbm4b:s2+s24] =	stream.linear.scatter [tilespmem:s17], [sflag:$0x8], $0x2000, $0x38;
	[tilespmem:$0x1E200] =	vst v63  }
0x43f: {  	_ =	swait.ge [sflag:s18], $0x2000  }
0x440: {  	[sflag:s18] =	ssyncset.done $0x0  }
0x441: {  	[sflag:s18] =	ssyncadd.s32 $0xFFFFE000  }
0x442: {  	_ =	swait.ge [sflag:s18], $0x2000  }
0x443: {  	[sflag:s18] =	ssyncset.done $0x0  }
0x444: {  	[sflag:s18] =	ssyncadd.s32 $0xFFFFE000  }
0x445: {  	_ =	swait.ge [sflag:s18], $0x2000  }
0x446: {  	[sflag:s18] =	ssyncset.done $0x0  }
0x447: {  	[sflag:s18] =	ssyncadd.s32 $0xFFFFE000  }
0x448: {  	_ =	swait.ge [sflag:s18], $0x2000  }
0x449: {  	[sflag:s18] =	ssyncset.done $0x0  }
0x44a: {  	s2 =	simm.s32 $0x1A200;
	s4 =	rddreg [dreg:$0x1e];
	[sflag:s18] =	ssyncadd.s32 $0xFFFFE000  }
0x44b: {  	[tilespmem:s2], [sflag:$0x5] =	stream.linear.gather [hbm4b:s4+s24], $0x2000, $0x38;
	[tilespmem:$0x1E200] =	vst v63  }
0x44c: {  	v2 =	vld.msk [tilespmem:$0x50], $0xff;
	_ =	sdelay $0x4  }
0x44d: {  	v3 =	vshll.u32 v2, $0x3  }
0x44e: {  	v2 =	vand.u32 $0x7, v2;
	v3 =	vand.u32 $0xFFFFFFC0, v3  }
0x44f: {  	v2 =	vor.u32 v2, v3  }
0x450: {  	v2 =	vperm.xlane v2, v0;
	_ =	sdelay $0x1  }
0x451: {  	v2 =	vadd.s32 v1, v2;
	_ =	sdelay $0x4  }
0x452: {  	[tilespmem:s5], [sflag:$0x2] =	stream.indirect_vreg.gather [hbm4b:s1+s24], $0x80, v2, vm0, $0xb8;
	[tilespmem:$0x1E200] =	vst v63  }
0x453: {  	_ = 	snop  }
0x454: {  	[tilespmem:s31], [sflag:$0x2] =	stream.indirect_vreg.gather [hbm4b:s30+s24], $0x80, v2, vm0, $0xb8;
	[tilespmem:$0x1E200] =	vst v63  }
0x455: {  	s26 =	simm.s32 $0x9200  }
0x456: {  	[tilespmem:s26], [sflag:$0x2] =	stream.indirect_vreg.gather [hbm4b:s6+s24], $0x80, v2, vm0, $0xb8;
	[tilespmem:$0x1E200] =	vst v63  }
0x457: {  	s31 =	simm.s32 $0x9A00  }
0x458: {  	[tilespmem:s31], [sflag:$0x2] =	stream.indirect_vreg.gather [hbm4b:s7+s24], $0x80, v2, vm0, $0xb8;
	[tilespmem:$0x1E200] =	vst v63  }
0x459: {  	v2 =	vld.msk [tilespmem:$0xD0], $0xff;
	_ =	sdelay $0x4  }
0x45a: {  	v3 =	vshll.u32 v2, $0x3  }
0x45b: {  	v2 =	vand.u32 $0x7, v2;
	v3 =	vand.u32 $0xFFFFFFC0, v3  }
0x45c: {  	v2 =	vor.u32 v2, v3  }
0x45d: {  	v2 =	vperm.xlane v2, v0;
	_ =	sdelay $0x1  }
0x45e: {  	v2 =	vadd.s32 v1, v2;
	_ =	sdelay $0x4  }
0x45f: {  	[tilespmem:s9], [sflag:$0x2] =	stream.indirect_vreg.gather [hbm4b:s1+s24], $0x80, v2, vm0, $0xb8;
	[tilespmem:$0x1E200] =	vst v63  }
0x460: {  	_ = 	snop  }
0x461: {  	[tilespmem:s10], [sflag:$0x2] =	stream.indirect_vreg.gather [hbm4b:s30+s24], $0x80, v2, vm0, $0xb8;
	[tilespmem:$0x1E200] =	vst v63  }
0x462: {  	_ = 	snop  }
0x463: {  	[tilespmem:s8], [sflag:$0x2] =	stream.indirect_vreg.gather [hbm4b:s6+s24], $0x80, v2, vm0, $0xb8;
	[tilespmem:$0x1E200] =	vst v63  }
0x464: {  	s2 =	simm.s32 $0xBA00  }
0x465: {  	[tilespmem:s2], [sflag:$0x2] =	stream.indirect_vreg.gather [hbm4b:s7+s24], $0x80, v2, vm0, $0xb8;
	[tilespmem:$0x1E200] =	vst v63  }
0x466: {  	v2 =	vld.msk [tilespmem:$0x150], $0xff;
	_ =	sdelay $0x4  }
0x467: {  	v3 =	vshll.u32 v2, $0x3  }
0x468: {  	v2 =	vand.u32 $0x7, v2;
	v3 =	vand.u32 $0xFFFFFFC0, v3  }
0x469: {  	v2 =	vor.u32 v2, v3  }
0x46a: {  	v2 =	vperm.xlane v2, v0;
	_ =	sdelay $0x1  }
0x46b: {  	v2 =	vadd.s32 v1, v2;
	_ =	sdelay $0x4  }
0x46c: {  	[tilespmem:s13], [sflag:$0x2] =	stream.indirect_vreg.gather [hbm4b:s1+s24], $0x80, v2, vm0, $0xb8;
	[tilespmem:$0x1E200] =	vst v63  }
0x46d: {  	s4 =	simm.s32 $0xCA00  }
0x46e: {  	[tilespmem:s4], [sflag:$0x2] =	stream.indirect_vreg.gather [hbm4b:s30+s24], $0x80, v2, vm0, $0xb8;
	[tilespmem:$0x1E200] =	vst v63  }
0x46f: {  	s5 =	simm.s32 $0xD200  }
0x470: {  	[tilespmem:s5], [sflag:$0x2] =	stream.indirect_vreg.gather [hbm4b:s6+s24], $0x80, v2, vm0, $0xb8;
	[tilespmem:$0x1E200] =	vst v63  }
0x471: {  	s8 =	simm.s32 $0xDA00  }
0x472: {  	[tilespmem:s8], [sflag:$0x2] =	stream.indirect_vreg.gather [hbm4b:s7+s24], $0x80, v2, vm0, $0xb8;
	[tilespmem:$0x1E200] =	vst v63  }
0x473: {  	v2 =	vld.msk [tilespmem:$0x1D0], $0xff;
	_ =	sdelay $0x4  }
0x474: {  	v3 =	vshll.u32 v2, $0x3  }
0x475: {  	v2 =	vand.u32 $0x7, v2;
	v3 =	vand.u32 $0xFFFFFFC0, v3  }
0x476: {  	v2 =	vor.u32 v2, v3  }
0x477: {  	v2 =	vperm.xlane v2, v0;
	_ =	sdelay $0x1  }
0x478: {  	v2 =	vadd.s32 v1, v2;
	_ =	sdelay $0x4  }
0x479: {  	[tilespmem:s17], [sflag:$0x2] =	stream.indirect_vreg.gather [hbm4b:s1+s24], $0x80, v2, vm0, $0xb8;
	[tilespmem:$0x1E200] =	vst v63  }
0x47a: {  	s9 =	simm.s32 $0xEA00  }
0x47b: {  	[tilespmem:s9], [sflag:$0x2] =	stream.indirect_vreg.gather [hbm4b:s30+s24], $0x80, v2, vm0, $0xb8;
	[tilespmem:$0x1E200] =	vst v63  }
0x47c: {  	s10 =	simm.s32 $0xF200  }
0x47d: {  	[tilespmem:s10], [sflag:$0x2] =	stream.indirect_vreg.gather [hbm4b:s6+s24], $0x80, v2, vm0, $0xb8;
	[tilespmem:$0x1E200] =	vst v63  }
0x47e: {  	s13 =	simm.s32 $0xFA00  }
0x47f: {  	[tilespmem:s13], [sflag:$0x2] =	stream.indirect_vreg.gather [hbm4b:s7+s24], $0x80, v2, vm0, $0xb8;
	[tilespmem:$0x1E200] =	vst v63  }
0x480: {  	_ =	swait.ge [sflag:s19], $0x2000  }
0x481: {  	[sflag:s19] =	ssyncset.done $0x0  }
0x482: {  	[sflag:s19] =	ssyncadd.s32 $0xFFFFE000  }
0x483: {  	_ =	swait.ge [sflag:s20], $0x2000  }
0x484: {  	[sflag:s20] =	ssyncset.done $0x0  }
0x485: {  	[sflag:s20] =	ssyncadd.s32 $0xFFFFE000  }
0x486: {  	_ =	swait.ge [sflag:s20], $0x2000  }
0x487: {  	[sflag:s20] =	ssyncset.done $0x0  }
0x488: {  	[sflag:s20] =	ssyncadd.s32 $0xFFFFE000  }
0x489: {  	_ =	swait.ge [sflag:s20], $0x2000  }
0x48a: {  	[sflag:s20] =	ssyncset.done $0x0  }
0x48b: {  	[sflag:s20] =	ssyncadd.s32 $0xFFFFE000  }
0x48c: {  	s26 =	sand.u32 $0x380, s24;
	s17 =	sand.u32 $0x1C00, s24;
	_ =	swait.ge [sflag:s20], $0x2000  }
0x48d: {  	s31 =	sand.u32 $0x60, s24;
	s0 =	sor.u32 s26, s17;
	[sflag:s20] =	ssyncset.done $0x0  }
0x48e: {  	s24 =	sor.u32 s31, s0;
	[sflag:s20] =	ssyncadd.s32 $0xFFFFE000  }
0x48f: {  	v2 =	vld [tilespmem:s24+$0x1C210]  }
0x490: {  	v3 =	vld [tilespmem:s24+$0x1C200];
	_ =	sdelay $0x3  }
0x491: {  	s28 =	simm.s32 $0x20;
	[tilespmem:s24+$0x16210] =	vst.add.f32.msk $0xffff, v2  }
0x492: {  	s29 =	simm.s32 $0x100;
	s26 =	simm.s32 $0x0;
	s0 =	simm.s32 $0x4;
	[tilespmem:s24+$0x10200] =	vst.add.f32.msk $0xffff, v3  }
.LBB2_18:
0x493: {  	s2 =	sand.u32 $0x1C00, s29;
	s5 =	sand.u32 $0x380, s0;
	s26 =	sadd.s32 $0x2, s26;
	[tilespmem:s24+$0x12200] =	vst.add.f32.msk $0xffff, v3  }
0x494: {  	s9 =	sand.u32 $0x60, s28;
	s2 =	sor.u32 s5, s2;
	p0 =	slt.u32 s26, $0x1FE;
	[tilespmem:s24+$0x14200] =	vst.add.f32.msk $0xffff, v3  }
0x495: {  	s2 =	sor.u32 s9, s2;
	[tilespmem:s24+$0x16200] =	vst.add.f32.msk $0xffff, v3  }
0x496: {  	v4 =	vld [tilespmem:s2+$0x1C210]  }
0x497: {  	v3 =	vld [tilespmem:s2+$0x1C200]  }
.Ltmp8:
0x498: {  	[tilespmem:s24+$0x10210] =	vst.add.f32.msk $0xffff, v2;
	(pc) =	sbr.rel @p0 .LBB2_18-.Ltmp8, $4  }
0x499: {  	[tilespmem:s24+$0x12210] =	vst.add.f32.msk $0xffff, v2  }
0x49a: {  	[tilespmem:s24+$0x14210] =	vst.add.f32.msk $0xffff, v2;
	s24 =	smov.u32 s2  }
0x49b: {  	[tilespmem:s24+$0x16210] =	vst.add.f32.msk $0xffff, v4;
	v2 =	vmov v4  }
0x49c: {  	s28 =	sadd.s32 $0x20, s28;
	s29 =	sadd.s32 $0x100, s29;
	s0 =	sadd.s32 $0x4, s0;
	[tilespmem:s24+$0x10200] =	vst.add.f32.msk $0xffff, v3  }
0x49d: {  	[tilespmem:s24+$0x12200] =	vst.add.f32.msk $0xffff, v3  }
0x49e: {  	[tilespmem:s24+$0x14200] =	vst.add.f32.msk $0xffff, v3  }
0x49f: {  	[tilespmem:s24+$0x16200] =	vst.add.f32.msk $0xffff, v3  }
0x4a0: {  	[tilespmem:s24+$0x10210] =	vst.add.f32.msk $0xffff, v2  }
0x4a1: {  	[tilespmem:s24+$0x12210] =	vst.add.f32.msk $0xffff, v2  }
0x4a2: {  	[tilespmem:s24+$0x14210] =	vst.add.f32.msk $0xffff, v2  }
0x4a3: {  	s0 =	rddreg [dreg:$0x1b]  }
0x4a4: {  	s24 =	simm.s32 $0x0;
	s4 =	simm.s32 $0x10200;
	s8 =	sld [smem:$0x7E3]  }
0x4a5: {  	[hbm4b:s0+s24] =	stream.linear.scatter [tilespmem:s4], [sflag:$0x9], $0x2000, $0x38;
	[tilespmem:$0x1E200] =	vst v63  }
0x4a6: {  	s5 =	simm.s32 $0x12200;
	s9 =	sld [smem:$0x7E4]  }
0x4a7: {  	[hbm4b:s8+s24] =	stream.linear.scatter [tilespmem:s5], [sflag:$0x9], $0x2000, $0x38;
	[tilespmem:$0x1E200] =	vst v63  }
0x4a8: {  	s10 =	sld [smem:$0x7E5];
	s8 =	simm.s32 $0x14200  }
0x4a9: {  	[hbm4b:s9+s24] =	stream.linear.scatter [tilespmem:s8], [sflag:$0x9], $0x2000, $0x38;
	[tilespmem:$0x1E200] =	vst v63  }
0x4aa: {  	s9 =	simm.s32 $0x16200  }
0x4ab: {  	[hbm4b:s10+s24] =	stream.linear.scatter [tilespmem:s9], [sflag:$0x9], $0x2000, $0x38;
	[tilespmem:$0x1E200] =	vst v63  }
0x4ac: {  	_ =	swait.ge [sflag:s22], $0x2000  }
0x4ad: {  	[sflag:s22] =	ssyncset.done $0x0  }
0x4ae: {  	[sflag:s22] =	ssyncadd.s32 $0xFFFFE000  }
0x4af: {  	_ =	swait.ge [sflag:s22], $0x2000  }
0x4b0: {  	[sflag:s22] =	ssyncset.done $0x0  }
0x4b1: {  	[sflag:s22] =	ssyncadd.s32 $0xFFFFE000  }
0x4b2: {  	_ =	swait.ge [sflag:s22], $0x2000  }
0x4b3: {  	[sflag:s22] =	ssyncset.done $0x0  }
0x4b4: {  	[sflag:s22] =	ssyncadd.s32 $0xFFFFE000  }
0x4b5: {  	_ =	swait.ge [sflag:s22], $0x2000  }
0x4b6: {  	s13 =	sld [smem:$0x7C4]  }
0x4b7: {  	[sflag:s22] =	ssyncset.done $0x0  }
0x4b8: {  	s2 =	simm.s32 $0x1C200;
	[sflag:s22] =	ssyncadd.s32 $0xFFFFE000  }
0x4b9: {  	[tilespmem:s2], [sflag:$0x6] =	stream.linear.gather [hbm4b:s13+s24], $0x2000, $0x38;
	[tilespmem:$0x1E200] =	vst v63  }
0x4ba: {  	v2 =	vld.msk [tilespmem:$0x58], $0xff;
	_ =	sdelay $0x4  }
0x4bb: {  	v3 =	vshll.u32 v2, $0x3  }
0x4bc: {  	v2 =	vand.u32 $0x7, v2;
	v3 =	vand.u32 $0xFFFFFFC0, v3  }
0x4bd: {  	v2 =	vor.u32 v2, v3  }
0x4be: {  	v2 =	vperm.xlane v2, v0;
	_ =	sdelay $0x1  }
0x4bf: {  	v2 =	vadd.s32 v1, v2;
	_ =	sdelay $0x4  }
0x4c0: {  	[tilespmem:s4], [sflag:$0x3] =	stream.indirect_vreg.gather [hbm4b:s1+s24], $0x80, v2, vm0, $0xb8;
	[tilespmem:$0x1E200] =	vst v63  }
0x4c1: {  	s17 =	simm.s32 $0x10A00  }
0x4c2: {  	[tilespmem:s17], [sflag:$0x3] =	stream.indirect_vreg.gather [hbm4b:s30+s24], $0x80, v2, vm0, $0xb8;
	[tilespmem:$0x1E200] =	vst v63  }
0x4c3: {  	s26 =	simm.s32 $0x11200  }
0x4c4: {  	[tilespmem:s26], [sflag:$0x3] =	stream.indirect_vreg.gather [hbm4b:s6+s24], $0x80, v2, vm0, $0xb8;
	[tilespmem:$0x1E200] =	vst v63  }
0x4c5: {  	s31 =	simm.s32 $0x11A00  }
0x4c6: {  	[tilespmem:s31], [sflag:$0x3] =	stream.indirect_vreg.gather [hbm4b:s7+s24], $0x80, v2, vm0, $0xb8;
	[tilespmem:$0x1E200] =	vst v63  }
0x4c7: {  	v2 =	vld.msk [tilespmem:$0xD8], $0xff;
	_ =	sdelay $0x4  }
0x4c8: {  	v3 =	vshll.u32 v2, $0x3  }
0x4c9: {  	v2 =	vand.u32 $0x7, v2;
	v3 =	vand.u32 $0xFFFFFFC0, v3  }
0x4ca: {  	v2 =	vor.u32 v2, v3  }
0x4cb: {  	v2 =	vperm.xlane v2, v0;
	_ =	sdelay $0x1  }
0x4cc: {  	v2 =	vadd.s32 v1, v2;
	_ =	sdelay $0x4  }
0x4cd: {  	[tilespmem:s5], [sflag:$0x3] =	stream.indirect_vreg.gather [hbm4b:s1+s24], $0x80, v2, vm0, $0xb8;
	[tilespmem:$0x1E200] =	vst v63  }
0x4ce: {  	s2 =	simm.s32 $0x12A00  }
0x4cf: {  	[tilespmem:s2], [sflag:$0x3] =	stream.indirect_vreg.gather [hbm4b:s30+s24], $0x80, v2, vm0, $0xb8;
	[tilespmem:$0x1E200] =	vst v63  }
0x4d0: {  	s4 =	simm.s32 $0x13200  }
0x4d1: {  	[tilespmem:s4], [sflag:$0x3] =	stream.indirect_vreg.gather [hbm4b:s6+s24], $0x80, v2, vm0, $0xb8;
	[tilespmem:$0x1E200] =	vst v63  }
0x4d2: {  	s5 =	simm.s32 $0x13A00  }
0x4d3: {  	[tilespmem:s5], [sflag:$0x3] =	stream.indirect_vreg.gather [hbm4b:s7+s24], $0x80, v2, vm0, $0xb8;
	[tilespmem:$0x1E200] =	vst v63  }
0x4d4: {  	v2 =	vld.msk [tilespmem:$0x158], $0xff;
	_ =	sdelay $0x4  }
0x4d5: {  	v3 =	vshll.u32 v2, $0x3  }
0x4d6: {  	v2 =	vand.u32 $0x7, v2;
	v3 =	vand.u32 $0xFFFFFFC0, v3  }
0x4d7: {  	v2 =	vor.u32 v2, v3  }
0x4d8: {  	v2 =	vperm.xlane v2, v0;
	_ =	sdelay $0x1  }
0x4d9: {  	v2 =	vadd.s32 v1, v2;
	_ =	sdelay $0x4  }
0x4da: {  	[tilespmem:s8], [sflag:$0x3] =	stream.indirect_vreg.gather [hbm4b:s1+s24], $0x80, v2, vm0, $0xb8;
	[tilespmem:$0x1E200] =	vst v63  }
0x4db: {  	_ = 	snop  }
0x4dc: {  	[tilespmem:s23], [sflag:$0x3] =	stream.indirect_vreg.gather [hbm4b:s30+s24], $0x80, v2, vm0, $0xb8;
	[tilespmem:$0x1E200] =	vst v63  }
0x4dd: {  	_ = 	snop  }
0x4de: {  	[tilespmem:s15], [sflag:$0x3] =	stream.indirect_vreg.gather [hbm4b:s6+s24], $0x80, v2, vm0, $0xb8;
	[tilespmem:$0x1E200] =	vst v63  }
0x4df: {  	s10 =	simm.s32 $0x15A00  }
0x4e0: {  	[tilespmem:s10], [sflag:$0x3] =	stream.indirect_vreg.gather [hbm4b:s7+s24], $0x80, v2, vm0, $0xb8;
	[tilespmem:$0x1E200] =	vst v63  }
0x4e1: {  	v2 =	vld.msk [tilespmem:$0x1D8], $0xff;
	_ =	sdelay $0x4  }
0x4e2: {  	v3 =	vshll.u32 v2, $0x3  }
0x4e3: {  	v2 =	vand.u32 $0x7, v2;
	v3 =	vand.u32 $0xFFFFFFC0, v3  }
0x4e4: {  	v2 =	vor.u32 v2, v3  }
0x4e5: {  	v2 =	vperm.xlane v2, v0;
	_ =	sdelay $0x1  }
0x4e6: {  	v2 =	vadd.s32 v1, v2;
	_ =	sdelay $0x4  }
0x4e7: {  	[tilespmem:s9], [sflag:$0x3] =	stream.indirect_vreg.gather [hbm4b:s1+s24], $0x80, v2, vm0, $0xb8;
	[tilespmem:$0x1E200] =	vst v63  }
0x4e8: {  	s13 =	simm.s32 $0x16A00  }
0x4e9: {  	[tilespmem:s13], [sflag:$0x3] =	stream.indirect_vreg.gather [hbm4b:s30+s24], $0x80, v2, vm0, $0xb8;
	[tilespmem:$0x1E200] =	vst v63  }
0x4ea: {  	s15 =	simm.s32 $0x17200  }
0x4eb: {  	[tilespmem:s15], [sflag:$0x3] =	stream.indirect_vreg.gather [hbm4b:s6+s24], $0x80, v2, vm0, $0xb8;
	[tilespmem:$0x1E200] =	vst v63  }
0x4ec: {  	s17 =	simm.s32 $0x17A00  }
0x4ed: {  	[tilespmem:s17], [sflag:$0x3] =	stream.indirect_vreg.gather [hbm4b:s7+s24], $0x80, v2, vm0, $0xb8;
	[tilespmem:$0x1E200] =	vst v63  }
0x4ee: {  	_ =	swait.ge [sflag:s11], $0x2000  }
0x4ef: {  	[sflag:s11] =	ssyncset.done $0x0  }
0x4f0: {  	[sflag:s11] =	ssyncadd.s32 $0xFFFFE000  }
0x4f1: {  	_ =	swait.ge [sflag:s12], $0x2000  }
0x4f2: {  	[sflag:s12] =	ssyncset.done $0x0  }
0x4f3: {  	[sflag:s12] =	ssyncadd.s32 $0xFFFFE000  }
0x4f4: {  	_ =	swait.ge [sflag:s12], $0x2000  }
0x4f5: {  	[sflag:s12] =	ssyncset.done $0x0  }
0x4f6: {  	[sflag:s12] =	ssyncadd.s32 $0xFFFFE000  }
0x4f7: {  	_ =	swait.ge [sflag:s12], $0x2000  }
0x4f8: {  	[sflag:s12] =	ssyncset.done $0x0  }
0x4f9: {  	[sflag:s12] =	ssyncadd.s32 $0xFFFFE000  }
0x4fa: {  	s26 =	sand.u32 $0x380, s24;
	s23 =	sand.u32 $0x1C00, s24;
	_ =	swait.ge [sflag:s12], $0x2000  }
0x4fb: {  	s31 =	sand.u32 $0x60, s24;
	s0 =	sor.u32 s26, s23;
	[sflag:s12] =	ssyncset.done $0x0  }
0x4fc: {  	s24 =	sor.u32 s31, s0;
	[sflag:s12] =	ssyncadd.s32 $0xFFFFE000  }
0x4fd: {  	v2 =	vld [tilespmem:s24+$0x18210]  }
0x4fe: {  	v3 =	vld [tilespmem:s24+$0x18200];
	_ =	sdelay $0x3  }
0x4ff: {  	s28 =	simm.s32 $0x20;
	[tilespmem:s24+$0x6210] =	vst.add.f32.msk $0xffff, v2  }
0x500: {  	s29 =	simm.s32 $0x100;
	s26 =	simm.s32 $0x0;
	s0 =	simm.s32 $0x4;
	[tilespmem:s24+$0x200] =	vst.add.f32.msk $0xffff, v3  }
.LBB2_20:
0x501: {  	s2 =	sand.u32 $0x1C00, s29;
	s5 =	sand.u32 $0x380, s0;
	s26 =	sadd.s32 $0x2, s26;
	[tilespmem:s24+$0x2200] =	vst.add.f32.msk $0xffff, v3  }
0x502: {  	s9 =	sand.u32 $0x60, s28;
	s2 =	sor.u32 s5, s2;
	p0 =	slt.u32 s26, $0x1FE;
	[tilespmem:s24+$0x4200] =	vst.add.f32.msk $0xffff, v3  }
0x503: {  	s2 =	sor.u32 s9, s2;
	[tilespmem:s24+$0x6200] =	vst.add.f32.msk $0xffff, v3  }
0x504: {  	v4 =	vld [tilespmem:s2+$0x18210]  }
0x505: {  	v3 =	vld [tilespmem:s2+$0x18200]  }
.Ltmp9:
0x506: {  	[tilespmem:s24+$0x210] =	vst.add.f32.msk $0xffff, v2;
	(pc) =	sbr.rel @p0 .LBB2_20-.Ltmp9, $4  }
0x507: {  	[tilespmem:s24+$0x2210] =	vst.add.f32.msk $0xffff, v2  }
0x508: {  	[tilespmem:s24+$0x4210] =	vst.add.f32.msk $0xffff, v2;
	s24 =	smov.u32 s2  }
0x509: {  	[tilespmem:s24+$0x6210] =	vst.add.f32.msk $0xffff, v4;
	v2 =	vmov v4  }
0x50a: {  	s28 =	sadd.s32 $0x20, s28;
	s29 =	sadd.s32 $0x100, s29;
	s0 =	sadd.s32 $0x4, s0;
	[tilespmem:s24+$0x200] =	vst.add.f32.msk $0xffff, v3  }
0x50b: {  	[tilespmem:s24+$0x2200] =	vst.add.f32.msk $0xffff, v3  }
0x50c: {  	[tilespmem:s24+$0x4200] =	vst.add.f32.msk $0xffff, v3  }
0x50d: {  	[tilespmem:s24+$0x6200] =	vst.add.f32.msk $0xffff, v3  }
0x50e: {  	[tilespmem:s24+$0x210] =	vst.add.f32.msk $0xffff, v2  }
0x50f: {  	[tilespmem:s24+$0x2210] =	vst.add.f32.msk $0xffff, v2  }
0x510: {  	[tilespmem:s24+$0x4210] =	vst.add.f32.msk $0xffff, v2  }
0x511: {  	s0 =	rddreg [dreg:$0x1d]  }
0x512: {  	s24 =	simm.s32 $0x0;
	s5 =	simm.s32 $0x200;
	s2 =	sld [smem:$0x7E6]  }
0x513: {  	[hbm4b:s0+s24] =	stream.linear.scatter [tilespmem:s5], [sflag:$0x7], $0x2000, $0x38;
	[tilespmem:$0x1E200] =	vst v63  }
0x514: {  	s9 =	simm.s32 $0x2200;
	s10 =	sld [smem:$0x7E8]  }
0x515: {  	[hbm4b:s2+s24] =	stream.linear.scatter [tilespmem:s9], [sflag:$0x7], $0x2000, $0x38;
	[tilespmem:$0x1E200] =	vst v63  }
0x516: {  	s13 =	sld [smem:$0x7E9]  }
0x517: {  	[hbm4b:s10+s24] =	stream.linear.scatter [tilespmem:s21], [sflag:$0x7], $0x2000, $0x38;
	[tilespmem:$0x1E200] =	vst v63  }
0x518: {  	_ = 	snop  }
0x519: {  	[hbm4b:s13+s24] =	stream.linear.scatter [tilespmem:s25], [sflag:$0x7], $0x2000, $0x38;
	[tilespmem:$0x1E200] =	vst v63  }
0x51a: {  	_ =	swait.ge [sflag:s14], $0x2000  }
0x51b: {  	[sflag:s14] =	ssyncset.done $0x0  }
0x51c: {  	[sflag:s14] =	ssyncadd.s32 $0xFFFFE000  }
0x51d: {  	_ =	swait.ge [sflag:s14], $0x2000  }
0x51e: {  	[sflag:s14] =	ssyncset.done $0x0  }
0x51f: {  	[sflag:s14] =	ssyncadd.s32 $0xFFFFE000  }
0x520: {  	_ =	swait.ge [sflag:s14], $0x2000  }
0x521: {  	[sflag:s14] =	ssyncset.done $0x0  }
0x522: {  	[sflag:s14] =	ssyncadd.s32 $0xFFFFE000  }
0x523: {  	_ =	swait.ge [sflag:s14], $0x2000  }
0x524: {  	s15 =	sld [smem:$0x7CB]  }
0x525: {  	[sflag:s14] =	ssyncset.done $0x0  }
0x526: {  	s2 =	simm.s32 $0x18200;
	[sflag:s14] =	ssyncadd.s32 $0xFFFFE000  }
0x527: {  	[tilespmem:s2], [sflag:$0x4] =	stream.linear.gather [hbm4b:s15+s24], $0x2000, $0x38;
	[tilespmem:$0x1E200] =	vst v63  }
0x528: {  	v2 =	vld.msk [tilespmem:$0x60], $0xff;
	_ =	sdelay $0x4  }
0x529: {  	v3 =	vshll.u32 v2, $0x3  }
0x52a: {  	v2 =	vand.u32 $0x7, v2;
	v3 =	vand.u32 $0xFFFFFFC0, v3  }
0x52b: {  	v2 =	vor.u32 v2, v3  }
0x52c: {  	v2 =	vperm.xlane v2, v0;
	_ =	sdelay $0x1  }
0x52d: {  	v2 =	vadd.s32 v1, v2;
	_ =	sdelay $0x4  }
0x52e: {  	[tilespmem:s5], [sflag:$0x1] =	stream.indirect_vreg.gather [hbm4b:s1+s24], $0x80, v2, vm0, $0xb8;
	[tilespmem:$0x1E200] =	vst v63  }
0x52f: {  	s17 =	simm.s32 $0xA00  }
0x530: {  	[tilespmem:s17], [sflag:$0x1] =	stream.indirect_vreg.gather [hbm4b:s30+s24], $0x80, v2, vm0, $0xb8;
	[tilespmem:$0x1E200] =	vst v63  }
0x531: {  	s23 =	simm.s32 $0x1200  }
0x532: {  	[tilespmem:s23], [sflag:$0x1] =	stream.indirect_vreg.gather [hbm4b:s6+s24], $0x80, v2, vm0, $0xb8;
	[tilespmem:$0x1E200] =	vst v63  }
0x533: {  	s26 =	simm.s32 $0x1A00  }
0x534: {  	[tilespmem:s26], [sflag:$0x1] =	stream.indirect_vreg.gather [hbm4b:s7+s24], $0x80, v2, vm0, $0xb8;
	[tilespmem:$0x1E200] =	vst v63  }
0x535: {  	v2 =	vld.msk [tilespmem:$0xE0], $0xff;
	_ =	sdelay $0x4  }
0x536: {  	v3 =	vshll.u32 v2, $0x3  }
0x537: {  	v2 =	vand.u32 $0x7, v2;
	v3 =	vand.u32 $0xFFFFFFC0, v3  }
0x538: {  	v2 =	vor.u32 v2, v3  }
0x539: {  	v2 =	vperm.xlane v2, v0;
	_ =	sdelay $0x1  }
0x53a: {  	v2 =	vadd.s32 v1, v2;
	_ =	sdelay $0x4  }
0x53b: {  	[tilespmem:s9], [sflag:$0x1] =	stream.indirect_vreg.gather [hbm4b:s1+s24], $0x80, v2, vm0, $0xb8;
	[tilespmem:$0x1E200] =	vst v63  }
0x53c: {  	s31 =	simm.s32 $0x2A00  }
0x53d: {  	[tilespmem:s31], [sflag:$0x1] =	stream.indirect_vreg.gather [hbm4b:s30+s24], $0x80, v2, vm0, $0xb8;
	[tilespmem:$0x1E200] =	vst v63  }
0x53e: {  	s2 =	simm.s32 $0x3200  }
0x53f: {  	[tilespmem:s2], [sflag:$0x1] =	stream.indirect_vreg.gather [hbm4b:s6+s24], $0x80, v2, vm0, $0xb8;
	[tilespmem:$0x1E200] =	vst v63  }
0x540: {  	s5 =	simm.s32 $0x3A00  }
0x541: {  	[tilespmem:s5], [sflag:$0x1] =	stream.indirect_vreg.gather [hbm4b:s7+s24], $0x80, v2, vm0, $0xb8;
	[tilespmem:$0x1E200] =	vst v63  }
0x542: {  	v2 =	vld.msk [tilespmem:$0x160], $0xff;
	_ =	sdelay $0x4  }
0x543: {  	v3 =	vshll.u32 v2, $0x3  }
0x544: {  	v2 =	vand.u32 $0x7, v2;
	v3 =	vand.u32 $0xFFFFFFC0, v3  }
0x545: {  	v2 =	vor.u32 v2, v3  }
0x546: {  	v2 =	vperm.xlane v2, v0;
	_ =	sdelay $0x1  }
0x547: {  	v2 =	vadd.s32 v1, v2;
	_ =	sdelay $0x4  }
0x548: {  	[tilespmem:s21], [sflag:$0x1] =	stream.indirect_vreg.gather [hbm4b:s1+s24], $0x80, v2, vm0, $0xb8;
	[tilespmem:$0x1E200] =	vst v63  }
0x549: {  	s9 =	simm.s32 $0x4A00  }
0x54a: {  	[tilespmem:s9], [sflag:$0x1] =	stream.indirect_vreg.gather [hbm4b:s30+s24], $0x80, v2, vm0, $0xb8;
	[tilespmem:$0x1E200] =	vst v63  }
0x54b: {  	s10 =	simm.s32 $0x5200  }
0x54c: {  	[tilespmem:s10], [sflag:$0x1] =	stream.indirect_vreg.gather [hbm4b:s6+s24], $0x80, v2, vm0, $0xb8;
	[tilespmem:$0x1E200] =	vst v63  }
0x54d: {  	s13 =	simm.s32 $0x5A00  }
0x54e: {  	[tilespmem:s13], [sflag:$0x1] =	stream.indirect_vreg.gather [hbm4b:s7+s24], $0x80, v2, vm0, $0xb8;
	[tilespmem:$0x1E200] =	vst v63  }
0x54f: {  	v2 =	vld.msk [tilespmem:$0x1E0], $0xff;
	_ =	sdelay $0x4  }
0x550: {  	v3 =	vshll.u32 v2, $0x3  }
0x551: {  	v2 =	vand.u32 $0x7, v2;
	v3 =	vand.u32 $0xFFFFFFC0, v3  }
0x552: {  	v2 =	vor.u32 v2, v3  }
0x553: {  	v2 =	vperm.xlane v2, v0;
	_ =	sdelay $0x1  }
0x554: {  	v2 =	vadd.s32 v1, v2;
	_ =	sdelay $0x4  }
0x555: {  	[tilespmem:s25], [sflag:$0x1] =	stream.indirect_vreg.gather [hbm4b:s1+s24], $0x80, v2, vm0, $0xb8;
	[tilespmem:$0x1E200] =	vst v63  }
0x556: {  	s15 =	simm.s32 $0x6A00  }
0x557: {  	[tilespmem:s15], [sflag:$0x1] =	stream.indirect_vreg.gather [hbm4b:s30+s24], $0x80, v2, vm0, $0xb8;
	[tilespmem:$0x1E200] =	vst v63  }
0x558: {  	s17 =	simm.s32 $0x7200  }
0x559: {  	[tilespmem:s17], [sflag:$0x1] =	stream.indirect_vreg.gather [hbm4b:s6+s24], $0x80, v2, vm0, $0xb8;
	[tilespmem:$0x1E200] =	vst v63  }
0x55a: {  	s23 =	simm.s32 $0x5;
	s21 =	simm.s32 $0x7A00  }
0x55b: {  	[tilespmem:s21], [sflag:$0x1] =	stream.indirect_vreg.gather [hbm4b:s7+s24], $0x80, v2, vm0, $0xb8;
	[tilespmem:$0x1E200] =	vst v63  }
0x55c: {  	_ =	swait.ge [sflag:s23], $0x2000  }
0x55d: {  	[sflag:s23] =	ssyncset.done $0x0  }
0x55e: {  	[sflag:s23] =	ssyncadd.s32 $0xFFFFE000  }
0x55f: {  	_ =	swait.ge [sflag:s16], $0x2000  }
0x560: {  	[sflag:s16] =	ssyncset.done $0x0  }
0x561: {  	[sflag:s16] =	ssyncadd.s32 $0xFFFFE000  }
0x562: {  	_ =	swait.ge [sflag:s16], $0x2000  }
0x563: {  	[sflag:s16] =	ssyncset.done $0x0  }
0x564: {  	[sflag:s16] =	ssyncadd.s32 $0xFFFFE000  }
0x565: {  	_ =	swait.ge [sflag:s16], $0x2000  }
0x566: {  	[sflag:s16] =	ssyncset.done $0x0  }
0x567: {  	[sflag:s16] =	ssyncadd.s32 $0xFFFFE000  }
0x568: {  	s26 =	sand.u32 $0x380, s24;
	s25 =	sand.u32 $0x1C00, s24;
	_ =	swait.ge [sflag:s16], $0x2000  }
0x569: {  	s31 =	sand.u32 $0x60, s24;
	s0 =	sor.u32 s26, s25;
	[sflag:s16] =	ssyncset.done $0x0  }
0x56a: {  	s24 =	sor.u32 s31, s0;
	[sflag:s16] =	ssyncadd.s32 $0xFFFFE000  }
0x56b: {  	v2 =	vld [tilespmem:s24+$0x1A210]  }
0x56c: {  	v3 =	vld [tilespmem:s24+$0x1A200];
	_ =	sdelay $0x3  }
0x56d: {  	s8 =	simm.s32 $0xAA00;
	s4 =	simm.s32 $0x8A00;
	s28 =	simm.s32 $0x20;
	[tilespmem:s24+$0xE210] =	vst.add.f32.msk $0xffff, v2  }
0x56e: {  	s29 =	simm.s32 $0x100;
	s26 =	simm.s32 $0x0;
	s0 =	simm.s32 $0x4;
	[tilespmem:s24+$0x8200] =	vst.add.f32.msk $0xffff, v3  }
.LBB2_22:
0x56f: {  	s2 =	sand.u32 $0x1C00, s29;
	s5 =	sand.u32 $0x380, s0;
	s26 =	sadd.s32 $0x2, s26;
	[tilespmem:s24+$0xA200] =	vst.add.f32.msk $0xffff, v3  }
0x570: {  	s9 =	sand.u32 $0x60, s28;
	s2 =	sor.u32 s5, s2;
	p0 =	slt.u32 s26, $0x1FE;
	[tilespmem:s24+$0xC200] =	vst.add.f32.msk $0xffff, v3  }
0x571: {  	s2 =	sor.u32 s9, s2;
	[tilespmem:s24+$0xE200] =	vst.add.f32.msk $0xffff, v3  }
0x572: {  	v4 =	vld [tilespmem:s2+$0x1A210]  }
0x573: {  	v3 =	vld [tilespmem:s2+$0x1A200]  }
.Ltmp10:
0x574: {  	[tilespmem:s24+$0x8210] =	vst.add.f32.msk $0xffff, v2;
	(pc) =	sbr.rel @p0 .LBB2_22-.Ltmp10, $4  }
0x575: {  	[tilespmem:s24+$0xA210] =	vst.add.f32.msk $0xffff, v2  }
0x576: {  	[tilespmem:s24+$0xC210] =	vst.add.f32.msk $0xffff, v2;
	s24 =	smov.u32 s2  }
0x577: {  	[tilespmem:s24+$0xE210] =	vst.add.f32.msk $0xffff, v4;
	v2 =	vmov v4  }
0x578: {  	s28 =	sadd.s32 $0x20, s28;
	s29 =	sadd.s32 $0x100, s29;
	s0 =	sadd.s32 $0x4, s0;
	[tilespmem:s24+$0x8200] =	vst.add.f32.msk $0xffff, v3  }
0x579: {  	[tilespmem:s24+$0xA200] =	vst.add.f32.msk $0xffff, v3  }
0x57a: {  	[tilespmem:s24+$0xC200] =	vst.add.f32.msk $0xffff, v3  }
0x57b: {  	[tilespmem:s24+$0xE200] =	vst.add.f32.msk $0xffff, v3  }
0x57c: {  	[tilespmem:s24+$0x8210] =	vst.add.f32.msk $0xffff, v2  }
0x57d: {  	[tilespmem:s24+$0xA210] =	vst.add.f32.msk $0xffff, v2  }
0x57e: {  	[tilespmem:s24+$0xC210] =	vst.add.f32.msk $0xffff, v2  }
0x57f: {  	s0 =	rddreg [dreg:$0x1f]  }
0x580: {  	s24 =	simm.s32 $0x0;
	s5 =	simm.s32 $0x8200;
	s2 =	sld [smem:$0x7ED]  }
0x581: {  	[hbm4b:s0+s24] =	stream.linear.scatter [tilespmem:s5], [sflag:$0x8], $0x2000, $0x38;
	[tilespmem:$0x1E200] =	vst v63  }
0x582: {  	s9 =	simm.s32 $0xA200;
	s10 =	sld [smem:$0x7EB]  }
0x583: {  	[hbm4b:s2+s24] =	stream.linear.scatter [tilespmem:s9], [sflag:$0x8], $0x2000, $0x38;
	[tilespmem:$0x1E200] =	vst v63  }
0x584: {  	s26 =	simm.s32 $0xC200;
	s13 =	sld [smem:$0x7EC]  }
0x585: {  	[hbm4b:s10+s24] =	stream.linear.scatter [tilespmem:s26], [sflag:$0x8], $0x2000, $0x38;
	[tilespmem:$0x1E200] =	vst v63  }
0x586: {  	s28 =	simm.s32 $0xE200  }
0x587: {  	[hbm4b:s13+s24] =	stream.linear.scatter [tilespmem:s28], [sflag:$0x8], $0x2000, $0x38;
	[tilespmem:$0x1E200] =	vst v63  }
0x588: {  	_ =	swait.ge [sflag:s18], $0x2000  }
0x589: {  	[sflag:s18] =	ssyncset.done $0x0  }
0x58a: {  	[sflag:s18] =	ssyncadd.s32 $0xFFFFE000  }
0x58b: {  	_ =	swait.ge [sflag:s18], $0x2000  }
0x58c: {  	[sflag:s18] =	ssyncset.done $0x0  }
0x58d: {  	[sflag:s18] =	ssyncadd.s32 $0xFFFFE000  }
0x58e: {  	_ =	swait.ge [sflag:s18], $0x2000  }
0x58f: {  	[sflag:s18] =	ssyncset.done $0x0  }
0x590: {  	[sflag:s18] =	ssyncadd.s32 $0xFFFFE000  }
0x591: {  	_ =	swait.ge [sflag:s18], $0x2000  }
0x592: {  	s17 =	sld [smem:$0x7D0]  }
0x593: {  	[sflag:s18] =	ssyncset.done $0x0  }
0x594: {  	s2 =	simm.s32 $0x1A200;
	[sflag:s18] =	ssyncadd.s32 $0xFFFFE000  }
0x595: {  	[tilespmem:s2], [sflag:$0x5] =	stream.linear.gather [hbm4b:s17+s24], $0x2000, $0x38;
	[tilespmem:$0x1E200] =	vst v63  }
0x596: {  	v2 =	vld.msk [tilespmem:$0x68], $0xff;
	_ =	sdelay $0x4  }
0x597: {  	v3 =	vshll.u32 v2, $0x3  }
0x598: {  	v2 =	vand.u32 $0x7, v2;
	v3 =	vand.u32 $0xFFFFFFC0, v3  }
0x599: {  	v2 =	vor.u32 v2, v3  }
0x59a: {  	v2 =	vperm.xlane v2, v0;
	_ =	sdelay $0x1  }
0x59b: {  	v2 =	vadd.s32 v1, v2;
	_ =	sdelay $0x4  }
0x59c: {  	[tilespmem:s5], [sflag:$0x2] =	stream.indirect_vreg.gather [hbm4b:s1+s24], $0x80, v2, vm0, $0xb8;
	[tilespmem:$0x1E200] =	vst v63  }
0x59d: {  	_ = 	snop  }
0x59e: {  	[tilespmem:s4], [sflag:$0x2] =	stream.indirect_vreg.gather [hbm4b:s30+s24], $0x80, v2, vm0, $0xb8;
	[tilespmem:$0x1E200] =	vst v63  }
0x59f: {  	s21 =	simm.s32 $0x9200  }
0x5a0: {  	[tilespmem:s21], [sflag:$0x2] =	stream.indirect_vreg.gather [hbm4b:s6+s24], $0x80, v2, vm0, $0xb8;
	[tilespmem:$0x1E200] =	vst v63  }
0x5a1: {  	s23 =	simm.s32 $0x9A00  }
0x5a2: {  	[tilespmem:s23], [sflag:$0x2] =	stream.indirect_vreg.gather [hbm4b:s7+s24], $0x80, v2, vm0, $0xb8;
	[tilespmem:$0x1E200] =	vst v63  }
0x5a3: {  	v2 =	vld.msk [tilespmem:$0xE8], $0xff;
	_ =	sdelay $0x4  }
0x5a4: {  	v3 =	vshll.u32 v2, $0x3  }
0x5a5: {  	v2 =	vand.u32 $0x7, v2;
	v3 =	vand.u32 $0xFFFFFFC0, v3  }
0x5a6: {  	v2 =	vor.u32 v2, v3  }
0x5a7: {  	v2 =	vperm.xlane v2, v0;
	_ =	sdelay $0x1  }
0x5a8: {  	v2 =	vadd.s32 v1, v2;
	_ =	sdelay $0x4  }
0x5a9: {  	[tilespmem:s9], [sflag:$0x2] =	stream.indirect_vreg.gather [hbm4b:s1+s24], $0x80, v2, vm0, $0xb8;
	[tilespmem:$0x1E200] =	vst v63  }
0x5aa: {  	_ = 	snop  }
0x5ab: {  	[tilespmem:s8], [sflag:$0x2] =	stream.indirect_vreg.gather [hbm4b:s30+s24], $0x80, v2, vm0, $0xb8;
	[tilespmem:$0x1E200] =	vst v63  }
0x5ac: {  	s8 =	simm.s32 $0xB200  }
0x5ad: {  	[tilespmem:s8], [sflag:$0x2] =	stream.indirect_vreg.gather [hbm4b:s6+s24], $0x80, v2, vm0, $0xb8;
	[tilespmem:$0x1E200] =	vst v63  }
0x5ae: {  	s25 =	simm.s32 $0xBA00  }
0x5af: {  	[tilespmem:s25], [sflag:$0x2] =	stream.indirect_vreg.gather [hbm4b:s7+s24], $0x80, v2, vm0, $0xb8;
	[tilespmem:$0x1E200] =	vst v63  }
0x5b0: {  	v2 =	vld.msk [tilespmem:$0x168], $0xff;
	_ =	sdelay $0x4  }
0x5b1: {  	v3 =	vshll.u32 v2, $0x3  }
0x5b2: {  	v2 =	vand.u32 $0x7, v2;
	v3 =	vand.u32 $0xFFFFFFC0, v3  }
0x5b3: {  	v2 =	vor.u32 v2, v3  }
0x5b4: {  	v2 =	vperm.xlane v2, v0;
	_ =	sdelay $0x1  }
0x5b5: {  	v2 =	vadd.s32 v1, v2;
	_ =	sdelay $0x4  }
0x5b6: {  	[tilespmem:s26], [sflag:$0x2] =	stream.indirect_vreg.gather [hbm4b:s1+s24], $0x80, v2, vm0, $0xb8;
	[tilespmem:$0x1E200] =	vst v63  }
0x5b7: {  	s26 =	simm.s32 $0xCA00  }
0x5b8: {  	[tilespmem:s26], [sflag:$0x2] =	stream.indirect_vreg.gather [hbm4b:s30+s24], $0x80, v2, vm0, $0xb8;
	[tilespmem:$0x1E200] =	vst v63  }
0x5b9: {  	s2 =	simm.s32 $0xD200  }
0x5ba: {  	[tilespmem:s2], [sflag:$0x2] =	stream.indirect_vreg.gather [hbm4b:s6+s24], $0x80, v2, vm0, $0xb8;
	[tilespmem:$0x1E200] =	vst v63  }
0x5bb: {  	s4 =	simm.s32 $0xDA00  }
0x5bc: {  	[tilespmem:s4], [sflag:$0x2] =	stream.indirect_vreg.gather [hbm4b:s7+s24], $0x80, v2, vm0, $0xb8;
	[tilespmem:$0x1E200] =	vst v63  }
0x5bd: {  	v2 =	vld.msk [tilespmem:$0x1E8], $0xff;
	_ =	sdelay $0x4  }
0x5be: {  	v3 =	vshll.u32 v2, $0x3  }
0x5bf: {  	v2 =	vand.u32 $0x7, v2;
	v3 =	vand.u32 $0xFFFFFFC0, v3  }
0x5c0: {  	v2 =	vor.u32 v2, v3  }
0x5c1: {  	v2 =	vperm.xlane v2, v0;
	_ =	sdelay $0x1  }
0x5c2: {  	v2 =	vadd.s32 v1, v2;
	_ =	sdelay $0x4  }
0x5c3: {  	[tilespmem:s28], [sflag:$0x2] =	stream.indirect_vreg.gather [hbm4b:s1+s24], $0x80, v2, vm0, $0xb8;
	[tilespmem:$0x1E200] =	vst v63  }
0x5c4: {  	s5 =	simm.s32 $0xEA00  }
0x5c5: {  	[tilespmem:s5], [sflag:$0x2] =	stream.indirect_vreg.gather [hbm4b:s30+s24], $0x80, v2, vm0, $0xb8;
	[tilespmem:$0x1E200] =	vst v63  }
0x5c6: {  	s9 =	simm.s32 $0xF200  }
0x5c7: {  	[tilespmem:s9], [sflag:$0x2] =	stream.indirect_vreg.gather [hbm4b:s6+s24], $0x80, v2, vm0, $0xb8;
	[tilespmem:$0x1E200] =	vst v63  }
0x5c8: {  	s21 =	simm.s32 $0xFA00  }
0x5c9: {  	[tilespmem:s21], [sflag:$0x2] =	stream.indirect_vreg.gather [hbm4b:s7+s24], $0x80, v2, vm0, $0xb8;
	[tilespmem:$0x1E200] =	vst v63  }
0x5ca: {  	_ =	swait.ge [sflag:s19], $0x2000  }
0x5cb: {  	[sflag:s19] =	ssyncset.done $0x0  }
0x5cc: {  	[sflag:s19] =	ssyncadd.s32 $0xFFFFE000  }
0x5cd: {  	_ =	swait.ge [sflag:s20], $0x2000  }
0x5ce: {  	[sflag:s20] =	ssyncset.done $0x0  }
0x5cf: {  	[sflag:s20] =	ssyncadd.s32 $0xFFFFE000  }
0x5d0: {  	_ =	swait.ge [sflag:s20], $0x2000  }
0x5d1: {  	[sflag:s20] =	ssyncset.done $0x0  }
0x5d2: {  	[sflag:s20] =	ssyncadd.s32 $0xFFFFE000  }
0x5d3: {  	_ =	swait.ge [sflag:s20], $0x2000  }
0x5d4: {  	[sflag:s20] =	ssyncset.done $0x0  }
0x5d5: {  	[sflag:s20] =	ssyncadd.s32 $0xFFFFE000  }
0x5d6: {  	s23 =	sand.u32 $0x1C00, s24;
	s25 =	sand.u32 $0x380, s24;
	_ =	swait.ge [sflag:s20], $0x2000  }
0x5d7: {  	s0 =	sor.u32 s25, s23;
	s26 =	sand.u32 $0x60, s24;
	[sflag:s20] =	ssyncset.done $0x0  }
0x5d8: {  	s24 =	sor.u32 s26, s0;
	[sflag:s20] =	ssyncadd.s32 $0xFFFFE000  }
0x5d9: {  	v2 =	vld [tilespmem:s24+$0x1C210]  }
0x5da: {  	v3 =	vld [tilespmem:s24+$0x1C200];
	_ =	sdelay $0x2  }
0x5db: {  	s15 =	simm.s32 $0x14A00;
	s31 =	simm.s32 $0x8200;
	s29 =	simm.s32 $0x100  }
0x5dc: {  	s10 =	simm.s32 $0xA200;
	s13 =	simm.s32 $0xC200;
	s17 =	simm.s32 $0xE200;
	[tilespmem:s24+$0x16210] =	vst.add.f32.msk $0xffff, v2  }
0x5dd: {  	s28 =	simm.s32 $0x20;
	s26 =	simm.s32 $0x0;
	s0 =	simm.s32 $0x4;
	[tilespmem:s24+$0x10200] =	vst.add.f32.msk $0xffff, v3  }
.LBB2_24:
0x5de: {  	s2 =	sand.u32 $0x1C00, s29;
	s5 =	sand.u32 $0x380, s0;
	s26 =	sadd.s32 $0x2, s26;
	[tilespmem:s24+$0x12200] =	vst.add.f32.msk $0xffff, v3  }
0x5df: {  	s9 =	sand.u32 $0x60, s28;
	s2 =	sor.u32 s5, s2;
	p0 =	slt.u32 s26, $0x1FE;
	[tilespmem:s24+$0x14200] =	vst.add.f32.msk $0xffff, v3  }
0x5e0: {  	s2 =	sor.u32 s9, s2;
	[tilespmem:s24+$0x16200] =	vst.add.f32.msk $0xffff, v3  }
0x5e1: {  	v4 =	vld [tilespmem:s2+$0x1C210]  }
0x5e2: {  	v3 =	vld [tilespmem:s2+$0x1C200]  }
.Ltmp11:
0x5e3: {  	[tilespmem:s24+$0x10210] =	vst.add.f32.msk $0xffff, v2;
	(pc) =	sbr.rel @p0 .LBB2_24-.Ltmp11, $4  }
0x5e4: {  	[tilespmem:s24+$0x12210] =	vst.add.f32.msk $0xffff, v2  }
0x5e5: {  	[tilespmem:s24+$0x14210] =	vst.add.f32.msk $0xffff, v2;
	s24 =	smov.u32 s2  }
0x5e6: {  	[tilespmem:s24+$0x16210] =	vst.add.f32.msk $0xffff, v4;
	v2 =	vmov v4  }
0x5e7: {  	s28 =	sadd.s32 $0x20, s28;
	s29 =	sadd.s32 $0x100, s29;
	s0 =	sadd.s32 $0x4, s0;
	[tilespmem:s24+$0x10200] =	vst.add.f32.msk $0xffff, v3  }
0x5e8: {  	[tilespmem:s24+$0x12200] =	vst.add.f32.msk $0xffff, v3  }
0x5e9: {  	[tilespmem:s24+$0x14200] =	vst.add.f32.msk $0xffff, v3  }
0x5ea: {  	[tilespmem:s24+$0x16200] =	vst.add.f32.msk $0xffff, v3  }
0x5eb: {  	[tilespmem:s24+$0x10210] =	vst.add.f32.msk $0xffff, v2  }
0x5ec: {  	[tilespmem:s24+$0x12210] =	vst.add.f32.msk $0xffff, v2  }
0x5ed: {  	[tilespmem:s24+$0x14210] =	vst.add.f32.msk $0xffff, v2  }
0x5ee: {  	s0 =	sld [smem:$0x7C5];
	_ =	sdelay $0x1  }
0x5ef: {  	s24 =	simm.s32 $0x0;
	s5 =	simm.s32 $0x10200;
	s4 =	sld [smem:$0x7EE]  }
0x5f0: {  	[hbm4b:s0+s24] =	stream.linear.scatter [tilespmem:s5], [sflag:$0x9], $0x2000, $0x38;
	[tilespmem:$0x1E200] =	vst v63  }
0x5f1: {  	s9 =	simm.s32 $0x12200;
	s21 =	sld [smem:$0x7EF]  }
0x5f2: {  	[hbm4b:s4+s24] =	stream.linear.scatter [tilespmem:s9], [sflag:$0x9], $0x2000, $0x38;
	[tilespmem:$0x1E200] =	vst v63  }
0x5f3: {  	s26 =	simm.s32 $0x14200;
	s23 =	sld [smem:$0x7F0]  }
0x5f4: {  	[hbm4b:s21+s24] =	stream.linear.scatter [tilespmem:s26], [sflag:$0x9], $0x2000, $0x38;
	[tilespmem:$0x1E200] =	vst v63  }
0x5f5: {  	s28 =	simm.s32 $0x16200  }
0x5f6: {  	[hbm4b:s23+s24] =	stream.linear.scatter [tilespmem:s28], [sflag:$0x9], $0x2000, $0x38;
	[tilespmem:$0x1E200] =	vst v63  }
0x5f7: {  	_ =	swait.ge [sflag:s22], $0x2000  }
0x5f8: {  	[sflag:s22] =	ssyncset.done $0x0  }
0x5f9: {  	[sflag:s22] =	ssyncadd.s32 $0xFFFFE000  }
0x5fa: {  	_ =	swait.ge [sflag:s22], $0x2000  }
0x5fb: {  	[sflag:s22] =	ssyncset.done $0x0  }
0x5fc: {  	[sflag:s22] =	ssyncadd.s32 $0xFFFFE000  }
0x5fd: {  	_ =	swait.ge [sflag:s22], $0x2000  }
0x5fe: {  	[sflag:s22] =	ssyncset.done $0x0  }
0x5ff: {  	[sflag:s22] =	ssyncadd.s32 $0xFFFFE000  }
0x600: {  	_ =	swait.ge [sflag:s22], $0x2000  }
0x601: {  	s25 =	sld [smem:$0x7D1]  }
0x602: {  	[sflag:s22] =	ssyncset.done $0x0  }
0x603: {  	s2 =	simm.s32 $0x1C200;
	[sflag:s22] =	ssyncadd.s32 $0xFFFFE000  }
0x604: {  	[tilespmem:s2], [sflag:$0x6] =	stream.linear.gather [hbm4b:s25+s24], $0x2000, $0x38;
	[tilespmem:$0x1E200] =	vst v63  }
0x605: {  	v2 =	vld.msk [tilespmem:$0x70], $0xff;
	_ =	sdelay $0x4  }
0x606: {  	v3 =	vshll.u32 v2, $0x3  }
0x607: {  	v2 =	vand.u32 $0x7, v2;
	v3 =	vand.u32 $0xFFFFFFC0, v3  }
0x608: {  	v2 =	vor.u32 v2, v3  }
0x609: {  	v2 =	vperm.xlane v2, v0;
	_ =	sdelay $0x1  }
0x60a: {  	v2 =	vadd.s32 v1, v2;
	_ =	sdelay $0x4  }
0x60b: {  	[tilespmem:s5], [sflag:$0x3] =	stream.indirect_vreg.gather [hbm4b:s1+s24], $0x80, v2, vm0, $0xb8;
	[tilespmem:$0x1E200] =	vst v63  }
0x60c: {  	s2 =	simm.s32 $0x10A00  }
0x60d: {  	[tilespmem:s2], [sflag:$0x3] =	stream.indirect_vreg.gather [hbm4b:s30+s24], $0x80, v2, vm0, $0xb8;
	[tilespmem:$0x1E200] =	vst v63  }
0x60e: {  	s4 =	simm.s32 $0x11200  }
0x60f: {  	[tilespmem:s4], [sflag:$0x3] =	stream.indirect_vreg.gather [hbm4b:s6+s24], $0x80, v2, vm0, $0xb8;
	[tilespmem:$0x1E200] =	vst v63  }
0x610: {  	s5 =	simm.s32 $0x11A00  }
0x611: {  	[tilespmem:s5], [sflag:$0x3] =	stream.indirect_vreg.gather [hbm4b:s7+s24], $0x80, v2, vm0, $0xb8;
	[tilespmem:$0x1E200] =	vst v63  }
0x612: {  	v2 =	vld.msk [tilespmem:$0xF0], $0xff;
	_ =	sdelay $0x4  }
0x613: {  	v3 =	vshll.u32 v2, $0x3  }
0x614: {  	v2 =	vand.u32 $0x7, v2;
	v3 =	vand.u32 $0xFFFFFFC0, v3  }
0x615: {  	v2 =	vor.u32 v2, v3  }
0x616: {  	v2 =	vperm.xlane v2, v0;
	_ =	sdelay $0x1  }
0x617: {  	v2 =	vadd.s32 v1, v2;
	_ =	sdelay $0x4  }
0x618: {  	[tilespmem:s9], [sflag:$0x3] =	stream.indirect_vreg.gather [hbm4b:s1+s24], $0x80, v2, vm0, $0xb8;
	[tilespmem:$0x1E200] =	vst v63  }
0x619: {  	s23 =	simm.s32 $0x12A00  }
0x61a: {  	[tilespmem:s23], [sflag:$0x3] =	stream.indirect_vreg.gather [hbm4b:s30+s24], $0x80, v2, vm0, $0xb8;
	[tilespmem:$0x1E200] =	vst v63  }
0x61b: {  	s2 =	simm.s32 $0x13200  }
0x61c: {  	[tilespmem:s2], [sflag:$0x3] =	stream.indirect_vreg.gather [hbm4b:s6+s24], $0x80, v2, vm0, $0xb8;
	[tilespmem:$0x1E200] =	vst v63  }
0x61d: {  	s4 =	simm.s32 $0x13A00  }
0x61e: {  	[tilespmem:s4], [sflag:$0x3] =	stream.indirect_vreg.gather [hbm4b:s7+s24], $0x80, v2, vm0, $0xb8;
	[tilespmem:$0x1E200] =	vst v63  }
0x61f: {  	v2 =	vld.msk [tilespmem:$0x170], $0xff;
	_ =	sdelay $0x4  }
0x620: {  	v3 =	vshll.u32 v2, $0x3  }
0x621: {  	v2 =	vand.u32 $0x7, v2;
	v3 =	vand.u32 $0xFFFFFFC0, v3  }
0x622: {  	v2 =	vor.u32 v2, v3  }
0x623: {  	v2 =	vperm.xlane v2, v0;
	_ =	sdelay $0x1  }
0x624: {  	v2 =	vadd.s32 v1, v2;
	_ =	sdelay $0x4  }
0x625: {  	[tilespmem:s26], [sflag:$0x3] =	stream.indirect_vreg.gather [hbm4b:s1+s24], $0x80, v2, vm0, $0xb8;
	[tilespmem:$0x1E200] =	vst v63  }
0x626: {  	_ = 	snop  }
0x627: {  	[tilespmem:s15], [sflag:$0x3] =	stream.indirect_vreg.gather [hbm4b:s30+s24], $0x80, v2, vm0, $0xb8;
	[tilespmem:$0x1E200] =	vst v63  }
0x628: {  	s15 =	simm.s32 $0x15200  }
0x629: {  	[tilespmem:s15], [sflag:$0x3] =	stream.indirect_vreg.gather [hbm4b:s6+s24], $0x80, v2, vm0, $0xb8;
	[tilespmem:$0x1E200] =	vst v63  }
0x62a: {  	s5 =	simm.s32 $0x15A00  }
0x62b: {  	[tilespmem:s5], [sflag:$0x3] =	stream.indirect_vreg.gather [hbm4b:s7+s24], $0x80, v2, vm0, $0xb8;
	[tilespmem:$0x1E200] =	vst v63  }
0x62c: {  	v2 =	vld.msk [tilespmem:$0x1F0], $0xff;
	_ =	sdelay $0x4  }
0x62d: {  	v3 =	vshll.u32 v2, $0x3  }
0x62e: {  	v2 =	vand.u32 $0x7, v2;
	v3 =	vand.u32 $0xFFFFFFC0, v3  }
0x62f: {  	v2 =	vor.u32 v2, v3  }
0x630: {  	v2 =	vperm.xlane v2, v0;
	_ =	sdelay $0x1  }
0x631: {  	v2 =	vadd.s32 v1, v2;
	_ =	sdelay $0x4  }
0x632: {  	[tilespmem:s28], [sflag:$0x3] =	stream.indirect_vreg.gather [hbm4b:s1+s24], $0x80, v2, vm0, $0xb8;
	[tilespmem:$0x1E200] =	vst v63  }
0x633: {  	s9 =	simm.s32 $0x16A00  }
0x634: {  	[tilespmem:s9], [sflag:$0x3] =	stream.indirect_vreg.gather [hbm4b:s30+s24], $0x80, v2, vm0, $0xb8;
	[tilespmem:$0x1E200] =	vst v63  }
0x635: {  	s26 =	simm.s32 $0x17200  }
0x636: {  	[tilespmem:s26], [sflag:$0x3] =	stream.indirect_vreg.gather [hbm4b:s6+s24], $0x80, v2, vm0, $0xb8;
	[tilespmem:$0x1E200] =	vst v63  }
0x637: {  	s2 =	simm.s32 $0x17A00  }
0x638: {  	[tilespmem:s2], [sflag:$0x3] =	stream.indirect_vreg.gather [hbm4b:s7+s24], $0x80, v2, vm0, $0xb8;
	[tilespmem:$0x1E200] =	vst v63  }
0x639: {  	_ =	swait.ge [sflag:s11], $0x2000  }
0x63a: {  	[sflag:s11] =	ssyncset.done $0x0  }
0x63b: {  	[sflag:s11] =	ssyncadd.s32 $0xFFFFE000  }
0x63c: {  	_ =	swait.ge [sflag:s12], $0x2000  }
0x63d: {  	[sflag:s12] =	ssyncset.done $0x0  }
0x63e: {  	[sflag:s12] =	ssyncadd.s32 $0xFFFFE000  }
0x63f: {  	_ =	swait.ge [sflag:s12], $0x2000  }
0x640: {  	[sflag:s12] =	ssyncset.done $0x0  }
0x641: {  	[sflag:s12] =	ssyncadd.s32 $0xFFFFE000  }
0x642: {  	_ =	swait.ge [sflag:s12], $0x2000  }
0x643: {  	[sflag:s12] =	ssyncset.done $0x0  }
0x644: {  	[sflag:s12] =	ssyncadd.s32 $0xFFFFE000  }
0x645: {  	s5 =	sand.u32 $0x1C00, s24;
	s9 =	sand.u32 $0x380, s24;
	_ =	swait.ge [sflag:s12], $0x2000  }
0x646: {  	s0 =	sor.u32 s9, s5;
	s26 =	sand.u32 $0x60, s24;
	[sflag:s12] =	ssyncset.done $0x0  }
0x647: {  	s24 =	sor.u32 s26, s0;
	[sflag:s12] =	ssyncadd.s32 $0xFFFFE000  }
0x648: {  	v2 =	vld [tilespmem:s24+$0x18210]  }
0x649: {  	v3 =	vld [tilespmem:s24+$0x18200];
	_ =	sdelay $0x2  }
0x64a: {  	s29 =	simm.s32 $0x100;
	s21 =	simm.s32 $0x10200  }
0x64b: {  	s25 =	simm.s32 $0x12200;
	s23 =	simm.s32 $0x14200;
	s4 =	simm.s32 $0x16200;
	[tilespmem:s24+$0x6210] =	vst.add.f32.msk $0xffff, v2  }
0x64c: {  	s28 =	simm.s32 $0x20;
	s26 =	simm.s32 $0x0;
	s0 =	simm.s32 $0x4;
	[tilespmem:s24+$0x200] =	vst.add.f32.msk $0xffff, v3  }
.LBB2_26:
0x64d: {  	s2 =	sand.u32 $0x1C00, s29;
	s5 =	sand.u32 $0x380, s0;
	s26 =	sadd.s32 $0x2, s26;
	[tilespmem:s24+$0x2200] =	vst.add.f32.msk $0xffff, v3  }
0x64e: {  	s9 =	sand.u32 $0x60, s28;
	s2 =	sor.u32 s5, s2;
	p0 =	slt.u32 s26, $0x1FE;
	[tilespmem:s24+$0x4200] =	vst.add.f32.msk $0xffff, v3  }
0x64f: {  	s2 =	sor.u32 s9, s2;
	[tilespmem:s24+$0x6200] =	vst.add.f32.msk $0xffff, v3  }
0x650: {  	v4 =	vld [tilespmem:s2+$0x18210]  }
0x651: {  	v3 =	vld [tilespmem:s2+$0x18200]  }
.Ltmp12:
0x652: {  	[tilespmem:s24+$0x210] =	vst.add.f32.msk $0xffff, v2;
	(pc) =	sbr.rel @p0 .LBB2_26-.Ltmp12, $4  }
0x653: {  	[tilespmem:s24+$0x2210] =	vst.add.f32.msk $0xffff, v2  }
0x654: {  	[tilespmem:s24+$0x4210] =	vst.add.f32.msk $0xffff, v2;
	s24 =	smov.u32 s2  }
0x655: {  	[tilespmem:s24+$0x6210] =	vst.add.f32.msk $0xffff, v4;
	v2 =	vmov v4  }
0x656: {  	s28 =	sadd.s32 $0x20, s28;
	s29 =	sadd.s32 $0x100, s29;
	s0 =	sadd.s32 $0x4, s0;
	[tilespmem:s24+$0x200] =	vst.add.f32.msk $0xffff, v3  }
0x657: {  	[tilespmem:s24+$0x2200] =	vst.add.f32.msk $0xffff, v3  }
0x658: {  	[tilespmem:s24+$0x4200] =	vst.add.f32.msk $0xffff, v3  }
0x659: {  	[tilespmem:s24+$0x6200] =	vst.add.f32.msk $0xffff, v3  }
0x65a: {  	[tilespmem:s24+$0x210] =	vst.add.f32.msk $0xffff, v2  }
0x65b: {  	[tilespmem:s24+$0x2210] =	vst.add.f32.msk $0xffff, v2  }
0x65c: {  	[tilespmem:s24+$0x4210] =	vst.add.f32.msk $0xffff, v2  }
0x65d: {  	s0 =	sld [smem:$0x7CC];
	_ =	sdelay $0x1  }
0x65e: {  	s24 =	simm.s32 $0x0;
	s5 =	simm.s32 $0x200;
	s26 =	sld [smem:$0x7F1]  }
0x65f: {  	[hbm4b:s0+s24] =	stream.linear.scatter [tilespmem:s5], [sflag:$0x7], $0x2000, $0x38;
	[tilespmem:$0x1E200] =	vst v63  }
0x660: {  	s9 =	simm.s32 $0x2200;
	s2 =	sld [smem:$0x7F2]  }
0x661: {  	[hbm4b:s26+s24] =	stream.linear.scatter [tilespmem:s9], [sflag:$0x7], $0x2000, $0x38;
	[tilespmem:$0x1E200] =	vst v63  }
0x662: {  	s26 =	simm.s32 $0x4200  }
0x663: {  	[hbm4b:s2+s24] =	stream.linear.scatter [tilespmem:s26], [sflag:$0x7], $0x2000, $0x38;
	[tilespmem:$0x1E200] =	vst v63  }
0x664: {  	s2 =	sld [smem:$0x7F3];
	_ =	sdelay $0x1  }
0x665: {  	s28 =	simm.s32 $0x6200  }
0x666: {  	[hbm4b:s2+s24] =	stream.linear.scatter [tilespmem:s28], [sflag:$0x7], $0x2000, $0x38;
	[tilespmem:$0x1E200] =	vst v63  }
0x667: {  	_ =	swait.ge [sflag:s14], $0x2000  }
0x668: {  	[sflag:s14] =	ssyncset.done $0x0  }
0x669: {  	[sflag:s14] =	ssyncadd.s32 $0xFFFFE000  }
0x66a: {  	_ =	swait.ge [sflag:s14], $0x2000  }
0x66b: {  	[sflag:s14] =	ssyncset.done $0x0  }
0x66c: {  	[sflag:s14] =	ssyncadd.s32 $0xFFFFE000  }
0x66d: {  	_ =	swait.ge [sflag:s14], $0x2000  }
0x66e: {  	[sflag:s14] =	ssyncset.done $0x0  }
0x66f: {  	[sflag:s14] =	ssyncadd.s32 $0xFFFFE000  }
0x670: {  	_ =	swait.ge [sflag:s14], $0x2000  }
0x671: {  	s0 =	sld [smem:$0x7D2]  }
0x672: {  	[sflag:s14] =	ssyncset.done $0x0  }
0x673: {  	s2 =	simm.s32 $0x18200;
	[sflag:s14] =	ssyncadd.s32 $0xFFFFE000  }
0x674: {  	[tilespmem:s2], [sflag:$0x4] =	stream.linear.gather [hbm4b:s0+s24], $0x2000, $0x38;
	[tilespmem:$0x1E200] =	vst v63  }
0x675: {  	v2 =	vld.msk [tilespmem:$0x78], $0xff;
	_ =	sdelay $0x4  }
0x676: {  	v3 =	vshll.u32 v2, $0x3  }
0x677: {  	v2 =	vand.u32 $0x7, v2;
	v3 =	vand.u32 $0xFFFFFFC0, v3  }
0x678: {  	v2 =	vor.u32 v2, v3  }
0x679: {  	v2 =	vperm.xlane v2, v0;
	_ =	sdelay $0x1  }
0x67a: {  	v2 =	vadd.s32 v1, v2;
	_ =	sdelay $0x4  }
0x67b: {  	[tilespmem:s5], [sflag:$0x1] =	stream.indirect_vreg.gather [hbm4b:s1+s24], $0x80, v2, vm0, $0xb8;
	[tilespmem:$0x1E200] =	vst v63  }
0x67c: {  	s5 =	simm.s32 $0xA00  }
0x67d: {  	[tilespmem:s5], [sflag:$0x1] =	stream.indirect_vreg.gather [hbm4b:s30+s24], $0x80, v2, vm0, $0xb8;
	[tilespmem:$0x1E200] =	vst v63  }
0x67e: {  	s2 =	simm.s32 $0x1200  }
0x67f: {  	[tilespmem:s2], [sflag:$0x1] =	stream.indirect_vreg.gather [hbm4b:s6+s24], $0x80, v2, vm0, $0xb8;
	[tilespmem:$0x1E200] =	vst v63  }
0x680: {  	s5 =	simm.s32 $0x1A00  }
0x681: {  	[tilespmem:s5], [sflag:$0x1] =	stream.indirect_vreg.gather [hbm4b:s7+s24], $0x80, v2, vm0, $0xb8;
	[tilespmem:$0x1E200] =	vst v63  }
0x682: {  	v2 =	vld.msk [tilespmem:$0xF8], $0xff;
	_ =	sdelay $0x4  }
0x683: {  	v3 =	vshll.u32 v2, $0x3  }
0x684: {  	v2 =	vand.u32 $0x7, v2;
	v3 =	vand.u32 $0xFFFFFFC0, v3  }
0x685: {  	v2 =	vor.u32 v2, v3  }
0x686: {  	v2 =	vperm.xlane v2, v0;
	_ =	sdelay $0x1  }
0x687: {  	v2 =	vadd.s32 v1, v2;
	_ =	sdelay $0x4  }
0x688: {  	[tilespmem:s9], [sflag:$0x1] =	stream.indirect_vreg.gather [hbm4b:s1+s24], $0x80, v2, vm0, $0xb8;
	[tilespmem:$0x1E200] =	vst v63  }
0x689: {  	s9 =	simm.s32 $0x2A00  }
0x68a: {  	[tilespmem:s9], [sflag:$0x1] =	stream.indirect_vreg.gather [hbm4b:s30+s24], $0x80, v2, vm0, $0xb8;
	[tilespmem:$0x1E200] =	vst v63  }
0x68b: {  	s2 =	simm.s32 $0x3200  }
0x68c: {  	[tilespmem:s2], [sflag:$0x1] =	stream.indirect_vreg.gather [hbm4b:s6+s24], $0x80, v2, vm0, $0xb8;
	[tilespmem:$0x1E200] =	vst v63  }
0x68d: {  	s5 =	simm.s32 $0x3A00  }
0x68e: {  	[tilespmem:s5], [sflag:$0x1] =	stream.indirect_vreg.gather [hbm4b:s7+s24], $0x80, v2, vm0, $0xb8;
	[tilespmem:$0x1E200] =	vst v63  }
0x68f: {  	v2 =	vld.msk [tilespmem:$0x178], $0xff;
	_ =	sdelay $0x4  }
0x690: {  	v3 =	vshll.u32 v2, $0x3  }
0x691: {  	v2 =	vand.u32 $0x7, v2;
	v3 =	vand.u32 $0xFFFFFFC0, v3  }
0x692: {  	v2 =	vor.u32 v2, v3  }
0x693: {  	v2 =	vperm.xlane v2, v0;
	_ =	sdelay $0x1  }
0x694: {  	v2 =	vadd.s32 v1, v2;
	_ =	sdelay $0x4  }
0x695: {  	[tilespmem:s26], [sflag:$0x1] =	stream.indirect_vreg.gather [hbm4b:s1+s24], $0x80, v2, vm0, $0xb8;
	[tilespmem:$0x1E200] =	vst v63  }
0x696: {  	s9 =	simm.s32 $0x4A00  }
0x697: {  	[tilespmem:s9], [sflag:$0x1] =	stream.indirect_vreg.gather [hbm4b:s30+s24], $0x80, v2, vm0, $0xb8;
	[tilespmem:$0x1E200] =	vst v63  }
0x698: {  	s26 =	simm.s32 $0x5200  }
0x699: {  	[tilespmem:s26], [sflag:$0x1] =	stream.indirect_vreg.gather [hbm4b:s6+s24], $0x80, v2, vm0, $0xb8;
	[tilespmem:$0x1E200] =	vst v63  }
0x69a: {  	s2 =	simm.s32 $0x5A00  }
0x69b: {  	[tilespmem:s2], [sflag:$0x1] =	stream.indirect_vreg.gather [hbm4b:s7+s24], $0x80, v2, vm0, $0xb8;
	[tilespmem:$0x1E200] =	vst v63  }
0x69c: {  	v2 =	vld.msk [tilespmem:$0x1F8], $0xff;
	_ =	sdelay $0x4  }
0x69d: {  	v3 =	vshll.u32 v2, $0x3  }
0x69e: {  	v2 =	vand.u32 $0x7, v2;
	v3 =	vand.u32 $0xFFFFFFC0, v3  }
0x69f: {  	v2 =	vor.u32 v2, v3  }
0x6a0: {  	v2 =	vperm.xlane v2, v0;
	_ =	sdelay $0x1  }
0x6a1: {  	v2 =	vadd.s32 v1, v2;
	_ =	sdelay $0x4  }
0x6a2: {  	[tilespmem:s28], [sflag:$0x1] =	stream.indirect_vreg.gather [hbm4b:s1+s24], $0x80, v2, vm0, $0xb8;
	[tilespmem:$0x1E200] =	vst v63  }
0x6a3: {  	s5 =	simm.s32 $0x6A00  }
0x6a4: {  	[tilespmem:s5], [sflag:$0x1] =	stream.indirect_vreg.gather [hbm4b:s30+s24], $0x80, v2, vm0, $0xb8;
	[tilespmem:$0x1E200] =	vst v63  }
0x6a5: {  	s9 =	simm.s32 $0x7200  }
0x6a6: {  	[tilespmem:s9], [sflag:$0x1] =	stream.indirect_vreg.gather [hbm4b:s6+s24], $0x80, v2, vm0, $0xb8;
	[tilespmem:$0x1E200] =	vst v63  }
0x6a7: {  	s26 =	simm.s32 $0x7A00;
	s2 =	simm.s32 $0x5  }
0x6a8: {  	[tilespmem:s26], [sflag:$0x1] =	stream.indirect_vreg.gather [hbm4b:s7+s24], $0x80, v2, vm0, $0xb8;
	[tilespmem:$0x1E200] =	vst v63  }
0x6a9: {  	_ =	swait.ge [sflag:s2], $0x2000  }
0x6aa: {  	[sflag:s2] =	ssyncset.done $0x0  }
0x6ab: {  	[sflag:s2] =	ssyncadd.s32 $0xFFFFE000  }
0x6ac: {  	_ =	swait.ge [sflag:s16], $0x2000  }
0x6ad: {  	[sflag:s16] =	ssyncset.done $0x0  }
0x6ae: {  	[sflag:s16] =	ssyncadd.s32 $0xFFFFE000  }
0x6af: {  	_ =	swait.ge [sflag:s16], $0x2000  }
0x6b0: {  	[sflag:s16] =	ssyncset.done $0x0  }
0x6b1: {  	[sflag:s16] =	ssyncadd.s32 $0xFFFFE000  }
0x6b2: {  	_ =	swait.ge [sflag:s16], $0x2000  }
0x6b3: {  	[sflag:s16] =	ssyncset.done $0x0  }
0x6b4: {  	[sflag:s16] =	ssyncadd.s32 $0xFFFFE000  }
0x6b5: {  	s5 =	sand.u32 $0x1C00, s24;
	s9 =	sand.u32 $0x380, s24;
	_ =	swait.ge [sflag:s16], $0x2000  }
0x6b6: {  	s0 =	sor.u32 s9, s5;
	s26 =	sand.u32 $0x60, s24;
	[sflag:s16] =	ssyncset.done $0x0  }
0x6b7: {  	s24 =	sor.u32 s26, s0;
	[sflag:s16] =	ssyncadd.s32 $0xFFFFE000  }
0x6b8: {  	v2 =	vld [tilespmem:s24+$0x1A210]  }
0x6b9: {  	v3 =	vld [tilespmem:s24+$0x1A200];
	_ =	sdelay $0x3  }
0x6ba: {  	s29 =	simm.s32 $0x100;
	[tilespmem:s24+$0xE210] =	vst.add.f32.msk $0xffff, v2  }
0x6bb: {  	s28 =	simm.s32 $0x20;
	s26 =	simm.s32 $0x0;
	s0 =	simm.s32 $0x4;
	[tilespmem:s24+$0x8200] =	vst.add.f32.msk $0xffff, v3  }
.LBB2_28:
0x6bc: {  	s2 =	sand.u32 $0x1C00, s29;
	s5 =	sand.u32 $0x380, s0;
	s26 =	sadd.s32 $0x2, s26;
	[tilespmem:s24+$0xA200] =	vst.add.f32.msk $0xffff, v3  }
0x6bd: {  	s9 =	sand.u32 $0x60, s28;
	s2 =	sor.u32 s5, s2;
	p0 =	slt.u32 s26, $0x1FE;
	[tilespmem:s24+$0xC200] =	vst.add.f32.msk $0xffff, v3  }
0x6be: {  	s2 =	sor.u32 s9, s2;
	[tilespmem:s24+$0xE200] =	vst.add.f32.msk $0xffff, v3  }
0x6bf: {  	v4 =	vld [tilespmem:s2+$0x1A210]  }
0x6c0: {  	v3 =	vld [tilespmem:s2+$0x1A200]  }
.Ltmp13:
0x6c1: {  	[tilespmem:s24+$0x8210] =	vst.add.f32.msk $0xffff, v2;
	(pc) =	sbr.rel @p0 .LBB2_28-.Ltmp13, $4  }
0x6c2: {  	[tilespmem:s24+$0xA210] =	vst.add.f32.msk $0xffff, v2  }
0x6c3: {  	[tilespmem:s24+$0xC210] =	vst.add.f32.msk $0xffff, v2;
	s24 =	smov.u32 s2  }
0x6c4: {  	[tilespmem:s24+$0xE210] =	vst.add.f32.msk $0xffff, v4;
	v2 =	vmov v4  }
0x6c5: {  	s28 =	sadd.s32 $0x20, s28;
	s29 =	sadd.s32 $0x100, s29;
	s0 =	sadd.s32 $0x4, s0;
	[tilespmem:s24+$0x8200] =	vst.add.f32.msk $0xffff, v3  }
0x6c6: {  	[tilespmem:s24+$0xA200] =	vst.add.f32.msk $0xffff, v3  }
0x6c7: {  	[tilespmem:s24+$0xC200] =	vst.add.f32.msk $0xffff, v3  }
0x6c8: {  	[tilespmem:s24+$0xE200] =	vst.add.f32.msk $0xffff, v3  }
0x6c9: {  	[tilespmem:s24+$0x8210] =	vst.add.f32.msk $0xffff, v2  }
0x6ca: {  	[tilespmem:s24+$0xA210] =	vst.add.f32.msk $0xffff, v2  }
0x6cb: {  	[tilespmem:s24+$0xC210] =	vst.add.f32.msk $0xffff, v2  }
0x6cc: {  	s2 =	sld [smem:$0x7D8];
	_ =	sdelay $0x1  }
0x6cd: {  	s0 =	simm.s32 $0x0;
	s5 =	sld [smem:$0x7F4]  }
0x6ce: {  	[hbm4b:s2+s0] =	stream.linear.scatter [tilespmem:s31], [sflag:$0x8], $0x2000, $0x38;
	[tilespmem:$0x1E200] =	vst v63  }
0x6cf: {  	s9 =	sld [smem:$0x7F5]  }
0x6d0: {  	[hbm4b:s5+s0] =	stream.linear.scatter [tilespmem:s10], [sflag:$0x8], $0x2000, $0x38;
	[tilespmem:$0x1E200] =	vst v63  }
0x6d1: {  	s24 =	sld [smem:$0x7F6]  }
0x6d2: {  	[hbm4b:s9+s0] =	stream.linear.scatter [tilespmem:s13], [sflag:$0x8], $0x2000, $0x38;
	[tilespmem:$0x1E200] =	vst v63  }
0x6d3: {  	_ = 	snop  }
0x6d4: {  	[hbm4b:s24+s0] =	stream.linear.scatter [tilespmem:s17], [sflag:$0x8], $0x2000, $0x38;
	[tilespmem:$0x1E200] =	vst v63  }
0x6d5: {  	_ =	swait.ge [sflag:s19], $0x2000  }
0x6d6: {  	[sflag:s19] =	ssyncset.done $0x0  }
0x6d7: {  	[sflag:s19] =	ssyncadd.s32 $0xFFFFE000  }
0x6d8: {  	_ =	swait.ge [sflag:s20], $0x2000  }
0x6d9: {  	[sflag:s20] =	ssyncset.done $0x0  }
0x6da: {  	[sflag:s20] =	ssyncadd.s32 $0xFFFFE000  }
0x6db: {  	_ =	swait.ge [sflag:s20], $0x2000  }
0x6dc: {  	[sflag:s20] =	ssyncset.done $0x0  }
0x6dd: {  	[sflag:s20] =	ssyncadd.s32 $0xFFFFE000  }
0x6de: {  	_ =	swait.ge [sflag:s20], $0x2000  }
0x6df: {  	[sflag:s20] =	ssyncset.done $0x0  }
0x6e0: {  	[sflag:s20] =	ssyncadd.s32 $0xFFFFE000  }
0x6e1: {  	s26 =	sand.u32 $0x1C00, s0;
	s5 =	sand.u32 $0x380, s0;
	_ =	swait.ge [sflag:s20], $0x2000  }
0x6e2: {  	s2 =	sor.u32 s5, s26;
	s0 =	sand.u32 $0x60, s0;
	[sflag:s20] =	ssyncset.done $0x0  }
0x6e3: {  	s24 =	sor.u32 s0, s2;
	[sflag:s20] =	ssyncadd.s32 $0xFFFFE000  }
0x6e4: {  	v2 =	vld [tilespmem:s24+$0x1C210]  }
0x6e5: {  	v3 =	vld [tilespmem:s24+$0x1C200];
	_ =	sdelay $0x3  }
0x6e6: {  	s28 =	simm.s32 $0x20;
	[tilespmem:s24+$0x16210] =	vst.add.f32.msk $0xffff, v2  }
0x6e7: {  	s29 =	simm.s32 $0x100;
	s26 =	simm.s32 $0x0;
	s0 =	simm.s32 $0x4;
	[tilespmem:s24+$0x10200] =	vst.add.f32.msk $0xffff, v3  }
.LBB2_30:
0x6e8: {  	s2 =	sand.u32 $0x1C00, s29;
	s5 =	sand.u32 $0x380, s0;
	s26 =	sadd.s32 $0x2, s26;
	[tilespmem:s24+$0x12200] =	vst.add.f32.msk $0xffff, v3  }
0x6e9: {  	s9 =	sand.u32 $0x60, s28;
	s2 =	sor.u32 s5, s2;
	p0 =	slt.u32 s26, $0x1FE;
	[tilespmem:s24+$0x14200] =	vst.add.f32.msk $0xffff, v3  }
0x6ea: {  	s2 =	sor.u32 s9, s2;
	[tilespmem:s24+$0x16200] =	vst.add.f32.msk $0xffff, v3  }
0x6eb: {  	v4 =	vld [tilespmem:s2+$0x1C210]  }
0x6ec: {  	v3 =	vld [tilespmem:s2+$0x1C200]  }
.Ltmp14:
0x6ed: {  	[tilespmem:s24+$0x10210] =	vst.add.f32.msk $0xffff, v2;
	(pc) =	sbr.rel @p0 .LBB2_30-.Ltmp14, $4  }
0x6ee: {  	[tilespmem:s24+$0x12210] =	vst.add.f32.msk $0xffff, v2  }
0x6ef: {  	[tilespmem:s24+$0x14210] =	vst.add.f32.msk $0xffff, v2;
	s24 =	smov.u32 s2  }
0x6f0: {  	[tilespmem:s24+$0x16210] =	vst.add.f32.msk $0xffff, v4;
	v2 =	vmov v4  }
0x6f1: {  	s28 =	sadd.s32 $0x20, s28;
	s29 =	sadd.s32 $0x100, s29;
	s0 =	sadd.s32 $0x4, s0;
	[tilespmem:s24+$0x10200] =	vst.add.f32.msk $0xffff, v3  }
0x6f2: {  	[tilespmem:s24+$0x12200] =	vst.add.f32.msk $0xffff, v3  }
0x6f3: {  	[tilespmem:s24+$0x14200] =	vst.add.f32.msk $0xffff, v3  }
0x6f4: {  	[tilespmem:s24+$0x16200] =	vst.add.f32.msk $0xffff, v3  }
0x6f5: {  	[tilespmem:s24+$0x10210] =	vst.add.f32.msk $0xffff, v2  }
0x6f6: {  	[tilespmem:s24+$0x12210] =	vst.add.f32.msk $0xffff, v2  }
0x6f7: {  	[tilespmem:s24+$0x14210] =	vst.add.f32.msk $0xffff, v2  }
0x6f8: {  	s2 =	sld [smem:$0x7DE];
	_ =	sdelay $0x1  }
0x6f9: {  	s0 =	simm.s32 $0x0;
	s5 =	sld [smem:$0x7F8]  }
0x6fa: {  	[hbm4b:s2+s0] =	stream.linear.scatter [tilespmem:s21], [sflag:$0x9], $0x2000, $0x38;
	[tilespmem:$0x1E200] =	vst v63  }
0x6fb: {  	s9 =	sld [smem:$0x7F7]  }
0x6fc: {  	[hbm4b:s5+s0] =	stream.linear.scatter [tilespmem:s25], [sflag:$0x9], $0x2000, $0x38;
	[tilespmem:$0x1E200] =	vst v63  }
0x6fd: {  	s24 =	sld [smem:$0x7F9]  }
0x6fe: {  	[hbm4b:s9+s0] =	stream.linear.scatter [tilespmem:s23], [sflag:$0x9], $0x2000, $0x38;
	[tilespmem:$0x1E200] =	vst v63  }
0x6ff: {  	_ = 	snop  }
0x700: {  	[hbm4b:s24+s0] =	stream.linear.scatter [tilespmem:s4], [sflag:$0x9], $0x2000, $0x38;
	[tilespmem:$0x1E200] =	vst v63  }
0x701: {  	_ =	swait.ge [sflag:s11], $0x2000  }
0x702: {  	[sflag:s11] =	ssyncset.done $0x0  }
0x703: {  	[sflag:s11] =	ssyncadd.s32 $0xFFFFE000  }
0x704: {  	_ =	swait.ge [sflag:s12], $0x2000  }
0x705: {  	[sflag:s12] =	ssyncset.done $0x0  }
0x706: {  	[sflag:s12] =	ssyncadd.s32 $0xFFFFE000  }
0x707: {  	_ =	swait.ge [sflag:s12], $0x2000  }
0x708: {  	[sflag:s12] =	ssyncset.done $0x0  }
0x709: {  	[sflag:s12] =	ssyncadd.s32 $0xFFFFE000  }
0x70a: {  	_ =	swait.ge [sflag:s12], $0x2000  }
0x70b: {  	[sflag:s12] =	ssyncset.done $0x0  }
0x70c: {  	[sflag:s12] =	ssyncadd.s32 $0xFFFFE000  }
0x70d: {  	s26 =	sand.u32 $0x1C00, s0;
	s5 =	sand.u32 $0x380, s0;
	_ =	swait.ge [sflag:s12], $0x2000  }
0x70e: {  	s2 =	sor.u32 s5, s26;
	s0 =	sand.u32 $0x60, s0;
	[sflag:s12] =	ssyncset.done $0x0  }
0x70f: {  	s24 =	sor.u32 s0, s2;
	[sflag:s12] =	ssyncadd.s32 $0xFFFFE000  }
0x710: {  	v2 =	vld [tilespmem:s24+$0x18210]  }
0x711: {  	v3 =	vld [tilespmem:s24+$0x18200];
	_ =	sdelay $0x3  }
0x712: {  	s28 =	simm.s32 $0x20;
	[tilespmem:s24+$0x6210] =	vst.add.f32.msk $0xffff, v2  }
0x713: {  	s29 =	simm.s32 $0x100;
	s26 =	simm.s32 $0x0;
	s0 =	simm.s32 $0x4;
	[tilespmem:s24+$0x200] =	vst.add.f32.msk $0xffff, v3  }
.LBB2_32:
0x714: {  	s2 =	sand.u32 $0x1C00, s29;
	s5 =	sand.u32 $0x380, s0;
	s26 =	sadd.s32 $0x2, s26;
	[tilespmem:s24+$0x2200] =	vst.add.f32.msk $0xffff, v3  }
0x715: {  	s9 =	sand.u32 $0x60, s28;
	s2 =	sor.u32 s5, s2;
	p0 =	slt.u32 s26, $0x1FE;
	[tilespmem:s24+$0x4200] =	vst.add.f32.msk $0xffff, v3  }
0x716: {  	s2 =	sor.u32 s9, s2;
	[tilespmem:s24+$0x6200] =	vst.add.f32.msk $0xffff, v3  }
0x717: {  	v4 =	vld [tilespmem:s2+$0x18210]  }
0x718: {  	v3 =	vld [tilespmem:s2+$0x18200]  }
.Ltmp15:
0x719: {  	[tilespmem:s24+$0x210] =	vst.add.f32.msk $0xffff, v2;
	(pc) =	sbr.rel @p0 .LBB2_32-.Ltmp15, $4  }
0x71a: {  	[tilespmem:s24+$0x2210] =	vst.add.f32.msk $0xffff, v2  }
0x71b: {  	[tilespmem:s24+$0x4210] =	vst.add.f32.msk $0xffff, v2;
	s24 =	smov.u32 s2  }
0x71c: {  	[tilespmem:s24+$0x6210] =	vst.add.f32.msk $0xffff, v4;
	v2 =	vmov v4  }
0x71d: {  	s28 =	sadd.s32 $0x20, s28;
	s29 =	sadd.s32 $0x100, s29;
	s0 =	sadd.s32 $0x4, s0;
	[tilespmem:s24+$0x200] =	vst.add.f32.msk $0xffff, v3  }
0x71e: {  	[tilespmem:s24+$0x2200] =	vst.add.f32.msk $0xffff, v3  }
0x71f: {  	[tilespmem:s24+$0x4200] =	vst.add.f32.msk $0xffff, v3  }
0x720: {  	[tilespmem:s24+$0x6200] =	vst.add.f32.msk $0xffff, v3  }
0x721: {  	[tilespmem:s24+$0x210] =	vst.add.f32.msk $0xffff, v2  }
0x722: {  	[tilespmem:s24+$0x2210] =	vst.add.f32.msk $0xffff, v2  }
0x723: {  	[tilespmem:s24+$0x4210] =	vst.add.f32.msk $0xffff, v2  }
0x724: {  	s0 =	sld [smem:$0x7E7];
	_ =	sdelay $0x1  }
0x725: {  	s5 =	simm.s32 $0x200;
	s24 =	sld [smem:$0x7FA]  }
0x726: {  	[hbm4b:s0+s3] =	stream.linear.scatter [tilespmem:s5], [sflag:$0x7], $0x2000, $0x38;
	[tilespmem:$0x1E200] =	vst v63  }
0x727: {  	s9 =	simm.s32 $0x2200;
	s26 =	sld [smem:$0x7FB]  }
0x728: {  	[hbm4b:s24+s3] =	stream.linear.scatter [tilespmem:s9], [sflag:$0x7], $0x2000, $0x38;
	[tilespmem:$0x1E200] =	vst v63  }
0x729: {  	s28 =	sld [smem:$0x7FD];
	s24 =	simm.s32 $0x4200  }
0x72a: {  	[hbm4b:s26+s3] =	stream.linear.scatter [tilespmem:s24], [sflag:$0x7], $0x2000, $0x38;
	[tilespmem:$0x1E200] =	vst v63  }
0x72b: {  	s26 =	simm.s32 $0x6200  }
0x72c: {  	[hbm4b:s28+s3] =	stream.linear.scatter [tilespmem:s26], [sflag:$0x7], $0x2000, $0x38;
	[tilespmem:$0x1E200] =	vst v63  }
0x72d: {  	_ =	swait.ge [sflag:s18], $0x2000  }
0x72e: {  	[sflag:s18] =	ssyncset.done $0x0  }
0x72f: {  	[sflag:s18] =	ssyncadd.s32 $0xFFFFE000  }
0x730: {  	_ =	swait.ge [sflag:s18], $0x2000  }
0x731: {  	[sflag:s18] =	ssyncset.done $0x0  }
0x732: {  	[sflag:s18] =	ssyncadd.s32 $0xFFFFE000  }
0x733: {  	_ =	swait.ge [sflag:s18], $0x2000  }
0x734: {  	[sflag:s18] =	ssyncset.done $0x0  }
0x735: {  	[sflag:s18] =	ssyncadd.s32 $0xFFFFE000  }
0x736: {  	_ =	swait.ge [sflag:s18], $0x2000  }
0x737: {  	[sflag:s18] =	ssyncset.done $0x0  }
0x738: {  	[sflag:s18] =	ssyncadd.s32 $0xFFFFE000  }
0x739: {  	_ =	swait.ge [sflag:s22], $0x2000  }
0x73a: {  	[sflag:s22] =	ssyncset.done $0x0  }
0x73b: {  	[sflag:s22] =	ssyncadd.s32 $0xFFFFE000  }
0x73c: {  	_ =	swait.ge [sflag:s22], $0x2000  }
0x73d: {  	[sflag:s22] =	ssyncset.done $0x0  }
0x73e: {  	[sflag:s22] =	ssyncadd.s32 $0xFFFFE000  }
0x73f: {  	_ =	swait.ge [sflag:s22], $0x2000  }
0x740: {  	[sflag:s22] =	ssyncset.done $0x0  }
0x741: {  	[sflag:s22] =	ssyncadd.s32 $0xFFFFE000  }
0x742: {  	_ =	swait.ge [sflag:s22], $0x2000  }
0x743: {  	[sflag:s22] =	ssyncset.done $0x0  }
0x744: {  	[sflag:s22] =	ssyncadd.s32 $0xFFFFE000  }
0x745: {  	_ =	swait.ge [sflag:s14], $0x2000  }
0x746: {  	[sflag:s14] =	ssyncset.done $0x0  }
0x747: {  	[sflag:s14] =	ssyncadd.s32 $0xFFFFE000  }
0x748: {  	_ =	swait.ge [sflag:s14], $0x2000  }
0x749: {  	[sflag:s14] =	ssyncset.done $0x0  }
0x74a: {  	[sflag:s14] =	ssyncadd.s32 $0xFFFFE000  }
0x74b: {  	_ =	swait.ge [sflag:s14], $0x2000  }
0x74c: {  	[sflag:s14] =	ssyncset.done $0x0  }
0x74d: {  	[sflag:s14] =	ssyncadd.s32 $0xFFFFE000  }
0x74e: {  	_ =	swait.ge [sflag:s14], $0x2000  }
0x74f: {  	s2 =	sld [smem:$0x7C3]  }
0x750: {  	s29 =	sld [smem:$0x7EA];
	_ =	sdelay $0x1  }
0x751: {  	s2 =	sadd.s32 $0x1, s2  }
0x752: {  	p0 =	sne.s32 s2, s29  }
.Ltmp16:
0x753: {  	_ = 	snop;
	(pc) =	sbr.rel @p0 .LBB2_1-.Ltmp16, $3  }
0x754: {  	_ =	sdelay $0x1  }
0x755: {  	[sflag:s14] =	ssyncset.done $0x0  }
0x756: {  	[sflag:s14] =	ssyncadd.s32 $0xFFFFE000  }
0x757: {  	_ =	sfence.sel $0x180000  }
0x758: {  	[bflag:$0x0] =	sbarrier.arrive $0xFFFF  }
0x759: {  	_ =	strace $0x90000047  }
0x75a: {  	s0 =	stileid.u32;
	[bflag:$0x2] =	sbarrier.arrive $0xFFFF  }
0x75b: {  	p0 =	sne.s32 s0, $0x0;
	s0 =	rddreg [dreg:$0x4]  }
0x75c: {  	s0 =	sadd.s32 @!p0 $0x100000, s0  }
0x75d: {  	[sflag:s0] =	ssyncadd.tile.s32 @!p0 $0x1;
	_ =	shalt  }
.Lfunc_end2:
_tile_overlayer_lowered:
.L_overlay_start_2:
0x75e: {  	(tag) =	ssettag $0x2  }
0x75f: {  	s0 =	rddreg [dreg:$0x0];
	s2 =	stileid.u32  }
0x760: {  	s1 =	rddreg [dreg:$0x1];
	p0 =	sne.s32 s2, $0x0  }
0x761: {  	s3 =	rddreg [dreg:$0x2];
	[bflag:$0x3] =	sbarrier.arrive $0xFFFF;
	s2 =	simm.s32 @!p0 $0x1C0A  }
0x762: {  	[timem:s3], [sflag:s2] =	dma.local @!p0 [hbm:s0], s1  }
0x763: {  	s0 =	simm.s32 @!p0 $0xA  }
0x764: {  	_ =	swait.ge @!p0 [sflag:s0], s1  }
0x765: {  	s1 =	ssub.s32 @!p0 $0x0, s1;
	[sflag:s0] =	ssyncset.done @!p0 $0x0  }
0x766: {  	[sflag:s0] =	ssyncadd.s32 @!p0 s1  }
0x767: {  	[bflag:$0x3] =	sbarrier.arrive $0xFFFF  }
0x768: {  	_ =	shalt  }

</sc_bundles>
